<compile_context>
chip_gen: v7x
topology: tpu7x:2x2x1
jax: 0.10.2.dev20260603
libtpu: 0.0.44.dev20260713+nightly
codegen_flags: <defaults>
</compile_context>

<pallas_src>
import jax
import jax.numpy as jnp
from jax import lax
from jax.experimental import pallas as pl
from jax.experimental.pallas import tpu as pltpu
from jax.experimental.pallas import tpu_sc as plsc

_NC = 2
_NS = 16
_NW = _NC * _NS
_L = 16

_POS_THR = 0.5
_NEG_THR = 0.4
_BIG = 2e9


def _build_sc_call(n_pad, g_pad, per_w, k_unroll, g_unroll=1):
    n_chunks = per_w // (k_unroll * _L)

    def body(anc_hbm, gt_hbm, inds_hbm, mo_hbm, labs_hbm,
             ax0_v, ay0_v, ax1_v, ay1_v,
             gx0_v, gy0_v, gx1_v, gy1_v, glab_v, garea_v, compact_v,
             oinds_v, omo_v, olabs_v):
        wid = lax.axis_index("s") * _NC + lax.axis_index("c")
        base = wid * per_w

        pltpu.sync_copy(anc_hbm.at[pl.ds(0 * n_pad + base, per_w)], ax0_v)
        pltpu.sync_copy(anc_hbm.at[pl.ds(1 * n_pad + base, per_w)], ay0_v)
        pltpu.sync_copy(anc_hbm.at[pl.ds(2 * n_pad + base, per_w)], ax1_v)
        pltpu.sync_copy(anc_hbm.at[pl.ds(3 * n_pad + base, per_w)], ay1_v)
        pltpu.sync_copy(gt_hbm.at[pl.ds(0 * g_pad, g_pad)], gx0_v)
        pltpu.sync_copy(gt_hbm.at[pl.ds(1 * g_pad, g_pad)], gy0_v)
        pltpu.sync_copy(gt_hbm.at[pl.ds(2 * g_pad, g_pad)], gx1_v)
        pltpu.sync_copy(gt_hbm.at[pl.ds(3 * g_pad, g_pad)], gy1_v)
        pltpu.sync_copy(gt_hbm.at[pl.ds(4 * g_pad, g_pad)], glab_v)

        big_v = jnp.full((_L,), _BIG, jnp.float32)
        neg1f_v = jnp.full((_L,), -1.0, jnp.float32)
        zero_v = jnp.zeros((_L,), jnp.float32)
        eps_v = jnp.full((_L,), 1e-6, jnp.float32)
        pos_v = jnp.full((_L,), _POS_THR, jnp.float32)
        negthr_v = jnp.full((_L,), _NEG_THR, jnp.float32)
        one_iv = jnp.full((_L,), 1, jnp.int32)
        neg1_iv = jnp.full((_L,), -1, jnp.int32)
        zero_iv = jnp.zeros((_L,), jnp.int32)

        off_v = zero_iv - one_iv
        for j in range(g_pad // _L):
            sl = pl.ds(j * _L, _L)
            valid = glab_v[sl] != neg1f_v
            gx0 = jnp.where(valid, gx0_v[sl], big_v)
            gy0 = jnp.where(valid, gy0_v[sl], big_v)
            gx1 = jnp.where(valid, gx1_v[sl], big_v)
            gy1 = jnp.where(valid, gy1_v[sl], big_v)
            gx0_v[sl] = gx0
            gy0_v[sl] = gy0
            gx1_v[sl] = gx1
            gy1_v[sl] = gy1
            garea_v[sl] = (gx1 - gx0) * (gy1 - gy0)
            vi = jnp.where(valid, one_iv, zero_iv)
            cum = jnp.cumsum(vi)
            compact_v[sl] = cum + off_v
            off_v = plsc.load_gather(
                compact_v, [jnp.full((_L,), j * _L + _L - 1, jnp.int32)])
        for oc in range(n_chunks):
            cbase = oc * k_unroll * _L
            anchors = []
            for k in range(k_unroll):
                sl = pl.ds(cbase + k * _L, _L)
                x0 = ax0_v[sl]
                y0 = ay0_v[sl]
                x1 = ax1_v[sl]
                y1 = ay1_v[sl]
                anchors.append((x0, y0, x1, y1, (x1 - x0) * (y1 - y0)))

            def step(jj, carry, anchors=anchors):
                bious, bargs = carry
                for u in range(g_unroll):
                    j = jj * g_unroll + u if g_unroll > 1 else jj
                    idx = jnp.full((_L,), j, dtype=jnp.int32)
                    gx0 = plsc.load_gather(gx0_v, [idx])
                    gy0 = plsc.load_gather(gy0_v, [idx])
                    gx1 = plsc.load_gather(gx1_v, [idx])
                    gy1 = plsc.load_gather(gy1_v, [idx])
                    ga = plsc.load_gather(garea_v, [idx])
                    nb = []
                    na = []
                    for k in range(k_unroll):
                        x0, y0, x1, y1, aa = anchors[k]
                        w = jnp.maximum(jnp.minimum(x1, gx1) - jnp.maximum(x0, gx0), zero_v)
                        h = jnp.maximum(jnp.minimum(y1, gy1) - jnp.maximum(y0, gy0), zero_v)
                        inter = w * h
                        den = ((aa + ga) - inter) + eps_v
                        iou = inter / den
                        upd = iou > bious[k]
                        nb.append(jnp.where(upd, iou, bious[k]))
                        na.append(jnp.where(upd, idx, bargs[k]))
                    bious, bargs = tuple(nb), tuple(na)
                return (bious, bargs)

            init = (tuple(neg1f_v for _ in range(k_unroll)),
                    tuple(zero_iv for _ in range(k_unroll)))
            bious, bargs = lax.fori_loop(0, g_pad // g_unroll, step, init)

            for k in range(k_unroll):
                sl = pl.ds(cbase + k * _L, _L)
                biou = bious[k]
                barg = bargs[k]
                pos = biou > pos_v
                neg = biou < negthr_v
                cid = plsc.load_gather(compact_v, [barg])
                labi = plsc.load_gather(glab_v, [barg]).astype(jnp.int32)
                oinds_v[sl] = jnp.where(pos, cid + one_iv, jnp.where(neg, zero_iv, neg1_iv))
                omo_v[sl] = biou
                olabs_v[sl] = jnp.where(pos, labi, neg1_iv)

        pltpu.sync_copy(oinds_v, inds_hbm.at[pl.ds(base, per_w)])
        pltpu.sync_copy(omo_v, mo_hbm.at[pl.ds(base, per_w)])
        pltpu.sync_copy(olabs_v, labs_hbm.at[pl.ds(base, per_w)])

    return pl.kernel(
        body,
        out_type=(
            jax.ShapeDtypeStruct((n_pad,), jnp.int32),
            jax.ShapeDtypeStruct((n_pad,), jnp.float32),
            jax.ShapeDtypeStruct((n_pad,), jnp.int32),
        ),
        mesh=plsc.VectorSubcoreMesh(
            core_axis_name="c", subcore_axis_name="s",
            num_cores=_NC, num_subcores=_NS),
        compiler_params=pltpu.CompilerParams(needs_layout_passes=False),
        scratch_types=[
            pltpu.VMEM((per_w,), jnp.float32),
            pltpu.VMEM((per_w,), jnp.float32),
            pltpu.VMEM((per_w,), jnp.float32),
            pltpu.VMEM((per_w,), jnp.float32),
            pltpu.VMEM((g_pad,), jnp.float32),
            pltpu.VMEM((g_pad,), jnp.float32),
            pltpu.VMEM((g_pad,), jnp.float32),
            pltpu.VMEM((g_pad,), jnp.float32),
            pltpu.VMEM((g_pad,), jnp.float32),
            pltpu.VMEM((g_pad,), jnp.float32),
            pltpu.VMEM((g_pad,), jnp.int32),
            pltpu.VMEM((per_w,), jnp.int32),
            pltpu.VMEM((per_w,), jnp.float32),
            pltpu.VMEM((per_w,), jnp.int32),
        ],
    )


_TC_R = 48


def _build_tc_call(nbt, g_pad):

    def body(gt_smem, anc_ref, inds_ref, mo_ref, labs_ref, coords_s, cid_s):
        bigf = jnp.float32(_BIG)

        @pl.when(pl.program_id(0) == 0)
        def _prologue():
            def pro(j, cnt):
                lab = gt_smem[4 * g_pad + j]
                valid = lab != -1.0
                gx0 = jnp.where(valid, gt_smem[0 * g_pad + j], bigf)
                gy0 = jnp.where(valid, gt_smem[1 * g_pad + j], bigf)
                gx1 = jnp.where(valid, gt_smem[2 * g_pad + j], bigf)
                gy1 = jnp.where(valid, gt_smem[3 * g_pad + j], bigf)
                coords_s[0, j] = gx0
                coords_s[1, j] = gy0
                coords_s[2, j] = gx1
                coords_s[3, j] = gy1
                coords_s[4, j] = (gx1 - gx0) * (gy1 - gy0)
                cnt = cnt + valid.astype(jnp.int32)
                cid_s[j] = cnt - 1
                return cnt
            lax.fori_loop(0, g_pad, pro, jnp.int32(0))

        x0 = anc_ref[0]
        y0 = anc_ref[1]
        x1 = anc_ref[2]
        y1 = anc_ref[3]
        aa = (x1 - x0) * (y1 - y0)

        def step(j, carry):
            biou, bcid, blab = carry
            gx0 = coords_s[0, j]
            gy0 = coords_s[1, j]
            gx1 = coords_s[2, j]
            gy1 = coords_s[3, j]
            ga = coords_s[4, j]
            w = jnp.maximum(jnp.minimum(x1, gx1) - jnp.maximum(x0, gx0), 0.0)
            h = jnp.maximum(jnp.minimum(y1, gy1) - jnp.maximum(y0, gy0), 0.0)
            inter = w * h
            den = ((aa + ga) - inter) + jnp.float32(1e-6)
            iou = inter / den
            upd = iou > biou
            biou = jnp.where(upd, iou, biou)
            bcid = jnp.where(upd, cid_s[j], bcid)
            blab = jnp.where(upd, gt_smem[4 * g_pad + j], blab)
            return (biou, bcid, blab)

        shape = x0.shape
        init = (jnp.full(shape, -1.0, jnp.float32),
                jnp.zeros(shape, jnp.int32),
                jnp.full(shape, -1.0, jnp.float32))
        biou, bcid, blab = lax.fori_loop(0, g_pad, step, init)
        pos = biou > _POS_THR
        neg = biou < _NEG_THR
        inds_ref[...] = jnp.where(pos, bcid + 1, jnp.where(neg, 0, -1))
        mo_ref[...] = biou
        labs_ref[...] = jnp.where(pos, blab.astype(jnp.int32), -1)

    return pl.pallas_call(
        body,
        grid=(nbt,),
        in_specs=[
            pl.BlockSpec(memory_space=pltpu.SMEM),
            pl.BlockSpec((4, _TC_R, 128), lambda i: (0, i, 0)),
        ],
        out_specs=[
            pl.BlockSpec((_TC_R, 128), lambda i: (i, 0)),
            pl.BlockSpec((_TC_R, 128), lambda i: (i, 0)),
            pl.BlockSpec((_TC_R, 128), lambda i: (i, 0)),
        ],
        out_shape=[
            jax.ShapeDtypeStruct((nbt * _TC_R, 128), jnp.int32),
            jax.ShapeDtypeStruct((nbt * _TC_R, 128), jnp.float32),
            jax.ShapeDtypeStruct((nbt * _TC_R, 128), jnp.int32),
        ],
        scratch_shapes=[
            pltpu.SMEM((5, g_pad), jnp.float32),
            pltpu.SMEM((g_pad,), jnp.int32),
        ],
    )


_SC_FRAC = 0.42


def kernel(bboxes, targets, num_level_bboxes):
    n = bboxes.shape[0]
    g = targets.shape[0]
    g_pad = -(-g // _L) * _L

    tgt = jnp.pad(targets, ((0, g_pad - g), (0, 0)),
                  constant_values=-1.0)
    gt_flat = tgt.T.reshape(-1)
    anc_t = bboxes.T

    sc_quantum = _NW * _L * 4
    n_sc = int(n * _SC_FRAC) // sc_quantum * sc_quantum
    n_tc = n - n_sc

    outs = []
    if n_sc > 0:
        per_w = n_sc // _NW
        sc_call = _build_sc_call(n_sc, g_pad, per_w, k_unroll=4, g_unroll=1)
        sc_out = sc_call(anc_t[:, :n_sc].reshape(-1), gt_flat)
        outs.append(sc_out)
    if n_tc > 0:
        nbt = -(-n_tc // (_TC_R * 128))
        n_tc_pad = nbt * _TC_R * 128
        anc_tc = jnp.pad(anc_t[:, n_sc:], ((0, 0), (0, n_tc_pad - n_tc)))
        tc_call = _build_tc_call(nbt, g_pad)
        tc_out = tc_call(gt_flat, anc_tc.reshape(4, nbt * _TC_R, 128))
        outs.append(tuple(o.reshape(-1)[:n_tc] for o in tc_out))

    if len(outs) == 2:
        inds, mo, labs = (jnp.concatenate([a, b]) for a, b in zip(outs[0], outs[1]))
    else:
        inds, mo, labs = outs[0]
    return (inds.astype(jnp.int64),
            mo,
            labs.astype(jnp.int64))

# --- scband reference (transcript-rebuilt; emitter-appended) ---
"""Pipeline reference for scband-max-iou-assigner-80805514707627 (READ-ONLY COPY).

The authoritative reference and input builder live on the scoring server;
editing this copy changes nothing except your own understanding.
"""

import jax, jax.numpy as jnp
import numpy as np

N_ANCHORS = 20000
N_GT = 512
NUM_CLASSES = 20
POS_IOU_THR = 0.5
NEG_IOU_THR = 0.4


def iou_xyxy(boxes1, boxes2):
    # boxes1: [N,4], boxes2: [M,4] in xyxy -> [N, M] IoU matrix
    area1 = (boxes1[:, 2] - boxes1[:, 0]) * (boxes1[:, 3] - boxes1[:, 1])
    area2 = (boxes2[:, 2] - boxes2[:, 0]) * (boxes2[:, 3] - boxes2[:, 1])
    lt = jnp.maximum(boxes1[:, None, :2], boxes2[None, :, :2])
    rb = jnp.minimum(boxes1[:, None, 2:], boxes2[None, :, 2:])
    wh = jnp.maximum(rb - lt, 0.0)
    inter = wh[..., 0] * wh[..., 1]
    union = area1[:, None] + area2[None, :] - inter
    return inter / (union + 1e-6)


def setup_inputs(seed: int = 0) -> dict:
    key = jax.random.key(seed)
    k1, k2, k3, k4, k5, k6 = jax.random.split(key, 6)
    # anchors: valid xyxy boxes on a 512x512 canvas
    a_xy = jax.random.uniform(k1, (N_ANCHORS, 2), dtype=jnp.float32) * 480.0
    a_wh = jax.random.uniform(k2, (N_ANCHORS, 2), dtype=jnp.float32) * 100.0 + 4.0
    bboxes = jnp.concatenate([a_xy, a_xy + a_wh], axis=1)
    # GT boxes with labels; ~5% marked invalid with label -1
    g_xy = jax.random.uniform(k3, (N_GT, 2), dtype=jnp.float32) * 480.0
    g_wh = jax.random.uniform(k4, (N_GT, 2), dtype=jnp.float32) * 120.0 + 8.0
    labels = jax.random.randint(k5, (N_GT,), 0, NUM_CLASSES).astype(jnp.float32)
    invalid = jax.random.uniform(k6, (N_GT,), dtype=jnp.float32) < 0.05
    labels = jnp.where(invalid, -1.0, labels)
    targets = jnp.concatenate([g_xy, g_xy + g_wh, labels[:, None]], axis=1)
    num_level_bboxes = jnp.array([4000, 4000, 4000, 4000, 4000], dtype=jnp.int32)
    return {"bboxes": bboxes, "targets": targets, "num_level_bboxes": num_level_bboxes}


def reference(bboxes, targets, num_level_bboxes):
    # filter out invalid GT (label == -1); fixed-shape masked equivalent
    valid = targets[:, 4] != -1
    gt_bboxes = targets[:, :4]
    gt_labels = targets[:, 4]
    num_gt = valid.sum()
    num_bboxes = bboxes.shape[0]
    if num_bboxes == 0:
        assigned_gt_inds = jnp.zeros((num_bboxes,), dtype=jnp.int64)
        max_overlaps = jnp.zeros((num_bboxes,), dtype=jnp.float32)
        assigned_labels = jnp.full((num_bboxes,), -1, dtype=jnp.int64)
        return assigned_gt_inds, max_overlaps, assigned_labels
    overlaps = iou_xyxy(bboxes, gt_bboxes)  # [N, G]
    overlaps = jnp.where(valid[None, :], overlaps, -jnp.inf)
    max_overlaps = overlaps.max(axis=1)
    argmax_orig = overlaps.argmax(axis=1)
    compact_idx = jnp.cumsum(valid.astype(jnp.int64)) - 1
    argmax_overlaps = jnp.take(compact_idx, argmax_orig, axis=0)
    neg_mask = max_overlaps < NEG_IOU_THR
    pos_mask = max_overlaps > POS_IOU_THR
    # torch: init -1, then pos gets argmax+1, then neg gets 0 (disjoint masks)
    assigned_gt_inds = jnp.full((num_bboxes,), -1, dtype=jnp.int64)
    assigned_gt_inds = jnp.where(pos_mask, argmax_overlaps.astype(jnp.int64) + 1, assigned_gt_inds)
    assigned_gt_inds = jnp.where(neg_mask, 0, assigned_gt_inds)
    gathered_labels = jnp.take(gt_labels, argmax_orig, axis=0).astype(jnp.int64)
    assigned_labels = jnp.where(pos_mask, gathered_labels, -1)
    has_gt = num_gt > 0
    assigned_gt_inds = jnp.where(has_gt, assigned_gt_inds, jnp.zeros((num_bboxes,), dtype=jnp.int64))
    max_overlaps = jnp.where(has_gt, max_overlaps, jnp.zeros((num_bboxes,), dtype=jnp.float32))
    assigned_labels = jnp.where(has_gt, assigned_labels, jnp.full((num_bboxes,), -1, dtype=jnp.int64))
    return assigned_gt_inds, max_overlaps, assigned_labels

if __name__ == "__main__":
    import jax
    _d = setup_inputs()
    print(jax.jit(kernel)(*tuple(_d.values())))

</pallas_src>

<mosaic_0001>
#map = affine_map<(d0, d1) -> (0)>
module attributes {stable_mosaic.version = 14 : i64} {
  func.func @body(%arg0: i32, %arg1: i32, %arg2: memref<32768xf32, #tpu.memory_space<hbm>>, %arg3: memref<2560xf32, #tpu.memory_space<hbm>>, %arg4: memref<8192xi32, #tpu.memory_space<hbm>>, %arg5: memref<8192xf32, #tpu.memory_space<hbm>>, %arg6: memref<8192xi32, #tpu.memory_space<hbm>>, %arg7: memref<256xf32, #tpu.memory_space<vmem>>, %arg8: memref<256xf32, #tpu.memory_space<vmem>>, %arg9: memref<256xf32, #tpu.memory_space<vmem>>, %arg10: memref<256xf32, #tpu.memory_space<vmem>>, %arg11: memref<512xf32, #tpu.memory_space<vmem>>, %arg12: memref<512xf32, #tpu.memory_space<vmem>>, %arg13: memref<512xf32, #tpu.memory_space<vmem>>, %arg14: memref<512xf32, #tpu.memory_space<vmem>>, %arg15: memref<512xf32, #tpu.memory_space<vmem>>, %arg16: memref<512xf32, #tpu.memory_space<vmem>>, %arg17: memref<512xi32, #tpu.memory_space<vmem>>, %arg18: memref<256xi32, #tpu.memory_space<vmem>>, %arg19: memref<256xf32, #tpu.memory_space<vmem>>, %arg20: memref<256xi32, #tpu.memory_space<vmem>>) attributes {dimension_semantics = [#tpu.dimension_semantics<core_parallel>, #tpu.dimension_semantics<subcore_parallel>], iteration_bounds = array<i64: 2, 16>, scalar_prefetch = 0 : i64, scratch_operands = 14 : i64, tpu.core_type = #tpu.core_type<sc_vector_subcore>, window_params = [{transform_indices = #map}, {transform_indices = #map}, {transform_indices = #map}, {transform_indices = #map}, {transform_indices = #map}]} {
    %mul3A = arith.constant 2 : i32
    %mul3A_0 = arith.muli %arg1, %mul3A : i32
    %add3A = arith.addi %mul3A_0, %arg0 : i32
    %mul3A_1 = arith.constant 256 : i32
    %mul3A_2 = arith.muli %add3A, %mul3A_1 : i32
    %add3A_3 = arith.constant 0 : i32
    %add3A_4 = arith.addi %add3A_3, %mul3A_2 : i32
    "tpu.region"() ({
      %run_scoped3A = tpu.sem_alloc : memref<!tpu.dma_semaphore, #tpu.memory_space<semaphore_mem>>
      %dma_start3A = tpu.memref_slice %arg2[%add3A_4] : memref<32768xf32, #tpu.memory_space<hbm>> -> memref<256xf32, #tpu.memory_space<hbm>>
      %dma_start3A_1674 = tpu.memref_slice %arg2[%add3A_4] : memref<32768xf32, #tpu.memory_space<hbm>> -> memref<256xf32, #tpu.memory_space<hbm>>
      tpu.enqueue_dma source(%dma_start3A_1674 : memref<256xf32, #tpu.memory_space<hbm>>) target(%arg7 : memref<256xf32, #tpu.memory_space<vmem>>) target_semaphore(%run_scoped3A : memref<!tpu.dma_semaphore, #tpu.memory_space<semaphore_mem>>)
      %dma_wait3A = tpu.memref_slice %arg2[%add3A_4] : memref<32768xf32, #tpu.memory_space<hbm>> -> memref<256xf32, #tpu.memory_space<hbm>>
      %dma_wait3A_1675 = tpu.memref_slice %arg2[%add3A_4] : memref<32768xf32, #tpu.memory_space<hbm>> -> memref<256xf32, #tpu.memory_space<hbm>>
      tpu.wait_dma2 semaphore(%run_scoped3A : memref<!tpu.dma_semaphore, #tpu.memory_space<semaphore_mem>>) src(%dma_wait3A_1675 : memref<256xf32, #tpu.memory_space<hbm>>) dst(%arg7 : memref<256xf32, #tpu.memory_space<vmem>>)
      tpu.yield
    }) : () -> ()
    %add3A_5 = arith.constant 8192 : i32
    %add3A_6 = arith.addi %add3A_5, %mul3A_2 : i32
    "tpu.region"() ({
      %run_scoped3A = tpu.sem_alloc : memref<!tpu.dma_semaphore, #tpu.memory_space<semaphore_mem>>
      %dma_start3A = tpu.memref_slice %arg2[%add3A_6] : memref<32768xf32, #tpu.memory_space<hbm>> -> memref<256xf32, #tpu.memory_space<hbm>>
      %dma_start3A_1674 = tpu.memref_slice %arg2[%add3A_6] : memref<32768xf32, #tpu.memory_space<hbm>> -> memref<256xf32, #tpu.memory_space<hbm>>
      tpu.enqueue_dma source(%dma_start3A_1674 : memref<256xf32, #tpu.memory_space<hbm>>) target(%arg8 : memref<256xf32, #tpu.memory_space<vmem>>) target_semaphore(%run_scoped3A : memref<!tpu.dma_semaphore, #tpu.memory_space<semaphore_mem>>)
      %dma_wait3A = tpu.memref_slice %arg2[%add3A_6] : memref<32768xf32, #tpu.memory_space<hbm>> -> memref<256xf32, #tpu.memory_space<hbm>>
      %dma_wait3A_1675 = tpu.memref_slice %arg2[%add3A_6] : memref<32768xf32, #tpu.memory_space<hbm>> -> memref<256xf32, #tpu.memory_space<hbm>>
      tpu.wait_dma2 semaphore(%run_scoped3A : memref<!tpu.dma_semaphore, #tpu.memory_space<semaphore_mem>>) src(%dma_wait3A_1675 : memref<256xf32, #tpu.memory_space<hbm>>) dst(%arg8 : memref<256xf32, #tpu.memory_space<vmem>>)
      tpu.yield
    }) : () -> ()
    %add3A_7 = arith.constant 16384 : i32
    %add3A_8 = arith.addi %add3A_7, %mul3A_2 : i32
    "tpu.region"() ({
      %run_scoped3A = tpu.sem_alloc : memref<!tpu.dma_semaphore, #tpu.memory_space<semaphore_mem>>
      %dma_start3A = tpu.memref_slice %arg2[%add3A_8] : memref<32768xf32, #tpu.memory_space<hbm>> -> memref<256xf32, #tpu.memory_space<hbm>>
      %dma_start3A_1674 = tpu.memref_slice %arg2[%add3A_8] : memref<32768xf32, #tpu.memory_space<hbm>> -> memref<256xf32, #tpu.memory_space<hbm>>
      tpu.enqueue_dma source(%dma_start3A_1674 : memref<256xf32, #tpu.memory_space<hbm>>) target(%arg9 : memref<256xf32, #tpu.memory_space<vmem>>) target_semaphore(%run_scoped3A : memref<!tpu.dma_semaphore, #tpu.memory_space<semaphore_mem>>)
      %dma_wait3A = tpu.memref_slice %arg2[%add3A_8] : memref<32768xf32, #tpu.memory_space<hbm>> -> memref<256xf32, #tpu.memory_space<hbm>>
      %dma_wait3A_1675 = tpu.memref_slice %arg2[%add3A_8] : memref<32768xf32, #tpu.memory_space<hbm>> -> memref<256xf32, #tpu.memory_space<hbm>>
      tpu.wait_dma2 semaphore(%run_scoped3A : memref<!tpu.dma_semaphore, #tpu.memory_space<semaphore_mem>>) src(%dma_wait3A_1675 : memref<256xf32, #tpu.memory_space<hbm>>) dst(%arg9 : memref<256xf32, #tpu.memory_space<vmem>>)
      tpu.yield
    }) : () -> ()
    %add3A_9 = arith.constant 24576 : i32
    %add3A_10 = arith.addi %add3A_9, %mul3A_2 : i32
    "tpu.region"() ({
      %run_scoped3A = tpu.sem_alloc : memref<!tpu.dma_semaphore, #tpu.memory_space<semaphore_mem>>
      %dma_start3A = tpu.memref_slice %arg2[%add3A_10] : memref<32768xf32, #tpu.memory_space<hbm>> -> memref<256xf32, #tpu.memory_space<hbm>>
      %dma_start3A_1674 = tpu.memref_slice %arg2[%add3A_10] : memref<32768xf32, #tpu.memory_space<hbm>> -> memref<256xf32, #tpu.memory_space<hbm>>
      tpu.enqueue_dma source(%dma_start3A_1674 : memref<256xf32, #tpu.memory_space<hbm>>) target(%arg10 : memref<256xf32, #tpu.memory_space<vmem>>) target_semaphore(%run_scoped3A : memref<!tpu.dma_semaphore, #tpu.memory_space<semaphore_mem>>)
      %dma_wait3A = tpu.memref_slice %arg2[%add3A_10] : memref<32768xf32, #tpu.memory_space<hbm>> -> memref<256xf32, #tpu.memory_space<hbm>>
      %dma_wait3A_1675 = tpu.memref_slice %arg2[%add3A_10] : memref<32768xf32, #tpu.memory_space<hbm>> -> memref<256xf32, #tpu.memory_space<hbm>>
      tpu.wait_dma2 semaphore(%run_scoped3A : memref<!tpu.dma_semaphore, #tpu.memory_space<semaphore_mem>>) src(%dma_wait3A_1675 : memref<256xf32, #tpu.memory_space<hbm>>) dst(%arg10 : memref<256xf32, #tpu.memory_space<vmem>>)
      tpu.yield
    }) : () -> ()
    "tpu.region"() ({
      %run_scoped3A = tpu.sem_alloc : memref<!tpu.dma_semaphore, #tpu.memory_space<semaphore_mem>>
      %dma_start3A = arith.constant 0 : i32
      %dma_start3A_1674 = tpu.memref_slice %arg3[%dma_start3A] : memref<2560xf32, #tpu.memory_space<hbm>> -> memref<512xf32, #tpu.memory_space<hbm>>
      %dma_start3A_1675 = arith.constant 0 : i32
      %dma_start3A_1676 = tpu.memref_slice %arg3[%dma_start3A_1675] : memref<2560xf32, #tpu.memory_space<hbm>> -> memref<512xf32, #tpu.memory_space<hbm>>
      tpu.enqueue_dma source(%dma_start3A_1676 : memref<512xf32, #tpu.memory_space<hbm>>) target(%arg11 : memref<512xf32, #tpu.memory_space<vmem>>) target_semaphore(%run_scoped3A : memref<!tpu.dma_semaphore, #tpu.memory_space<semaphore_mem>>)
      %dma_wait3A = arith.constant 0 : i32
      %dma_wait3A_1677 = tpu.memref_slice %arg3[%dma_wait3A] : memref<2560xf32, #tpu.memory_space<hbm>> -> memref<512xf32, #tpu.memory_space<hbm>>
      %dma_wait3A_1678 = arith.constant 0 : i32
      %dma_wait3A_1679 = tpu.memref_slice %arg3[%dma_wait3A_1678] : memref<2560xf32, #tpu.memory_space<hbm>> -> memref<512xf32, #tpu.memory_space<hbm>>
      tpu.wait_dma2 semaphore(%run_scoped3A : memref<!tpu.dma_semaphore, #tpu.memory_space<semaphore_mem>>) src(%dma_wait3A_1679 : memref<512xf32, #tpu.memory_space<hbm>>) dst(%arg11 : memref<512xf32, #tpu.memory_space<vmem>>)
      tpu.yield
    }) : () -> ()
    "tpu.region"() ({
      %run_scoped3A = tpu.sem_alloc : memref<!tpu.dma_semaphore, #tpu.memory_space<semaphore_mem>>
      %dma_start3A = arith.constant 512 : i32
      %dma_start3A_1674 = tpu.memref_slice %arg3[%dma_start3A] : memref<2560xf32, #tpu.memory_space<hbm>> -> memref<512xf32, #tpu.memory_space<hbm>>
      %dma_start3A_1675 = arith.constant 512 : i32
      %dma_start3A_1676 = tpu.memref_slice %arg3[%dma_start3A_1675] : memref<2560xf32, #tpu.memory_space<hbm>> -> memref<512xf32, #tpu.memory_space<hbm>>
      tpu.enqueue_dma source(%dma_start3A_1676 : memref<512xf32, #tpu.memory_space<hbm>>) target(%arg12 : memref<512xf32, #tpu.memory_space<vmem>>) target_semaphore(%run_scoped3A : memref<!tpu.dma_semaphore, #tpu.memory_space<semaphore_mem>>)
      %dma_wait3A = arith.constant 512 : i32
      %dma_wait3A_1677 = tpu.memref_slice %arg3[%dma_wait3A] : memref<2560xf32, #tpu.memory_space<hbm>> -> memref<512xf32, #tpu.memory_space<hbm>>
      %dma_wait3A_1678 = arith.constant 512 : i32
      %dma_wait3A_1679 = tpu.memref_slice %arg3[%dma_wait3A_1678] : memref<2560xf32, #tpu.memory_space<hbm>> -> memref<512xf32, #tpu.memory_space<hbm>>
      tpu.wait_dma2 semaphore(%run_scoped3A : memref<!tpu.dma_semaphore, #tpu.memory_space<semaphore_mem>>) src(%dma_wait3A_1679 : memref<512xf32, #tpu.memory_space<hbm>>) dst(%arg12 : memref<512xf32, #tpu.memory_space<vmem>>)
      tpu.yield
    }) : () -> ()
    "tpu.region"() ({
      %run_scoped3A = tpu.sem_alloc : memref<!tpu.dma_semaphore, #tpu.memory_space<semaphore_mem>>
      %dma_start3A = arith.constant 1024 : i32
      %dma_start3A_1674 = tpu.memref_slice %arg3[%dma_start3A] : memref<2560xf32, #tpu.memory_space<hbm>> -> memref<512xf32, #tpu.memory_space<hbm>>
      %dma_start3A_1675 = arith.constant 1024 : i32
      %dma_start3A_1676 = tpu.memref_slice %arg3[%dma_start3A_1675] : memref<2560xf32, #tpu.memory_space<hbm>> -> memref<512xf32, #tpu.memory_space<hbm>>
      tpu.enqueue_dma source(%dma_start3A_1676 : memref<512xf32, #tpu.memory_space<hbm>>) target(%arg13 : memref<512xf32, #tpu.memory_space<vmem>>) target_semaphore(%run_scoped3A : memref<!tpu.dma_semaphore, #tpu.memory_space<semaphore_mem>>)
      %dma_wait3A = arith.constant 1024 : i32
      %dma_wait3A_1677 = tpu.memref_slice %arg3[%dma_wait3A] : memref<2560xf32, #tpu.memory_space<hbm>> -> memref<512xf32, #tpu.memory_space<hbm>>
      %dma_wait3A_1678 = arith.constant 1024 : i32
      %dma_wait3A_1679 = tpu.memref_slice %arg3[%dma_wait3A_1678] : memref<2560xf32, #tpu.memory_space<hbm>> -> memref<512xf32, #tpu.memory_space<hbm>>
      tpu.wait_dma2 semaphore(%run_scoped3A : memref<!tpu.dma_semaphore, #tpu.memory_space<semaphore_mem>>) src(%dma_wait3A_1679 : memref<512xf32, #tpu.memory_space<hbm>>) dst(%arg13 : memref<512xf32, #tpu.memory_space<vmem>>)
      tpu.yield
    }) : () -> ()
    "tpu.region"() ({
      %run_scoped3A = tpu.sem_alloc : memref<!tpu.dma_semaphore, #tpu.memory_space<semaphore_mem>>
      %dma_start3A = arith.constant 1536 : i32
      %dma_start3A_1674 = tpu.memref_slice %arg3[%dma_start3A] : memref<2560xf32, #tpu.memory_space<hbm>> -> memref<512xf32, #tpu.memory_space<hbm>>
      %dma_start3A_1675 = arith.constant 1536 : i32
      %dma_start3A_1676 = tpu.memref_slice %arg3[%dma_start3A_1675] : memref<2560xf32, #tpu.memory_space<hbm>> -> memref<512xf32, #tpu.memory_space<hbm>>
      tpu.enqueue_dma source(%dma_start3A_1676 : memref<512xf32, #tpu.memory_space<hbm>>) target(%arg14 : memref<512xf32, #tpu.memory_space<vmem>>) target_semaphore(%run_scoped3A : memref<!tpu.dma_semaphore, #tpu.memory_space<semaphore_mem>>)
      %dma_wait3A = arith.constant 1536 : i32
      %dma_wait3A_1677 = tpu.memref_slice %arg3[%dma_wait3A] : memref<2560xf32, #tpu.memory_space<hbm>> -> memref<512xf32, #tpu.memory_space<hbm>>
      %dma_wait3A_1678 = arith.constant 1536 : i32
      %dma_wait3A_1679 = tpu.memref_slice %arg3[%dma_wait3A_1678] : memref<2560xf32, #tpu.memory_space<hbm>> -> memref<512xf32, #tpu.memory_space<hbm>>
      tpu.wait_dma2 semaphore(%run_scoped3A : memref<!tpu.dma_semaphore, #tpu.memory_space<semaphore_mem>>) src(%dma_wait3A_1679 : memref<512xf32, #tpu.memory_space<hbm>>) dst(%arg14 : memref<512xf32, #tpu.memory_space<vmem>>)
      tpu.yield
    }) : () -> ()
    "tpu.region"() ({
      %run_scoped3A = tpu.sem_alloc : memref<!tpu.dma_semaphore, #tpu.memory_space<semaphore_mem>>
      %dma_start3A = arith.constant 2048 : i32
      %dma_start3A_1674 = tpu.memref_slice %arg3[%dma_start3A] : memref<2560xf32, #tpu.memory_space<hbm>> -> memref<512xf32, #tpu.memory_space<hbm>>
      %dma_start3A_1675 = arith.constant 2048 : i32
      %dma_start3A_1676 = tpu.memref_slice %arg3[%dma_start3A_1675] : memref<2560xf32, #tpu.memory_space<hbm>> -> memref<512xf32, #tpu.memory_space<hbm>>
      tpu.enqueue_dma source(%dma_start3A_1676 : memref<512xf32, #tpu.memory_space<hbm>>) target(%arg15 : memref<512xf32, #tpu.memory_space<vmem>>) target_semaphore(%run_scoped3A : memref<!tpu.dma_semaphore, #tpu.memory_space<semaphore_mem>>)
      %dma_wait3A = arith.constant 2048 : i32
      %dma_wait3A_1677 = tpu.memref_slice %arg3[%dma_wait3A] : memref<2560xf32, #tpu.memory_space<hbm>> -> memref<512xf32, #tpu.memory_space<hbm>>
      %dma_wait3A_1678 = arith.constant 2048 : i32
      %dma_wait3A_1679 = tpu.memref_slice %arg3[%dma_wait3A_1678] : memref<2560xf32, #tpu.memory_space<hbm>> -> memref<512xf32, #tpu.memory_space<hbm>>
      tpu.wait_dma2 semaphore(%run_scoped3A : memref<!tpu.dma_semaphore, #tpu.memory_space<semaphore_mem>>) src(%dma_wait3A_1679 : memref<512xf32, #tpu.memory_space<hbm>>) dst(%arg15 : memref<512xf32, #tpu.memory_space<vmem>>)
      tpu.yield
    }) : () -> ()
    %broadcast_in_dim3A = arith.constant 2.000000e+09 : f32
    %broadcast_in_dim3A_11 = vector.broadcast %broadcast_in_dim3A : f32 to vector<16xf32>
    %broadcast_in_dim3A_12 = arith.constant -1.000000e+00 : f32
    %broadcast_in_dim3A_13 = vector.broadcast %broadcast_in_dim3A_12 : f32 to vector<16xf32>
    %broadcast_in_dim3A_14 = arith.constant 0.000000e+00 : f32
    %broadcast_in_dim3A_15 = vector.broadcast %broadcast_in_dim3A_14 : f32 to vector<16xf32>
    %broadcast_in_dim3A_16 = arith.constant 9.99999997E-7 : f32
    %broadcast_in_dim3A_17 = vector.broadcast %broadcast_in_dim3A_16 : f32 to vector<16xf32>
    %broadcast_in_dim3A_18 = arith.constant 5.000000e-01 : f32
    %broadcast_in_dim3A_19 = vector.broadcast %broadcast_in_dim3A_18 : f32 to vector<16xf32>
    %broadcast_in_dim3A_20 = arith.constant 4.000000e-01 : f32
    %broadcast_in_dim3A_21 = vector.broadcast %broadcast_in_dim3A_20 : f32 to vector<16xf32>
    %broadcast_in_dim3A_22 = arith.constant 1 : i32
    %broadcast_in_dim3A_23 = vector.broadcast %broadcast_in_dim3A_22 : i32 to vector<16xi32>
    %broadcast_in_dim3A_24 = arith.constant -1 : i32
    %broadcast_in_dim3A_25 = vector.broadcast %broadcast_in_dim3A_24 : i32 to vector<16xi32>
    %broadcast_in_dim3A_26 = arith.constant 0 : i32
    %broadcast_in_dim3A_27 = vector.broadcast %broadcast_in_dim3A_26 : i32 to vector<16xi32>
    %sub3A = arith.subi %broadcast_in_dim3A_27, %broadcast_in_dim3A_23 : vector<16xi32>
    %get3A = arith.constant 0 : index
    %get3A_28 = tpu.vector_load %arg15[%get3A] {strides = array<i32>} : memref<512xf32, #tpu.memory_space<vmem>>, vector<16xf32>,
    %ne3A = arith.cmpf one, %get3A_28, %broadcast_in_dim3A_13 : vector<16xf32>
    %get3A_29 = arith.constant 0 : index
    %get3A_30 = tpu.vector_load %arg11[%get3A_29] {strides = array<i32>} : memref<512xf32, #tpu.memory_space<vmem>>, vector<16xf32>,
    %select_n3A = arith.select %ne3A, %get3A_30, %broadcast_in_dim3A_11 : vector<16xi1>, vector<16xf32>
    %get3A_31 = arith.constant 0 : index
    %get3A_32 = tpu.vector_load %arg12[%get3A_31] {strides = array<i32>} : memref<512xf32, #tpu.memory_space<vmem>>, vector<16xf32>,
    %select_n3A_33 = arith.select %ne3A, %get3A_32, %broadcast_in_dim3A_11 : vector<16xi1>, vector<16xf32>
    %get3A_34 = arith.constant 0 : index
    %get3A_35 = tpu.vector_load %arg13[%get3A_34] {strides = array<i32>} : memref<512xf32, #tpu.memory_space<vmem>>, vector<16xf32>,
    %select_n3A_36 = arith.select %ne3A, %get3A_35, %broadcast_in_dim3A_11 : vector<16xi1>, vector<16xf32>
    %get3A_37 = arith.constant 0 : index
    %get3A_38 = tpu.vector_load %arg14[%get3A_37] {strides = array<i32>} : memref<512xf32, #tpu.memory_space<vmem>>, vector<16xf32>,
    %select_n3A_39 = arith.select %ne3A, %get3A_38, %broadcast_in_dim3A_11 : vector<16xi1>, vector<16xf32>
    %swap3A = arith.constant 0 : index
    %swap3A_40 = tpu.vector_load %arg11[%swap3A] {strides = array<i32>} : memref<512xf32, #tpu.memory_space<vmem>>, vector<16xf32>,
    tpu.vector_store %arg11[%swap3A], %select_n3A {strides = array<i32>} : memref<512xf32, #tpu.memory_space<vmem>>, vector<16xf32>,
    %swap3A_41 = arith.constant 0 : index
    %swap3A_42 = tpu.vector_load %arg12[%swap3A_41] {strides = array<i32>} : memref<512xf32, #tpu.memory_space<vmem>>, vector<16xf32>,
    tpu.vector_store %arg12[%swap3A_41], %select_n3A_33 {strides = array<i32>} : memref<512xf32, #tpu.memory_space<vmem>>, vector<16xf32>,
    %swap3A_43 = arith.constant 0 : index
    %swap3A_44 = tpu.vector_load %arg13[%swap3A_43] {strides = array<i32>} : memref<512xf32, #tpu.memory_space<vmem>>, vector<16xf32>,
    tpu.vector_store %arg13[%swap3A_43], %select_n3A_36 {strides = array<i32>} : memref<512xf32, #tpu.memory_space<vmem>>, vector<16xf32>,
    %swap3A_45 = arith.constant 0 : index
    %swap3A_46 = tpu.vector_load %arg14[%swap3A_45] {strides = array<i32>} : memref<512xf32, #tpu.memory_space<vmem>>, vector<16xf32>,
    tpu.vector_store %arg14[%swap3A_45], %select_n3A_39 {strides = array<i32>} : memref<512xf32, #tpu.memory_space<vmem>>, vector<16xf32>,
    %sub3A_47 = arith.subf %select_n3A_36, %select_n3A : vector<16xf32>
    %sub3A_48 = arith.subf %select_n3A_39, %select_n3A_33 : vector<16xf32>
    %mul3A_49 = arith.mulf %sub3A_47, %sub3A_48 : vector<16xf32>
    %swap3A_50 = arith.constant 0 : index
    %swap3A_51 = tpu.vector_load %arg16[%swap3A_50] {strides = array<i32>} : memref<512xf32, #tpu.memory_space<vmem>>, vector<16xf32>,
    tpu.vector_store %arg16[%swap3A_50], %mul3A_49 {strides = array<i32>} : memref<512xf32, #tpu.memory_space<vmem>>, vector<16xf32>,
    %select_n3A_52 = arith.select %ne3A, %broadcast_in_dim3A_23, %broadcast_in_dim3A_27 : vector<16xi1>, vector<16xi32>
    %cumsum3A = arith.constant true
    %cumsum3A_53 = vector.broadcast %cumsum3A : i1 to vector<16xi1>
    %cumsum3A_54 = tpu.scan <sum>, %select_n3A_52 masked %cumsum3A_53 : vector<16xi32>, vector<16xi1> -> vector<16xi32>
    %add3A_55 = arith.addi %cumsum3A_54, %sub3A : vector<16xi32>
    %swap3A_56 = arith.constant 0 : index
    %swap3A_57 = tpu.vector_load %arg17[%swap3A_56] {strides = array<i32>} : memref<512xi32, #tpu.memory_space<vmem>>, vector<16xi32>,
    tpu.vector_store %arg17[%swap3A_56], %add3A_55 {strides = array<i32>} : memref<512xi32, #tpu.memory_space<vmem>>, vector<16xi32>,
    %broadcast_in_dim3A_58 = arith.constant 15 : i32
    %broadcast_in_dim3A_59 = vector.broadcast %broadcast_in_dim3A_58 : i32 to vector<16xi32>
    %gather3A = tpu.vector_load_idx %arg17[%broadcast_in_dim3A_59] : memref<512xi32, #tpu.memory_space<vmem>>[vector<16xi32>], vector<16xi32>,
    %get3A_60 = arith.constant 16 : index
    %get3A_61 = tpu.vector_load %arg15[%get3A_60] {strides = array<i32>} : memref<512xf32, #tpu.memory_space<vmem>>, vector<16xf32>,
    %ne3A_62 = arith.cmpf one, %get3A_61, %broadcast_in_dim3A_13 : vector<16xf32>
    %get3A_63 = arith.constant 16 : index
    %get3A_64 = tpu.vector_load %arg11[%get3A_63] {strides = array<i32>} : memref<512xf32, #tpu.memory_space<vmem>>, vector<16xf32>,
    %select_n3A_65 = arith.select %ne3A_62, %get3A_64, %broadcast_in_dim3A_11 : vector<16xi1>, vector<16xf32>
    %get3A_66 = arith.constant 16 : index
    %get3A_67 = tpu.vector_load %arg12[%get3A_66] {strides = array<i32>} : memref<512xf32, #tpu.memory_space<vmem>>, vector<16xf32>,
    %select_n3A_68 = arith.select %ne3A_62, %get3A_67, %broadcast_in_dim3A_11 : vector<16xi1>, vector<16xf32>
    %get3A_69 = arith.constant 16 : index
    %get3A_70 = tpu.vector_load %arg13[%get3A_69] {strides = array<i32>} : memref<512xf32, #tpu.memory_space<vmem>>, vector<16xf32>,
    %select_n3A_71 = arith.select %ne3A_62, %get3A_70, %broadcast_in_dim3A_11 : vector<16xi1>, vector<16xf32>
    %get3A_72 = arith.constant 16 : index
    %get3A_73 = tpu.vector_load %arg14[%get3A_72] {strides = array<i32>} : memref<512xf32, #tpu.memory_space<vmem>>, vector<16xf32>,
    %select_n3A_74 = arith.select %ne3A_62, %get3A_73, %broadcast_in_dim3A_11 : vector<16xi1>, vector<16xf32>
    %swap3A_75 = arith.constant 16 : index
    %swap3A_76 = tpu.vector_load %arg11[%swap3A_75] {strides = array<i32>} : memref<512xf32, #tpu.memory_space<vmem>>, vector<16xf32>,
    tpu.vector_store %arg11[%swap3A_75], %select_n3A_65 {strides = array<i32>} : memref<512xf32, #tpu.memory_space<vmem>>, vector<16xf32>,
    %swap3A_77 = arith.constant 16 : index
    %swap3A_78 = tpu.vector_load %arg12[%swap3A_77] {strides = array<i32>} : memref<512xf32, #tpu.memory_space<vmem>>, vector<16xf32>,
    tpu.vector_store %arg12[%swap3A_77], %select_n3A_68 {strides = array<i32>} : memref<512xf32, #tpu.memory_space<vmem>>, vector<16xf32>,
    %swap3A_79 = arith.constant 16 : index
    %swap3A_80 = tpu.vector_load %arg13[%swap3A_79] {strides = array<i32>} : memref<512xf32, #tpu.memory_space<vmem>>, vector<16xf32>,
    tpu.vector_store %arg13[%swap3A_79], %select_n3A_71 {strides = array<i32>} : memref<512xf32, #tpu.memory_space<vmem>>, vector<16xf32>,
    %swap3A_81 = arith.constant 16 : index
    %swap3A_82 = tpu.vector_load %arg14[%swap3A_81] {strides = array<i32>} : memref<512xf32, #tpu.memory_space<vmem>>, vector<16xf32>,
    tpu.vector_store %arg14[%swap3A_81], %select_n3A_74 {strides = array<i32>} : memref<512xf32, #tpu.memory_space<vmem>>, vector<16xf32>,
    %sub3A_83 = arith.subf %select_n3A_71, %select_n3A_65 : vector<16xf32>
    %sub3A_84 = arith.subf %select_n3A_74, %select_n3A_68 : vector<16xf32>
    %mul3A_85 = arith.mulf %sub3A_83, %sub3A_84 : vector<16xf32>
    %swap3A_86 = arith.constant 16 : index
    %swap3A_87 = tpu.vector_load %arg16[%swap3A_86] {strides = array<i32>} : memref<512xf32, #tpu.memory_space<vmem>>, vector<16xf32>,
    tpu.vector_store %arg16[%swap3A_86], %mul3A_85 {strides = array<i32>} : memref<512xf32, #tpu.memory_space<vmem>>, vector<16xf32>,
    %select_n3A_88 = arith.select %ne3A_62, %broadcast_in_dim3A_23, %broadcast_in_dim3A_27 : vector<16xi1>, vector<16xi32>
    %cumsum3A_89 = arith.constant true
    %cumsum3A_90 = vector.broadcast %cumsum3A_89 : i1 to vector<16xi1>
    %cumsum3A_91 = tpu.scan <sum>, %select_n3A_88 masked %cumsum3A_90 : vector<16xi32>, vector<16xi1> -> vector<16xi32>
    %add3A_92 = arith.addi %cumsum3A_91, %gather3A : vector<16xi32>
    %swap3A_93 = arith.constant 16 : index
    %swap3A_94 = tpu.vector_load %arg17[%swap3A_93] {strides = array<i32>} : memref<512xi32, #tpu.memory_space<vmem>>, vector<16xi32>,
    tpu.vector_store %arg17[%swap3A_93], %add3A_92 {strides = array<i32>} : memref<512xi32, #tpu.memory_space<vmem>>, vector<16xi32>,
    %broadcast_in_dim3A_95 = arith.constant 31 : i32
    %broadcast_in_dim3A_96 = vector.broadcast %broadcast_in_dim3A_95 : i32 to vector<16xi32>
    %gather3A_97 = tpu.vector_load_idx %arg17[%broadcast_in_dim3A_96] : memref<512xi32, #tpu.memory_space<vmem>>[vector<16xi32>], vector<16xi32>,
    %get3A_98 = arith.constant 32 : index
    %get3A_99 = tpu.vector_load %arg15[%get3A_98] {strides = array<i32>} : memref<512xf32, #tpu.memory_space<vmem>>, vector<16xf32>,
    %ne3A_100 = arith.cmpf one, %get3A_99, %broadcast_in_dim3A_13 : vector<16xf32>
    %get3A_101 = arith.constant 32 : index
    %get3A_102 = tpu.vector_load %arg11[%get3A_101] {strides = array<i32>} : memref<512xf32, #tpu.memory_space<vmem>>, vector<16xf32>,
    %select_n3A_103 = arith.select %ne3A_100, %get3A_102, %broadcast_in_dim3A_11 : vector<16xi1>, vector<16xf32>
    %get3A_104 = arith.constant 32 : index
    %get3A_105 = tpu.vector_load %arg12[%get3A_104] {strides = array<i32>} : memref<512xf32, #tpu.memory_space<vmem>>, vector<16xf32>,
    %select_n3A_106 = arith.select %ne3A_100, %get3A_105, %broadcast_in_dim3A_11 : vector<16xi1>, vector<16xf32>
    %get3A_107 = arith.constant 32 : index
    %get3A_108 = tpu.vector_load %arg13[%get3A_107] {strides = array<i32>} : memref<512xf32, #tpu.memory_space<vmem>>, vector<16xf32>,
    %select_n3A_109 = arith.select %ne3A_100, %get3A_108, %broadcast_in_dim3A_11 : vector<16xi1>, vector<16xf32>
    %get3A_110 = arith.constant 32 : index
    %get3A_111 = tpu.vector_load %arg14[%get3A_110] {strides = array<i32>} : memref<512xf32, #tpu.memory_space<vmem>>, vector<16xf32>,
    %select_n3A_112 = arith.select %ne3A_100, %get3A_111, %broadcast_in_dim3A_11 : vector<16xi1>, vector<16xf32>
    %swap3A_113 = arith.constant 32 : index
    %swap3A_114 = tpu.vector_load %arg11[%swap3A_113] {strides = array<i32>} : memref<512xf32, #tpu.memory_space<vmem>>, vector<16xf32>,
    tpu.vector_store %arg11[%swap3A_113], %select_n3A_103 {strides = array<i32>} : memref<512xf32, #tpu.memory_space<vmem>>, vector<16xf32>,
    %swap3A_115 = arith.constant 32 : index
    %swap3A_116 = tpu.vector_load %arg12[%swap3A_115] {strides = array<i32>} : memref<512xf32, #tpu.memory_space<vmem>>, vector<16xf32>,
    tpu.vector_store %arg12[%swap3A_115], %select_n3A_106 {strides = array<i32>} : memref<512xf32, #tpu.memory_space<vmem>>, vector<16xf32>,
    %swap3A_117 = arith.constant 32 : index
    %swap3A_118 = tpu.vector_load %arg13[%swap3A_117] {strides = array<i32>} : memref<512xf32, #tpu.memory_space<vmem>>, vector<16xf32>,
    tpu.vector_store %arg13[%swap3A_117], %select_n3A_109 {strides = array<i32>} : memref<512xf32, #tpu.memory_space<vmem>>, vector<16xf32>,
    %swap3A_119 = arith.constant 32 : index
    %swap3A_120 = tpu.vector_load %arg14[%swap3A_119] {strides = array<i32>} : memref<512xf32, #tpu.memory_space<vmem>>, vector<16xf32>,
    tpu.vector_store %arg14[%swap3A_119], %select_n3A_112 {strides = array<i32>} : memref<512xf32, #tpu.memory_space<vmem>>, vector<16xf32>,
    %sub3A_121 = arith.subf %select_n3A_109, %select_n3A_103 : vector<16xf32>
    %sub3A_122 = arith.subf %select_n3A_112, %select_n3A_106 : vector<16xf32>
    %mul3A_123 = arith.mulf %sub3A_121, %sub3A_122 : vector<16xf32>
    %swap3A_124 = arith.constant 32 : index
    %swap3A_125 = tpu.vector_load %arg16[%swap3A_124] {strides = array<i32>} : memref<512xf32, #tpu.memory_space<vmem>>, vector<16xf32>,
    tpu.vector_store %arg16[%swap3A_124], %mul3A_123 {strides = array<i32>} : memref<512xf32, #tpu.memory_space<vmem>>, vector<16xf32>,
    %select_n3A_126 = arith.select %ne3A_100, %broadcast_in_dim3A_23, %broadcast_in_dim3A_27 : vector<16xi1>, vector<16xi32>
    %cumsum3A_127 = arith.constant true
    %cumsum3A_128 = vector.broadcast %cumsum3A_127 : i1 to vector<16xi1>
    %cumsum3A_129 = tpu.scan <sum>, %select_n3A_126 masked %cumsum3A_128 : vector<16xi32>, vector<16xi1> -> vector<16xi32>
    %add3A_130 = arith.addi %cumsum3A_129, %gather3A_97 : vector<16xi32>
    %swap3A_131 = arith.constant 32 : index
    %swap3A_132 = tpu.vector_load %arg17[%swap3A_131] {strides = array<i32>} : memref<512xi32, #tpu.memory_space<vmem>>, vector<16xi32>,
    tpu.vector_store %arg17[%swap3A_131], %add3A_130 {strides = array<i32>} : memref<512xi32, #tpu.memory_space<vmem>>, vector<16xi32>,
    %broadcast_in_dim3A_133 = arith.constant 47 : i32
    %broadcast_in_dim3A_134 = vector.broadcast %broadcast_in_dim3A_133 : i32 to vector<16xi32>
    %gather3A_135 = tpu.vector_load_idx %arg17[%broadcast_in_dim3A_134] : memref<512xi32, #tpu.memory_space<vmem>>[vector<16xi32>], vector<16xi32>,
    %get3A_136 = arith.constant 48 : index
    %get3A_137 = tpu.vector_load %arg15[%get3A_136] {strides = array<i32>} : memref<512xf32, #tpu.memory_space<vmem>>, vector<16xf32>,
    %ne3A_138 = arith.cmpf one, %get3A_137, %broadcast_in_dim3A_13 : vector<16xf32>
    %get3A_139 = arith.constant 48 : index
    %get3A_140 = tpu.vector_load %arg11[%get3A_139] {strides = array<i32>} : memref<512xf32, #tpu.memory_space<vmem>>, vector<16xf32>,
    %select_n3A_141 = arith.select %ne3A_138, %get3A_140, %broadcast_in_dim3A_11 : vector<16xi1>, vector<16xf32>
    %get3A_142 = arith.constant 48 : index
    %get3A_143 = tpu.vector_load %arg12[%get3A_142] {strides = array<i32>} : memref<512xf32, #tpu.memory_space<vmem>>, vector<16xf32>,
    %select_n3A_144 = arith.select %ne3A_138, %get3A_143, %broadcast_in_dim3A_11 : vector<16xi1>, vector<16xf32>
    %get3A_145 = arith.constant 48 : index
    %get3A_146 = tpu.vector_load %arg13[%get3A_145] {strides = array<i32>} : memref<512xf32, #tpu.memory_space<vmem>>, vector<16xf32>,
    %select_n3A_147 = arith.select %ne3A_138, %get3A_146, %broadcast_in_dim3A_11 : vector<16xi1>, vector<16xf32>
    %get3A_148 = arith.constant 48 : index
    %get3A_149 = tpu.vector_load %arg14[%get3A_148] {strides = array<i32>} : memref<512xf32, #tpu.memory_space<vmem>>, vector<16xf32>,
    %select_n3A_150 = arith.select %ne3A_138, %get3A_149, %broadcast_in_dim3A_11 : vector<16xi1>, vector<16xf32>
    %swap3A_151 = arith.constant 48 : index
    %swap3A_152 = tpu.vector_load %arg11[%swap3A_151] {strides = array<i32>} : memref<512xf32, #tpu.memory_space<vmem>>, vector<16xf32>,
    tpu.vector_store %arg11[%swap3A_151], %select_n3A_141 {strides = array<i32>} : memref<512xf32, #tpu.memory_space<vmem>>, vector<16xf32>,
    %swap3A_153 = arith.constant 48 : index
    %swap3A_154 = tpu.vector_load %arg12[%swap3A_153] {strides = array<i32>} : memref<512xf32, #tpu.memory_space<vmem>>, vector<16xf32>,
    tpu.vector_store %arg12[%swap3A_153], %select_n3A_144 {strides = array<i32>} : memref<512xf32, #tpu.memory_space<vmem>>, vector<16xf32>,
    %swap3A_155 = arith.constant 48 : index
    %swap3A_156 = tpu.vector_load %arg13[%swap3A_155] {strides = array<i32>} : memref<512xf32, #tpu.memory_space<vmem>>, vector<16xf32>,
    tpu.vector_store %arg13[%swap3A_155], %select_n3A_147 {strides = array<i32>} : memref<512xf32, #tpu.memory_space<vmem>>, vector<16xf32>,
    %swap3A_157 = arith.constant 48 : index
    %swap3A_158 = tpu.vector_load %arg14[%swap3A_157] {strides = array<i32>} : memref<512xf32, #tpu.memory_space<vmem>>, vector<16xf32>,
    tpu.vector_store %arg14[%swap3A_157], %select_n3A_150 {strides = array<i32>} : memref<512xf32, #tpu.memory_space<vmem>>, vector<16xf32>,
    %sub3A_159 = arith.subf %select_n3A_147, %select_n3A_141 : vector<16xf32>
    %sub3A_160 = arith.subf %select_n3A_150, %select_n3A_144 : vector<16xf32>
    %mul3A_161 = arith.mulf %sub3A_159, %sub3A_160 : vector<16xf32>
    %swap3A_162 = arith.constant 48 : index
    %swap3A_163 = tpu.vector_load %arg16[%swap3A_162] {strides = array<i32>} : memref<512xf32, #tpu.memory_space<vmem>>, vector<16xf32>,
    tpu.vector_store %arg16[%swap3A_162], %mul3A_161 {strides = array<i32>} : memref<512xf32, #tpu.memory_space<vmem>>, vector<16xf32>,
    %select_n3A_164 = arith.select %ne3A_138, %broadcast_in_dim3A_23, %broadcast_in_dim3A_27 : vector<16xi1>, vector<16xi32>
    %cumsum3A_165 = arith.constant true
    %cumsum3A_166 = vector.broadcast %cumsum3A_165 : i1 to vector<16xi1>
    %cumsum3A_167 = tpu.scan <sum>, %select_n3A_164 masked %cumsum3A_166 : vector<16xi32>, vector<16xi1> -> vector<16xi32>
    %add3A_168 = arith.addi %cumsum3A_167, %gather3A_135 : vector<16xi32>
    %swap3A_169 = arith.constant 48 : index
    %swap3A_170 = tpu.vector_load %arg17[%swap3A_169] {strides = array<i32>} : memref<512xi32, #tpu.memory_space<vmem>>, vector<16xi32>,
    tpu.vector_store %arg17[%swap3A_169], %add3A_168 {strides = array<i32>} : memref<512xi32, #tpu.memory_space<vmem>>, vector<16xi32>,
    %broadcast_in_dim3A_171 = arith.constant 63 : i32
    %broadcast_in_dim3A_172 = vector.broadcast %broadcast_in_dim3A_171 : i32 to vector<16xi32>
    %gather3A_173 = tpu.vector_load_idx %arg17[%broadcast_in_dim3A_172] : memref<512xi32, #tpu.memory_space<vmem>>[vector<16xi32>], vector<16xi32>,
    %get3A_174 = arith.constant 64 : index
    %get3A_175 = tpu.vector_load %arg15[%get3A_174] {strides = array<i32>} : memref<512xf32, #tpu.memory_space<vmem>>, vector<16xf32>,
    %ne3A_176 = arith.cmpf one, %get3A_175, %broadcast_in_dim3A_13 : vector<16xf32>
    %get3A_177 = arith.constant 64 : index
    %get3A_178 = tpu.vector_load %arg11[%get3A_177] {strides = array<i32>} : memref<512xf32, #tpu.memory_space<vmem>>, vector<16xf32>,
    %select_n3A_179 = arith.select %ne3A_176, %get3A_178, %broadcast_in_dim3A_11 : vector<16xi1>, vector<16xf32>
    %get3A_180 = arith.constant 64 : index
    %get3A_181 = tpu.vector_load %arg12[%get3A_180] {strides = array<i32>} : memref<512xf32, #tpu.memory_space<vmem>>, vector<16xf32>,
    %select_n3A_182 = arith.select %ne3A_176, %get3A_181, %broadcast_in_dim3A_11 : vector<16xi1>, vector<16xf32>
    %get3A_183 = arith.constant 64 : index
    %get3A_184 = tpu.vector_load %arg13[%get3A_183] {strides = array<i32>} : memref<512xf32, #tpu.memory_space<vmem>>, vector<16xf32>,
    %select_n3A_185 = arith.select %ne3A_176, %get3A_184, %broadcast_in_dim3A_11 : vector<16xi1>, vector<16xf32>
    %get3A_186 = arith.constant 64 : index
    %get3A_187 = tpu.vector_load %arg14[%get3A_186] {strides = array<i32>} : memref<512xf32, #tpu.memory_space<vmem>>, vector<16xf32>,
    %select_n3A_188 = arith.select %ne3A_176, %get3A_187, %broadcast_in_dim3A_11 : vector<16xi1>, vector<16xf32>
    %swap3A_189 = arith.constant 64 : index
    %swap3A_190 = tpu.vector_load %arg11[%swap3A_189] {strides = array<i32>} : memref<512xf32, #tpu.memory_space<vmem>>, vector<16xf32>,
    tpu.vector_store %arg11[%swap3A_189], %select_n3A_179 {strides = array<i32>} : memref<512xf32, #tpu.memory_space<vmem>>, vector<16xf32>,
    %swap3A_191 = arith.constant 64 : index
    %swap3A_192 = tpu.vector_load %arg12[%swap3A_191] {strides = array<i32>} : memref<512xf32, #tpu.memory_space<vmem>>, vector<16xf32>,
    tpu.vector_store %arg12[%swap3A_191], %select_n3A_182 {strides = array<i32>} : memref<512xf32, #tpu.memory_space<vmem>>, vector<16xf32>,
    %swap3A_193 = arith.constant 64 : index
    %swap3A_194 = tpu.vector_load %arg13[%swap3A_193] {strides = array<i32>} : memref<512xf32, #tpu.memory_space<vmem>>, vector<16xf32>,
    tpu.vector_store %arg13[%swap3A_193], %select_n3A_185 {strides = array<i32>} : memref<512xf32, #tpu.memory_space<vmem>>, vector<16xf32>,
    %swap3A_195 = arith.constant 64 : index
    %swap3A_196 = tpu.vector_load %arg14[%swap3A_195] {strides = array<i32>} : memref<512xf32, #tpu.memory_space<vmem>>, vector<16xf32>,
    tpu.vector_store %arg14[%swap3A_195], %select_n3A_188 {strides = array<i32>} : memref<512xf32, #tpu.memory_space<vmem>>, vector<16xf32>,
    %sub3A_197 = arith.subf %select_n3A_185, %select_n3A_179 : vector<16xf32>
    %sub3A_198 = arith.subf %select_n3A_188, %select_n3A_182 : vector<16xf32>
    %mul3A_199 = arith.mulf %sub3A_197, %sub3A_198 : vector<16xf32>
    %swap3A_200 = arith.constant 64 : index
    %swap3A_201 = tpu.vector_load %arg16[%swap3A_200] {strides = array<i32>} : memref<512xf32, #tpu.memory_space<vmem>>, vector<16xf32>,
    tpu.vector_store %arg16[%swap3A_200], %mul3A_199 {strides = array<i32>} : memref<512xf32, #tpu.memory_space<vmem>>, vector<16xf32>,
    %select_n3A_202 = arith.select %ne3A_176, %broadcast_in_dim3A_23, %broadcast_in_dim3A_27 : vector<16xi1>, vector<16xi32>
    %cumsum3A_203 = arith.constant true
    %cumsum3A_204 = vector.broadcast %cumsum3A_203 : i1 to vector<16xi1>
    %cumsum3A_205 = tpu.scan <sum>, %select_n3A_202 masked %cumsum3A_204 : vector<16xi32>, vector<16xi1> -> vector<16xi32>
    %add3A_206 = arith.addi %cumsum3A_205, %gather3A_173 : vector<16xi32>
    %swap3A_207 = arith.constant 64 : index
    %swap3A_208 = tpu.vector_load %arg17[%swap3A_207] {strides = array<i32>} : memref<512xi32, #tpu.memory_space<vmem>>, vector<16xi32>,
    tpu.vector_store %arg17[%swap3A_207], %add3A_206 {strides = array<i32>} : memref<512xi32, #tpu.memory_space<vmem>>, vector<16xi32>,
    %broadcast_in_dim3A_209 = arith.constant 79 : i32
    %broadcast_in_dim3A_210 = vector.broadcast %broadcast_in_dim3A_209 : i32 to vector<16xi32>
    %gather3A_211 = tpu.vector_load_idx %arg17[%broadcast_in_dim3A_210] : memref<512xi32, #tpu.memory_space<vmem>>[vector<16xi32>], vector<16xi32>,
    %get3A_212 = arith.constant 80 : index
    %get3A_213 = tpu.vector_load %arg15[%get3A_212] {strides = array<i32>} : memref<512xf32, #tpu.memory_space<vmem>>, vector<16xf32>,
    %ne3A_214 = arith.cmpf one, %get3A_213, %broadcast_in_dim3A_13 : vector<16xf32>
    %get3A_215 = arith.constant 80 : index
    %get3A_216 = tpu.vector_load %arg11[%get3A_215] {strides = array<i32>} : memref<512xf32, #tpu.memory_space<vmem>>, vector<16xf32>,
    %select_n3A_217 = arith.select %ne3A_214, %get3A_216, %broadcast_in_dim3A_11 : vector<16xi1>, vector<16xf32>
    %get3A_218 = arith.constant 80 : index
    %get3A_219 = tpu.vector_load %arg12[%get3A_218] {strides = array<i32>} : memref<512xf32, #tpu.memory_space<vmem>>, vector<16xf32>,
    %select_n3A_220 = arith.select %ne3A_214, %get3A_219, %broadcast_in_dim3A_11 : vector<16xi1>, vector<16xf32>
    %get3A_221 = arith.constant 80 : index
    %get3A_222 = tpu.vector_load %arg13[%get3A_221] {strides = array<i32>} : memref<512xf32, #tpu.memory_space<vmem>>, vector<16xf32>,
    %select_n3A_223 = arith.select %ne3A_214, %get3A_222, %broadcast_in_dim3A_11 : vector<16xi1>, vector<16xf32>
    %get3A_224 = arith.constant 80 : index
    %get3A_225 = tpu.vector_load %arg14[%get3A_224] {strides = array<i32>} : memref<512xf32, #tpu.memory_space<vmem>>, vector<16xf32>,
    %select_n3A_226 = arith.select %ne3A_214, %get3A_225, %broadcast_in_dim3A_11 : vector<16xi1>, vector<16xf32>
    %swap3A_227 = arith.constant 80 : index
    %swap3A_228 = tpu.vector_load %arg11[%swap3A_227] {strides = array<i32>} : memref<512xf32, #tpu.memory_space<vmem>>, vector<16xf32>,
    tpu.vector_store %arg11[%swap3A_227], %select_n3A_217 {strides = array<i32>} : memref<512xf32, #tpu.memory_space<vmem>>, vector<16xf32>,
    %swap3A_229 = arith.constant 80 : index
    %swap3A_230 = tpu.vector_load %arg12[%swap3A_229] {strides = array<i32>} : memref<512xf32, #tpu.memory_space<vmem>>, vector<16xf32>,
    tpu.vector_store %arg12[%swap3A_229], %select_n3A_220 {strides = array<i32>} : memref<512xf32, #tpu.memory_space<vmem>>, vector<16xf32>,
    %swap3A_231 = arith.constant 80 : index
    %swap3A_232 = tpu.vector_load %arg13[%swap3A_231] {strides = array<i32>} : memref<512xf32, #tpu.memory_space<vmem>>, vector<16xf32>,
    tpu.vector_store %arg13[%swap3A_231], %select_n3A_223 {strides = array<i32>} : memref<512xf32, #tpu.memory_space<vmem>>, vector<16xf32>,
    %swap3A_233 = arith.constant 80 : index
    %swap3A_234 = tpu.vector_load %arg14[%swap3A_233] {strides = array<i32>} : memref<512xf32, #tpu.memory_space<vmem>>, vector<16xf32>,
    tpu.vector_store %arg14[%swap3A_233], %select_n3A_226 {strides = array<i32>} : memref<512xf32, #tpu.memory_space<vmem>>, vector<16xf32>,
    %sub3A_235 = arith.subf %select_n3A_223, %select_n3A_217 : vector<16xf32>
    %sub3A_236 = arith.subf %select_n3A_226, %select_n3A_220 : vector<16xf32>
    %mul3A_237 = arith.mulf %sub3A_235, %sub3A_236 : vector<16xf32>
    %swap3A_238 = arith.constant 80 : index
    %swap3A_239 = tpu.vector_load %arg16[%swap3A_238] {strides = array<i32>} : memref<512xf32, #tpu.memory_space<vmem>>, vector<16xf32>,
    tpu.vector_store %arg16[%swap3A_238], %mul3A_237 {strides = array<i32>} : memref<512xf32, #tpu.memory_space<vmem>>, vector<16xf32>,
    %select_n3A_240 = arith.select %ne3A_214, %broadcast_in_dim3A_23, %broadcast_in_dim3A_27 : vector<16xi1>, vector<16xi32>
    %cumsum3A_241 = arith.constant true
    %cumsum3A_242 = vector.broadcast %cumsum3A_241 : i1 to vector<16xi1>
    %cumsum3A_243 = tpu.scan <sum>, %select_n3A_240 masked %cumsum3A_242 : vector<16xi32>, vector<16xi1> -> vector<16xi32>
    %add3A_244 = arith.addi %cumsum3A_243, %gather3A_211 : vector<16xi32>
    %swap3A_245 = arith.constant 80 : index
    %swap3A_246 = tpu.vector_load %arg17[%swap3A_245] {strides = array<i32>} : memref<512xi32, #tpu.memory_space<vmem>>, vector<16xi32>,
    tpu.vector_store %arg17[%swap3A_245], %add3A_244 {strides = array<i32>} : memref<512xi32, #tpu.memory_space<vmem>>, vector<16xi32>,
    %broadcast_in_dim3A_247 = arith.constant 95 : i32
    %broadcast_in_dim3A_248 = vector.broadcast %broadcast_in_dim3A_247 : i32 to vector<16xi32>
    %gather3A_249 = tpu.vector_load_idx %arg17[%broadcast_in_dim3A_248] : memref<512xi32, #tpu.memory_space<vmem>>[vector<16xi32>], vector<16xi32>,
    %get3A_250 = arith.constant 96 : index
    %get3A_251 = tpu.vector_load %arg15[%get3A_250] {strides = array<i32>} : memref<512xf32, #tpu.memory_space<vmem>>, vector<16xf32>,
    %ne3A_252 = arith.cmpf one, %get3A_251, %broadcast_in_dim3A_13 : vector<16xf32>
    %get3A_253 = arith.constant 96 : index
    %get3A_254 = tpu.vector_load %arg11[%get3A_253] {strides = array<i32>} : memref<512xf32, #tpu.memory_space<vmem>>, vector<16xf32>,
    %select_n3A_255 = arith.select %ne3A_252, %get3A_254, %broadcast_in_dim3A_11 : vector<16xi1>, vector<16xf32>
    %get3A_256 = arith.constant 96 : index
    %get3A_257 = tpu.vector_load %arg12[%get3A_256] {strides = array<i32>} : memref<512xf32, #tpu.memory_space<vmem>>, vector<16xf32>,
    %select_n3A_258 = arith.select %ne3A_252, %get3A_257, %broadcast_in_dim3A_11 : vector<16xi1>, vector<16xf32>
    %get3A_259 = arith.constant 96 : index
    %get3A_260 = tpu.vector_load %arg13[%get3A_259] {strides = array<i32>} : memref<512xf32, #tpu.memory_space<vmem>>, vector<16xf32>,
    %select_n3A_261 = arith.select %ne3A_252, %get3A_260, %broadcast_in_dim3A_11 : vector<16xi1>, vector<16xf32>
    %get3A_262 = arith.constant 96 : index
    %get3A_263 = tpu.vector_load %arg14[%get3A_262] {strides = array<i32>} : memref<512xf32, #tpu.memory_space<vmem>>, vector<16xf32>,
    %select_n3A_264 = arith.select %ne3A_252, %get3A_263, %broadcast_in_dim3A_11 : vector<16xi1>, vector<16xf32>
    %swap3A_265 = arith.constant 96 : index
    %swap3A_266 = tpu.vector_load %arg11[%swap3A_265] {strides = array<i32>} : memref<512xf32, #tpu.memory_space<vmem>>, vector<16xf32>,
    tpu.vector_store %arg11[%swap3A_265], %select_n3A_255 {strides = array<i32>} : memref<512xf32, #tpu.memory_space<vmem>>, vector<16xf32>,
    %swap3A_267 = arith.constant 96 : index
    %swap3A_268 = tpu.vector_load %arg12[%swap3A_267] {strides = array<i32>} : memref<512xf32, #tpu.memory_space<vmem>>, vector<16xf32>,
    tpu.vector_store %arg12[%swap3A_267], %select_n3A_258 {strides = array<i32>} : memref<512xf32, #tpu.memory_space<vmem>>, vector<16xf32>,
    %swap3A_269 = arith.constant 96 : index
    %swap3A_270 = tpu.vector_load %arg13[%swap3A_269] {strides = array<i32>} : memref<512xf32, #tpu.memory_space<vmem>>, vector<16xf32>,
    tpu.vector_store %arg13[%swap3A_269], %select_n3A_261 {strides = array<i32>} : memref<512xf32, #tpu.memory_space<vmem>>, vector<16xf32>,
    %swap3A_271 = arith.constant 96 : index
    %swap3A_272 = tpu.vector_load %arg14[%swap3A_271] {strides = array<i32>} : memref<512xf32, #tpu.memory_space<vmem>>, vector<16xf32>,
    tpu.vector_store %arg14[%swap3A_271], %select_n3A_264 {strides = array<i32>} : memref<512xf32, #tpu.memory_space<vmem>>, vector<16xf32>,
    %sub3A_273 = arith.subf %select_n3A_261, %select_n3A_255 : vector<16xf32>
    %sub3A_274 = arith.subf %select_n3A_264, %select_n3A_258 : vector<16xf32>
    %mul3A_275 = arith.mulf %sub3A_273, %sub3A_274 : vector<16xf32>
    %swap3A_276 = arith.constant 96 : index
    %swap3A_277 = tpu.vector_load %arg16[%swap3A_276] {strides = array<i32>} : memref<512xf32, #tpu.memory_space<vmem>>, vector<16xf32>,
    tpu.vector_store %arg16[%swap3A_276], %mul3A_275 {strides = array<i32>} : memref<512xf32, #tpu.memory_space<vmem>>, vector<16xf32>,
    %select_n3A_278 = arith.select %ne3A_252, %broadcast_in_dim3A_23, %broadcast_in_dim3A_27 : vector<16xi1>, vector<16xi32>
    %cumsum3A_279 = arith.constant true
    %cumsum3A_280 = vector.broadcast %cumsum3A_279 : i1 to vector<16xi1>
    %cumsum3A_281 = tpu.scan <sum>, %select_n3A_278 masked %cumsum3A_280 : vector<16xi32>, vector<16xi1> -> vector<16xi32>
    %add3A_282 = arith.addi %cumsum3A_281, %gather3A_249 : vector<16xi32>
    %swap3A_283 = arith.constant 96 : index
    %swap3A_284 = tpu.vector_load %arg17[%swap3A_283] {strides = array<i32>} : memref<512xi32, #tpu.memory_space<vmem>>, vector<16xi32>,
    tpu.vector_store %arg17[%swap3A_283], %add3A_282 {strides = array<i32>} : memref<512xi32, #tpu.memory_space<vmem>>, vector<16xi32>,
    %broadcast_in_dim3A_285 = arith.constant 111 : i32
    %broadcast_in_dim3A_286 = vector.broadcast %broadcast_in_dim3A_285 : i32 to vector<16xi32>
    %gather3A_287 = tpu.vector_load_idx %arg17[%broadcast_in_dim3A_286] : memref<512xi32, #tpu.memory_space<vmem>>[vector<16xi32>], vector<16xi32>,
    %get3A_288 = arith.constant 112 : index
    %get3A_289 = tpu.vector_load %arg15[%get3A_288] {strides = array<i32>} : memref<512xf32, #tpu.memory_space<vmem>>, vector<16xf32>,
    %ne3A_290 = arith.cmpf one, %get3A_289, %broadcast_in_dim3A_13 : vector<16xf32>
    %get3A_291 = arith.constant 112 : index
    %get3A_292 = tpu.vector_load %arg11[%get3A_291] {strides = array<i32>} : memref<512xf32, #tpu.memory_space<vmem>>, vector<16xf32>,
    %select_n3A_293 = arith.select %ne3A_290, %get3A_292, %broadcast_in_dim3A_11 : vector<16xi1>, vector<16xf32>
    %get3A_294 = arith.constant 112 : index
    %get3A_295 = tpu.vector_load %arg12[%get3A_294] {strides = array<i32>} : memref<512xf32, #tpu.memory_space<vmem>>, vector<16xf32>,
    %select_n3A_296 = arith.select %ne3A_290, %get3A_295, %broadcast_in_dim3A_11 : vector<16xi1>, vector<16xf32>
    %get3A_297 = arith.constant 112 : index
    %get3A_298 = tpu.vector_load %arg13[%get3A_297] {strides = array<i32>} : memref<512xf32, #tpu.memory_space<vmem>>, vector<16xf32>,
    %select_n3A_299 = arith.select %ne3A_290, %get3A_298, %broadcast_in_dim3A_11 : vector<16xi1>, vector<16xf32>
    %get3A_300 = arith.constant 112 : index
    %get3A_301 = tpu.vector_load %arg14[%get3A_300] {strides = array<i32>} : memref<512xf32, #tpu.memory_space<vmem>>, vector<16xf32>,
    %select_n3A_302 = arith.select %ne3A_290, %get3A_301, %broadcast_in_dim3A_11 : vector<16xi1>, vector<16xf32>
    %swap3A_303 = arith.constant 112 : index
    %swap3A_304 = tpu.vector_load %arg11[%swap3A_303] {strides = array<i32>} : memref<512xf32, #tpu.memory_space<vmem>>, vector<16xf32>,
    tpu.vector_store %arg11[%swap3A_303], %select_n3A_293 {strides = array<i32>} : memref<512xf32, #tpu.memory_space<vmem>>, vector<16xf32>,
    %swap3A_305 = arith.constant 112 : index
    %swap3A_306 = tpu.vector_load %arg12[%swap3A_305] {strides = array<i32>} : memref<512xf32, #tpu.memory_space<vmem>>, vector<16xf32>,
    tpu.vector_store %arg12[%swap3A_305], %select_n3A_296 {strides = array<i32>} : memref<512xf32, #tpu.memory_space<vmem>>, vector<16xf32>,
    %swap3A_307 = arith.constant 112 : index
    %swap3A_308 = tpu.vector_load %arg13[%swap3A_307] {strides = array<i32>} : memref<512xf32, #tpu.memory_space<vmem>>, vector<16xf32>,
    tpu.vector_store %arg13[%swap3A_307], %select_n3A_299 {strides = array<i32>} : memref<512xf32, #tpu.memory_space<vmem>>, vector<16xf32>,
    %swap3A_309 = arith.constant 112 : index
    %swap3A_310 = tpu.vector_load %arg14[%swap3A_309] {strides = array<i32>} : memref<512xf32, #tpu.memory_space<vmem>>, vector<16xf32>,
    tpu.vector_store %arg14[%swap3A_309], %select_n3A_302 {strides = array<i32>} : memref<512xf32, #tpu.memory_space<vmem>>, vector<16xf32>,
    %sub3A_311 = arith.subf %select_n3A_299, %select_n3A_293 : vector<16xf32>
    %sub3A_312 = arith.subf %select_n3A_302, %select_n3A_296 : vector<16xf32>
    %mul3A_313 = arith.mulf %sub3A_311, %sub3A_312 : vector<16xf32>
    %swap3A_314 = arith.constant 112 : index
    %swap3A_315 = tpu.vector_load %arg16[%swap3A_314] {strides = array<i32>} : memref<512xf32, #tpu.memory_space<vmem>>, vector<16xf32>,
    tpu.vector_store %arg16[%swap3A_314], %mul3A_313 {strides = array<i32>} : memref<512xf32, #tpu.memory_space<vmem>>, vector<16xf32>,
    %select_n3A_316 = arith.select %ne3A_290, %broadcast_in_dim3A_23, %broadcast_in_dim3A_27 : vector<16xi1>, vector<16xi32>
    %cumsum3A_317 = arith.constant true
    %cumsum3A_318 = vector.broadcast %cumsum3A_317 : i1 to vector<16xi1>
    %cumsum3A_319 = tpu.scan <sum>, %select_n3A_316 masked %cumsum3A_318 : vector<16xi32>, vector<16xi1> -> vector<16xi32>
    %add3A_320 = arith.addi %cumsum3A_319, %gather3A_287 : vector<16xi32>
    %swap3A_321 = arith.constant 112 : index
    %swap3A_322 = tpu.vector_load %arg17[%swap3A_321] {strides = array<i32>} : memref<512xi32, #tpu.memory_space<vmem>>, vector<16xi32>,
    tpu.vector_store %arg17[%swap3A_321], %add3A_320 {strides = array<i32>} : memref<512xi32, #tpu.memory_space<vmem>>, vector<16xi32>,
    %broadcast_in_dim3A_323 = arith.constant 127 : i32
    %broadcast_in_dim3A_324 = vector.broadcast %broadcast_in_dim3A_323 : i32 to vector<16xi32>
    %gather3A_325 = tpu.vector_load_idx %arg17[%broadcast_in_dim3A_324] : memref<512xi32, #tpu.memory_space<vmem>>[vector<16xi32>], vector<16xi32>,
    %get3A_326 = arith.constant 128 : index
    %get3A_327 = tpu.vector_load %arg15[%get3A_326] {strides = array<i32>} : memref<512xf32, #tpu.memory_space<vmem>>, vector<16xf32>,
    %ne3A_328 = arith.cmpf one, %get3A_327, %broadcast_in_dim3A_13 : vector<16xf32>
    %get3A_329 = arith.constant 128 : index
    %get3A_330 = tpu.vector_load %arg11[%get3A_329] {strides = array<i32>} : memref<512xf32, #tpu.memory_space<vmem>>, vector<16xf32>,
    %select_n3A_331 = arith.select %ne3A_328, %get3A_330, %broadcast_in_dim3A_11 : vector<16xi1>, vector<16xf32>
    %get3A_332 = arith.constant 128 : index
    %get3A_333 = tpu.vector_load %arg12[%get3A_332] {strides = array<i32>} : memref<512xf32, #tpu.memory_space<vmem>>, vector<16xf32>,
    %select_n3A_334 = arith.select %ne3A_328, %get3A_333, %broadcast_in_dim3A_11 : vector<16xi1>, vector<16xf32>
    %get3A_335 = arith.constant 128 : index
    %get3A_336 = tpu.vector_load %arg13[%get3A_335] {strides = array<i32>} : memref<512xf32, #tpu.memory_space<vmem>>, vector<16xf32>,
    %select_n3A_337 = arith.select %ne3A_328, %get3A_336, %broadcast_in_dim3A_11 : vector<16xi1>, vector<16xf32>
    %get3A_338 = arith.constant 128 : index
    %get3A_339 = tpu.vector_load %arg14[%get3A_338] {strides = array<i32>} : memref<512xf32, #tpu.memory_space<vmem>>, vector<16xf32>,
    %select_n3A_340 = arith.select %ne3A_328, %get3A_339, %broadcast_in_dim3A_11 : vector<16xi1>, vector<16xf32>
    %swap3A_341 = arith.constant 128 : index
    %swap3A_342 = tpu.vector_load %arg11[%swap3A_341] {strides = array<i32>} : memref<512xf32, #tpu.memory_space<vmem>>, vector<16xf32>,
    tpu.vector_store %arg11[%swap3A_341], %select_n3A_331 {strides = array<i32>} : memref<512xf32, #tpu.memory_space<vmem>>, vector<16xf32>,
    %swap3A_343 = arith.constant 128 : index
    %swap3A_344 = tpu.vector_load %arg12[%swap3A_343] {strides = array<i32>} : memref<512xf32, #tpu.memory_space<vmem>>, vector<16xf32>,
    tpu.vector_store %arg12[%swap3A_343], %select_n3A_334 {strides = array<i32>} : memref<512xf32, #tpu.memory_space<vmem>>, vector<16xf32>,
    %swap3A_345 = arith.constant 128 : index
    %swap3A_346 = tpu.vector_load %arg13[%swap3A_345] {strides = array<i32>} : memref<512xf32, #tpu.memory_space<vmem>>, vector<16xf32>,
    tpu.vector_store %arg13[%swap3A_345], %select_n3A_337 {strides = array<i32>} : memref<512xf32, #tpu.memory_space<vmem>>, vector<16xf32>,
    %swap3A_347 = arith.constant 128 : index
    %swap3A_348 = tpu.vector_load %arg14[%swap3A_347] {strides = array<i32>} : memref<512xf32, #tpu.memory_space<vmem>>, vector<16xf32>,
    tpu.vector_store %arg14[%swap3A_347], %select_n3A_340 {strides = array<i32>} : memref<512xf32, #tpu.memory_space<vmem>>, vector<16xf32>,
    %sub3A_349 = arith.subf %select_n3A_337, %select_n3A_331 : vector<16xf32>
    %sub3A_350 = arith.subf %select_n3A_340, %select_n3A_334 : vector<16xf32>
    %mul3A_351 = arith.mulf %sub3A_349, %sub3A_350 : vector<16xf32>
    %swap3A_352 = arith.constant 128 : index
    %swap3A_353 = tpu.vector_load %arg16[%swap3A_352] {strides = array<i32>} : memref<512xf32, #tpu.memory_space<vmem>>, vector<16xf32>,
    tpu.vector_store %arg16[%swap3A_352], %mul3A_351 {strides = array<i32>} : memref<512xf32, #tpu.memory_space<vmem>>, vector<16xf32>,
    %select_n3A_354 = arith.select %ne3A_328, %broadcast_in_dim3A_23, %broadcast_in_dim3A_27 : vector<16xi1>, vector<16xi32>
    %cumsum3A_355 = arith.constant true
    %cumsum3A_356 = vector.broadcast %cumsum3A_355 : i1 to vector<16xi1>
    %cumsum3A_357 = tpu.scan <sum>, %select_n3A_354 masked %cumsum3A_356 : vector<16xi32>, vector<16xi1> -> vector<16xi32>
    %add3A_358 = arith.addi %cumsum3A_357, %gather3A_325 : vector<16xi32>
    %swap3A_359 = arith.constant 128 : index
    %swap3A_360 = tpu.vector_load %arg17[%swap3A_359] {strides = array<i32>} : memref<512xi32, #tpu.memory_space<vmem>>, vector<16xi32>,
    tpu.vector_store %arg17[%swap3A_359], %add3A_358 {strides = array<i32>} : memref<512xi32, #tpu.memory_space<vmem>>, vector<16xi32>,
    %broadcast_in_dim3A_361 = arith.constant 143 : i32
    %broadcast_in_dim3A_362 = vector.broadcast %broadcast_in_dim3A_361 : i32 to vector<16xi32>
    %gather3A_363 = tpu.vector_load_idx %arg17[%broadcast_in_dim3A_362] : memref<512xi32, #tpu.memory_space<vmem>>[vector<16xi32>], vector<16xi32>,
    %get3A_364 = arith.constant 144 : index
    %get3A_365 = tpu.vector_load %arg15[%get3A_364] {strides = array<i32>} : memref<512xf32, #tpu.memory_space<vmem>>, vector<16xf32>,
    %ne3A_366 = arith.cmpf one, %get3A_365, %broadcast_in_dim3A_13 : vector<16xf32>
    %get3A_367 = arith.constant 144 : index
    %get3A_368 = tpu.vector_load %arg11[%get3A_367] {strides = array<i32>} : memref<512xf32, #tpu.memory_space<vmem>>, vector<16xf32>,
    %select_n3A_369 = arith.select %ne3A_366, %get3A_368, %broadcast_in_dim3A_11 : vector<16xi1>, vector<16xf32>
    %get3A_370 = arith.constant 144 : index
    %get3A_371 = tpu.vector_load %arg12[%get3A_370] {strides = array<i32>} : memref<512xf32, #tpu.memory_space<vmem>>, vector<16xf32>,
    %select_n3A_372 = arith.select %ne3A_366, %get3A_371, %broadcast_in_dim3A_11 : vector<16xi1>, vector<16xf32>
    %get3A_373 = arith.constant 144 : index
    %get3A_374 = tpu.vector_load %arg13[%get3A_373] {strides = array<i32>} : memref<512xf32, #tpu.memory_space<vmem>>, vector<16xf32>,
    %select_n3A_375 = arith.select %ne3A_366, %get3A_374, %broadcast_in_dim3A_11 : vector<16xi1>, vector<16xf32>
    %get3A_376 = arith.constant 144 : index
    %get3A_377 = tpu.vector_load %arg14[%get3A_376] {strides = array<i32>} : memref<512xf32, #tpu.memory_space<vmem>>, vector<16xf32>,
    %select_n3A_378 = arith.select %ne3A_366, %get3A_377, %broadcast_in_dim3A_11 : vector<16xi1>, vector<16xf32>
    %swap3A_379 = arith.constant 144 : index
    %swap3A_380 = tpu.vector_load %arg11[%swap3A_379] {strides = array<i32>} : memref<512xf32, #tpu.memory_space<vmem>>, vector<16xf32>,
    tpu.vector_store %arg11[%swap3A_379], %select_n3A_369 {strides = array<i32>} : memref<512xf32, #tpu.memory_space<vmem>>, vector<16xf32>,
    %swap3A_381 = arith.constant 144 : index
    %swap3A_382 = tpu.vector_load %arg12[%swap3A_381] {strides = array<i32>} : memref<512xf32, #tpu.memory_space<vmem>>, vector<16xf32>,
    tpu.vector_store %arg12[%swap3A_381], %select_n3A_372 {strides = array<i32>} : memref<512xf32, #tpu.memory_space<vmem>>, vector<16xf32>,
    %swap3A_383 = arith.constant 144 : index
    %swap3A_384 = tpu.vector_load %arg13[%swap3A_383] {strides = array<i32>} : memref<512xf32, #tpu.memory_space<vmem>>, vector<16xf32>,
    tpu.vector_store %arg13[%swap3A_383], %select_n3A_375 {strides = array<i32>} : memref<512xf32, #tpu.memory_space<vmem>>, vector<16xf32>,
    %swap3A_385 = arith.constant 144 : index
    %swap3A_386 = tpu.vector_load %arg14[%swap3A_385] {strides = array<i32>} : memref<512xf32, #tpu.memory_space<vmem>>, vector<16xf32>,
    tpu.vector_store %arg14[%swap3A_385], %select_n3A_378 {strides = array<i32>} : memref<512xf32, #tpu.memory_space<vmem>>, vector<16xf32>,
    %sub3A_387 = arith.subf %select_n3A_375, %select_n3A_369 : vector<16xf32>
    %sub3A_388 = arith.subf %select_n3A_378, %select_n3A_372 : vector<16xf32>
    %mul3A_389 = arith.mulf %sub3A_387, %sub3A_388 : vector<16xf32>
    %swap3A_390 = arith.constant 144 : index
    %swap3A_391 = tpu.vector_load %arg16[%swap3A_390] {strides = array<i32>} : memref<512xf32, #tpu.memory_space<vmem>>, vector<16xf32>,
    tpu.vector_store %arg16[%swap3A_390], %mul3A_389 {strides = array<i32>} : memref<512xf32, #tpu.memory_space<vmem>>, vector<16xf32>,
    %select_n3A_392 = arith.select %ne3A_366, %broadcast_in_dim3A_23, %broadcast_in_dim3A_27 : vector<16xi1>, vector<16xi32>
    %cumsum3A_393 = arith.constant true
    %cumsum3A_394 = vector.broadcast %cumsum3A_393 : i1 to vector<16xi1>
    %cumsum3A_395 = tpu.scan <sum>, %select_n3A_392 masked %cumsum3A_394 : vector<16xi32>, vector<16xi1> -> vector<16xi32>
    %add3A_396 = arith.addi %cumsum3A_395, %gather3A_363 : vector<16xi32>
    %swap3A_397 = arith.constant 144 : index
    %swap3A_398 = tpu.vector_load %arg17[%swap3A_397] {strides = array<i32>} : memref<512xi32, #tpu.memory_space<vmem>>, vector<16xi32>,
    tpu.vector_store %arg17[%swap3A_397], %add3A_396 {strides = array<i32>} : memref<512xi32, #tpu.memory_space<vmem>>, vector<16xi32>,
    %broadcast_in_dim3A_399 = arith.constant 159 : i32
    %broadcast_in_dim3A_400 = vector.broadcast %broadcast_in_dim3A_399 : i32 to vector<16xi32>
    %gather3A_401 = tpu.vector_load_idx %arg17[%broadcast_in_dim3A_400] : memref<512xi32, #tpu.memory_space<vmem>>[vector<16xi32>], vector<16xi32>,
    %get3A_402 = arith.constant 160 : index
    %get3A_403 = tpu.vector_load %arg15[%get3A_402] {strides = array<i32>} : memref<512xf32, #tpu.memory_space<vmem>>, vector<16xf32>,
    %ne3A_404 = arith.cmpf one, %get3A_403, %broadcast_in_dim3A_13 : vector<16xf32>
    %get3A_405 = arith.constant 160 : index
    %get3A_406 = tpu.vector_load %arg11[%get3A_405] {strides = array<i32>} : memref<512xf32, #tpu.memory_space<vmem>>, vector<16xf32>,
    %select_n3A_407 = arith.select %ne3A_404, %get3A_406, %broadcast_in_dim3A_11 : vector<16xi1>, vector<16xf32>
    %get3A_408 = arith.constant 160 : index
    %get3A_409 = tpu.vector_load %arg12[%get3A_408] {strides = array<i32>} : memref<512xf32, #tpu.memory_space<vmem>>, vector<16xf32>,
    %select_n3A_410 = arith.select %ne3A_404, %get3A_409, %broadcast_in_dim3A_11 : vector<16xi1>, vector<16xf32>
    %get3A_411 = arith.constant 160 : index
    %get3A_412 = tpu.vector_load %arg13[%get3A_411] {strides = array<i32>} : memref<512xf32, #tpu.memory_space<vmem>>, vector<16xf32>,
    %select_n3A_413 = arith.select %ne3A_404, %get3A_412, %broadcast_in_dim3A_11 : vector<16xi1>, vector<16xf32>
    %get3A_414 = arith.constant 160 : index
    %get3A_415 = tpu.vector_load %arg14[%get3A_414] {strides = array<i32>} : memref<512xf32, #tpu.memory_space<vmem>>, vector<16xf32>,
    %select_n3A_416 = arith.select %ne3A_404, %get3A_415, %broadcast_in_dim3A_11 : vector<16xi1>, vector<16xf32>
    %swap3A_417 = arith.constant 160 : index
    %swap3A_418 = tpu.vector_load %arg11[%swap3A_417] {strides = array<i32>} : memref<512xf32, #tpu.memory_space<vmem>>, vector<16xf32>,
    tpu.vector_store %arg11[%swap3A_417], %select_n3A_407 {strides = array<i32>} : memref<512xf32, #tpu.memory_space<vmem>>, vector<16xf32>,
    %swap3A_419 = arith.constant 160 : index
    %swap3A_420 = tpu.vector_load %arg12[%swap3A_419] {strides = array<i32>} : memref<512xf32, #tpu.memory_space<vmem>>, vector<16xf32>,
    tpu.vector_store %arg12[%swap3A_419], %select_n3A_410 {strides = array<i32>} : memref<512xf32, #tpu.memory_space<vmem>>, vector<16xf32>,
    %swap3A_421 = arith.constant 160 : index
    %swap3A_422 = tpu.vector_load %arg13[%swap3A_421] {strides = array<i32>} : memref<512xf32, #tpu.memory_space<vmem>>, vector<16xf32>,
    tpu.vector_store %arg13[%swap3A_421], %select_n3A_413 {strides = array<i32>} : memref<512xf32, #tpu.memory_space<vmem>>, vector<16xf32>,
    %swap3A_423 = arith.constant 160 : index
    %swap3A_424 = tpu.vector_load %arg14[%swap3A_423] {strides = array<i32>} : memref<512xf32, #tpu.memory_space<vmem>>, vector<16xf32>,
    tpu.vector_store %arg14[%swap3A_423], %select_n3A_416 {strides = array<i32>} : memref<512xf32, #tpu.memory_space<vmem>>, vector<16xf32>,
    %sub3A_425 = arith.subf %select_n3A_413, %select_n3A_407 : vector<16xf32>
    %sub3A_426 = arith.subf %select_n3A_416, %select_n3A_410 : vector<16xf32>
    %mul3A_427 = arith.mulf %sub3A_425, %sub3A_426 : vector<16xf32>
    %swap3A_428 = arith.constant 160 : index
    %swap3A_429 = tpu.vector_load %arg16[%swap3A_428] {strides = array<i32>} : memref<512xf32, #tpu.memory_space<vmem>>, vector<16xf32>,
    tpu.vector_store %arg16[%swap3A_428], %mul3A_427 {strides = array<i32>} : memref<512xf32, #tpu.memory_space<vmem>>, vector<16xf32>,
    %select_n3A_430 = arith.select %ne3A_404, %broadcast_in_dim3A_23, %broadcast_in_dim3A_27 : vector<16xi1>, vector<16xi32>
    %cumsum3A_431 = arith.constant true
    %cumsum3A_432 = vector.broadcast %cumsum3A_431 : i1 to vector<16xi1>
    %cumsum3A_433 = tpu.scan <sum>, %select_n3A_430 masked %cumsum3A_432 : vector<16xi32>, vector<16xi1> -> vector<16xi32>
    %add3A_434 = arith.addi %cumsum3A_433, %gather3A_401 : vector<16xi32>
    %swap3A_435 = arith.constant 160 : index
    %swap3A_436 = tpu.vector_load %arg17[%swap3A_435] {strides = array<i32>} : memref<512xi32, #tpu.memory_space<vmem>>, vector<16xi32>,
    tpu.vector_store %arg17[%swap3A_435], %add3A_434 {strides = array<i32>} : memref<512xi32, #tpu.memory_space<vmem>>, vector<16xi32>,
    %broadcast_in_dim3A_437 = arith.constant 175 : i32
    %broadcast_in_dim3A_438 = vector.broadcast %broadcast_in_dim3A_437 : i32 to vector<16xi32>
    %gather3A_439 = tpu.vector_load_idx %arg17[%broadcast_in_dim3A_438] : memref<512xi32, #tpu.memory_space<vmem>>[vector<16xi32>], vector<16xi32>,
    %get3A_440 = arith.constant 176 : index
    %get3A_441 = tpu.vector_load %arg15[%get3A_440] {strides = array<i32>} : memref<512xf32, #tpu.memory_space<vmem>>, vector<16xf32>,
    %ne3A_442 = arith.cmpf one, %get3A_441, %broadcast_in_dim3A_13 : vector<16xf32>
    %get3A_443 = arith.constant 176 : index
    %get3A_444 = tpu.vector_load %arg11[%get3A_443] {strides = array<i32>} : memref<512xf32, #tpu.memory_space<vmem>>, vector<16xf32>,
    %select_n3A_445 = arith.select %ne3A_442, %get3A_444, %broadcast_in_dim3A_11 : vector<16xi1>, vector<16xf32>
    %get3A_446 = arith.constant 176 : index
    %get3A_447 = tpu.vector_load %arg12[%get3A_446] {strides = array<i32>} : memref<512xf32, #tpu.memory_space<vmem>>, vector<16xf32>,
    %select_n3A_448 = arith.select %ne3A_442, %get3A_447, %broadcast_in_dim3A_11 : vector<16xi1>, vector<16xf32>
    %get3A_449 = arith.constant 176 : index
    %get3A_450 = tpu.vector_load %arg13[%get3A_449] {strides = array<i32>} : memref<512xf32, #tpu.memory_space<vmem>>, vector<16xf32>,
    %select_n3A_451 = arith.select %ne3A_442, %get3A_450, %broadcast_in_dim3A_11 : vector<16xi1>, vector<16xf32>
    %get3A_452 = arith.constant 176 : index
    %get3A_453 = tpu.vector_load %arg14[%get3A_452] {strides = array<i32>} : memref<512xf32, #tpu.memory_space<vmem>>, vector<16xf32>,
    %select_n3A_454 = arith.select %ne3A_442, %get3A_453, %broadcast_in_dim3A_11 : vector<16xi1>, vector<16xf32>
    %swap3A_455 = arith.constant 176 : index
    %swap3A_456 = tpu.vector_load %arg11[%swap3A_455] {strides = array<i32>} : memref<512xf32, #tpu.memory_space<vmem>>, vector<16xf32>,
    tpu.vector_store %arg11[%swap3A_455], %select_n3A_445 {strides = array<i32>} : memref<512xf32, #tpu.memory_space<vmem>>, vector<16xf32>,
    %swap3A_457 = arith.constant 176 : index
    %swap3A_458 = tpu.vector_load %arg12[%swap3A_457] {strides = array<i32>} : memref<512xf32, #tpu.memory_space<vmem>>, vector<16xf32>,
    tpu.vector_store %arg12[%swap3A_457], %select_n3A_448 {strides = array<i32>} : memref<512xf32, #tpu.memory_space<vmem>>, vector<16xf32>,
    %swap3A_459 = arith.constant 176 : index
    %swap3A_460 = tpu.vector_load %arg13[%swap3A_459] {strides = array<i32>} : memref<512xf32, #tpu.memory_space<vmem>>, vector<16xf32>,
    tpu.vector_store %arg13[%swap3A_459], %select_n3A_451 {strides = array<i32>} : memref<512xf32, #tpu.memory_space<vmem>>, vector<16xf32>,
    %swap3A_461 = arith.constant 176 : index
    %swap3A_462 = tpu.vector_load %arg14[%swap3A_461] {strides = array<i32>} : memref<512xf32, #tpu.memory_space<vmem>>, vector<16xf32>,
    tpu.vector_store %arg14[%swap3A_461], %select_n3A_454 {strides = array<i32>} : memref<512xf32, #tpu.memory_space<vmem>>, vector<16xf32>,
    %sub3A_463 = arith.subf %select_n3A_451, %select_n3A_445 : vector<16xf32>
    %sub3A_464 = arith.subf %select_n3A_454, %select_n3A_448 : vector<16xf32>
    %mul3A_465 = arith.mulf %sub3A_463, %sub3A_464 : vector<16xf32>
    %swap3A_466 = arith.constant 176 : index
    %swap3A_467 = tpu.vector_load %arg16[%swap3A_466] {strides = array<i32>} : memref<512xf32, #tpu.memory_space<vmem>>, vector<16xf32>,
    tpu.vector_store %arg16[%swap3A_466], %mul3A_465 {strides = array<i32>} : memref<512xf32, #tpu.memory_space<vmem>>, vector<16xf32>,
    %select_n3A_468 = arith.select %ne3A_442, %broadcast_in_dim3A_23, %broadcast_in_dim3A_27 : vector<16xi1>, vector<16xi32>
    %cumsum3A_469 = arith.constant true
    %cumsum3A_470 = vector.broadcast %cumsum3A_469 : i1 to vector<16xi1>
    %cumsum3A_471 = tpu.scan <sum>, %select_n3A_468 masked %cumsum3A_470 : vector<16xi32>, vector<16xi1> -> vector<16xi32>
    %add3A_472 = arith.addi %cumsum3A_471, %gather3A_439 : vector<16xi32>
    %swap3A_473 = arith.constant 176 : index
    %swap3A_474 = tpu.vector_load %arg17[%swap3A_473] {strides = array<i32>} : memref<512xi32, #tpu.memory_space<vmem>>, vector<16xi32>,
    tpu.vector_store %arg17[%swap3A_473], %add3A_472 {strides = array<i32>} : memref<512xi32, #tpu.memory_space<vmem>>, vector<16xi32>,
    %broadcast_in_dim3A_475 = arith.constant 191 : i32
    %broadcast_in_dim3A_476 = vector.broadcast %broadcast_in_dim3A_475 : i32 to vector<16xi32>
    %gather3A_477 = tpu.vector_load_idx %arg17[%broadcast_in_dim3A_476] : memref<512xi32, #tpu.memory_space<vmem>>[vector<16xi32>], vector<16xi32>,
    %get3A_478 = arith.constant 192 : index
    %get3A_479 = tpu.vector_load %arg15[%get3A_478] {strides = array<i32>} : memref<512xf32, #tpu.memory_space<vmem>>, vector<16xf32>,
    %ne3A_480 = arith.cmpf one, %get3A_479, %broadcast_in_dim3A_13 : vector<16xf32>
    %get3A_481 = arith.constant 192 : index
    %get3A_482 = tpu.vector_load %arg11[%get3A_481] {strides = array<i32>} : memref<512xf32, #tpu.memory_space<vmem>>, vector<16xf32>,
    %select_n3A_483 = arith.select %ne3A_480, %get3A_482, %broadcast_in_dim3A_11 : vector<16xi1>, vector<16xf32>
    %get3A_484 = arith.constant 192 : index
    %get3A_485 = tpu.vector_load %arg12[%get3A_484] {strides = array<i32>} : memref<512xf32, #tpu.memory_space<vmem>>, vector<16xf32>,
    %select_n3A_486 = arith.select %ne3A_480, %get3A_485, %broadcast_in_dim3A_11 : vector<16xi1>, vector<16xf32>
    %get3A_487 = arith.constant 192 : index
    %get3A_488 = tpu.vector_load %arg13[%get3A_487] {strides = array<i32>} : memref<512xf32, #tpu.memory_space<vmem>>, vector<16xf32>,
    %select_n3A_489 = arith.select %ne3A_480, %get3A_488, %broadcast_in_dim3A_11 : vector<16xi1>, vector<16xf32>
    %get3A_490 = arith.constant 192 : index
    %get3A_491 = tpu.vector_load %arg14[%get3A_490] {strides = array<i32>} : memref<512xf32, #tpu.memory_space<vmem>>, vector<16xf32>,
    %select_n3A_492 = arith.select %ne3A_480, %get3A_491, %broadcast_in_dim3A_11 : vector<16xi1>, vector<16xf32>
    %swap3A_493 = arith.constant 192 : index
    %swap3A_494 = tpu.vector_load %arg11[%swap3A_493] {strides = array<i32>} : memref<512xf32, #tpu.memory_space<vmem>>, vector<16xf32>,
    tpu.vector_store %arg11[%swap3A_493], %select_n3A_483 {strides = array<i32>} : memref<512xf32, #tpu.memory_space<vmem>>, vector<16xf32>,
    %swap3A_495 = arith.constant 192 : index
    %swap3A_496 = tpu.vector_load %arg12[%swap3A_495] {strides = array<i32>} : memref<512xf32, #tpu.memory_space<vmem>>, vector<16xf32>,
    tpu.vector_store %arg12[%swap3A_495], %select_n3A_486 {strides = array<i32>} : memref<512xf32, #tpu.memory_space<vmem>>, vector<16xf32>,
    %swap3A_497 = arith.constant 192 : index
    %swap3A_498 = tpu.vector_load %arg13[%swap3A_497] {strides = array<i32>} : memref<512xf32, #tpu.memory_space<vmem>>, vector<16xf32>,
    tpu.vector_store %arg13[%swap3A_497], %select_n3A_489 {strides = array<i32>} : memref<512xf32, #tpu.memory_space<vmem>>, vector<16xf32>,
    %swap3A_499 = arith.constant 192 : index
    %swap3A_500 = tpu.vector_load %arg14[%swap3A_499] {strides = array<i32>} : memref<512xf32, #tpu.memory_space<vmem>>, vector<16xf32>,
    tpu.vector_store %arg14[%swap3A_499], %select_n3A_492 {strides = array<i32>} : memref<512xf32, #tpu.memory_space<vmem>>, vector<16xf32>,
    %sub3A_501 = arith.subf %select_n3A_489, %select_n3A_483 : vector<16xf32>
    %sub3A_502 = arith.subf %select_n3A_492, %select_n3A_486 : vector<16xf32>
    %mul3A_503 = arith.mulf %sub3A_501, %sub3A_502 : vector<16xf32>
    %swap3A_504 = arith.constant 192 : index
    %swap3A_505 = tpu.vector_load %arg16[%swap3A_504] {strides = array<i32>} : memref<512xf32, #tpu.memory_space<vmem>>, vector<16xf32>,
    tpu.vector_store %arg16[%swap3A_504], %mul3A_503 {strides = array<i32>} : memref<512xf32, #tpu.memory_space<vmem>>, vector<16xf32>,
    %select_n3A_506 = arith.select %ne3A_480, %broadcast_in_dim3A_23, %broadcast_in_dim3A_27 : vector<16xi1>, vector<16xi32>
    %cumsum3A_507 = arith.constant true
    %cumsum3A_508 = vector.broadcast %cumsum3A_507 : i1 to vector<16xi1>
    %cumsum3A_509 = tpu.scan <sum>, %select_n3A_506 masked %cumsum3A_508 : vector<16xi32>, vector<16xi1> -> vector<16xi32>
    %add3A_510 = arith.addi %cumsum3A_509, %gather3A_477 : vector<16xi32>
    %swap3A_511 = arith.constant 192 : index
    %swap3A_512 = tpu.vector_load %arg17[%swap3A_511] {strides = array<i32>} : memref<512xi32, #tpu.memory_space<vmem>>, vector<16xi32>,
    tpu.vector_store %arg17[%swap3A_511], %add3A_510 {strides = array<i32>} : memref<512xi32, #tpu.memory_space<vmem>>, vector<16xi32>,
    %broadcast_in_dim3A_513 = arith.constant 207 : i32
    %broadcast_in_dim3A_514 = vector.broadcast %broadcast_in_dim3A_513 : i32 to vector<16xi32>
    %gather3A_515 = tpu.vector_load_idx %arg17[%broadcast_in_dim3A_514] : memref<512xi32, #tpu.memory_space<vmem>>[vector<16xi32>], vector<16xi32>,
    %get3A_516 = arith.constant 208 : index
    %get3A_517 = tpu.vector_load %arg15[%get3A_516] {strides = array<i32>} : memref<512xf32, #tpu.memory_space<vmem>>, vector<16xf32>,
    %ne3A_518 = arith.cmpf one, %get3A_517, %broadcast_in_dim3A_13 : vector<16xf32>
    %get3A_519 = arith.constant 208 : index
    %get3A_520 = tpu.vector_load %arg11[%get3A_519] {strides = array<i32>} : memref<512xf32, #tpu.memory_space<vmem>>, vector<16xf32>,
    %select_n3A_521 = arith.select %ne3A_518, %get3A_520, %broadcast_in_dim3A_11 : vector<16xi1>, vector<16xf32>
    %get3A_522 = arith.constant 208 : index
    %get3A_523 = tpu.vector_load %arg12[%get3A_522] {strides = array<i32>} : memref<512xf32, #tpu.memory_space<vmem>>, vector<16xf32>,
    %select_n3A_524 = arith.select %ne3A_518, %get3A_523, %broadcast_in_dim3A_11 : vector<16xi1>, vector<16xf32>
    %get3A_525 = arith.constant 208 : index
    %get3A_526 = tpu.vector_load %arg13[%get3A_525] {strides = array<i32>} : memref<512xf32, #tpu.memory_space<vmem>>, vector<16xf32>,
    %select_n3A_527 = arith.select %ne3A_518, %get3A_526, %broadcast_in_dim3A_11 : vector<16xi1>, vector<16xf32>
    %get3A_528 = arith.constant 208 : index
    %get3A_529 = tpu.vector_load %arg14[%get3A_528] {strides = array<i32>} : memref<512xf32, #tpu.memory_space<vmem>>, vector<16xf32>,
    %select_n3A_530 = arith.select %ne3A_518, %get3A_529, %broadcast_in_dim3A_11 : vector<16xi1>, vector<16xf32>
    %swap3A_531 = arith.constant 208 : index
    %swap3A_532 = tpu.vector_load %arg11[%swap3A_531] {strides = array<i32>} : memref<512xf32, #tpu.memory_space<vmem>>, vector<16xf32>,
    tpu.vector_store %arg11[%swap3A_531], %select_n3A_521 {strides = array<i32>} : memref<512xf32, #tpu.memory_space<vmem>>, vector<16xf32>,
    %swap3A_533 = arith.constant 208 : index
    %swap3A_534 = tpu.vector_load %arg12[%swap3A_533] {strides = array<i32>} : memref<512xf32, #tpu.memory_space<vmem>>, vector<16xf32>,
    tpu.vector_store %arg12[%swap3A_533], %select_n3A_524 {strides = array<i32>} : memref<512xf32, #tpu.memory_space<vmem>>, vector<16xf32>,
    %swap3A_535 = arith.constant 208 : index
    %swap3A_536 = tpu.vector_load %arg13[%swap3A_535] {strides = array<i32>} : memref<512xf32, #tpu.memory_space<vmem>>, vector<16xf32>,
    tpu.vector_store %arg13[%swap3A_535], %select_n3A_527 {strides = array<i32>} : memref<512xf32, #tpu.memory_space<vmem>>, vector<16xf32>,
    %swap3A_537 = arith.constant 208 : index
    %swap3A_538 = tpu.vector_load %arg14[%swap3A_537] {strides = array<i32>} : memref<512xf32, #tpu.memory_space<vmem>>, vector<16xf32>,
    tpu.vector_store %arg14[%swap3A_537], %select_n3A_530 {strides = array<i32>} : memref<512xf32, #tpu.memory_space<vmem>>, vector<16xf32>,
    %sub3A_539 = arith.subf %select_n3A_527, %select_n3A_521 : vector<16xf32>
    %sub3A_540 = arith.subf %select_n3A_530, %select_n3A_524 : vector<16xf32>
    %mul3A_541 = arith.mulf %sub3A_539, %sub3A_540 : vector<16xf32>
    %swap3A_542 = arith.constant 208 : index
    %swap3A_543 = tpu.vector_load %arg16[%swap3A_542] {strides = array<i32>} : memref<512xf32, #tpu.memory_space<vmem>>, vector<16xf32>,
    tpu.vector_store %arg16[%swap3A_542], %mul3A_541 {strides = array<i32>} : memref<512xf32, #tpu.memory_space<vmem>>, vector<16xf32>,
    %select_n3A_544 = arith.select %ne3A_518, %broadcast_in_dim3A_23, %broadcast_in_dim3A_27 : vector<16xi1>, vector<16xi32>
    %cumsum3A_545 = arith.constant true
    %cumsum3A_546 = vector.broadcast %cumsum3A_545 : i1 to vector<16xi1>
    %cumsum3A_547 = tpu.scan <sum>, %select_n3A_544 masked %cumsum3A_546 : vector<16xi32>, vector<16xi1> -> vector<16xi32>
    %add3A_548 = arith.addi %cumsum3A_547, %gather3A_515 : vector<16xi32>
    %swap3A_549 = arith.constant 208 : index
    %swap3A_550 = tpu.vector_load %arg17[%swap3A_549] {strides = array<i32>} : memref<512xi32, #tpu.memory_space<vmem>>, vector<16xi32>,
    tpu.vector_store %arg17[%swap3A_549], %add3A_548 {strides = array<i32>} : memref<512xi32, #tpu.memory_space<vmem>>, vector<16xi32>,
    %broadcast_in_dim3A_551 = arith.constant 223 : i32
    %broadcast_in_dim3A_552 = vector.broadcast %broadcast_in_dim3A_551 : i32 to vector<16xi32>
    %gather3A_553 = tpu.vector_load_idx %arg17[%broadcast_in_dim3A_552] : memref<512xi32, #tpu.memory_space<vmem>>[vector<16xi32>], vector<16xi32>,
    %get3A_554 = arith.constant 224 : index
    %get3A_555 = tpu.vector_load %arg15[%get3A_554] {strides = array<i32>} : memref<512xf32, #tpu.memory_space<vmem>>, vector<16xf32>,
    %ne3A_556 = arith.cmpf one, %get3A_555, %broadcast_in_dim3A_13 : vector<16xf32>
    %get3A_557 = arith.constant 224 : index
    %get3A_558 = tpu.vector_load %arg11[%get3A_557] {strides = array<i32>} : memref<512xf32, #tpu.memory_space<vmem>>, vector<16xf32>,
    %select_n3A_559 = arith.select %ne3A_556, %get3A_558, %broadcast_in_dim3A_11 : vector<16xi1>, vector<16xf32>
    %get3A_560 = arith.constant 224 : index
    %get3A_561 = tpu.vector_load %arg12[%get3A_560] {strides = array<i32>} : memref<512xf32, #tpu.memory_space<vmem>>, vector<16xf32>,
    %select_n3A_562 = arith.select %ne3A_556, %get3A_561, %broadcast_in_dim3A_11 : vector<16xi1>, vector<16xf32>
    %get3A_563 = arith.constant 224 : index
    %get3A_564 = tpu.vector_load %arg13[%get3A_563] {strides = array<i32>} : memref<512xf32, #tpu.memory_space<vmem>>, vector<16xf32>,
    %select_n3A_565 = arith.select %ne3A_556, %get3A_564, %broadcast_in_dim3A_11 : vector<16xi1>, vector<16xf32>
    %get3A_566 = arith.constant 224 : index
    %get3A_567 = tpu.vector_load %arg14[%get3A_566] {strides = array<i32>} : memref<512xf32, #tpu.memory_space<vmem>>, vector<16xf32>,
    %select_n3A_568 = arith.select %ne3A_556, %get3A_567, %broadcast_in_dim3A_11 : vector<16xi1>, vector<16xf32>
    %swap3A_569 = arith.constant 224 : index
    %swap3A_570 = tpu.vector_load %arg11[%swap3A_569] {strides = array<i32>} : memref<512xf32, #tpu.memory_space<vmem>>, vector<16xf32>,
    tpu.vector_store %arg11[%swap3A_569], %select_n3A_559 {strides = array<i32>} : memref<512xf32, #tpu.memory_space<vmem>>, vector<16xf32>,
    %swap3A_571 = arith.constant 224 : index
    %swap3A_572 = tpu.vector_load %arg12[%swap3A_571] {strides = array<i32>} : memref<512xf32, #tpu.memory_space<vmem>>, vector<16xf32>,
    tpu.vector_store %arg12[%swap3A_571], %select_n3A_562 {strides = array<i32>} : memref<512xf32, #tpu.memory_space<vmem>>, vector<16xf32>,
    %swap3A_573 = arith.constant 224 : index
    %swap3A_574 = tpu.vector_load %arg13[%swap3A_573] {strides = array<i32>} : memref<512xf32, #tpu.memory_space<vmem>>, vector<16xf32>,
    tpu.vector_store %arg13[%swap3A_573], %select_n3A_565 {strides = array<i32>} : memref<512xf32, #tpu.memory_space<vmem>>, vector<16xf32>,
    %swap3A_575 = arith.constant 224 : index
    %swap3A_576 = tpu.vector_load %arg14[%swap3A_575] {strides = array<i32>} : memref<512xf32, #tpu.memory_space<vmem>>, vector<16xf32>,
    tpu.vector_store %arg14[%swap3A_575], %select_n3A_568 {strides = array<i32>} : memref<512xf32, #tpu.memory_space<vmem>>, vector<16xf32>,
    %sub3A_577 = arith.subf %select_n3A_565, %select_n3A_559 : vector<16xf32>
    %sub3A_578 = arith.subf %select_n3A_568, %select_n3A_562 : vector<16xf32>
    %mul3A_579 = arith.mulf %sub3A_577, %sub3A_578 : vector<16xf32>
    %swap3A_580 = arith.constant 224 : index
    %swap3A_581 = tpu.vector_load %arg16[%swap3A_580] {strides = array<i32>} : memref<512xf32, #tpu.memory_space<vmem>>, vector<16xf32>,
    tpu.vector_store %arg16[%swap3A_580], %mul3A_579 {strides = array<i32>} : memref<512xf32, #tpu.memory_space<vmem>>, vector<16xf32>,
    %select_n3A_582 = arith.select %ne3A_556, %broadcast_in_dim3A_23, %broadcast_in_dim3A_27 : vector<16xi1>, vector<16xi32>
    %cumsum3A_583 = arith.constant true
    %cumsum3A_584 = vector.broadcast %cumsum3A_583 : i1 to vector<16xi1>
    %cumsum3A_585 = tpu.scan <sum>, %select_n3A_582 masked %cumsum3A_584 : vector<16xi32>, vector<16xi1> -> vector<16xi32>
    %add3A_586 = arith.addi %cumsum3A_585, %gather3A_553 : vector<16xi32>
    %swap3A_587 = arith.constant 224 : index
    %swap3A_588 = tpu.vector_load %arg17[%swap3A_587] {strides = array<i32>} : memref<512xi32, #tpu.memory_space<vmem>>, vector<16xi32>,
    tpu.vector_store %arg17[%swap3A_587], %add3A_586 {strides = array<i32>} : memref<512xi32, #tpu.memory_space<vmem>>, vector<16xi32>,
    %broadcast_in_dim3A_589 = arith.constant 239 : i32
    %broadcast_in_dim3A_590 = vector.broadcast %broadcast_in_dim3A_589 : i32 to vector<16xi32>
    %gather3A_591 = tpu.vector_load_idx %arg17[%broadcast_in_dim3A_590] : memref<512xi32, #tpu.memory_space<vmem>>[vector<16xi32>], vector<16xi32>,
    %get3A_592 = arith.constant 240 : index
    %get3A_593 = tpu.vector_load %arg15[%get3A_592] {strides = array<i32>} : memref<512xf32, #tpu.memory_space<vmem>>, vector<16xf32>,
    %ne3A_594 = arith.cmpf one, %get3A_593, %broadcast_in_dim3A_13 : vector<16xf32>
    %get3A_595 = arith.constant 240 : index
    %get3A_596 = tpu.vector_load %arg11[%get3A_595] {strides = array<i32>} : memref<512xf32, #tpu.memory_space<vmem>>, vector<16xf32>,
    %select_n3A_597 = arith.select %ne3A_594, %get3A_596, %broadcast_in_dim3A_11 : vector<16xi1>, vector<16xf32>
    %get3A_598 = arith.constant 240 : index
    %get3A_599 = tpu.vector_load %arg12[%get3A_598] {strides = array<i32>} : memref<512xf32, #tpu.memory_space<vmem>>, vector<16xf32>,
    %select_n3A_600 = arith.select %ne3A_594, %get3A_599, %broadcast_in_dim3A_11 : vector<16xi1>, vector<16xf32>
    %get3A_601 = arith.constant 240 : index
    %get3A_602 = tpu.vector_load %arg13[%get3A_601] {strides = array<i32>} : memref<512xf32, #tpu.memory_space<vmem>>, vector<16xf32>,
    %select_n3A_603 = arith.select %ne3A_594, %get3A_602, %broadcast_in_dim3A_11 : vector<16xi1>, vector<16xf32>
    %get3A_604 = arith.constant 240 : index
    %get3A_605 = tpu.vector_load %arg14[%get3A_604] {strides = array<i32>} : memref<512xf32, #tpu.memory_space<vmem>>, vector<16xf32>,
    %select_n3A_606 = arith.select %ne3A_594, %get3A_605, %broadcast_in_dim3A_11 : vector<16xi1>, vector<16xf32>
    %swap3A_607 = arith.constant 240 : index
    %swap3A_608 = tpu.vector_load %arg11[%swap3A_607] {strides = array<i32>} : memref<512xf32, #tpu.memory_space<vmem>>, vector<16xf32>,
    tpu.vector_store %arg11[%swap3A_607], %select_n3A_597 {strides = array<i32>} : memref<512xf32, #tpu.memory_space<vmem>>, vector<16xf32>,
    %swap3A_609 = arith.constant 240 : index
    %swap3A_610 = tpu.vector_load %arg12[%swap3A_609] {strides = array<i32>} : memref<512xf32, #tpu.memory_space<vmem>>, vector<16xf32>,
    tpu.vector_store %arg12[%swap3A_609], %select_n3A_600 {strides = array<i32>} : memref<512xf32, #tpu.memory_space<vmem>>, vector<16xf32>,
    %swap3A_611 = arith.constant 240 : index
    %swap3A_612 = tpu.vector_load %arg13[%swap3A_611] {strides = array<i32>} : memref<512xf32, #tpu.memory_space<vmem>>, vector<16xf32>,
    tpu.vector_store %arg13[%swap3A_611], %select_n3A_603 {strides = array<i32>} : memref<512xf32, #tpu.memory_space<vmem>>, vector<16xf32>,
    %swap3A_613 = arith.constant 240 : index
    %swap3A_614 = tpu.vector_load %arg14[%swap3A_613] {strides = array<i32>} : memref<512xf32, #tpu.memory_space<vmem>>, vector<16xf32>,
    tpu.vector_store %arg14[%swap3A_613], %select_n3A_606 {strides = array<i32>} : memref<512xf32, #tpu.memory_space<vmem>>, vector<16xf32>,
    %sub3A_615 = arith.subf %select_n3A_603, %select_n3A_597 : vector<16xf32>
    %sub3A_616 = arith.subf %select_n3A_606, %select_n3A_600 : vector<16xf32>
    %mul3A_617 = arith.mulf %sub3A_615, %sub3A_616 : vector<16xf32>
    %swap3A_618 = arith.constant 240 : index
    %swap3A_619 = tpu.vector_load %arg16[%swap3A_618] {strides = array<i32>} : memref<512xf32, #tpu.memory_space<vmem>>, vector<16xf32>,
    tpu.vector_store %arg16[%swap3A_618], %mul3A_617 {strides = array<i32>} : memref<512xf32, #tpu.memory_space<vmem>>, vector<16xf32>,
    %select_n3A_620 = arith.select %ne3A_594, %broadcast_in_dim3A_23, %broadcast_in_dim3A_27 : vector<16xi1>, vector<16xi32>
    %cumsum3A_621 = arith.constant true
    %cumsum3A_622 = vector.broadcast %cumsum3A_621 : i1 to vector<16xi1>
    %cumsum3A_623 = tpu.scan <sum>, %select_n3A_620 masked %cumsum3A_622 : vector<16xi32>, vector<16xi1> -> vector<16xi32>
    %add3A_624 = arith.addi %cumsum3A_623, %gather3A_591 : vector<16xi32>
    %swap3A_625 = arith.constant 240 : index
    %swap3A_626 = tpu.vector_load %arg17[%swap3A_625] {strides = array<i32>} : memref<512xi32, #tpu.memory_space<vmem>>, vector<16xi32>,
    tpu.vector_store %arg17[%swap3A_625], %add3A_624 {strides = array<i32>} : memref<512xi32, #tpu.memory_space<vmem>>, vector<16xi32>,
    %broadcast_in_dim3A_627 = arith.constant 255 : i32
    %broadcast_in_dim3A_628 = vector.broadcast %broadcast_in_dim3A_627 : i32 to vector<16xi32>
    %gather3A_629 = tpu.vector_load_idx %arg17[%broadcast_in_dim3A_628] : memref<512xi32, #tpu.memory_space<vmem>>[vector<16xi32>], vector<16xi32>,
    %get3A_630 = arith.constant 256 : index
    %get3A_631 = tpu.vector_load %arg15[%get3A_630] {strides = array<i32>} : memref<512xf32, #tpu.memory_space<vmem>>, vector<16xf32>,
    %ne3A_632 = arith.cmpf one, %get3A_631, %broadcast_in_dim3A_13 : vector<16xf32>
    %get3A_633 = arith.constant 256 : index
    %get3A_634 = tpu.vector_load %arg11[%get3A_633] {strides = array<i32>} : memref<512xf32, #tpu.memory_space<vmem>>, vector<16xf32>,
    %select_n3A_635 = arith.select %ne3A_632, %get3A_634, %broadcast_in_dim3A_11 : vector<16xi1>, vector<16xf32>
    %get3A_636 = arith.constant 256 : index
    %get3A_637 = tpu.vector_load %arg12[%get3A_636] {strides = array<i32>} : memref<512xf32, #tpu.memory_space<vmem>>, vector<16xf32>,
    %select_n3A_638 = arith.select %ne3A_632, %get3A_637, %broadcast_in_dim3A_11 : vector<16xi1>, vector<16xf32>
    %get3A_639 = arith.constant 256 : index
    %get3A_640 = tpu.vector_load %arg13[%get3A_639] {strides = array<i32>} : memref<512xf32, #tpu.memory_space<vmem>>, vector<16xf32>,
    %select_n3A_641 = arith.select %ne3A_632, %get3A_640, %broadcast_in_dim3A_11 : vector<16xi1>, vector<16xf32>
    %get3A_642 = arith.constant 256 : index
    %get3A_643 = tpu.vector_load %arg14[%get3A_642] {strides = array<i32>} : memref<512xf32, #tpu.memory_space<vmem>>, vector<16xf32>,
    %select_n3A_644 = arith.select %ne3A_632, %get3A_643, %broadcast_in_dim3A_11 : vector<16xi1>, vector<16xf32>
    %swap3A_645 = arith.constant 256 : index
    %swap3A_646 = tpu.vector_load %arg11[%swap3A_645] {strides = array<i32>} : memref<512xf32, #tpu.memory_space<vmem>>, vector<16xf32>,
    tpu.vector_store %arg11[%swap3A_645], %select_n3A_635 {strides = array<i32>} : memref<512xf32, #tpu.memory_space<vmem>>, vector<16xf32>,
    %swap3A_647 = arith.constant 256 : index
    %swap3A_648 = tpu.vector_load %arg12[%swap3A_647] {strides = array<i32>} : memref<512xf32, #tpu.memory_space<vmem>>, vector<16xf32>,
    tpu.vector_store %arg12[%swap3A_647], %select_n3A_638 {strides = array<i32>} : memref<512xf32, #tpu.memory_space<vmem>>, vector<16xf32>,
    %swap3A_649 = arith.constant 256 : index
    %swap3A_650 = tpu.vector_load %arg13[%swap3A_649] {strides = array<i32>} : memref<512xf32, #tpu.memory_space<vmem>>, vector<16xf32>,
    tpu.vector_store %arg13[%swap3A_649], %select_n3A_641 {strides = array<i32>} : memref<512xf32, #tpu.memory_space<vmem>>, vector<16xf32>,
    %swap3A_651 = arith.constant 256 : index
    %swap3A_652 = tpu.vector_load %arg14[%swap3A_651] {strides = array<i32>} : memref<512xf32, #tpu.memory_space<vmem>>, vector<16xf32>,
    tpu.vector_store %arg14[%swap3A_651], %select_n3A_644 {strides = array<i32>} : memref<512xf32, #tpu.memory_space<vmem>>, vector<16xf32>,
    %sub3A_653 = arith.subf %select_n3A_641, %select_n3A_635 : vector<16xf32>
    %sub3A_654 = arith.subf %select_n3A_644, %select_n3A_638 : vector<16xf32>
    %mul3A_655 = arith.mulf %sub3A_653, %sub3A_654 : vector<16xf32>
    %swap3A_656 = arith.constant 256 : index
    %swap3A_657 = tpu.vector_load %arg16[%swap3A_656] {strides = array<i32>} : memref<512xf32, #tpu.memory_space<vmem>>, vector<16xf32>,
    tpu.vector_store %arg16[%swap3A_656], %mul3A_655 {strides = array<i32>} : memref<512xf32, #tpu.memory_space<vmem>>, vector<16xf32>,
    %select_n3A_658 = arith.select %ne3A_632, %broadcast_in_dim3A_23, %broadcast_in_dim3A_27 : vector<16xi1>, vector<16xi32>
    %cumsum3A_659 = arith.constant true
    %cumsum3A_660 = vector.broadcast %cumsum3A_659 : i1 to vector<16xi1>
    %cumsum3A_661 = tpu.scan <sum>, %select_n3A_658 masked %cumsum3A_660 : vector<16xi32>, vector<16xi1> -> vector<16xi32>
    %add3A_662 = arith.addi %cumsum3A_661, %gather3A_629 : vector<16xi32>
    %swap3A_663 = arith.constant 256 : index
    %swap3A_664 = tpu.vector_load %arg17[%swap3A_663] {strides = array<i32>} : memref<512xi32, #tpu.memory_space<vmem>>, vector<16xi32>,
    tpu.vector_store %arg17[%swap3A_663], %add3A_662 {strides = array<i32>} : memref<512xi32, #tpu.memory_space<vmem>>, vector<16xi32>,
    %broadcast_in_dim3A_665 = arith.constant 271 : i32
    %broadcast_in_dim3A_666 = vector.broadcast %broadcast_in_dim3A_665 : i32 to vector<16xi32>
    %gather3A_667 = tpu.vector_load_idx %arg17[%broadcast_in_dim3A_666] : memref<512xi32, #tpu.memory_space<vmem>>[vector<16xi32>], vector<16xi32>,
    %get3A_668 = arith.constant 272 : index
    %get3A_669 = tpu.vector_load %arg15[%get3A_668] {strides = array<i32>} : memref<512xf32, #tpu.memory_space<vmem>>, vector<16xf32>,
    %ne3A_670 = arith.cmpf one, %get3A_669, %broadcast_in_dim3A_13 : vector<16xf32>
    %get3A_671 = arith.constant 272 : index
    %get3A_672 = tpu.vector_load %arg11[%get3A_671] {strides = array<i32>} : memref<512xf32, #tpu.memory_space<vmem>>, vector<16xf32>,
    %select_n3A_673 = arith.select %ne3A_670, %get3A_672, %broadcast_in_dim3A_11 : vector<16xi1>, vector<16xf32>
    %get3A_674 = arith.constant 272 : index
    %get3A_675 = tpu.vector_load %arg12[%get3A_674] {strides = array<i32>} : memref<512xf32, #tpu.memory_space<vmem>>, vector<16xf32>,
    %select_n3A_676 = arith.select %ne3A_670, %get3A_675, %broadcast_in_dim3A_11 : vector<16xi1>, vector<16xf32>
    %get3A_677 = arith.constant 272 : index
    %get3A_678 = tpu.vector_load %arg13[%get3A_677] {strides = array<i32>} : memref<512xf32, #tpu.memory_space<vmem>>, vector<16xf32>,
    %select_n3A_679 = arith.select %ne3A_670, %get3A_678, %broadcast_in_dim3A_11 : vector<16xi1>, vector<16xf32>
    %get3A_680 = arith.constant 272 : index
    %get3A_681 = tpu.vector_load %arg14[%get3A_680] {strides = array<i32>} : memref<512xf32, #tpu.memory_space<vmem>>, vector<16xf32>,
    %select_n3A_682 = arith.select %ne3A_670, %get3A_681, %broadcast_in_dim3A_11 : vector<16xi1>, vector<16xf32>
    %swap3A_683 = arith.constant 272 : index
    %swap3A_684 = tpu.vector_load %arg11[%swap3A_683] {strides = array<i32>} : memref<512xf32, #tpu.memory_space<vmem>>, vector<16xf32>,
    tpu.vector_store %arg11[%swap3A_683], %select_n3A_673 {strides = array<i32>} : memref<512xf32, #tpu.memory_space<vmem>>, vector<16xf32>,
    %swap3A_685 = arith.constant 272 : index
    %swap3A_686 = tpu.vector_load %arg12[%swap3A_685] {strides = array<i32>} : memref<512xf32, #tpu.memory_space<vmem>>, vector<16xf32>,
    tpu.vector_store %arg12[%swap3A_685], %select_n3A_676 {strides = array<i32>} : memref<512xf32, #tpu.memory_space<vmem>>, vector<16xf32>,
    %swap3A_687 = arith.constant 272 : index
    %swap3A_688 = tpu.vector_load %arg13[%swap3A_687] {strides = array<i32>} : memref<512xf32, #tpu.memory_space<vmem>>, vector<16xf32>,
    tpu.vector_store %arg13[%swap3A_687], %select_n3A_679 {strides = array<i32>} : memref<512xf32, #tpu.memory_space<vmem>>, vector<16xf32>,
    %swap3A_689 = arith.constant 272 : index
    %swap3A_690 = tpu.vector_load %arg14[%swap3A_689] {strides = array<i32>} : memref<512xf32, #tpu.memory_space<vmem>>, vector<16xf32>,
    tpu.vector_store %arg14[%swap3A_689], %select_n3A_682 {strides = array<i32>} : memref<512xf32, #tpu.memory_space<vmem>>, vector<16xf32>,
    %sub3A_691 = arith.subf %select_n3A_679, %select_n3A_673 : vector<16xf32>
    %sub3A_692 = arith.subf %select_n3A_682, %select_n3A_676 : vector<16xf32>
    %mul3A_693 = arith.mulf %sub3A_691, %sub3A_692 : vector<16xf32>
    %swap3A_694 = arith.constant 272 : index
    %swap3A_695 = tpu.vector_load %arg16[%swap3A_694] {strides = array<i32>} : memref<512xf32, #tpu.memory_space<vmem>>, vector<16xf32>,
    tpu.vector_store %arg16[%swap3A_694], %mul3A_693 {strides = array<i32>} : memref<512xf32, #tpu.memory_space<vmem>>, vector<16xf32>,
    %select_n3A_696 = arith.select %ne3A_670, %broadcast_in_dim3A_23, %broadcast_in_dim3A_27 : vector<16xi1>, vector<16xi32>
    %cumsum3A_697 = arith.constant true
    %cumsum3A_698 = vector.broadcast %cumsum3A_697 : i1 to vector<16xi1>
    %cumsum3A_699 = tpu.scan <sum>, %select_n3A_696 masked %cumsum3A_698 : vector<16xi32>, vector<16xi1> -> vector<16xi32>
    %add3A_700 = arith.addi %cumsum3A_699, %gather3A_667 : vector<16xi32>
    %swap3A_701 = arith.constant 272 : index
    %swap3A_702 = tpu.vector_load %arg17[%swap3A_701] {strides = array<i32>} : memref<512xi32, #tpu.memory_space<vmem>>, vector<16xi32>,
    tpu.vector_store %arg17[%swap3A_701], %add3A_700 {strides = array<i32>} : memref<512xi32, #tpu.memory_space<vmem>>, vector<16xi32>,
    %broadcast_in_dim3A_703 = arith.constant 287 : i32
    %broadcast_in_dim3A_704 = vector.broadcast %broadcast_in_dim3A_703 : i32 to vector<16xi32>
    %gather3A_705 = tpu.vector_load_idx %arg17[%broadcast_in_dim3A_704] : memref<512xi32, #tpu.memory_space<vmem>>[vector<16xi32>], vector<16xi32>,
    %get3A_706 = arith.constant 288 : index
    %get3A_707 = tpu.vector_load %arg15[%get3A_706] {strides = array<i32>} : memref<512xf32, #tpu.memory_space<vmem>>, vector<16xf32>,
    %ne3A_708 = arith.cmpf one, %get3A_707, %broadcast_in_dim3A_13 : vector<16xf32>
    %get3A_709 = arith.constant 288 : index
    %get3A_710 = tpu.vector_load %arg11[%get3A_709] {strides = array<i32>} : memref<512xf32, #tpu.memory_space<vmem>>, vector<16xf32>,
    %select_n3A_711 = arith.select %ne3A_708, %get3A_710, %broadcast_in_dim3A_11 : vector<16xi1>, vector<16xf32>
    %get3A_712 = arith.constant 288 : index
    %get3A_713 = tpu.vector_load %arg12[%get3A_712] {strides = array<i32>} : memref<512xf32, #tpu.memory_space<vmem>>, vector<16xf32>,
    %select_n3A_714 = arith.select %ne3A_708, %get3A_713, %broadcast_in_dim3A_11 : vector<16xi1>, vector<16xf32>
    %get3A_715 = arith.constant 288 : index
    %get3A_716 = tpu.vector_load %arg13[%get3A_715] {strides = array<i32>} : memref<512xf32, #tpu.memory_space<vmem>>, vector<16xf32>,
    %select_n3A_717 = arith.select %ne3A_708, %get3A_716, %broadcast_in_dim3A_11 : vector<16xi1>, vector<16xf32>
    %get3A_718 = arith.constant 288 : index
    %get3A_719 = tpu.vector_load %arg14[%get3A_718] {strides = array<i32>} : memref<512xf32, #tpu.memory_space<vmem>>, vector<16xf32>,
    %select_n3A_720 = arith.select %ne3A_708, %get3A_719, %broadcast_in_dim3A_11 : vector<16xi1>, vector<16xf32>
    %swap3A_721 = arith.constant 288 : index
    %swap3A_722 = tpu.vector_load %arg11[%swap3A_721] {strides = array<i32>} : memref<512xf32, #tpu.memory_space<vmem>>, vector<16xf32>,
    tpu.vector_store %arg11[%swap3A_721], %select_n3A_711 {strides = array<i32>} : memref<512xf32, #tpu.memory_space<vmem>>, vector<16xf32>,
    %swap3A_723 = arith.constant 288 : index
    %swap3A_724 = tpu.vector_load %arg12[%swap3A_723] {strides = array<i32>} : memref<512xf32, #tpu.memory_space<vmem>>, vector<16xf32>,
    tpu.vector_store %arg12[%swap3A_723], %select_n3A_714 {strides = array<i32>} : memref<512xf32, #tpu.memory_space<vmem>>, vector<16xf32>,
    %swap3A_725 = arith.constant 288 : index
    %swap3A_726 = tpu.vector_load %arg13[%swap3A_725] {strides = array<i32>} : memref<512xf32, #tpu.memory_space<vmem>>, vector<16xf32>,
    tpu.vector_store %arg13[%swap3A_725], %select_n3A_717 {strides = array<i32>} : memref<512xf32, #tpu.memory_space<vmem>>, vector<16xf32>,
    %swap3A_727 = arith.constant 288 : index
    %swap3A_728 = tpu.vector_load %arg14[%swap3A_727] {strides = array<i32>} : memref<512xf32, #tpu.memory_space<vmem>>, vector<16xf32>,
    tpu.vector_store %arg14[%swap3A_727], %select_n3A_720 {strides = array<i32>} : memref<512xf32, #tpu.memory_space<vmem>>, vector<16xf32>,
    %sub3A_729 = arith.subf %select_n3A_717, %select_n3A_711 : vector<16xf32>
    %sub3A_730 = arith.subf %select_n3A_720, %select_n3A_714 : vector<16xf32>
    %mul3A_731 = arith.mulf %sub3A_729, %sub3A_730 : vector<16xf32>
    %swap3A_732 = arith.constant 288 : index
    %swap3A_733 = tpu.vector_load %arg16[%swap3A_732] {strides = array<i32>} : memref<512xf32, #tpu.memory_space<vmem>>, vector<16xf32>,
    tpu.vector_store %arg16[%swap3A_732], %mul3A_731 {strides = array<i32>} : memref<512xf32, #tpu.memory_space<vmem>>, vector<16xf32>,
    %select_n3A_734 = arith.select %ne3A_708, %broadcast_in_dim3A_23, %broadcast_in_dim3A_27 : vector<16xi1>, vector<16xi32>
    %cumsum3A_735 = arith.constant true
    %cumsum3A_736 = vector.broadcast %cumsum3A_735 : i1 to vector<16xi1>
    %cumsum3A_737 = tpu.scan <sum>, %select_n3A_734 masked %cumsum3A_736 : vector<16xi32>, vector<16xi1> -> vector<16xi32>
    %add3A_738 = arith.addi %cumsum3A_737, %gather3A_705 : vector<16xi32>
    %swap3A_739 = arith.constant 288 : index
    %swap3A_740 = tpu.vector_load %arg17[%swap3A_739] {strides = array<i32>} : memref<512xi32, #tpu.memory_space<vmem>>, vector<16xi32>,
    tpu.vector_store %arg17[%swap3A_739], %add3A_738 {strides = array<i32>} : memref<512xi32, #tpu.memory_space<vmem>>, vector<16xi32>,
    %broadcast_in_dim3A_741 = arith.constant 303 : i32
    %broadcast_in_dim3A_742 = vector.broadcast %broadcast_in_dim3A_741 : i32 to vector<16xi32>
    %gather3A_743 = tpu.vector_load_idx %arg17[%broadcast_in_dim3A_742] : memref<512xi32, #tpu.memory_space<vmem>>[vector<16xi32>], vector<16xi32>,
    %get3A_744 = arith.constant 304 : index
    %get3A_745 = tpu.vector_load %arg15[%get3A_744] {strides = array<i32>} : memref<512xf32, #tpu.memory_space<vmem>>, vector<16xf32>,
    %ne3A_746 = arith.cmpf one, %get3A_745, %broadcast_in_dim3A_13 : vector<16xf32>
    %get3A_747 = arith.constant 304 : index
    %get3A_748 = tpu.vector_load %arg11[%get3A_747] {strides = array<i32>} : memref<512xf32, #tpu.memory_space<vmem>>, vector<16xf32>,
    %select_n3A_749 = arith.select %ne3A_746, %get3A_748, %broadcast_in_dim3A_11 : vector<16xi1>, vector<16xf32>
    %get3A_750 = arith.constant 304 : index
    %get3A_751 = tpu.vector_load %arg12[%get3A_750] {strides = array<i32>} : memref<512xf32, #tpu.memory_space<vmem>>, vector<16xf32>,
    %select_n3A_752 = arith.select %ne3A_746, %get3A_751, %broadcast_in_dim3A_11 : vector<16xi1>, vector<16xf32>
    %get3A_753 = arith.constant 304 : index
    %get3A_754 = tpu.vector_load %arg13[%get3A_753] {strides = array<i32>} : memref<512xf32, #tpu.memory_space<vmem>>, vector<16xf32>,
    %select_n3A_755 = arith.select %ne3A_746, %get3A_754, %broadcast_in_dim3A_11 : vector<16xi1>, vector<16xf32>
    %get3A_756 = arith.constant 304 : index
    %get3A_757 = tpu.vector_load %arg14[%get3A_756] {strides = array<i32>} : memref<512xf32, #tpu.memory_space<vmem>>, vector<16xf32>,
    %select_n3A_758 = arith.select %ne3A_746, %get3A_757, %broadcast_in_dim3A_11 : vector<16xi1>, vector<16xf32>
    %swap3A_759 = arith.constant 304 : index
    %swap3A_760 = tpu.vector_load %arg11[%swap3A_759] {strides = array<i32>} : memref<512xf32, #tpu.memory_space<vmem>>, vector<16xf32>,
    tpu.vector_store %arg11[%swap3A_759], %select_n3A_749 {strides = array<i32>} : memref<512xf32, #tpu.memory_space<vmem>>, vector<16xf32>,
    %swap3A_761 = arith.constant 304 : index
    %swap3A_762 = tpu.vector_load %arg12[%swap3A_761] {strides = array<i32>} : memref<512xf32, #tpu.memory_space<vmem>>, vector<16xf32>,
    tpu.vector_store %arg12[%swap3A_761], %select_n3A_752 {strides = array<i32>} : memref<512xf32, #tpu.memory_space<vmem>>, vector<16xf32>,
    %swap3A_763 = arith.constant 304 : index
    %swap3A_764 = tpu.vector_load %arg13[%swap3A_763] {strides = array<i32>} : memref<512xf32, #tpu.memory_space<vmem>>, vector<16xf32>,
    tpu.vector_store %arg13[%swap3A_763], %select_n3A_755 {strides = array<i32>} : memref<512xf32, #tpu.memory_space<vmem>>, vector<16xf32>,
    %swap3A_765 = arith.constant 304 : index
    %swap3A_766 = tpu.vector_load %arg14[%swap3A_765] {strides = array<i32>} : memref<512xf32, #tpu.memory_space<vmem>>, vector<16xf32>,
    tpu.vector_store %arg14[%swap3A_765], %select_n3A_758 {strides = array<i32>} : memref<512xf32, #tpu.memory_space<vmem>>, vector<16xf32>,
    %sub3A_767 = arith.subf %select_n3A_755, %select_n3A_749 : vector<16xf32>
    %sub3A_768 = arith.subf %select_n3A_758, %select_n3A_752 : vector<16xf32>
    %mul3A_769 = arith.mulf %sub3A_767, %sub3A_768 : vector<16xf32>
    %swap3A_770 = arith.constant 304 : index
    %swap3A_771 = tpu.vector_load %arg16[%swap3A_770] {strides = array<i32>} : memref<512xf32, #tpu.memory_space<vmem>>, vector<16xf32>,
    tpu.vector_store %arg16[%swap3A_770], %mul3A_769 {strides = array<i32>} : memref<512xf32, #tpu.memory_space<vmem>>, vector<16xf32>,
    %select_n3A_772 = arith.select %ne3A_746, %broadcast_in_dim3A_23, %broadcast_in_dim3A_27 : vector<16xi1>, vector<16xi32>
    %cumsum3A_773 = arith.constant true
    %cumsum3A_774 = vector.broadcast %cumsum3A_773 : i1 to vector<16xi1>
    %cumsum3A_775 = tpu.scan <sum>, %select_n3A_772 masked %cumsum3A_774 : vector<16xi32>, vector<16xi1> -> vector<16xi32>
    %add3A_776 = arith.addi %cumsum3A_775, %gather3A_743 : vector<16xi32>
    %swap3A_777 = arith.constant 304 : index
    %swap3A_778 = tpu.vector_load %arg17[%swap3A_777] {strides = array<i32>} : memref<512xi32, #tpu.memory_space<vmem>>, vector<16xi32>,
    tpu.vector_store %arg17[%swap3A_777], %add3A_776 {strides = array<i32>} : memref<512xi32, #tpu.memory_space<vmem>>, vector<16xi32>,
    %broadcast_in_dim3A_779 = arith.constant 319 : i32
    %broadcast_in_dim3A_780 = vector.broadcast %broadcast_in_dim3A_779 : i32 to vector<16xi32>
    %gather3A_781 = tpu.vector_load_idx %arg17[%broadcast_in_dim3A_780] : memref<512xi32, #tpu.memory_space<vmem>>[vector<16xi32>], vector<16xi32>,
    %get3A_782 = arith.constant 320 : index
    %get3A_783 = tpu.vector_load %arg15[%get3A_782] {strides = array<i32>} : memref<512xf32, #tpu.memory_space<vmem>>, vector<16xf32>,
    %ne3A_784 = arith.cmpf one, %get3A_783, %broadcast_in_dim3A_13 : vector<16xf32>
    %get3A_785 = arith.constant 320 : index
    %get3A_786 = tpu.vector_load %arg11[%get3A_785] {strides = array<i32>} : memref<512xf32, #tpu.memory_space<vmem>>, vector<16xf32>,
    %select_n3A_787 = arith.select %ne3A_784, %get3A_786, %broadcast_in_dim3A_11 : vector<16xi1>, vector<16xf32>
    %get3A_788 = arith.constant 320 : index
    %get3A_789 = tpu.vector_load %arg12[%get3A_788] {strides = array<i32>} : memref<512xf32, #tpu.memory_space<vmem>>, vector<16xf32>,
    %select_n3A_790 = arith.select %ne3A_784, %get3A_789, %broadcast_in_dim3A_11 : vector<16xi1>, vector<16xf32>
    %get3A_791 = arith.constant 320 : index
    %get3A_792 = tpu.vector_load %arg13[%get3A_791] {strides = array<i32>} : memref<512xf32, #tpu.memory_space<vmem>>, vector<16xf32>,
    %select_n3A_793 = arith.select %ne3A_784, %get3A_792, %broadcast_in_dim3A_11 : vector<16xi1>, vector<16xf32>
    %get3A_794 = arith.constant 320 : index
    %get3A_795 = tpu.vector_load %arg14[%get3A_794] {strides = array<i32>} : memref<512xf32, #tpu.memory_space<vmem>>, vector<16xf32>,
    %select_n3A_796 = arith.select %ne3A_784, %get3A_795, %broadcast_in_dim3A_11 : vector<16xi1>, vector<16xf32>
    %swap3A_797 = arith.constant 320 : index
    %swap3A_798 = tpu.vector_load %arg11[%swap3A_797] {strides = array<i32>} : memref<512xf32, #tpu.memory_space<vmem>>, vector<16xf32>,
    tpu.vector_store %arg11[%swap3A_797], %select_n3A_787 {strides = array<i32>} : memref<512xf32, #tpu.memory_space<vmem>>, vector<16xf32>,
    %swap3A_799 = arith.constant 320 : index
    %swap3A_800 = tpu.vector_load %arg12[%swap3A_799] {strides = array<i32>} : memref<512xf32, #tpu.memory_space<vmem>>, vector<16xf32>,
    tpu.vector_store %arg12[%swap3A_799], %select_n3A_790 {strides = array<i32>} : memref<512xf32, #tpu.memory_space<vmem>>, vector<16xf32>,
    %swap3A_801 = arith.constant 320 : index
    %swap3A_802 = tpu.vector_load %arg13[%swap3A_801] {strides = array<i32>} : memref<512xf32, #tpu.memory_space<vmem>>, vector<16xf32>,
    tpu.vector_store %arg13[%swap3A_801], %select_n3A_793 {strides = array<i32>} : memref<512xf32, #tpu.memory_space<vmem>>, vector<16xf32>,
    %swap3A_803 = arith.constant 320 : index
    %swap3A_804 = tpu.vector_load %arg14[%swap3A_803] {strides = array<i32>} : memref<512xf32, #tpu.memory_space<vmem>>, vector<16xf32>,
    tpu.vector_store %arg14[%swap3A_803], %select_n3A_796 {strides = array<i32>} : memref<512xf32, #tpu.memory_space<vmem>>, vector<16xf32>,
    %sub3A_805 = arith.subf %select_n3A_793, %select_n3A_787 : vector<16xf32>
    %sub3A_806 = arith.subf %select_n3A_796, %select_n3A_790 : vector<16xf32>
    %mul3A_807 = arith.mulf %sub3A_805, %sub3A_806 : vector<16xf32>
    %swap3A_808 = arith.constant 320 : index
    %swap3A_809 = tpu.vector_load %arg16[%swap3A_808] {strides = array<i32>} : memref<512xf32, #tpu.memory_space<vmem>>, vector<16xf32>,
    tpu.vector_store %arg16[%swap3A_808], %mul3A_807 {strides = array<i32>} : memref<512xf32, #tpu.memory_space<vmem>>, vector<16xf32>,
    %select_n3A_810 = arith.select %ne3A_784, %broadcast_in_dim3A_23, %broadcast_in_dim3A_27 : vector<16xi1>, vector<16xi32>
    %cumsum3A_811 = arith.constant true
    %cumsum3A_812 = vector.broadcast %cumsum3A_811 : i1 to vector<16xi1>
    %cumsum3A_813 = tpu.scan <sum>, %select_n3A_810 masked %cumsum3A_812 : vector<16xi32>, vector<16xi1> -> vector<16xi32>
    %add3A_814 = arith.addi %cumsum3A_813, %gather3A_781 : vector<16xi32>
    %swap3A_815 = arith.constant 320 : index
    %swap3A_816 = tpu.vector_load %arg17[%swap3A_815] {strides = array<i32>} : memref<512xi32, #tpu.memory_space<vmem>>, vector<16xi32>,
    tpu.vector_store %arg17[%swap3A_815], %add3A_814 {strides = array<i32>} : memref<512xi32, #tpu.memory_space<vmem>>, vector<16xi32>,
    %broadcast_in_dim3A_817 = arith.constant 335 : i32
    %broadcast_in_dim3A_818 = vector.broadcast %broadcast_in_dim3A_817 : i32 to vector<16xi32>
    %gather3A_819 = tpu.vector_load_idx %arg17[%broadcast_in_dim3A_818] : memref<512xi32, #tpu.memory_space<vmem>>[vector<16xi32>], vector<16xi32>,
    %get3A_820 = arith.constant 336 : index
    %get3A_821 = tpu.vector_load %arg15[%get3A_820] {strides = array<i32>} : memref<512xf32, #tpu.memory_space<vmem>>, vector<16xf32>,
    %ne3A_822 = arith.cmpf one, %get3A_821, %broadcast_in_dim3A_13 : vector<16xf32>
    %get3A_823 = arith.constant 336 : index
    %get3A_824 = tpu.vector_load %arg11[%get3A_823] {strides = array<i32>} : memref<512xf32, #tpu.memory_space<vmem>>, vector<16xf32>,
    %select_n3A_825 = arith.select %ne3A_822, %get3A_824, %broadcast_in_dim3A_11 : vector<16xi1>, vector<16xf32>
    %get3A_826 = arith.constant 336 : index
    %get3A_827 = tpu.vector_load %arg12[%get3A_826] {strides = array<i32>} : memref<512xf32, #tpu.memory_space<vmem>>, vector<16xf32>,
    %select_n3A_828 = arith.select %ne3A_822, %get3A_827, %broadcast_in_dim3A_11 : vector<16xi1>, vector<16xf32>
    %get3A_829 = arith.constant 336 : index
    %get3A_830 = tpu.vector_load %arg13[%get3A_829] {strides = array<i32>} : memref<512xf32, #tpu.memory_space<vmem>>, vector<16xf32>,
    %select_n3A_831 = arith.select %ne3A_822, %get3A_830, %broadcast_in_dim3A_11 : vector<16xi1>, vector<16xf32>
    %get3A_832 = arith.constant 336 : index
    %get3A_833 = tpu.vector_load %arg14[%get3A_832] {strides = array<i32>} : memref<512xf32, #tpu.memory_space<vmem>>, vector<16xf32>,
    %select_n3A_834 = arith.select %ne3A_822, %get3A_833, %broadcast_in_dim3A_11 : vector<16xi1>, vector<16xf32>
    %swap3A_835 = arith.constant 336 : index
    %swap3A_836 = tpu.vector_load %arg11[%swap3A_835] {strides = array<i32>} : memref<512xf32, #tpu.memory_space<vmem>>, vector<16xf32>,
    tpu.vector_store %arg11[%swap3A_835], %select_n3A_825 {strides = array<i32>} : memref<512xf32, #tpu.memory_space<vmem>>, vector<16xf32>,
    %swap3A_837 = arith.constant 336 : index
    %swap3A_838 = tpu.vector_load %arg12[%swap3A_837] {strides = array<i32>} : memref<512xf32, #tpu.memory_space<vmem>>, vector<16xf32>,
    tpu.vector_store %arg12[%swap3A_837], %select_n3A_828 {strides = array<i32>} : memref<512xf32, #tpu.memory_space<vmem>>, vector<16xf32>,
    %swap3A_839 = arith.constant 336 : index
    %swap3A_840 = tpu.vector_load %arg13[%swap3A_839] {strides = array<i32>} : memref<512xf32, #tpu.memory_space<vmem>>, vector<16xf32>,
    tpu.vector_store %arg13[%swap3A_839], %select_n3A_831 {strides = array<i32>} : memref<512xf32, #tpu.memory_space<vmem>>, vector<16xf32>,
    %swap3A_841 = arith.constant 336 : index
    %swap3A_842 = tpu.vector_load %arg14[%swap3A_841] {strides = array<i32>} : memref<512xf32, #tpu.memory_space<vmem>>, vector<16xf32>,
    tpu.vector_store %arg14[%swap3A_841], %select_n3A_834 {strides = array<i32>} : memref<512xf32, #tpu.memory_space<vmem>>, vector<16xf32>,
    %sub3A_843 = arith.subf %select_n3A_831, %select_n3A_825 : vector<16xf32>
    %sub3A_844 = arith.subf %select_n3A_834, %select_n3A_828 : vector<16xf32>
    %mul3A_845 = arith.mulf %sub3A_843, %sub3A_844 : vector<16xf32>
    %swap3A_846 = arith.constant 336 : index
    %swap3A_847 = tpu.vector_load %arg16[%swap3A_846] {strides = array<i32>} : memref<512xf32, #tpu.memory_space<vmem>>, vector<16xf32>,
    tpu.vector_store %arg16[%swap3A_846], %mul3A_845 {strides = array<i32>} : memref<512xf32, #tpu.memory_space<vmem>>, vector<16xf32>,
    %select_n3A_848 = arith.select %ne3A_822, %broadcast_in_dim3A_23, %broadcast_in_dim3A_27 : vector<16xi1>, vector<16xi32>
    %cumsum3A_849 = arith.constant true
    %cumsum3A_850 = vector.broadcast %cumsum3A_849 : i1 to vector<16xi1>
    %cumsum3A_851 = tpu.scan <sum>, %select_n3A_848 masked %cumsum3A_850 : vector<16xi32>, vector<16xi1> -> vector<16xi32>
    %add3A_852 = arith.addi %cumsum3A_851, %gather3A_819 : vector<16xi32>
    %swap3A_853 = arith.constant 336 : index
    %swap3A_854 = tpu.vector_load %arg17[%swap3A_853] {strides = array<i32>} : memref<512xi32, #tpu.memory_space<vmem>>, vector<16xi32>,
    tpu.vector_store %arg17[%swap3A_853], %add3A_852 {strides = array<i32>} : memref<512xi32, #tpu.memory_space<vmem>>, vector<16xi32>,
    %broadcast_in_dim3A_855 = arith.constant 351 : i32
    %broadcast_in_dim3A_856 = vector.broadcast %broadcast_in_dim3A_855 : i32 to vector<16xi32>
    %gather3A_857 = tpu.vector_load_idx %arg17[%broadcast_in_dim3A_856] : memref<512xi32, #tpu.memory_space<vmem>>[vector<16xi32>], vector<16xi32>,
    %get3A_858 = arith.constant 352 : index
    %get3A_859 = tpu.vector_load %arg15[%get3A_858] {strides = array<i32>} : memref<512xf32, #tpu.memory_space<vmem>>, vector<16xf32>,
    %ne3A_860 = arith.cmpf one, %get3A_859, %broadcast_in_dim3A_13 : vector<16xf32>
    %get3A_861 = arith.constant 352 : index
    %get3A_862 = tpu.vector_load %arg11[%get3A_861] {strides = array<i32>} : memref<512xf32, #tpu.memory_space<vmem>>, vector<16xf32>,
    %select_n3A_863 = arith.select %ne3A_860, %get3A_862, %broadcast_in_dim3A_11 : vector<16xi1>, vector<16xf32>
    %get3A_864 = arith.constant 352 : index
    %get3A_865 = tpu.vector_load %arg12[%get3A_864] {strides = array<i32>} : memref<512xf32, #tpu.memory_space<vmem>>, vector<16xf32>,
    %select_n3A_866 = arith.select %ne3A_860, %get3A_865, %broadcast_in_dim3A_11 : vector<16xi1>, vector<16xf32>
    %get3A_867 = arith.constant 352 : index
    %get3A_868 = tpu.vector_load %arg13[%get3A_867] {strides = array<i32>} : memref<512xf32, #tpu.memory_space<vmem>>, vector<16xf32>,
    %select_n3A_869 = arith.select %ne3A_860, %get3A_868, %broadcast_in_dim3A_11 : vector<16xi1>, vector<16xf32>
    %get3A_870 = arith.constant 352 : index
    %get3A_871 = tpu.vector_load %arg14[%get3A_870] {strides = array<i32>} : memref<512xf32, #tpu.memory_space<vmem>>, vector<16xf32>,
    %select_n3A_872 = arith.select %ne3A_860, %get3A_871, %broadcast_in_dim3A_11 : vector<16xi1>, vector<16xf32>
    %swap3A_873 = arith.constant 352 : index
    %swap3A_874 = tpu.vector_load %arg11[%swap3A_873] {strides = array<i32>} : memref<512xf32, #tpu.memory_space<vmem>>, vector<16xf32>,
    tpu.vector_store %arg11[%swap3A_873], %select_n3A_863 {strides = array<i32>} : memref<512xf32, #tpu.memory_space<vmem>>, vector<16xf32>,
    %swap3A_875 = arith.constant 352 : index
    %swap3A_876 = tpu.vector_load %arg12[%swap3A_875] {strides = array<i32>} : memref<512xf32, #tpu.memory_space<vmem>>, vector<16xf32>,
    tpu.vector_store %arg12[%swap3A_875], %select_n3A_866 {strides = array<i32>} : memref<512xf32, #tpu.memory_space<vmem>>, vector<16xf32>,
    %swap3A_877 = arith.constant 352 : index
    %swap3A_878 = tpu.vector_load %arg13[%swap3A_877] {strides = array<i32>} : memref<512xf32, #tpu.memory_space<vmem>>, vector<16xf32>,
    tpu.vector_store %arg13[%swap3A_877], %select_n3A_869 {strides = array<i32>} : memref<512xf32, #tpu.memory_space<vmem>>, vector<16xf32>,
    %swap3A_879 = arith.constant 352 : index
    %swap3A_880 = tpu.vector_load %arg14[%swap3A_879] {strides = array<i32>} : memref<512xf32, #tpu.memory_space<vmem>>, vector<16xf32>,
    tpu.vector_store %arg14[%swap3A_879], %select_n3A_872 {strides = array<i32>} : memref<512xf32, #tpu.memory_space<vmem>>, vector<16xf32>,
    %sub3A_881 = arith.subf %select_n3A_869, %select_n3A_863 : vector<16xf32>
    %sub3A_882 = arith.subf %select_n3A_872, %select_n3A_866 : vector<16xf32>
    %mul3A_883 = arith.mulf %sub3A_881, %sub3A_882 : vector<16xf32>
    %swap3A_884 = arith.constant 352 : index
    %swap3A_885 = tpu.vector_load %arg16[%swap3A_884] {strides = array<i32>} : memref<512xf32, #tpu.memory_space<vmem>>, vector<16xf32>,
    tpu.vector_store %arg16[%swap3A_884], %mul3A_883 {strides = array<i32>} : memref<512xf32, #tpu.memory_space<vmem>>, vector<16xf32>,
    %select_n3A_886 = arith.select %ne3A_860, %broadcast_in_dim3A_23, %broadcast_in_dim3A_27 : vector<16xi1>, vector<16xi32>
    %cumsum3A_887 = arith.constant true
    %cumsum3A_888 = vector.broadcast %cumsum3A_887 : i1 to vector<16xi1>
    %cumsum3A_889 = tpu.scan <sum>, %select_n3A_886 masked %cumsum3A_888 : vector<16xi32>, vector<16xi1> -> vector<16xi32>
    %add3A_890 = arith.addi %cumsum3A_889, %gather3A_857 : vector<16xi32>
    %swap3A_891 = arith.constant 352 : index
    %swap3A_892 = tpu.vector_load %arg17[%swap3A_891] {strides = array<i32>} : memref<512xi32, #tpu.memory_space<vmem>>, vector<16xi32>,
    tpu.vector_store %arg17[%swap3A_891], %add3A_890 {strides = array<i32>} : memref<512xi32, #tpu.memory_space<vmem>>, vector<16xi32>,
    %broadcast_in_dim3A_893 = arith.constant 367 : i32
    %broadcast_in_dim3A_894 = vector.broadcast %broadcast_in_dim3A_893 : i32 to vector<16xi32>
    %gather3A_895 = tpu.vector_load_idx %arg17[%broadcast_in_dim3A_894] : memref<512xi32, #tpu.memory_space<vmem>>[vector<16xi32>], vector<16xi32>,
    %get3A_896 = arith.constant 368 : index
    %get3A_897 = tpu.vector_load %arg15[%get3A_896] {strides = array<i32>} : memref<512xf32, #tpu.memory_space<vmem>>, vector<16xf32>,
    %ne3A_898 = arith.cmpf one, %get3A_897, %broadcast_in_dim3A_13 : vector<16xf32>
    %get3A_899 = arith.constant 368 : index
    %get3A_900 = tpu.vector_load %arg11[%get3A_899] {strides = array<i32>} : memref<512xf32, #tpu.memory_space<vmem>>, vector<16xf32>,
    %select_n3A_901 = arith.select %ne3A_898, %get3A_900, %broadcast_in_dim3A_11 : vector<16xi1>, vector<16xf32>
    %get3A_902 = arith.constant 368 : index
    %get3A_903 = tpu.vector_load %arg12[%get3A_902] {strides = array<i32>} : memref<512xf32, #tpu.memory_space<vmem>>, vector<16xf32>,
    %select_n3A_904 = arith.select %ne3A_898, %get3A_903, %broadcast_in_dim3A_11 : vector<16xi1>, vector<16xf32>
    %get3A_905 = arith.constant 368 : index
    %get3A_906 = tpu.vector_load %arg13[%get3A_905] {strides = array<i32>} : memref<512xf32, #tpu.memory_space<vmem>>, vector<16xf32>,
    %select_n3A_907 = arith.select %ne3A_898, %get3A_906, %broadcast_in_dim3A_11 : vector<16xi1>, vector<16xf32>
    %get3A_908 = arith.constant 368 : index
    %get3A_909 = tpu.vector_load %arg14[%get3A_908] {strides = array<i32>} : memref<512xf32, #tpu.memory_space<vmem>>, vector<16xf32>,
    %select_n3A_910 = arith.select %ne3A_898, %get3A_909, %broadcast_in_dim3A_11 : vector<16xi1>, vector<16xf32>
    %swap3A_911 = arith.constant 368 : index
    %swap3A_912 = tpu.vector_load %arg11[%swap3A_911] {strides = array<i32>} : memref<512xf32, #tpu.memory_space<vmem>>, vector<16xf32>,
    tpu.vector_store %arg11[%swap3A_911], %select_n3A_901 {strides = array<i32>} : memref<512xf32, #tpu.memory_space<vmem>>, vector<16xf32>,
    %swap3A_913 = arith.constant 368 : index
    %swap3A_914 = tpu.vector_load %arg12[%swap3A_913] {strides = array<i32>} : memref<512xf32, #tpu.memory_space<vmem>>, vector<16xf32>,
    tpu.vector_store %arg12[%swap3A_913], %select_n3A_904 {strides = array<i32>} : memref<512xf32, #tpu.memory_space<vmem>>, vector<16xf32>,
    %swap3A_915 = arith.constant 368 : index
    %swap3A_916 = tpu.vector_load %arg13[%swap3A_915] {strides = array<i32>} : memref<512xf32, #tpu.memory_space<vmem>>, vector<16xf32>,
    tpu.vector_store %arg13[%swap3A_915], %select_n3A_907 {strides = array<i32>} : memref<512xf32, #tpu.memory_space<vmem>>, vector<16xf32>,
    %swap3A_917 = arith.constant 368 : index
    %swap3A_918 = tpu.vector_load %arg14[%swap3A_917] {strides = array<i32>} : memref<512xf32, #tpu.memory_space<vmem>>, vector<16xf32>,
    tpu.vector_store %arg14[%swap3A_917], %select_n3A_910 {strides = array<i32>} : memref<512xf32, #tpu.memory_space<vmem>>, vector<16xf32>,
    %sub3A_919 = arith.subf %select_n3A_907, %select_n3A_901 : vector<16xf32>
    %sub3A_920 = arith.subf %select_n3A_910, %select_n3A_904 : vector<16xf32>
    %mul3A_921 = arith.mulf %sub3A_919, %sub3A_920 : vector<16xf32>
    %swap3A_922 = arith.constant 368 : index
    %swap3A_923 = tpu.vector_load %arg16[%swap3A_922] {strides = array<i32>} : memref<512xf32, #tpu.memory_space<vmem>>, vector<16xf32>,
    tpu.vector_store %arg16[%swap3A_922], %mul3A_921 {strides = array<i32>} : memref<512xf32, #tpu.memory_space<vmem>>, vector<16xf32>,
    %select_n3A_924 = arith.select %ne3A_898, %broadcast_in_dim3A_23, %broadcast_in_dim3A_27 : vector<16xi1>, vector<16xi32>
    %cumsum3A_925 = arith.constant true
    %cumsum3A_926 = vector.broadcast %cumsum3A_925 : i1 to vector<16xi1>
    %cumsum3A_927 = tpu.scan <sum>, %select_n3A_924 masked %cumsum3A_926 : vector<16xi32>, vector<16xi1> -> vector<16xi32>
    %add3A_928 = arith.addi %cumsum3A_927, %gather3A_895 : vector<16xi32>
    %swap3A_929 = arith.constant 368 : index
    %swap3A_930 = tpu.vector_load %arg17[%swap3A_929] {strides = array<i32>} : memref<512xi32, #tpu.memory_space<vmem>>, vector<16xi32>,
    tpu.vector_store %arg17[%swap3A_929], %add3A_928 {strides = array<i32>} : memref<512xi32, #tpu.memory_space<vmem>>, vector<16xi32>,
    %broadcast_in_dim3A_931 = arith.constant 383 : i32
    %broadcast_in_dim3A_932 = vector.broadcast %broadcast_in_dim3A_931 : i32 to vector<16xi32>
    %gather3A_933 = tpu.vector_load_idx %arg17[%broadcast_in_dim3A_932] : memref<512xi32, #tpu.memory_space<vmem>>[vector<16xi32>], vector<16xi32>,
    %get3A_934 = arith.constant 384 : index
    %get3A_935 = tpu.vector_load %arg15[%get3A_934] {strides = array<i32>} : memref<512xf32, #tpu.memory_space<vmem>>, vector<16xf32>,
    %ne3A_936 = arith.cmpf one, %get3A_935, %broadcast_in_dim3A_13 : vector<16xf32>
    %get3A_937 = arith.constant 384 : index
    %get3A_938 = tpu.vector_load %arg11[%get3A_937] {strides = array<i32>} : memref<512xf32, #tpu.memory_space<vmem>>, vector<16xf32>,
    %select_n3A_939 = arith.select %ne3A_936, %get3A_938, %broadcast_in_dim3A_11 : vector<16xi1>, vector<16xf32>
    %get3A_940 = arith.constant 384 : index
    %get3A_941 = tpu.vector_load %arg12[%get3A_940] {strides = array<i32>} : memref<512xf32, #tpu.memory_space<vmem>>, vector<16xf32>,
    %select_n3A_942 = arith.select %ne3A_936, %get3A_941, %broadcast_in_dim3A_11 : vector<16xi1>, vector<16xf32>
    %get3A_943 = arith.constant 384 : index
    %get3A_944 = tpu.vector_load %arg13[%get3A_943] {strides = array<i32>} : memref<512xf32, #tpu.memory_space<vmem>>, vector<16xf32>,
    %select_n3A_945 = arith.select %ne3A_936, %get3A_944, %broadcast_in_dim3A_11 : vector<16xi1>, vector<16xf32>
    %get3A_946 = arith.constant 384 : index
    %get3A_947 = tpu.vector_load %arg14[%get3A_946] {strides = array<i32>} : memref<512xf32, #tpu.memory_space<vmem>>, vector<16xf32>,
    %select_n3A_948 = arith.select %ne3A_936, %get3A_947, %broadcast_in_dim3A_11 : vector<16xi1>, vector<16xf32>
    %swap3A_949 = arith.constant 384 : index
    %swap3A_950 = tpu.vector_load %arg11[%swap3A_949] {strides = array<i32>} : memref<512xf32, #tpu.memory_space<vmem>>, vector<16xf32>,
    tpu.vector_store %arg11[%swap3A_949], %select_n3A_939 {strides = array<i32>} : memref<512xf32, #tpu.memory_space<vmem>>, vector<16xf32>,
    %swap3A_951 = arith.constant 384 : index
    %swap3A_952 = tpu.vector_load %arg12[%swap3A_951] {strides = array<i32>} : memref<512xf32, #tpu.memory_space<vmem>>, vector<16xf32>,
    tpu.vector_store %arg12[%swap3A_951], %select_n3A_942 {strides = array<i32>} : memref<512xf32, #tpu.memory_space<vmem>>, vector<16xf32>,
    %swap3A_953 = arith.constant 384 : index
    %swap3A_954 = tpu.vector_load %arg13[%swap3A_953] {strides = array<i32>} : memref<512xf32, #tpu.memory_space<vmem>>, vector<16xf32>,
    tpu.vector_store %arg13[%swap3A_953], %select_n3A_945 {strides = array<i32>} : memref<512xf32, #tpu.memory_space<vmem>>, vector<16xf32>,
    %swap3A_955 = arith.constant 384 : index
    %swap3A_956 = tpu.vector_load %arg14[%swap3A_955] {strides = array<i32>} : memref<512xf32, #tpu.memory_space<vmem>>, vector<16xf32>,
    tpu.vector_store %arg14[%swap3A_955], %select_n3A_948 {strides = array<i32>} : memref<512xf32, #tpu.memory_space<vmem>>, vector<16xf32>,
    %sub3A_957 = arith.subf %select_n3A_945, %select_n3A_939 : vector<16xf32>
    %sub3A_958 = arith.subf %select_n3A_948, %select_n3A_942 : vector<16xf32>
    %mul3A_959 = arith.mulf %sub3A_957, %sub3A_958 : vector<16xf32>
    %swap3A_960 = arith.constant 384 : index
    %swap3A_961 = tpu.vector_load %arg16[%swap3A_960] {strides = array<i32>} : memref<512xf32, #tpu.memory_space<vmem>>, vector<16xf32>,
    tpu.vector_store %arg16[%swap3A_960], %mul3A_959 {strides = array<i32>} : memref<512xf32, #tpu.memory_space<vmem>>, vector<16xf32>,
    %select_n3A_962 = arith.select %ne3A_936, %broadcast_in_dim3A_23, %broadcast_in_dim3A_27 : vector<16xi1>, vector<16xi32>
    %cumsum3A_963 = arith.constant true
    %cumsum3A_964 = vector.broadcast %cumsum3A_963 : i1 to vector<16xi1>
    %cumsum3A_965 = tpu.scan <sum>, %select_n3A_962 masked %cumsum3A_964 : vector<16xi32>, vector<16xi1> -> vector<16xi32>
    %add3A_966 = arith.addi %cumsum3A_965, %gather3A_933 : vector<16xi32>
    %swap3A_967 = arith.constant 384 : index
    %swap3A_968 = tpu.vector_load %arg17[%swap3A_967] {strides = array<i32>} : memref<512xi32, #tpu.memory_space<vmem>>, vector<16xi32>,
    tpu.vector_store %arg17[%swap3A_967], %add3A_966 {strides = array<i32>} : memref<512xi32, #tpu.memory_space<vmem>>, vector<16xi32>,
    %broadcast_in_dim3A_969 = arith.constant 399 : i32
    %broadcast_in_dim3A_970 = vector.broadcast %broadcast_in_dim3A_969 : i32 to vector<16xi32>
    %gather3A_971 = tpu.vector_load_idx %arg17[%broadcast_in_dim3A_970] : memref<512xi32, #tpu.memory_space<vmem>>[vector<16xi32>], vector<16xi32>,
    %get3A_972 = arith.constant 400 : index
    %get3A_973 = tpu.vector_load %arg15[%get3A_972] {strides = array<i32>} : memref<512xf32, #tpu.memory_space<vmem>>, vector<16xf32>,
    %ne3A_974 = arith.cmpf one, %get3A_973, %broadcast_in_dim3A_13 : vector<16xf32>
    %get3A_975 = arith.constant 400 : index
    %get3A_976 = tpu.vector_load %arg11[%get3A_975] {strides = array<i32>} : memref<512xf32, #tpu.memory_space<vmem>>, vector<16xf32>,
    %select_n3A_977 = arith.select %ne3A_974, %get3A_976, %broadcast_in_dim3A_11 : vector<16xi1>, vector<16xf32>
    %get3A_978 = arith.constant 400 : index
    %get3A_979 = tpu.vector_load %arg12[%get3A_978] {strides = array<i32>} : memref<512xf32, #tpu.memory_space<vmem>>, vector<16xf32>,
    %select_n3A_980 = arith.select %ne3A_974, %get3A_979, %broadcast_in_dim3A_11 : vector<16xi1>, vector<16xf32>
    %get3A_981 = arith.constant 400 : index
    %get3A_982 = tpu.vector_load %arg13[%get3A_981] {strides = array<i32>} : memref<512xf32, #tpu.memory_space<vmem>>, vector<16xf32>,
    %select_n3A_983 = arith.select %ne3A_974, %get3A_982, %broadcast_in_dim3A_11 : vector<16xi1>, vector<16xf32>
    %get3A_984 = arith.constant 400 : index
    %get3A_985 = tpu.vector_load %arg14[%get3A_984] {strides = array<i32>} : memref<512xf32, #tpu.memory_space<vmem>>, vector<16xf32>,
    %select_n3A_986 = arith.select %ne3A_974, %get3A_985, %broadcast_in_dim3A_11 : vector<16xi1>, vector<16xf32>
    %swap3A_987 = arith.constant 400 : index
    %swap3A_988 = tpu.vector_load %arg11[%swap3A_987] {strides = array<i32>} : memref<512xf32, #tpu.memory_space<vmem>>, vector<16xf32>,
    tpu.vector_store %arg11[%swap3A_987], %select_n3A_977 {strides = array<i32>} : memref<512xf32, #tpu.memory_space<vmem>>, vector<16xf32>,
    %swap3A_989 = arith.constant 400 : index
    %swap3A_990 = tpu.vector_load %arg12[%swap3A_989] {strides = array<i32>} : memref<512xf32, #tpu.memory_space<vmem>>, vector<16xf32>,
    tpu.vector_store %arg12[%swap3A_989], %select_n3A_980 {strides = array<i32>} : memref<512xf32, #tpu.memory_space<vmem>>, vector<16xf32>,
    %swap3A_991 = arith.constant 400 : index
    %swap3A_992 = tpu.vector_load %arg13[%swap3A_991] {strides = array<i32>} : memref<512xf32, #tpu.memory_space<vmem>>, vector<16xf32>,
    tpu.vector_store %arg13[%swap3A_991], %select_n3A_983 {strides = array<i32>} : memref<512xf32, #tpu.memory_space<vmem>>, vector<16xf32>,
    %swap3A_993 = arith.constant 400 : index
    %swap3A_994 = tpu.vector_load %arg14[%swap3A_993] {strides = array<i32>} : memref<512xf32, #tpu.memory_space<vmem>>, vector<16xf32>,
    tpu.vector_store %arg14[%swap3A_993], %select_n3A_986 {strides = array<i32>} : memref<512xf32, #tpu.memory_space<vmem>>, vector<16xf32>,
    %sub3A_995 = arith.subf %select_n3A_983, %select_n3A_977 : vector<16xf32>
    %sub3A_996 = arith.subf %select_n3A_986, %select_n3A_980 : vector<16xf32>
    %mul3A_997 = arith.mulf %sub3A_995, %sub3A_996 : vector<16xf32>
    %swap3A_998 = arith.constant 400 : index
    %swap3A_999 = tpu.vector_load %arg16[%swap3A_998] {strides = array<i32>} : memref<512xf32, #tpu.memory_space<vmem>>, vector<16xf32>,
    tpu.vector_store %arg16[%swap3A_998], %mul3A_997 {strides = array<i32>} : memref<512xf32, #tpu.memory_space<vmem>>, vector<16xf32>,
    %select_n3A_1000 = arith.select %ne3A_974, %broadcast_in_dim3A_23, %broadcast_in_dim3A_27 : vector<16xi1>, vector<16xi32>
    %cumsum3A_1001 = arith.constant true
    %cumsum3A_1002 = vector.broadcast %cumsum3A_1001 : i1 to vector<16xi1>
    %cumsum3A_1003 = tpu.scan <sum>, %select_n3A_1000 masked %cumsum3A_1002 : vector<16xi32>, vector<16xi1> -> vector<16xi32>
    %add3A_1004 = arith.addi %cumsum3A_1003, %gather3A_971 : vector<16xi32>
    %swap3A_1005 = arith.constant 400 : index
    %swap3A_1006 = tpu.vector_load %arg17[%swap3A_1005] {strides = array<i32>} : memref<512xi32, #tpu.memory_space<vmem>>, vector<16xi32>,
    tpu.vector_store %arg17[%swap3A_1005], %add3A_1004 {strides = array<i32>} : memref<512xi32, #tpu.memory_space<vmem>>, vector<16xi32>,
    %broadcast_in_dim3A_1007 = arith.constant 415 : i32
    %broadcast_in_dim3A_1008 = vector.broadcast %broadcast_in_dim3A_1007 : i32 to vector<16xi32>
    %gather3A_1009 = tpu.vector_load_idx %arg17[%broadcast_in_dim3A_1008] : memref<512xi32, #tpu.memory_space<vmem>>[vector<16xi32>], vector<16xi32>,
    %get3A_1010 = arith.constant 416 : index
    %get3A_1011 = tpu.vector_load %arg15[%get3A_1010] {strides = array<i32>} : memref<512xf32, #tpu.memory_space<vmem>>, vector<16xf32>,
    %ne3A_1012 = arith.cmpf one, %get3A_1011, %broadcast_in_dim3A_13 : vector<16xf32>
    %get3A_1013 = arith.constant 416 : index
    %get3A_1014 = tpu.vector_load %arg11[%get3A_1013] {strides = array<i32>} : memref<512xf32, #tpu.memory_space<vmem>>, vector<16xf32>,
    %select_n3A_1015 = arith.select %ne3A_1012, %get3A_1014, %broadcast_in_dim3A_11 : vector<16xi1>, vector<16xf32>
    %get3A_1016 = arith.constant 416 : index
    %get3A_1017 = tpu.vector_load %arg12[%get3A_1016] {strides = array<i32>} : memref<512xf32, #tpu.memory_space<vmem>>, vector<16xf32>,
    %select_n3A_1018 = arith.select %ne3A_1012, %get3A_1017, %broadcast_in_dim3A_11 : vector<16xi1>, vector<16xf32>
    %get3A_1019 = arith.constant 416 : index
    %get3A_1020 = tpu.vector_load %arg13[%get3A_1019] {strides = array<i32>} : memref<512xf32, #tpu.memory_space<vmem>>, vector<16xf32>,
    %select_n3A_1021 = arith.select %ne3A_1012, %get3A_1020, %broadcast_in_dim3A_11 : vector<16xi1>, vector<16xf32>
    %get3A_1022 = arith.constant 416 : index
    %get3A_1023 = tpu.vector_load %arg14[%get3A_1022] {strides = array<i32>} : memref<512xf32, #tpu.memory_space<vmem>>, vector<16xf32>,
    %select_n3A_1024 = arith.select %ne3A_1012, %get3A_1023, %broadcast_in_dim3A_11 : vector<16xi1>, vector<16xf32>
    %swap3A_1025 = arith.constant 416 : index
    %swap3A_1026 = tpu.vector_load %arg11[%swap3A_1025] {strides = array<i32>} : memref<512xf32, #tpu.memory_space<vmem>>, vector<16xf32>,
    tpu.vector_store %arg11[%swap3A_1025], %select_n3A_1015 {strides = array<i32>} : memref<512xf32, #tpu.memory_space<vmem>>, vector<16xf32>,
    %swap3A_1027 = arith.constant 416 : index
    %swap3A_1028 = tpu.vector_load %arg12[%swap3A_1027] {strides = array<i32>} : memref<512xf32, #tpu.memory_space<vmem>>, vector<16xf32>,
    tpu.vector_store %arg12[%swap3A_1027], %select_n3A_1018 {strides = array<i32>} : memref<512xf32, #tpu.memory_space<vmem>>, vector<16xf32>,
    %swap3A_1029 = arith.constant 416 : index
    %swap3A_1030 = tpu.vector_load %arg13[%swap3A_1029] {strides = array<i32>} : memref<512xf32, #tpu.memory_space<vmem>>, vector<16xf32>,
    tpu.vector_store %arg13[%swap3A_1029], %select_n3A_1021 {strides = array<i32>} : memref<512xf32, #tpu.memory_space<vmem>>, vector<16xf32>,
    %swap3A_1031 = arith.constant 416 : index
    %swap3A_1032 = tpu.vector_load %arg14[%swap3A_1031] {strides = array<i32>} : memref<512xf32, #tpu.memory_space<vmem>>, vector<16xf32>,
    tpu.vector_store %arg14[%swap3A_1031], %select_n3A_1024 {strides = array<i32>} : memref<512xf32, #tpu.memory_space<vmem>>, vector<16xf32>,
    %sub3A_1033 = arith.subf %select_n3A_1021, %select_n3A_1015 : vector<16xf32>
    %sub3A_1034 = arith.subf %select_n3A_1024, %select_n3A_1018 : vector<16xf32>
    %mul3A_1035 = arith.mulf %sub3A_1033, %sub3A_1034 : vector<16xf32>
    %swap3A_1036 = arith.constant 416 : index
    %swap3A_1037 = tpu.vector_load %arg16[%swap3A_1036] {strides = array<i32>} : memref<512xf32, #tpu.memory_space<vmem>>, vector<16xf32>,
    tpu.vector_store %arg16[%swap3A_1036], %mul3A_1035 {strides = array<i32>} : memref<512xf32, #tpu.memory_space<vmem>>, vector<16xf32>,
    %select_n3A_1038 = arith.select %ne3A_1012, %broadcast_in_dim3A_23, %broadcast_in_dim3A_27 : vector<16xi1>, vector<16xi32>
    %cumsum3A_1039 = arith.constant true
    %cumsum3A_1040 = vector.broadcast %cumsum3A_1039 : i1 to vector<16xi1>
    %cumsum3A_1041 = tpu.scan <sum>, %select_n3A_1038 masked %cumsum3A_1040 : vector<16xi32>, vector<16xi1> -> vector<16xi32>
    %add3A_1042 = arith.addi %cumsum3A_1041, %gather3A_1009 : vector<16xi32>
    %swap3A_1043 = arith.constant 416 : index
    %swap3A_1044 = tpu.vector_load %arg17[%swap3A_1043] {strides = array<i32>} : memref<512xi32, #tpu.memory_space<vmem>>, vector<16xi32>,
    tpu.vector_store %arg17[%swap3A_1043], %add3A_1042 {strides = array<i32>} : memref<512xi32, #tpu.memory_space<vmem>>, vector<16xi32>,
    %broadcast_in_dim3A_1045 = arith.constant 431 : i32
    %broadcast_in_dim3A_1046 = vector.broadcast %broadcast_in_dim3A_1045 : i32 to vector<16xi32>
    %gather3A_1047 = tpu.vector_load_idx %arg17[%broadcast_in_dim3A_1046] : memref<512xi32, #tpu.memory_space<vmem>>[vector<16xi32>], vector<16xi32>,
    %get3A_1048 = arith.constant 432 : index
    %get3A_1049 = tpu.vector_load %arg15[%get3A_1048] {strides = array<i32>} : memref<512xf32, #tpu.memory_space<vmem>>, vector<16xf32>,
    %ne3A_1050 = arith.cmpf one, %get3A_1049, %broadcast_in_dim3A_13 : vector<16xf32>
    %get3A_1051 = arith.constant 432 : index
    %get3A_1052 = tpu.vector_load %arg11[%get3A_1051] {strides = array<i32>} : memref<512xf32, #tpu.memory_space<vmem>>, vector<16xf32>,
    %select_n3A_1053 = arith.select %ne3A_1050, %get3A_1052, %broadcast_in_dim3A_11 : vector<16xi1>, vector<16xf32>
    %get3A_1054 = arith.constant 432 : index
    %get3A_1055 = tpu.vector_load %arg12[%get3A_1054] {strides = array<i32>} : memref<512xf32, #tpu.memory_space<vmem>>, vector<16xf32>,
    %select_n3A_1056 = arith.select %ne3A_1050, %get3A_1055, %broadcast_in_dim3A_11 : vector<16xi1>, vector<16xf32>
    %get3A_1057 = arith.constant 432 : index
    %get3A_1058 = tpu.vector_load %arg13[%get3A_1057] {strides = array<i32>} : memref<512xf32, #tpu.memory_space<vmem>>, vector<16xf32>,
    %select_n3A_1059 = arith.select %ne3A_1050, %get3A_1058, %broadcast_in_dim3A_11 : vector<16xi1>, vector<16xf32>
    %get3A_1060 = arith.constant 432 : index
    %get3A_1061 = tpu.vector_load %arg14[%get3A_1060] {strides = array<i32>} : memref<512xf32, #tpu.memory_space<vmem>>, vector<16xf32>,
    %select_n3A_1062 = arith.select %ne3A_1050, %get3A_1061, %broadcast_in_dim3A_11 : vector<16xi1>, vector<16xf32>
    %swap3A_1063 = arith.constant 432 : index
    %swap3A_1064 = tpu.vector_load %arg11[%swap3A_1063] {strides = array<i32>} : memref<512xf32, #tpu.memory_space<vmem>>, vector<16xf32>,
    tpu.vector_store %arg11[%swap3A_1063], %select_n3A_1053 {strides = array<i32>} : memref<512xf32, #tpu.memory_space<vmem>>, vector<16xf32>,
    %swap3A_1065 = arith.constant 432 : index
    %swap3A_1066 = tpu.vector_load %arg12[%swap3A_1065] {strides = array<i32>} : memref<512xf32, #tpu.memory_space<vmem>>, vector<16xf32>,
    tpu.vector_store %arg12[%swap3A_1065], %select_n3A_1056 {strides = array<i32>} : memref<512xf32, #tpu.memory_space<vmem>>, vector<16xf32>,
    %swap3A_1067 = arith.constant 432 : index
    %swap3A_1068 = tpu.vector_load %arg13[%swap3A_1067] {strides = array<i32>} : memref<512xf32, #tpu.memory_space<vmem>>, vector<16xf32>,
    tpu.vector_store %arg13[%swap3A_1067], %select_n3A_1059 {strides = array<i32>} : memref<512xf32, #tpu.memory_space<vmem>>, vector<16xf32>,
    %swap3A_1069 = arith.constant 432 : index
    %swap3A_1070 = tpu.vector_load %arg14[%swap3A_1069] {strides = array<i32>} : memref<512xf32, #tpu.memory_space<vmem>>, vector<16xf32>,
    tpu.vector_store %arg14[%swap3A_1069], %select_n3A_1062 {strides = array<i32>} : memref<512xf32, #tpu.memory_space<vmem>>, vector<16xf32>,
    %sub3A_1071 = arith.subf %select_n3A_1059, %select_n3A_1053 : vector<16xf32>
    %sub3A_1072 = arith.subf %select_n3A_1062, %select_n3A_1056 : vector<16xf32>
    %mul3A_1073 = arith.mulf %sub3A_1071, %sub3A_1072 : vector<16xf32>
    %swap3A_1074 = arith.constant 432 : index
    %swap3A_1075 = tpu.vector_load %arg16[%swap3A_1074] {strides = array<i32>} : memref<512xf32, #tpu.memory_space<vmem>>, vector<16xf32>,
    tpu.vector_store %arg16[%swap3A_1074], %mul3A_1073 {strides = array<i32>} : memref<512xf32, #tpu.memory_space<vmem>>, vector<16xf32>,
    %select_n3A_1076 = arith.select %ne3A_1050, %broadcast_in_dim3A_23, %broadcast_in_dim3A_27 : vector<16xi1>, vector<16xi32>
    %cumsum3A_1077 = arith.constant true
    %cumsum3A_1078 = vector.broadcast %cumsum3A_1077 : i1 to vector<16xi1>
    %cumsum3A_1079 = tpu.scan <sum>, %select_n3A_1076 masked %cumsum3A_1078 : vector<16xi32>, vector<16xi1> -> vector<16xi32>
    %add3A_1080 = arith.addi %cumsum3A_1079, %gather3A_1047 : vector<16xi32>
    %swap3A_1081 = arith.constant 432 : index
    %swap3A_1082 = tpu.vector_load %arg17[%swap3A_1081] {strides = array<i32>} : memref<512xi32, #tpu.memory_space<vmem>>, vector<16xi32>,
    tpu.vector_store %arg17[%swap3A_1081], %add3A_1080 {strides = array<i32>} : memref<512xi32, #tpu.memory_space<vmem>>, vector<16xi32>,
    %broadcast_in_dim3A_1083 = arith.constant 447 : i32
    %broadcast_in_dim3A_1084 = vector.broadcast %broadcast_in_dim3A_1083 : i32 to vector<16xi32>
    %gather3A_1085 = tpu.vector_load_idx %arg17[%broadcast_in_dim3A_1084] : memref<512xi32, #tpu.memory_space<vmem>>[vector<16xi32>], vector<16xi32>,
    %get3A_1086 = arith.constant 448 : index
    %get3A_1087 = tpu.vector_load %arg15[%get3A_1086] {strides = array<i32>} : memref<512xf32, #tpu.memory_space<vmem>>, vector<16xf32>,
    %ne3A_1088 = arith.cmpf one, %get3A_1087, %broadcast_in_dim3A_13 : vector<16xf32>
    %get3A_1089 = arith.constant 448 : index
    %get3A_1090 = tpu.vector_load %arg11[%get3A_1089] {strides = array<i32>} : memref<512xf32, #tpu.memory_space<vmem>>, vector<16xf32>,
    %select_n3A_1091 = arith.select %ne3A_1088, %get3A_1090, %broadcast_in_dim3A_11 : vector<16xi1>, vector<16xf32>
    %get3A_1092 = arith.constant 448 : index
    %get3A_1093 = tpu.vector_load %arg12[%get3A_1092] {strides = array<i32>} : memref<512xf32, #tpu.memory_space<vmem>>, vector<16xf32>,
    %select_n3A_1094 = arith.select %ne3A_1088, %get3A_1093, %broadcast_in_dim3A_11 : vector<16xi1>, vector<16xf32>
    %get3A_1095 = arith.constant 448 : index
    %get3A_1096 = tpu.vector_load %arg13[%get3A_1095] {strides = array<i32>} : memref<512xf32, #tpu.memory_space<vmem>>, vector<16xf32>,
    %select_n3A_1097 = arith.select %ne3A_1088, %get3A_1096, %broadcast_in_dim3A_11 : vector<16xi1>, vector<16xf32>
    %get3A_1098 = arith.constant 448 : index
    %get3A_1099 = tpu.vector_load %arg14[%get3A_1098] {strides = array<i32>} : memref<512xf32, #tpu.memory_space<vmem>>, vector<16xf32>,
    %select_n3A_1100 = arith.select %ne3A_1088, %get3A_1099, %broadcast_in_dim3A_11 : vector<16xi1>, vector<16xf32>
    %swap3A_1101 = arith.constant 448 : index
    %swap3A_1102 = tpu.vector_load %arg11[%swap3A_1101] {strides = array<i32>} : memref<512xf32, #tpu.memory_space<vmem>>, vector<16xf32>,
    tpu.vector_store %arg11[%swap3A_1101], %select_n3A_1091 {strides = array<i32>} : memref<512xf32, #tpu.memory_space<vmem>>, vector<16xf32>,
    %swap3A_1103 = arith.constant 448 : index
    %swap3A_1104 = tpu.vector_load %arg12[%swap3A_1103] {strides = array<i32>} : memref<512xf32, #tpu.memory_space<vmem>>, vector<16xf32>,
    tpu.vector_store %arg12[%swap3A_1103], %select_n3A_1094 {strides = array<i32>} : memref<512xf32, #tpu.memory_space<vmem>>, vector<16xf32>,
    %swap3A_1105 = arith.constant 448 : index
    %swap3A_1106 = tpu.vector_load %arg13[%swap3A_1105] {strides = array<i32>} : memref<512xf32, #tpu.memory_space<vmem>>, vector<16xf32>,
    tpu.vector_store %arg13[%swap3A_1105], %select_n3A_1097 {strides = array<i32>} : memref<512xf32, #tpu.memory_space<vmem>>, vector<16xf32>,
    %swap3A_1107 = arith.constant 448 : index
    %swap3A_1108 = tpu.vector_load %arg14[%swap3A_1107] {strides = array<i32>} : memref<512xf32, #tpu.memory_space<vmem>>, vector<16xf32>,
    tpu.vector_store %arg14[%swap3A_1107], %select_n3A_1100 {strides = array<i32>} : memref<512xf32, #tpu.memory_space<vmem>>, vector<16xf32>,
    %sub3A_1109 = arith.subf %select_n3A_1097, %select_n3A_1091 : vector<16xf32>
    %sub3A_1110 = arith.subf %select_n3A_1100, %select_n3A_1094 : vector<16xf32>
    %mul3A_1111 = arith.mulf %sub3A_1109, %sub3A_1110 : vector<16xf32>
    %swap3A_1112 = arith.constant 448 : index
    %swap3A_1113 = tpu.vector_load %arg16[%swap3A_1112] {strides = array<i32>} : memref<512xf32, #tpu.memory_space<vmem>>, vector<16xf32>,
    tpu.vector_store %arg16[%swap3A_1112], %mul3A_1111 {strides = array<i32>} : memref<512xf32, #tpu.memory_space<vmem>>, vector<16xf32>,
    %select_n3A_1114 = arith.select %ne3A_1088, %broadcast_in_dim3A_23, %broadcast_in_dim3A_27 : vector<16xi1>, vector<16xi32>
    %cumsum3A_1115 = arith.constant true
    %cumsum3A_1116 = vector.broadcast %cumsum3A_1115 : i1 to vector<16xi1>
    %cumsum3A_1117 = tpu.scan <sum>, %select_n3A_1114 masked %cumsum3A_1116 : vector<16xi32>, vector<16xi1> -> vector<16xi32>
    %add3A_1118 = arith.addi %cumsum3A_1117, %gather3A_1085 : vector<16xi32>
    %swap3A_1119 = arith.constant 448 : index
    %swap3A_1120 = tpu.vector_load %arg17[%swap3A_1119] {strides = array<i32>} : memref<512xi32, #tpu.memory_space<vmem>>, vector<16xi32>,
    tpu.vector_store %arg17[%swap3A_1119], %add3A_1118 {strides = array<i32>} : memref<512xi32, #tpu.memory_space<vmem>>, vector<16xi32>,
    %broadcast_in_dim3A_1121 = arith.constant 463 : i32
    %broadcast_in_dim3A_1122 = vector.broadcast %broadcast_in_dim3A_1121 : i32 to vector<16xi32>
    %gather3A_1123 = tpu.vector_load_idx %arg17[%broadcast_in_dim3A_1122] : memref<512xi32, #tpu.memory_space<vmem>>[vector<16xi32>], vector<16xi32>,
    %get3A_1124 = arith.constant 464 : index
    %get3A_1125 = tpu.vector_load %arg15[%get3A_1124] {strides = array<i32>} : memref<512xf32, #tpu.memory_space<vmem>>, vector<16xf32>,
    %ne3A_1126 = arith.cmpf one, %get3A_1125, %broadcast_in_dim3A_13 : vector<16xf32>
    %get3A_1127 = arith.constant 464 : index
    %get3A_1128 = tpu.vector_load %arg11[%get3A_1127] {strides = array<i32>} : memref<512xf32, #tpu.memory_space<vmem>>, vector<16xf32>,
    %select_n3A_1129 = arith.select %ne3A_1126, %get3A_1128, %broadcast_in_dim3A_11 : vector<16xi1>, vector<16xf32>
    %get3A_1130 = arith.constant 464 : index
    %get3A_1131 = tpu.vector_load %arg12[%get3A_1130] {strides = array<i32>} : memref<512xf32, #tpu.memory_space<vmem>>, vector<16xf32>,
    %select_n3A_1132 = arith.select %ne3A_1126, %get3A_1131, %broadcast_in_dim3A_11 : vector<16xi1>, vector<16xf32>
    %get3A_1133 = arith.constant 464 : index
    %get3A_1134 = tpu.vector_load %arg13[%get3A_1133] {strides = array<i32>} : memref<512xf32, #tpu.memory_space<vmem>>, vector<16xf32>,
    %select_n3A_1135 = arith.select %ne3A_1126, %get3A_1134, %broadcast_in_dim3A_11 : vector<16xi1>, vector<16xf32>
    %get3A_1136 = arith.constant 464 : index
    %get3A_1137 = tpu.vector_load %arg14[%get3A_1136] {strides = array<i32>} : memref<512xf32, #tpu.memory_space<vmem>>, vector<16xf32>,
    %select_n3A_1138 = arith.select %ne3A_1126, %get3A_1137, %broadcast_in_dim3A_11 : vector<16xi1>, vector<16xf32>
    %swap3A_1139 = arith.constant 464 : index
    %swap3A_1140 = tpu.vector_load %arg11[%swap3A_1139] {strides = array<i32>} : memref<512xf32, #tpu.memory_space<vmem>>, vector<16xf32>,
    tpu.vector_store %arg11[%swap3A_1139], %select_n3A_1129 {strides = array<i32>} : memref<512xf32, #tpu.memory_space<vmem>>, vector<16xf32>,
    %swap3A_1141 = arith.constant 464 : index
    %swap3A_1142 = tpu.vector_load %arg12[%swap3A_1141] {strides = array<i32>} : memref<512xf32, #tpu.memory_space<vmem>>, vector<16xf32>,
    tpu.vector_store %arg12[%swap3A_1141], %select_n3A_1132 {strides = array<i32>} : memref<512xf32, #tpu.memory_space<vmem>>, vector<16xf32>,
    %swap3A_1143 = arith.constant 464 : index
    %swap3A_1144 = tpu.vector_load %arg13[%swap3A_1143] {strides = array<i32>} : memref<512xf32, #tpu.memory_space<vmem>>, vector<16xf32>,
    tpu.vector_store %arg13[%swap3A_1143], %select_n3A_1135 {strides = array<i32>} : memref<512xf32, #tpu.memory_space<vmem>>, vector<16xf32>,
    %swap3A_1145 = arith.constant 464 : index
    %swap3A_1146 = tpu.vector_load %arg14[%swap3A_1145] {strides = array<i32>} : memref<512xf32, #tpu.memory_space<vmem>>, vector<16xf32>,
    tpu.vector_store %arg14[%swap3A_1145], %select_n3A_1138 {strides = array<i32>} : memref<512xf32, #tpu.memory_space<vmem>>, vector<16xf32>,
    %sub3A_1147 = arith.subf %select_n3A_1135, %select_n3A_1129 : vector<16xf32>
    %sub3A_1148 = arith.subf %select_n3A_1138, %select_n3A_1132 : vector<16xf32>
    %mul3A_1149 = arith.mulf %sub3A_1147, %sub3A_1148 : vector<16xf32>
    %swap3A_1150 = arith.constant 464 : index
    %swap3A_1151 = tpu.vector_load %arg16[%swap3A_1150] {strides = array<i32>} : memref<512xf32, #tpu.memory_space<vmem>>, vector<16xf32>,
    tpu.vector_store %arg16[%swap3A_1150], %mul3A_1149 {strides = array<i32>} : memref<512xf32, #tpu.memory_space<vmem>>, vector<16xf32>,
    %select_n3A_1152 = arith.select %ne3A_1126, %broadcast_in_dim3A_23, %broadcast_in_dim3A_27 : vector<16xi1>, vector<16xi32>
    %cumsum3A_1153 = arith.constant true
    %cumsum3A_1154 = vector.broadcast %cumsum3A_1153 : i1 to vector<16xi1>
    %cumsum3A_1155 = tpu.scan <sum>, %select_n3A_1152 masked %cumsum3A_1154 : vector<16xi32>, vector<16xi1> -> vector<16xi32>
    %add3A_1156 = arith.addi %cumsum3A_1155, %gather3A_1123 : vector<16xi32>
    %swap3A_1157 = arith.constant 464 : index
    %swap3A_1158 = tpu.vector_load %arg17[%swap3A_1157] {strides = array<i32>} : memref<512xi32, #tpu.memory_space<vmem>>, vector<16xi32>,
    tpu.vector_store %arg17[%swap3A_1157], %add3A_1156 {strides = array<i32>} : memref<512xi32, #tpu.memory_space<vmem>>, vector<16xi32>,
    %broadcast_in_dim3A_1159 = arith.constant 479 : i32
    %broadcast_in_dim3A_1160 = vector.broadcast %broadcast_in_dim3A_1159 : i32 to vector<16xi32>
    %gather3A_1161 = tpu.vector_load_idx %arg17[%broadcast_in_dim3A_1160] : memref<512xi32, #tpu.memory_space<vmem>>[vector<16xi32>], vector<16xi32>,
    %get3A_1162 = arith.constant 480 : index
    %get3A_1163 = tpu.vector_load %arg15[%get3A_1162] {strides = array<i32>} : memref<512xf32, #tpu.memory_space<vmem>>, vector<16xf32>,
    %ne3A_1164 = arith.cmpf one, %get3A_1163, %broadcast_in_dim3A_13 : vector<16xf32>
    %get3A_1165 = arith.constant 480 : index
    %get3A_1166 = tpu.vector_load %arg11[%get3A_1165] {strides = array<i32>} : memref<512xf32, #tpu.memory_space<vmem>>, vector<16xf32>,
    %select_n3A_1167 = arith.select %ne3A_1164, %get3A_1166, %broadcast_in_dim3A_11 : vector<16xi1>, vector<16xf32>
    %get3A_1168 = arith.constant 480 : index
    %get3A_1169 = tpu.vector_load %arg12[%get3A_1168] {strides = array<i32>} : memref<512xf32, #tpu.memory_space<vmem>>, vector<16xf32>,
    %select_n3A_1170 = arith.select %ne3A_1164, %get3A_1169, %broadcast_in_dim3A_11 : vector<16xi1>, vector<16xf32>
    %get3A_1171 = arith.constant 480 : index
    %get3A_1172 = tpu.vector_load %arg13[%get3A_1171] {strides = array<i32>} : memref<512xf32, #tpu.memory_space<vmem>>, vector<16xf32>,
    %select_n3A_1173 = arith.select %ne3A_1164, %get3A_1172, %broadcast_in_dim3A_11 : vector<16xi1>, vector<16xf32>
    %get3A_1174 = arith.constant 480 : index
    %get3A_1175 = tpu.vector_load %arg14[%get3A_1174] {strides = array<i32>} : memref<512xf32, #tpu.memory_space<vmem>>, vector<16xf32>,
    %select_n3A_1176 = arith.select %ne3A_1164, %get3A_1175, %broadcast_in_dim3A_11 : vector<16xi1>, vector<16xf32>
    %swap3A_1177 = arith.constant 480 : index
    %swap3A_1178 = tpu.vector_load %arg11[%swap3A_1177] {strides = array<i32>} : memref<512xf32, #tpu.memory_space<vmem>>, vector<16xf32>,
    tpu.vector_store %arg11[%swap3A_1177], %select_n3A_1167 {strides = array<i32>} : memref<512xf32, #tpu.memory_space<vmem>>, vector<16xf32>,
    %swap3A_1179 = arith.constant 480 : index
    %swap3A_1180 = tpu.vector_load %arg12[%swap3A_1179] {strides = array<i32>} : memref<512xf32, #tpu.memory_space<vmem>>, vector<16xf32>,
    tpu.vector_store %arg12[%swap3A_1179], %select_n3A_1170 {strides = array<i32>} : memref<512xf32, #tpu.memory_space<vmem>>, vector<16xf32>,
    %swap3A_1181 = arith.constant 480 : index
    %swap3A_1182 = tpu.vector_load %arg13[%swap3A_1181] {strides = array<i32>} : memref<512xf32, #tpu.memory_space<vmem>>, vector<16xf32>,
    tpu.vector_store %arg13[%swap3A_1181], %select_n3A_1173 {strides = array<i32>} : memref<512xf32, #tpu.memory_space<vmem>>, vector<16xf32>,
    %swap3A_1183 = arith.constant 480 : index
    %swap3A_1184 = tpu.vector_load %arg14[%swap3A_1183] {strides = array<i32>} : memref<512xf32, #tpu.memory_space<vmem>>, vector<16xf32>,
    tpu.vector_store %arg14[%swap3A_1183], %select_n3A_1176 {strides = array<i32>} : memref<512xf32, #tpu.memory_space<vmem>>, vector<16xf32>,
    %sub3A_1185 = arith.subf %select_n3A_1173, %select_n3A_1167 : vector<16xf32>
    %sub3A_1186 = arith.subf %select_n3A_1176, %select_n3A_1170 : vector<16xf32>
    %mul3A_1187 = arith.mulf %sub3A_1185, %sub3A_1186 : vector<16xf32>
    %swap3A_1188 = arith.constant 480 : index
    %swap3A_1189 = tpu.vector_load %arg16[%swap3A_1188] {strides = array<i32>} : memref<512xf32, #tpu.memory_space<vmem>>, vector<16xf32>,
    tpu.vector_store %arg16[%swap3A_1188], %mul3A_1187 {strides = array<i32>} : memref<512xf32, #tpu.memory_space<vmem>>, vector<16xf32>,
    %select_n3A_1190 = arith.select %ne3A_1164, %broadcast_in_dim3A_23, %broadcast_in_dim3A_27 : vector<16xi1>, vector<16xi32>
    %cumsum3A_1191 = arith.constant true
    %cumsum3A_1192 = vector.broadcast %cumsum3A_1191 : i1 to vector<16xi1>
    %cumsum3A_1193 = tpu.scan <sum>, %select_n3A_1190 masked %cumsum3A_1192 : vector<16xi32>, vector<16xi1> -> vector<16xi32>
    %add3A_1194 = arith.addi %cumsum3A_1193, %gather3A_1161 : vector<16xi32>
    %swap3A_1195 = arith.constant 480 : index
    %swap3A_1196 = tpu.vector_load %arg17[%swap3A_1195] {strides = array<i32>} : memref<512xi32, #tpu.memory_space<vmem>>, vector<16xi32>,
    tpu.vector_store %arg17[%swap3A_1195], %add3A_1194 {strides = array<i32>} : memref<512xi32, #tpu.memory_space<vmem>>, vector<16xi32>,
    %broadcast_in_dim3A_1197 = arith.constant 495 : i32
    %broadcast_in_dim3A_1198 = vector.broadcast %broadcast_in_dim3A_1197 : i32 to vector<16xi32>
    %gather3A_1199 = tpu.vector_load_idx %arg17[%broadcast_in_dim3A_1198] : memref<512xi32, #tpu.memory_space<vmem>>[vector<16xi32>], vector<16xi32>,
    %get3A_1200 = arith.constant 496 : index
    %get3A_1201 = tpu.vector_load %arg15[%get3A_1200] {strides = array<i32>} : memref<512xf32, #tpu.memory_space<vmem>>, vector<16xf32>,
    %ne3A_1202 = arith.cmpf one, %get3A_1201, %broadcast_in_dim3A_13 : vector<16xf32>
    %get3A_1203 = arith.constant 496 : index
    %get3A_1204 = tpu.vector_load %arg11[%get3A_1203] {strides = array<i32>} : memref<512xf32, #tpu.memory_space<vmem>>, vector<16xf32>,
    %select_n3A_1205 = arith.select %ne3A_1202, %get3A_1204, %broadcast_in_dim3A_11 : vector<16xi1>, vector<16xf32>
    %get3A_1206 = arith.constant 496 : index
    %get3A_1207 = tpu.vector_load %arg12[%get3A_1206] {strides = array<i32>} : memref<512xf32, #tpu.memory_space<vmem>>, vector<16xf32>,
    %select_n3A_1208 = arith.select %ne3A_1202, %get3A_1207, %broadcast_in_dim3A_11 : vector<16xi1>, vector<16xf32>
    %get3A_1209 = arith.constant 496 : index
    %get3A_1210 = tpu.vector_load %arg13[%get3A_1209] {strides = array<i32>} : memref<512xf32, #tpu.memory_space<vmem>>, vector<16xf32>,
    %select_n3A_1211 = arith.select %ne3A_1202, %get3A_1210, %broadcast_in_dim3A_11 : vector<16xi1>, vector<16xf32>
    %get3A_1212 = arith.constant 496 : index
    %get3A_1213 = tpu.vector_load %arg14[%get3A_1212] {strides = array<i32>} : memref<512xf32, #tpu.memory_space<vmem>>, vector<16xf32>,
    %select_n3A_1214 = arith.select %ne3A_1202, %get3A_1213, %broadcast_in_dim3A_11 : vector<16xi1>, vector<16xf32>
    %swap3A_1215 = arith.constant 496 : index
    %swap3A_1216 = tpu.vector_load %arg11[%swap3A_1215] {strides = array<i32>} : memref<512xf32, #tpu.memory_space<vmem>>, vector<16xf32>,
    tpu.vector_store %arg11[%swap3A_1215], %select_n3A_1205 {strides = array<i32>} : memref<512xf32, #tpu.memory_space<vmem>>, vector<16xf32>,
    %swap3A_1217 = arith.constant 496 : index
    %swap3A_1218 = tpu.vector_load %arg12[%swap3A_1217] {strides = array<i32>} : memref<512xf32, #tpu.memory_space<vmem>>, vector<16xf32>,
    tpu.vector_store %arg12[%swap3A_1217], %select_n3A_1208 {strides = array<i32>} : memref<512xf32, #tpu.memory_space<vmem>>, vector<16xf32>,
    %swap3A_1219 = arith.constant 496 : index
    %swap3A_1220 = tpu.vector_load %arg13[%swap3A_1219] {strides = array<i32>} : memref<512xf32, #tpu.memory_space<vmem>>, vector<16xf32>,
    tpu.vector_store %arg13[%swap3A_1219], %select_n3A_1211 {strides = array<i32>} : memref<512xf32, #tpu.memory_space<vmem>>, vector<16xf32>,
    %swap3A_1221 = arith.constant 496 : index
    %swap3A_1222 = tpu.vector_load %arg14[%swap3A_1221] {strides = array<i32>} : memref<512xf32, #tpu.memory_space<vmem>>, vector<16xf32>,
    tpu.vector_store %arg14[%swap3A_1221], %select_n3A_1214 {strides = array<i32>} : memref<512xf32, #tpu.memory_space<vmem>>, vector<16xf32>,
    %sub3A_1223 = arith.subf %select_n3A_1211, %select_n3A_1205 : vector<16xf32>
    %sub3A_1224 = arith.subf %select_n3A_1214, %select_n3A_1208 : vector<16xf32>
    %mul3A_1225 = arith.mulf %sub3A_1223, %sub3A_1224 : vector<16xf32>
    %swap3A_1226 = arith.constant 496 : index
    %swap3A_1227 = tpu.vector_load %arg16[%swap3A_1226] {strides = array<i32>} : memref<512xf32, #tpu.memory_space<vmem>>, vector<16xf32>,
    tpu.vector_store %arg16[%swap3A_1226], %mul3A_1225 {strides = array<i32>} : memref<512xf32, #tpu.memory_space<vmem>>, vector<16xf32>,
    %select_n3A_1228 = arith.select %ne3A_1202, %broadcast_in_dim3A_23, %broadcast_in_dim3A_27 : vector<16xi1>, vector<16xi32>
    %cumsum3A_1229 = arith.constant true
    %cumsum3A_1230 = vector.broadcast %cumsum3A_1229 : i1 to vector<16xi1>
    %cumsum3A_1231 = tpu.scan <sum>, %select_n3A_1228 masked %cumsum3A_1230 : vector<16xi32>, vector<16xi1> -> vector<16xi32>
    %add3A_1232 = arith.addi %cumsum3A_1231, %gather3A_1199 : vector<16xi32>
    %swap3A_1233 = arith.constant 496 : index
    %swap3A_1234 = tpu.vector_load %arg17[%swap3A_1233] {strides = array<i32>} : memref<512xi32, #tpu.memory_space<vmem>>, vector<16xi32>,
    tpu.vector_store %arg17[%swap3A_1233], %add3A_1232 {strides = array<i32>} : memref<512xi32, #tpu.memory_space<vmem>>, vector<16xi32>,
    %broadcast_in_dim3A_1235 = arith.constant 511 : i32
    %broadcast_in_dim3A_1236 = vector.broadcast %broadcast_in_dim3A_1235 : i32 to vector<16xi32>
    %gather3A_1237 = tpu.vector_load_idx %arg17[%broadcast_in_dim3A_1236] : memref<512xi32, #tpu.memory_space<vmem>>[vector<16xi32>], vector<16xi32>,
    %get3A_1238 = arith.constant 0 : index
    %get3A_1239 = tpu.vector_load %arg7[%get3A_1238] {strides = array<i32>} : memref<256xf32, #tpu.memory_space<vmem>>, vector<16xf32>,
    %get3A_1240 = arith.constant 0 : index
    %get3A_1241 = tpu.vector_load %arg8[%get3A_1240] {strides = array<i32>} : memref<256xf32, #tpu.memory_space<vmem>>, vector<16xf32>,
    %get3A_1242 = arith.constant 0 : index
    %get3A_1243 = tpu.vector_load %arg9[%get3A_1242] {strides = array<i32>} : memref<256xf32, #tpu.memory_space<vmem>>, vector<16xf32>,
    %get3A_1244 = arith.constant 0 : index
    %get3A_1245 = tpu.vector_load %arg10[%get3A_1244] {strides = array<i32>} : memref<256xf32, #tpu.memory_space<vmem>>, vector<16xf32>,
    %sub3A_1246 = arith.subf %get3A_1243, %get3A_1239 : vector<16xf32>
    %sub3A_1247 = arith.subf %get3A_1245, %get3A_1241 : vector<16xf32>
    %mul3A_1248 = arith.mulf %sub3A_1246, %sub3A_1247 : vector<16xf32>
    %get3A_1249 = arith.constant 16 : index
    %get3A_1250 = tpu.vector_load %arg7[%get3A_1249] {strides = array<i32>} : memref<256xf32, #tpu.memory_space<vmem>>, vector<16xf32>,
    %get3A_1251 = arith.constant 16 : index
    %get3A_1252 = tpu.vector_load %arg8[%get3A_1251] {strides = array<i32>} : memref<256xf32, #tpu.memory_space<vmem>>, vector<16xf32>,
    %get3A_1253 = arith.constant 16 : index
    %get3A_1254 = tpu.vector_load %arg9[%get3A_1253] {strides = array<i32>} : memref<256xf32, #tpu.memory_space<vmem>>, vector<16xf32>,
    %get3A_1255 = arith.constant 16 : index
    %get3A_1256 = tpu.vector_load %arg10[%get3A_1255] {strides = array<i32>} : memref<256xf32, #tpu.memory_space<vmem>>, vector<16xf32>,
    %sub3A_1257 = arith.subf %get3A_1254, %get3A_1250 : vector<16xf32>
    %sub3A_1258 = arith.subf %get3A_1256, %get3A_1252 : vector<16xf32>
    %mul3A_1259 = arith.mulf %sub3A_1257, %sub3A_1258 : vector<16xf32>
    %get3A_1260 = arith.constant 32 : index
    %get3A_1261 = tpu.vector_load %arg7[%get3A_1260] {strides = array<i32>} : memref<256xf32, #tpu.memory_space<vmem>>, vector<16xf32>,
    %get3A_1262 = arith.constant 32 : index
    %get3A_1263 = tpu.vector_load %arg8[%get3A_1262] {strides = array<i32>} : memref<256xf32, #tpu.memory_space<vmem>>, vector<16xf32>,
    %get3A_1264 = arith.constant 32 : index
    %get3A_1265 = tpu.vector_load %arg9[%get3A_1264] {strides = array<i32>} : memref<256xf32, #tpu.memory_space<vmem>>, vector<16xf32>,
    %get3A_1266 = arith.constant 32 : index
    %get3A_1267 = tpu.vector_load %arg10[%get3A_1266] {strides = array<i32>} : memref<256xf32, #tpu.memory_space<vmem>>, vector<16xf32>,
    %sub3A_1268 = arith.subf %get3A_1265, %get3A_1261 : vector<16xf32>
    %sub3A_1269 = arith.subf %get3A_1267, %get3A_1263 : vector<16xf32>
    %mul3A_1270 = arith.mulf %sub3A_1268, %sub3A_1269 : vector<16xf32>
    %get3A_1271 = arith.constant 48 : index
    %get3A_1272 = tpu.vector_load %arg7[%get3A_1271] {strides = array<i32>} : memref<256xf32, #tpu.memory_space<vmem>>, vector<16xf32>,
    %get3A_1273 = arith.constant 48 : index
    %get3A_1274 = tpu.vector_load %arg8[%get3A_1273] {strides = array<i32>} : memref<256xf32, #tpu.memory_space<vmem>>, vector<16xf32>,
    %get3A_1275 = arith.constant 48 : index
    %get3A_1276 = tpu.vector_load %arg9[%get3A_1275] {strides = array<i32>} : memref<256xf32, #tpu.memory_space<vmem>>, vector<16xf32>,
    %get3A_1277 = arith.constant 48 : index
    %get3A_1278 = tpu.vector_load %arg10[%get3A_1277] {strides = array<i32>} : memref<256xf32, #tpu.memory_space<vmem>>, vector<16xf32>,
    %sub3A_1279 = arith.subf %get3A_1276, %get3A_1272 : vector<16xf32>
    %sub3A_1280 = arith.subf %get3A_1278, %get3A_1274 : vector<16xf32>
    %mul3A_1281 = arith.mulf %sub3A_1279, %sub3A_1280 : vector<16xf32>
    %scan3A = arith.constant 0 : i32
    %scan3A_1282 = arith.constant 512 : i32
    %scan3A_1283 = arith.addi %scan3A, %scan3A_1282 : i32
    %scan3A_1284 = arith.constant 1 : i32
    %scan3A_1285:8 = scf.for %scan3A_1674 = %scan3A to %scan3A_1283 step %scan3A_1284 iter_args(%scan3A_1675 = %broadcast_in_dim3A_13, %scan3A_1676 = %broadcast_in_dim3A_13, %scan3A_1677 = %broadcast_in_dim3A_13, %scan3A_1678 = %broadcast_in_dim3A_13, %scan3A_1679 = %broadcast_in_dim3A_27, %scan3A_1680 = %broadcast_in_dim3A_27, %scan3A_1681 = %broadcast_in_dim3A_27, %scan3A_1682 = %broadcast_in_dim3A_27) -> (vector<16xf32>, vector<16xf32>, vector<16xf32>, vector<16xf32>, vector<16xi32>, vector<16xi32>, vector<16xi32>, vector<16xi32>)  : i32 {
      %broadcast_in_dim3A_1683 = vector.broadcast %scan3A_1674 : i32 to vector<16xi32>
      %gather3A_1684 = tpu.vector_load_idx %arg11[%broadcast_in_dim3A_1683] : memref<512xf32, #tpu.memory_space<vmem>>[vector<16xi32>], vector<16xf32>,
      %gather3A_1685 = tpu.vector_load_idx %arg12[%broadcast_in_dim3A_1683] : memref<512xf32, #tpu.memory_space<vmem>>[vector<16xi32>], vector<16xf32>,
      %gather3A_1686 = tpu.vector_load_idx %arg13[%broadcast_in_dim3A_1683] : memref<512xf32, #tpu.memory_space<vmem>>[vector<16xi32>], vector<16xf32>,
      %gather3A_1687 = tpu.vector_load_idx %arg14[%broadcast_in_dim3A_1683] : memref<512xf32, #tpu.memory_space<vmem>>[vector<16xi32>], vector<16xf32>,
      %gather3A_1688 = tpu.vector_load_idx %arg16[%broadcast_in_dim3A_1683] : memref<512xf32, #tpu.memory_space<vmem>>[vector<16xi32>], vector<16xf32>,
      %min3A = arith.minimumf %get3A_1243, %gather3A_1686 : vector<16xf32>
      %max3A = arith.maximumf %get3A_1239, %gather3A_1684 : vector<16xf32>
      %sub3A_1689 = arith.subf %min3A, %max3A : vector<16xf32>
      %max3A_1690 = arith.maximumf %sub3A_1689, %broadcast_in_dim3A_15 : vector<16xf32>
      %min3A_1691 = arith.minimumf %get3A_1245, %gather3A_1687 : vector<16xf32>
      %max3A_1692 = arith.maximumf %get3A_1241, %gather3A_1685 : vector<16xf32>
      %sub3A_1693 = arith.subf %min3A_1691, %max3A_1692 : vector<16xf32>
      %max3A_1694 = arith.maximumf %sub3A_1693, %broadcast_in_dim3A_15 : vector<16xf32>
      %mul3A_1695 = arith.mulf %max3A_1690, %max3A_1694 : vector<16xf32>
      %add3A_1696 = arith.addf %mul3A_1248, %gather3A_1688 : vector<16xf32>
      %sub3A_1697 = arith.subf %add3A_1696, %mul3A_1695 : vector<16xf32>
      %add3A_1698 = arith.addf %sub3A_1697, %broadcast_in_dim3A_17 : vector<16xf32>
      %div3A = arith.divf %mul3A_1695, %add3A_1698 : vector<16xf32>
      %gt3A_1699 = arith.cmpf ogt, %div3A, %scan3A_1675 : vector<16xf32>
      %select_n3A_1700 = arith.select %gt3A_1699, %div3A, %scan3A_1675 : vector<16xi1>, vector<16xf32>
      %select_n3A_1701 = arith.select %gt3A_1699, %broadcast_in_dim3A_1683, %scan3A_1679 : vector<16xi1>, vector<16xi32>
      %min3A_1702 = arith.minimumf %get3A_1254, %gather3A_1686 : vector<16xf32>
      %max3A_1703 = arith.maximumf %get3A_1250, %gather3A_1684 : vector<16xf32>
      %sub3A_1704 = arith.subf %min3A_1702, %max3A_1703 : vector<16xf32>
      %max3A_1705 = arith.maximumf %sub3A_1704, %broadcast_in_dim3A_15 : vector<16xf32>
      %min3A_1706 = arith.minimumf %get3A_1256, %gather3A_1687 : vector<16xf32>
      %max3A_1707 = arith.maximumf %get3A_1252, %gather3A_1685 : vector<16xf32>
      %sub3A_1708 = arith.subf %min3A_1706, %max3A_1707 : vector<16xf32>
      %max3A_1709 = arith.maximumf %sub3A_1708, %broadcast_in_dim3A_15 : vector<16xf32>
      %mul3A_1710 = arith.mulf %max3A_1705, %max3A_1709 : vector<16xf32>
      %add3A_1711 = arith.addf %mul3A_1259, %gather3A_1688 : vector<16xf32>
      %sub3A_1712 = arith.subf %add3A_1711, %mul3A_1710 : vector<16xf32>
      %add3A_1713 = arith.addf %sub3A_1712, %broadcast_in_dim3A_17 : vector<16xf32>
      %div3A_1714 = arith.divf %mul3A_1710, %add3A_1713 : vector<16xf32>
      %gt3A_1715 = arith.cmpf ogt, %div3A_1714, %scan3A_1676 : vector<16xf32>
      %select_n3A_1716 = arith.select %gt3A_1715, %div3A_1714, %scan3A_1676 : vector<16xi1>, vector<16xf32>
      %select_n3A_1717 = arith.select %gt3A_1715, %broadcast_in_dim3A_1683, %scan3A_1680 : vector<16xi1>, vector<16xi32>
      %min3A_1718 = arith.minimumf %get3A_1265, %gather3A_1686 : vector<16xf32>
      %max3A_1719 = arith.maximumf %get3A_1261, %gather3A_1684 : vector<16xf32>
      %sub3A_1720 = arith.subf %min3A_1718, %max3A_1719 : vector<16xf32>
      %max3A_1721 = arith.maximumf %sub3A_1720, %broadcast_in_dim3A_15 : vector<16xf32>
      %min3A_1722 = arith.minimumf %get3A_1267, %gather3A_1687 : vector<16xf32>
      %max3A_1723 = arith.maximumf %get3A_1263, %gather3A_1685 : vector<16xf32>
      %sub3A_1724 = arith.subf %min3A_1722, %max3A_1723 : vector<16xf32>
      %max3A_1725 = arith.maximumf %sub3A_1724, %broadcast_in_dim3A_15 : vector<16xf32>
      %mul3A_1726 = arith.mulf %max3A_1721, %max3A_1725 : vector<16xf32>
      %add3A_1727 = arith.addf %mul3A_1270, %gather3A_1688 : vector<16xf32>
      %sub3A_1728 = arith.subf %add3A_1727, %mul3A_1726 : vector<16xf32>
      %add3A_1729 = arith.addf %sub3A_1728, %broadcast_in_dim3A_17 : vector<16xf32>
      %div3A_1730 = arith.divf %mul3A_1726, %add3A_1729 : vector<16xf32>
      %gt3A_1731 = arith.cmpf ogt, %div3A_1730, %scan3A_1677 : vector<16xf32>
      %select_n3A_1732 = arith.select %gt3A_1731, %div3A_1730, %scan3A_1677 : vector<16xi1>, vector<16xf32>
      %select_n3A_1733 = arith.select %gt3A_1731, %broadcast_in_dim3A_1683, %scan3A_1681 : vector<16xi1>, vector<16xi32>
      %min3A_1734 = arith.minimumf %get3A_1276, %gather3A_1686 : vector<16xf32>
      %max3A_1735 = arith.maximumf %get3A_1272, %gather3A_1684 : vector<16xf32>
      %sub3A_1736 = arith.subf %min3A_1734, %max3A_1735 : vector<16xf32>
      %max3A_1737 = arith.maximumf %sub3A_1736, %broadcast_in_dim3A_15 : vector<16xf32>
      %min3A_1738 = arith.minimumf %get3A_1278, %gather3A_1687 : vector<16xf32>
      %max3A_1739 = arith.maximumf %get3A_1274, %gather3A_1685 : vector<16xf32>
      %sub3A_1740 = arith.subf %min3A_1738, %max3A_1739 : vector<16xf32>
      %max3A_1741 = arith.maximumf %sub3A_1740, %broadcast_in_dim3A_15 : vector<16xf32>
      %mul3A_1742 = arith.mulf %max3A_1737, %max3A_1741 : vector<16xf32>
      %add3A_1743 = arith.addf %mul3A_1281, %gather3A_1688 : vector<16xf32>
      %sub3A_1744 = arith.subf %add3A_1743, %mul3A_1742 : vector<16xf32>
      %add3A_1745 = arith.addf %sub3A_1744, %broadcast_in_dim3A_17 : vector<16xf32>
      %div3A_1746 = arith.divf %mul3A_1742, %add3A_1745 : vector<16xf32>
      %gt3A_1747 = arith.cmpf ogt, %div3A_1746, %scan3A_1678 : vector<16xf32>
      %select_n3A_1748 = arith.select %gt3A_1747, %div3A_1746, %scan3A_1678 : vector<16xi1>, vector<16xf32>
      %select_n3A_1749 = arith.select %gt3A_1747, %broadcast_in_dim3A_1683, %scan3A_1682 : vector<16xi1>, vector<16xi32>
      scf.yield %select_n3A_1700, %select_n3A_1716, %select_n3A_1732, %select_n3A_1748, %select_n3A_1701, %select_n3A_1717, %select_n3A_1733, %select_n3A_1749 : vector<16xf32>, vector<16xf32>, vector<16xf32>, vector<16xf32>, vector<16xi32>, vector<16xi32>, vector<16xi32>, vector<16xi32>
    }
    %scan3A_1286 = arith.constant 512 : i32
    %gt3A = arith.cmpf ogt, %scan3A_1285#0, %broadcast_in_dim3A_19 : vector<16xf32>
    %lt3A = arith.cmpf olt, %scan3A_1285#0, %broadcast_in_dim3A_21 : vector<16xf32>
    %gather3A_1287 = tpu.vector_load_idx %arg17[%scan3A_1285#4] : memref<512xi32, #tpu.memory_space<vmem>>[vector<16xi32>], vector<16xi32>,
    %gather3A_1288 = tpu.vector_load_idx %arg15[%scan3A_1285#4] : memref<512xf32, #tpu.memory_space<vmem>>[vector<16xi32>], vector<16xf32>,
    %convert_element_type3A = arith.fptosi %gather3A_1288 : vector<16xf32> to vector<16xi32>
    %add3A_1289 = arith.addi %gather3A_1287, %broadcast_in_dim3A_23 : vector<16xi32>
    %select_n3A_1290 = arith.select %lt3A, %broadcast_in_dim3A_27, %broadcast_in_dim3A_25 : vector<16xi1>, vector<16xi32>
    %select_n3A_1291 = arith.select %gt3A, %add3A_1289, %select_n3A_1290 : vector<16xi1>, vector<16xi32>
    %swap3A_1292 = arith.constant 0 : index
    %swap3A_1293 = tpu.vector_load %arg18[%swap3A_1292] {strides = array<i32>} : memref<256xi32, #tpu.memory_space<vmem>>, vector<16xi32>,
    tpu.vector_store %arg18[%swap3A_1292], %select_n3A_1291 {strides = array<i32>} : memref<256xi32, #tpu.memory_space<vmem>>, vector<16xi32>,
    %swap3A_1294 = arith.constant 0 : index
    %swap3A_1295 = tpu.vector_load %arg19[%swap3A_1294] {strides = array<i32>} : memref<256xf32, #tpu.memory_space<vmem>>, vector<16xf32>,
    tpu.vector_store %arg19[%swap3A_1294], %scan3A_1285#0 {strides = array<i32>} : memref<256xf32, #tpu.memory_space<vmem>>, vector<16xf32>,
    %select_n3A_1296 = arith.select %gt3A, %convert_element_type3A, %broadcast_in_dim3A_25 : vector<16xi1>, vector<16xi32>
    %swap3A_1297 = arith.constant 0 : index
    %swap3A_1298 = tpu.vector_load %arg20[%swap3A_1297] {strides = array<i32>} : memref<256xi32, #tpu.memory_space<vmem>>, vector<16xi32>,
    tpu.vector_store %arg20[%swap3A_1297], %select_n3A_1296 {strides = array<i32>} : memref<256xi32, #tpu.memory_space<vmem>>, vector<16xi32>,
    %gt3A_1299 = arith.cmpf ogt, %scan3A_1285#1, %broadcast_in_dim3A_19 : vector<16xf32>
    %lt3A_1300 = arith.cmpf olt, %scan3A_1285#1, %broadcast_in_dim3A_21 : vector<16xf32>
    %gather3A_1301 = tpu.vector_load_idx %arg17[%scan3A_1285#5] : memref<512xi32, #tpu.memory_space<vmem>>[vector<16xi32>], vector<16xi32>,
    %gather3A_1302 = tpu.vector_load_idx %arg15[%scan3A_1285#5] : memref<512xf32, #tpu.memory_space<vmem>>[vector<16xi32>], vector<16xf32>,
    %convert_element_type3A_1303 = arith.fptosi %gather3A_1302 : vector<16xf32> to vector<16xi32>
    %add3A_1304 = arith.addi %gather3A_1301, %broadcast_in_dim3A_23 : vector<16xi32>
    %select_n3A_1305 = arith.select %lt3A_1300, %broadcast_in_dim3A_27, %broadcast_in_dim3A_25 : vector<16xi1>, vector<16xi32>
    %select_n3A_1306 = arith.select %gt3A_1299, %add3A_1304, %select_n3A_1305 : vector<16xi1>, vector<16xi32>
    %swap3A_1307 = arith.constant 16 : index
    %swap3A_1308 = tpu.vector_load %arg18[%swap3A_1307] {strides = array<i32>} : memref<256xi32, #tpu.memory_space<vmem>>, vector<16xi32>,
    tpu.vector_store %arg18[%swap3A_1307], %select_n3A_1306 {strides = array<i32>} : memref<256xi32, #tpu.memory_space<vmem>>, vector<16xi32>,
    %swap3A_1309 = arith.constant 16 : index
    %swap3A_1310 = tpu.vector_load %arg19[%swap3A_1309] {strides = array<i32>} : memref<256xf32, #tpu.memory_space<vmem>>, vector<16xf32>,
    tpu.vector_store %arg19[%swap3A_1309], %scan3A_1285#1 {strides = array<i32>} : memref<256xf32, #tpu.memory_space<vmem>>, vector<16xf32>,
    %select_n3A_1311 = arith.select %gt3A_1299, %convert_element_type3A_1303, %broadcast_in_dim3A_25 : vector<16xi1>, vector<16xi32>
    %swap3A_1312 = arith.constant 16 : index
    %swap3A_1313 = tpu.vector_load %arg20[%swap3A_1312] {strides = array<i32>} : memref<256xi32, #tpu.memory_space<vmem>>, vector<16xi32>,
    tpu.vector_store %arg20[%swap3A_1312], %select_n3A_1311 {strides = array<i32>} : memref<256xi32, #tpu.memory_space<vmem>>, vector<16xi32>,
    %gt3A_1314 = arith.cmpf ogt, %scan3A_1285#2, %broadcast_in_dim3A_19 : vector<16xf32>
    %lt3A_1315 = arith.cmpf olt, %scan3A_1285#2, %broadcast_in_dim3A_21 : vector<16xf32>
    %gather3A_1316 = tpu.vector_load_idx %arg17[%scan3A_1285#6] : memref<512xi32, #tpu.memory_space<vmem>>[vector<16xi32>], vector<16xi32>,
    %gather3A_1317 = tpu.vector_load_idx %arg15[%scan3A_1285#6] : memref<512xf32, #tpu.memory_space<vmem>>[vector<16xi32>], vector<16xf32>,
    %convert_element_type3A_1318 = arith.fptosi %gather3A_1317 : vector<16xf32> to vector<16xi32>
    %add3A_1319 = arith.addi %gather3A_1316, %broadcast_in_dim3A_23 : vector<16xi32>
    %select_n3A_1320 = arith.select %lt3A_1315, %broadcast_in_dim3A_27, %broadcast_in_dim3A_25 : vector<16xi1>, vector<16xi32>
    %select_n3A_1321 = arith.select %gt3A_1314, %add3A_1319, %select_n3A_1320 : vector<16xi1>, vector<16xi32>
    %swap3A_1322 = arith.constant 32 : index
    %swap3A_1323 = tpu.vector_load %arg18[%swap3A_1322] {strides = array<i32>} : memref<256xi32, #tpu.memory_space<vmem>>, vector<16xi32>,
    tpu.vector_store %arg18[%swap3A_1322], %select_n3A_1321 {strides = array<i32>} : memref<256xi32, #tpu.memory_space<vmem>>, vector<16xi32>,
    %swap3A_1324 = arith.constant 32 : index
    %swap3A_1325 = tpu.vector_load %arg19[%swap3A_1324] {strides = array<i32>} : memref<256xf32, #tpu.memory_space<vmem>>, vector<16xf32>,
    tpu.vector_store %arg19[%swap3A_1324], %scan3A_1285#2 {strides = array<i32>} : memref<256xf32, #tpu.memory_space<vmem>>, vector<16xf32>,
    %select_n3A_1326 = arith.select %gt3A_1314, %convert_element_type3A_1318, %broadcast_in_dim3A_25 : vector<16xi1>, vector<16xi32>
    %swap3A_1327 = arith.constant 32 : index
    %swap3A_1328 = tpu.vector_load %arg20[%swap3A_1327] {strides = array<i32>} : memref<256xi32, #tpu.memory_space<vmem>>, vector<16xi32>,
    tpu.vector_store %arg20[%swap3A_1327], %select_n3A_1326 {strides = array<i32>} : memref<256xi32, #tpu.memory_space<vmem>>, vector<16xi32>,
    %gt3A_1329 = arith.cmpf ogt, %scan3A_1285#3, %broadcast_in_dim3A_19 : vector<16xf32>
    %lt3A_1330 = arith.cmpf olt, %scan3A_1285#3, %broadcast_in_dim3A_21 : vector<16xf32>
    %gather3A_1331 = tpu.vector_load_idx %arg17[%scan3A_1285#7] : memref<512xi32, #tpu.memory_space<vmem>>[vector<16xi32>], vector<16xi32>,
    %gather3A_1332 = tpu.vector_load_idx %arg15[%scan3A_1285#7] : memref<512xf32, #tpu.memory_space<vmem>>[vector<16xi32>], vector<16xf32>,
    %convert_element_type3A_1333 = arith.fptosi %gather3A_1332 : vector<16xf32> to vector<16xi32>
    %add3A_1334 = arith.addi %gather3A_1331, %broadcast_in_dim3A_23 : vector<16xi32>
    %select_n3A_1335 = arith.select %lt3A_1330, %broadcast_in_dim3A_27, %broadcast_in_dim3A_25 : vector<16xi1>, vector<16xi32>
    %select_n3A_1336 = arith.select %gt3A_1329, %add3A_1334, %select_n3A_1335 : vector<16xi1>, vector<16xi32>
    %swap3A_1337 = arith.constant 48 : index
    %swap3A_1338 = tpu.vector_load %arg18[%swap3A_1337] {strides = array<i32>} : memref<256xi32, #tpu.memory_space<vmem>>, vector<16xi32>,
    tpu.vector_store %arg18[%swap3A_1337], %select_n3A_1336 {strides = array<i32>} : memref<256xi32, #tpu.memory_space<vmem>>, vector<16xi32>,
    %swap3A_1339 = arith.constant 48 : index
    %swap3A_1340 = tpu.vector_load %arg19[%swap3A_1339] {strides = array<i32>} : memref<256xf32, #tpu.memory_space<vmem>>, vector<16xf32>,
    tpu.vector_store %arg19[%swap3A_1339], %scan3A_1285#3 {strides = array<i32>} : memref<256xf32, #tpu.memory_space<vmem>>, vector<16xf32>,
    %select_n3A_1341 = arith.select %gt3A_1329, %convert_element_type3A_1333, %broadcast_in_dim3A_25 : vector<16xi1>, vector<16xi32>
    %swap3A_1342 = arith.constant 48 : index
    %swap3A_1343 = tpu.vector_load %arg20[%swap3A_1342] {strides = array<i32>} : memref<256xi32, #tpu.memory_space<vmem>>, vector<16xi32>,
    tpu.vector_store %arg20[%swap3A_1342], %select_n3A_1341 {strides = array<i32>} : memref<256xi32, #tpu.memory_space<vmem>>, vector<16xi32>,
    %get3A_1344 = arith.constant 64 : index
    %get3A_1345 = tpu.vector_load %arg7[%get3A_1344] {strides = array<i32>} : memref<256xf32, #tpu.memory_space<vmem>>, vector<16xf32>,
    %get3A_1346 = arith.constant 64 : index
    %get3A_1347 = tpu.vector_load %arg8[%get3A_1346] {strides = array<i32>} : memref<256xf32, #tpu.memory_space<vmem>>, vector<16xf32>,
    %get3A_1348 = arith.constant 64 : index
    %get3A_1349 = tpu.vector_load %arg9[%get3A_1348] {strides = array<i32>} : memref<256xf32, #tpu.memory_space<vmem>>, vector<16xf32>,
    %get3A_1350 = arith.constant 64 : index
    %get3A_1351 = tpu.vector_load %arg10[%get3A_1350] {strides = array<i32>} : memref<256xf32, #tpu.memory_space<vmem>>, vector<16xf32>,
    %sub3A_1352 = arith.subf %get3A_1349, %get3A_1345 : vector<16xf32>
    %sub3A_1353 = arith.subf %get3A_1351, %get3A_1347 : vector<16xf32>
    %mul3A_1354 = arith.mulf %sub3A_1352, %sub3A_1353 : vector<16xf32>
    %get3A_1355 = arith.constant 80 : index
    %get3A_1356 = tpu.vector_load %arg7[%get3A_1355] {strides = array<i32>} : memref<256xf32, #tpu.memory_space<vmem>>, vector<16xf32>,
    %get3A_1357 = arith.constant 80 : index
    %get3A_1358 = tpu.vector_load %arg8[%get3A_1357] {strides = array<i32>} : memref<256xf32, #tpu.memory_space<vmem>>, vector<16xf32>,
    %get3A_1359 = arith.constant 80 : index
    %get3A_1360 = tpu.vector_load %arg9[%get3A_1359] {strides = array<i32>} : memref<256xf32, #tpu.memory_space<vmem>>, vector<16xf32>,
    %get3A_1361 = arith.constant 80 : index
    %get3A_1362 = tpu.vector_load %arg10[%get3A_1361] {strides = array<i32>} : memref<256xf32, #tpu.memory_space<vmem>>, vector<16xf32>,
    %sub3A_1363 = arith.subf %get3A_1360, %get3A_1356 : vector<16xf32>
    %sub3A_1364 = arith.subf %get3A_1362, %get3A_1358 : vector<16xf32>
    %mul3A_1365 = arith.mulf %sub3A_1363, %sub3A_1364 : vector<16xf32>
    %get3A_1366 = arith.constant 96 : index
    %get3A_1367 = tpu.vector_load %arg7[%get3A_1366] {strides = array<i32>} : memref<256xf32, #tpu.memory_space<vmem>>, vector<16xf32>,
    %get3A_1368 = arith.constant 96 : index
    %get3A_1369 = tpu.vector_load %arg8[%get3A_1368] {strides = array<i32>} : memref<256xf32, #tpu.memory_space<vmem>>, vector<16xf32>,
    %get3A_1370 = arith.constant 96 : index
    %get3A_1371 = tpu.vector_load %arg9[%get3A_1370] {strides = array<i32>} : memref<256xf32, #tpu.memory_space<vmem>>, vector<16xf32>,
    %get3A_1372 = arith.constant 96 : index
    %get3A_1373 = tpu.vector_load %arg10[%get3A_1372] {strides = array<i32>} : memref<256xf32, #tpu.memory_space<vmem>>, vector<16xf32>,
    %sub3A_1374 = arith.subf %get3A_1371, %get3A_1367 : vector<16xf32>
    %sub3A_1375 = arith.subf %get3A_1373, %get3A_1369 : vector<16xf32>
    %mul3A_1376 = arith.mulf %sub3A_1374, %sub3A_1375 : vector<16xf32>
    %get3A_1377 = arith.constant 112 : index
    %get3A_1378 = tpu.vector_load %arg7[%get3A_1377] {strides = array<i32>} : memref<256xf32, #tpu.memory_space<vmem>>, vector<16xf32>,
    %get3A_1379 = arith.constant 112 : index
    %get3A_1380 = tpu.vector_load %arg8[%get3A_1379] {strides = array<i32>} : memref<256xf32, #tpu.memory_space<vmem>>, vector<16xf32>,
    %get3A_1381 = arith.constant 112 : index
    %get3A_1382 = tpu.vector_load %arg9[%get3A_1381] {strides = array<i32>} : memref<256xf32, #tpu.memory_space<vmem>>, vector<16xf32>,
    %get3A_1383 = arith.constant 112 : index
    %get3A_1384 = tpu.vector_load %arg10[%get3A_1383] {strides = array<i32>} : memref<256xf32, #tpu.memory_space<vmem>>, vector<16xf32>,
    %sub3A_1385 = arith.subf %get3A_1382, %get3A_1378 : vector<16xf32>
    %sub3A_1386 = arith.subf %get3A_1384, %get3A_1380 : vector<16xf32>
    %mul3A_1387 = arith.mulf %sub3A_1385, %sub3A_1386 : vector<16xf32>
    %scan3A_1388 = arith.constant 0 : i32
    %scan3A_1389 = arith.constant 512 : i32
    %scan3A_1390 = arith.addi %scan3A_1388, %scan3A_1389 : i32
    %scan3A_1391 = arith.constant 1 : i32
    %scan3A_1392:8 = scf.for %scan3A_1674 = %scan3A_1388 to %scan3A_1390 step %scan3A_1391 iter_args(%scan3A_1675 = %broadcast_in_dim3A_13, %scan3A_1676 = %broadcast_in_dim3A_13, %scan3A_1677 = %broadcast_in_dim3A_13, %scan3A_1678 = %broadcast_in_dim3A_13, %scan3A_1679 = %broadcast_in_dim3A_27, %scan3A_1680 = %broadcast_in_dim3A_27, %scan3A_1681 = %broadcast_in_dim3A_27, %scan3A_1682 = %broadcast_in_dim3A_27) -> (vector<16xf32>, vector<16xf32>, vector<16xf32>, vector<16xf32>, vector<16xi32>, vector<16xi32>, vector<16xi32>, vector<16xi32>)  : i32 {
      %broadcast_in_dim3A_1683 = vector.broadcast %scan3A_1674 : i32 to vector<16xi32>
      %gather3A_1684 = tpu.vector_load_idx %arg11[%broadcast_in_dim3A_1683] : memref<512xf32, #tpu.memory_space<vmem>>[vector<16xi32>], vector<16xf32>,
      %gather3A_1685 = tpu.vector_load_idx %arg12[%broadcast_in_dim3A_1683] : memref<512xf32, #tpu.memory_space<vmem>>[vector<16xi32>], vector<16xf32>,
      %gather3A_1686 = tpu.vector_load_idx %arg13[%broadcast_in_dim3A_1683] : memref<512xf32, #tpu.memory_space<vmem>>[vector<16xi32>], vector<16xf32>,
      %gather3A_1687 = tpu.vector_load_idx %arg14[%broadcast_in_dim3A_1683] : memref<512xf32, #tpu.memory_space<vmem>>[vector<16xi32>], vector<16xf32>,
      %gather3A_1688 = tpu.vector_load_idx %arg16[%broadcast_in_dim3A_1683] : memref<512xf32, #tpu.memory_space<vmem>>[vector<16xi32>], vector<16xf32>,
      %min3A = arith.minimumf %get3A_1349, %gather3A_1686 : vector<16xf32>
      %max3A = arith.maximumf %get3A_1345, %gather3A_1684 : vector<16xf32>
      %sub3A_1689 = arith.subf %min3A, %max3A : vector<16xf32>
      %max3A_1690 = arith.maximumf %sub3A_1689, %broadcast_in_dim3A_15 : vector<16xf32>
      %min3A_1691 = arith.minimumf %get3A_1351, %gather3A_1687 : vector<16xf32>
      %max3A_1692 = arith.maximumf %get3A_1347, %gather3A_1685 : vector<16xf32>
      %sub3A_1693 = arith.subf %min3A_1691, %max3A_1692 : vector<16xf32>
      %max3A_1694 = arith.maximumf %sub3A_1693, %broadcast_in_dim3A_15 : vector<16xf32>
      %mul3A_1695 = arith.mulf %max3A_1690, %max3A_1694 : vector<16xf32>
      %add3A_1696 = arith.addf %mul3A_1354, %gather3A_1688 : vector<16xf32>
      %sub3A_1697 = arith.subf %add3A_1696, %mul3A_1695 : vector<16xf32>
      %add3A_1698 = arith.addf %sub3A_1697, %broadcast_in_dim3A_17 : vector<16xf32>
      %div3A = arith.divf %mul3A_1695, %add3A_1698 : vector<16xf32>
      %gt3A_1699 = arith.cmpf ogt, %div3A, %scan3A_1675 : vector<16xf32>
      %select_n3A_1700 = arith.select %gt3A_1699, %div3A, %scan3A_1675 : vector<16xi1>, vector<16xf32>
      %select_n3A_1701 = arith.select %gt3A_1699, %broadcast_in_dim3A_1683, %scan3A_1679 : vector<16xi1>, vector<16xi32>
      %min3A_1702 = arith.minimumf %get3A_1360, %gather3A_1686 : vector<16xf32>
      %max3A_1703 = arith.maximumf %get3A_1356, %gather3A_1684 : vector<16xf32>
      %sub3A_1704 = arith.subf %min3A_1702, %max3A_1703 : vector<16xf32>
      %max3A_1705 = arith.maximumf %sub3A_1704, %broadcast_in_dim3A_15 : vector<16xf32>
      %min3A_1706 = arith.minimumf %get3A_1362, %gather3A_1687 : vector<16xf32>
      %max3A_1707 = arith.maximumf %get3A_1358, %gather3A_1685 : vector<16xf32>
      %sub3A_1708 = arith.subf %min3A_1706, %max3A_1707 : vector<16xf32>
      %max3A_1709 = arith.maximumf %sub3A_1708, %broadcast_in_dim3A_15 : vector<16xf32>
      %mul3A_1710 = arith.mulf %max3A_1705, %max3A_1709 : vector<16xf32>
      %add3A_1711 = arith.addf %mul3A_1365, %gather3A_1688 : vector<16xf32>
      %sub3A_1712 = arith.subf %add3A_1711, %mul3A_1710 : vector<16xf32>
      %add3A_1713 = arith.addf %sub3A_1712, %broadcast_in_dim3A_17 : vector<16xf32>
      %div3A_1714 = arith.divf %mul3A_1710, %add3A_1713 : vector<16xf32>
      %gt3A_1715 = arith.cmpf ogt, %div3A_1714, %scan3A_1676 : vector<16xf32>
      %select_n3A_1716 = arith.select %gt3A_1715, %div3A_1714, %scan3A_1676 : vector<16xi1>, vector<16xf32>
      %select_n3A_1717 = arith.select %gt3A_1715, %broadcast_in_dim3A_1683, %scan3A_1680 : vector<16xi1>, vector<16xi32>
      %min3A_1718 = arith.minimumf %get3A_1371, %gather3A_1686 : vector<16xf32>
      %max3A_1719 = arith.maximumf %get3A_1367, %gather3A_1684 : vector<16xf32>
      %sub3A_1720 = arith.subf %min3A_1718, %max3A_1719 : vector<16xf32>
      %max3A_1721 = arith.maximumf %sub3A_1720, %broadcast_in_dim3A_15 : vector<16xf32>
      %min3A_1722 = arith.minimumf %get3A_1373, %gather3A_1687 : vector<16xf32>
      %max3A_1723 = arith.maximumf %get3A_1369, %gather3A_1685 : vector<16xf32>
      %sub3A_1724 = arith.subf %min3A_1722, %max3A_1723 : vector<16xf32>
      %max3A_1725 = arith.maximumf %sub3A_1724, %broadcast_in_dim3A_15 : vector<16xf32>
      %mul3A_1726 = arith.mulf %max3A_1721, %max3A_1725 : vector<16xf32>
      %add3A_1727 = arith.addf %mul3A_1376, %gather3A_1688 : vector<16xf32>
      %sub3A_1728 = arith.subf %add3A_1727, %mul3A_1726 : vector<16xf32>
      %add3A_1729 = arith.addf %sub3A_1728, %broadcast_in_dim3A_17 : vector<16xf32>
      %div3A_1730 = arith.divf %mul3A_1726, %add3A_1729 : vector<16xf32>
      %gt3A_1731 = arith.cmpf ogt, %div3A_1730, %scan3A_1677 : vector<16xf32>
      %select_n3A_1732 = arith.select %gt3A_1731, %div3A_1730, %scan3A_1677 : vector<16xi1>, vector<16xf32>
      %select_n3A_1733 = arith.select %gt3A_1731, %broadcast_in_dim3A_1683, %scan3A_1681 : vector<16xi1>, vector<16xi32>
      %min3A_1734 = arith.minimumf %get3A_1382, %gather3A_1686 : vector<16xf32>
      %max3A_1735 = arith.maximumf %get3A_1378, %gather3A_1684 : vector<16xf32>
      %sub3A_1736 = arith.subf %min3A_1734, %max3A_1735 : vector<16xf32>
      %max3A_1737 = arith.maximumf %sub3A_1736, %broadcast_in_dim3A_15 : vector<16xf32>
      %min3A_1738 = arith.minimumf %get3A_1384, %gather3A_1687 : vector<16xf32>
      %max3A_1739 = arith.maximumf %get3A_1380, %gather3A_1685 : vector<16xf32>
      %sub3A_1740 = arith.subf %min3A_1738, %max3A_1739 : vector<16xf32>
      %max3A_1741 = arith.maximumf %sub3A_1740, %broadcast_in_dim3A_15 : vector<16xf32>
      %mul3A_1742 = arith.mulf %max3A_1737, %max3A_1741 : vector<16xf32>
      %add3A_1743 = arith.addf %mul3A_1387, %gather3A_1688 : vector<16xf32>
      %sub3A_1744 = arith.subf %add3A_1743, %mul3A_1742 : vector<16xf32>
      %add3A_1745 = arith.addf %sub3A_1744, %broadcast_in_dim3A_17 : vector<16xf32>
      %div3A_1746 = arith.divf %mul3A_1742, %add3A_1745 : vector<16xf32>
      %gt3A_1747 = arith.cmpf ogt, %div3A_1746, %scan3A_1678 : vector<16xf32>
      %select_n3A_1748 = arith.select %gt3A_1747, %div3A_1746, %scan3A_1678 : vector<16xi1>, vector<16xf32>
      %select_n3A_1749 = arith.select %gt3A_1747, %broadcast_in_dim3A_1683, %scan3A_1682 : vector<16xi1>, vector<16xi32>
      scf.yield %select_n3A_1700, %select_n3A_1716, %select_n3A_1732, %select_n3A_1748, %select_n3A_1701, %select_n3A_1717, %select_n3A_1733, %select_n3A_1749 : vector<16xf32>, vector<16xf32>, vector<16xf32>, vector<16xf32>, vector<16xi32>, vector<16xi32>, vector<16xi32>, vector<16xi32>
    }
    %scan3A_1393 = arith.constant 512 : i32
    %gt3A_1394 = arith.cmpf ogt, %scan3A_1392#0, %broadcast_in_dim3A_19 : vector<16xf32>
    %lt3A_1395 = arith.cmpf olt, %scan3A_1392#0, %broadcast_in_dim3A_21 : vector<16xf32>
    %gather3A_1396 = tpu.vector_load_idx %arg17[%scan3A_1392#4] : memref<512xi32, #tpu.memory_space<vmem>>[vector<16xi32>], vector<16xi32>,
    %gather3A_1397 = tpu.vector_load_idx %arg15[%scan3A_1392#4] : memref<512xf32, #tpu.memory_space<vmem>>[vector<16xi32>], vector<16xf32>,
    %convert_element_type3A_1398 = arith.fptosi %gather3A_1397 : vector<16xf32> to vector<16xi32>
    %add3A_1399 = arith.addi %gather3A_1396, %broadcast_in_dim3A_23 : vector<16xi32>
    %select_n3A_1400 = arith.select %lt3A_1395, %broadcast_in_dim3A_27, %broadcast_in_dim3A_25 : vector<16xi1>, vector<16xi32>
    %select_n3A_1401 = arith.select %gt3A_1394, %add3A_1399, %select_n3A_1400 : vector<16xi1>, vector<16xi32>
    %swap3A_1402 = arith.constant 64 : index
    %swap3A_1403 = tpu.vector_load %arg18[%swap3A_1402] {strides = array<i32>} : memref<256xi32, #tpu.memory_space<vmem>>, vector<16xi32>,
    tpu.vector_store %arg18[%swap3A_1402], %select_n3A_1401 {strides = array<i32>} : memref<256xi32, #tpu.memory_space<vmem>>, vector<16xi32>,
    %swap3A_1404 = arith.constant 64 : index
    %swap3A_1405 = tpu.vector_load %arg19[%swap3A_1404] {strides = array<i32>} : memref<256xf32, #tpu.memory_space<vmem>>, vector<16xf32>,
    tpu.vector_store %arg19[%swap3A_1404], %scan3A_1392#0 {strides = array<i32>} : memref<256xf32, #tpu.memory_space<vmem>>, vector<16xf32>,
    %select_n3A_1406 = arith.select %gt3A_1394, %convert_element_type3A_1398, %broadcast_in_dim3A_25 : vector<16xi1>, vector<16xi32>
    %swap3A_1407 = arith.constant 64 : index
    %swap3A_1408 = tpu.vector_load %arg20[%swap3A_1407] {strides = array<i32>} : memref<256xi32, #tpu.memory_space<vmem>>, vector<16xi32>,
    tpu.vector_store %arg20[%swap3A_1407], %select_n3A_1406 {strides = array<i32>} : memref<256xi32, #tpu.memory_space<vmem>>, vector<16xi32>,
    %gt3A_1409 = arith.cmpf ogt, %scan3A_1392#1, %broadcast_in_dim3A_19 : vector<16xf32>
    %lt3A_1410 = arith.cmpf olt, %scan3A_1392#1, %broadcast_in_dim3A_21 : vector<16xf32>
    %gather3A_1411 = tpu.vector_load_idx %arg17[%scan3A_1392#5] : memref<512xi32, #tpu.memory_space<vmem>>[vector<16xi32>], vector<16xi32>,
    %gather3A_1412 = tpu.vector_load_idx %arg15[%scan3A_1392#5] : memref<512xf32, #tpu.memory_space<vmem>>[vector<16xi32>], vector<16xf32>,
    %convert_element_type3A_1413 = arith.fptosi %gather3A_1412 : vector<16xf32> to vector<16xi32>
    %add3A_1414 = arith.addi %gather3A_1411, %broadcast_in_dim3A_23 : vector<16xi32>
    %select_n3A_1415 = arith.select %lt3A_1410, %broadcast_in_dim3A_27, %broadcast_in_dim3A_25 : vector<16xi1>, vector<16xi32>
    %select_n3A_1416 = arith.select %gt3A_1409, %add3A_1414, %select_n3A_1415 : vector<16xi1>, vector<16xi32>
    %swap3A_1417 = arith.constant 80 : index
    %swap3A_1418 = tpu.vector_load %arg18[%swap3A_1417] {strides = array<i32>} : memref<256xi32, #tpu.memory_space<vmem>>, vector<16xi32>,
    tpu.vector_store %arg18[%swap3A_1417], %select_n3A_1416 {strides = array<i32>} : memref<256xi32, #tpu.memory_space<vmem>>, vector<16xi32>,
    %swap3A_1419 = arith.constant 80 : index
    %swap3A_1420 = tpu.vector_load %arg19[%swap3A_1419] {strides = array<i32>} : memref<256xf32, #tpu.memory_space<vmem>>, vector<16xf32>,
    tpu.vector_store %arg19[%swap3A_1419], %scan3A_1392#1 {strides = array<i32>} : memref<256xf32, #tpu.memory_space<vmem>>, vector<16xf32>,
    %select_n3A_1421 = arith.select %gt3A_1409, %convert_element_type3A_1413, %broadcast_in_dim3A_25 : vector<16xi1>, vector<16xi32>
    %swap3A_1422 = arith.constant 80 : index
    %swap3A_1423 = tpu.vector_load %arg20[%swap3A_1422] {strides = array<i32>} : memref<256xi32, #tpu.memory_space<vmem>>, vector<16xi32>,
    tpu.vector_store %arg20[%swap3A_1422], %select_n3A_1421 {strides = array<i32>} : memref<256xi32, #tpu.memory_space<vmem>>, vector<16xi32>,
    %gt3A_1424 = arith.cmpf ogt, %scan3A_1392#2, %broadcast_in_dim3A_19 : vector<16xf32>
    %lt3A_1425 = arith.cmpf olt, %scan3A_1392#2, %broadcast_in_dim3A_21 : vector<16xf32>
    %gather3A_1426 = tpu.vector_load_idx %arg17[%scan3A_1392#6] : memref<512xi32, #tpu.memory_space<vmem>>[vector<16xi32>], vector<16xi32>,
    %gather3A_1427 = tpu.vector_load_idx %arg15[%scan3A_1392#6] : memref<512xf32, #tpu.memory_space<vmem>>[vector<16xi32>], vector<16xf32>,
    %convert_element_type3A_1428 = arith.fptosi %gather3A_1427 : vector<16xf32> to vector<16xi32>
    %add3A_1429 = arith.addi %gather3A_1426, %broadcast_in_dim3A_23 : vector<16xi32>
    %select_n3A_1430 = arith.select %lt3A_1425, %broadcast_in_dim3A_27, %broadcast_in_dim3A_25 : vector<16xi1>, vector<16xi32>
    %select_n3A_1431 = arith.select %gt3A_1424, %add3A_1429, %select_n3A_1430 : vector<16xi1>, vector<16xi32>
    %swap3A_1432 = arith.constant 96 : index
    %swap3A_1433 = tpu.vector_load %arg18[%swap3A_1432] {strides = array<i32>} : memref<256xi32, #tpu.memory_space<vmem>>, vector<16xi32>,
    tpu.vector_store %arg18[%swap3A_1432], %select_n3A_1431 {strides = array<i32>} : memref<256xi32, #tpu.memory_space<vmem>>, vector<16xi32>,
    %swap3A_1434 = arith.constant 96 : index
    %swap3A_1435 = tpu.vector_load %arg19[%swap3A_1434] {strides = array<i32>} : memref<256xf32, #tpu.memory_space<vmem>>, vector<16xf32>,
    tpu.vector_store %arg19[%swap3A_1434], %scan3A_1392#2 {strides = array<i32>} : memref<256xf32, #tpu.memory_space<vmem>>, vector<16xf32>,
    %select_n3A_1436 = arith.select %gt3A_1424, %convert_element_type3A_1428, %broadcast_in_dim3A_25 : vector<16xi1>, vector<16xi32>
    %swap3A_1437 = arith.constant 96 : index
    %swap3A_1438 = tpu.vector_load %arg20[%swap3A_1437] {strides = array<i32>} : memref<256xi32, #tpu.memory_space<vmem>>, vector<16xi32>,
    tpu.vector_store %arg20[%swap3A_1437], %select_n3A_1436 {strides = array<i32>} : memref<256xi32, #tpu.memory_space<vmem>>, vector<16xi32>,
    %gt3A_1439 = arith.cmpf ogt, %scan3A_1392#3, %broadcast_in_dim3A_19 : vector<16xf32>
    %lt3A_1440 = arith.cmpf olt, %scan3A_1392#3, %broadcast_in_dim3A_21 : vector<16xf32>
    %gather3A_1441 = tpu.vector_load_idx %arg17[%scan3A_1392#7] : memref<512xi32, #tpu.memory_space<vmem>>[vector<16xi32>], vector<16xi32>,
    %gather3A_1442 = tpu.vector_load_idx %arg15[%scan3A_1392#7] : memref<512xf32, #tpu.memory_space<vmem>>[vector<16xi32>], vector<16xf32>,
    %convert_element_type3A_1443 = arith.fptosi %gather3A_1442 : vector<16xf32> to vector<16xi32>
    %add3A_1444 = arith.addi %gather3A_1441, %broadcast_in_dim3A_23 : vector<16xi32>
    %select_n3A_1445 = arith.select %lt3A_1440, %broadcast_in_dim3A_27, %broadcast_in_dim3A_25 : vector<16xi1>, vector<16xi32>
    %select_n3A_1446 = arith.select %gt3A_1439, %add3A_1444, %select_n3A_1445 : vector<16xi1>, vector<16xi32>
    %swap3A_1447 = arith.constant 112 : index
    %swap3A_1448 = tpu.vector_load %arg18[%swap3A_1447] {strides = array<i32>} : memref<256xi32, #tpu.memory_space<vmem>>, vector<16xi32>,
    tpu.vector_store %arg18[%swap3A_1447], %select_n3A_1446 {strides = array<i32>} : memref<256xi32, #tpu.memory_space<vmem>>, vector<16xi32>,
    %swap3A_1449 = arith.constant 112 : index
    %swap3A_1450 = tpu.vector_load %arg19[%swap3A_1449] {strides = array<i32>} : memref<256xf32, #tpu.memory_space<vmem>>, vector<16xf32>,
    tpu.vector_store %arg19[%swap3A_1449], %scan3A_1392#3 {strides = array<i32>} : memref<256xf32, #tpu.memory_space<vmem>>, vector<16xf32>,
    %select_n3A_1451 = arith.select %gt3A_1439, %convert_element_type3A_1443, %broadcast_in_dim3A_25 : vector<16xi1>, vector<16xi32>
    %swap3A_1452 = arith.constant 112 : index
    %swap3A_1453 = tpu.vector_load %arg20[%swap3A_1452] {strides = array<i32>} : memref<256xi32, #tpu.memory_space<vmem>>, vector<16xi32>,
    tpu.vector_store %arg20[%swap3A_1452], %select_n3A_1451 {strides = array<i32>} : memref<256xi32, #tpu.memory_space<vmem>>, vector<16xi32>,
    %get3A_1454 = arith.constant 128 : index
    %get3A_1455 = tpu.vector_load %arg7[%get3A_1454] {strides = array<i32>} : memref<256xf32, #tpu.memory_space<vmem>>, vector<16xf32>,
    %get3A_1456 = arith.constant 128 : index
    %get3A_1457 = tpu.vector_load %arg8[%get3A_1456] {strides = array<i32>} : memref<256xf32, #tpu.memory_space<vmem>>, vector<16xf32>,
    %get3A_1458 = arith.constant 128 : index
    %get3A_1459 = tpu.vector_load %arg9[%get3A_1458] {strides = array<i32>} : memref<256xf32, #tpu.memory_space<vmem>>, vector<16xf32>,
    %get3A_1460 = arith.constant 128 : index
    %get3A_1461 = tpu.vector_load %arg10[%get3A_1460] {strides = array<i32>} : memref<256xf32, #tpu.memory_space<vmem>>, vector<16xf32>,
    %sub3A_1462 = arith.subf %get3A_1459, %get3A_1455 : vector<16xf32>
    %sub3A_1463 = arith.subf %get3A_1461, %get3A_1457 : vector<16xf32>
    %mul3A_1464 = arith.mulf %sub3A_1462, %sub3A_1463 : vector<16xf32>
    %get3A_1465 = arith.constant 144 : index
    %get3A_1466 = tpu.vector_load %arg7[%get3A_1465] {strides = array<i32>} : memref<256xf32, #tpu.memory_space<vmem>>, vector<16xf32>,
    %get3A_1467 = arith.constant 144 : index
    %get3A_1468 = tpu.vector_load %arg8[%get3A_1467] {strides = array<i32>} : memref<256xf32, #tpu.memory_space<vmem>>, vector<16xf32>,
    %get3A_1469 = arith.constant 144 : index
    %get3A_1470 = tpu.vector_load %arg9[%get3A_1469] {strides = array<i32>} : memref<256xf32, #tpu.memory_space<vmem>>, vector<16xf32>,
    %get3A_1471 = arith.constant 144 : index
    %get3A_1472 = tpu.vector_load %arg10[%get3A_1471] {strides = array<i32>} : memref<256xf32, #tpu.memory_space<vmem>>, vector<16xf32>,
    %sub3A_1473 = arith.subf %get3A_1470, %get3A_1466 : vector<16xf32>
    %sub3A_1474 = arith.subf %get3A_1472, %get3A_1468 : vector<16xf32>
    %mul3A_1475 = arith.mulf %sub3A_1473, %sub3A_1474 : vector<16xf32>
    %get3A_1476 = arith.constant 160 : index
    %get3A_1477 = tpu.vector_load %arg7[%get3A_1476] {strides = array<i32>} : memref<256xf32, #tpu.memory_space<vmem>>, vector<16xf32>,
    %get3A_1478 = arith.constant 160 : index
    %get3A_1479 = tpu.vector_load %arg8[%get3A_1478] {strides = array<i32>} : memref<256xf32, #tpu.memory_space<vmem>>, vector<16xf32>,
    %get3A_1480 = arith.constant 160 : index
    %get3A_1481 = tpu.vector_load %arg9[%get3A_1480] {strides = array<i32>} : memref<256xf32, #tpu.memory_space<vmem>>, vector<16xf32>,
    %get3A_1482 = arith.constant 160 : index
    %get3A_1483 = tpu.vector_load %arg10[%get3A_1482] {strides = array<i32>} : memref<256xf32, #tpu.memory_space<vmem>>, vector<16xf32>,
    %sub3A_1484 = arith.subf %get3A_1481, %get3A_1477 : vector<16xf32>
    %sub3A_1485 = arith.subf %get3A_1483, %get3A_1479 : vector<16xf32>
    %mul3A_1486 = arith.mulf %sub3A_1484, %sub3A_1485 : vector<16xf32>
    %get3A_1487 = arith.constant 176 : index
    %get3A_1488 = tpu.vector_load %arg7[%get3A_1487] {strides = array<i32>} : memref<256xf32, #tpu.memory_space<vmem>>, vector<16xf32>,
    %get3A_1489 = arith.constant 176 : index
    %get3A_1490 = tpu.vector_load %arg8[%get3A_1489] {strides = array<i32>} : memref<256xf32, #tpu.memory_space<vmem>>, vector<16xf32>,
    %get3A_1491 = arith.constant 176 : index
    %get3A_1492 = tpu.vector_load %arg9[%get3A_1491] {strides = array<i32>} : memref<256xf32, #tpu.memory_space<vmem>>, vector<16xf32>,
    %get3A_1493 = arith.constant 176 : index
    %get3A_1494 = tpu.vector_load %arg10[%get3A_1493] {strides = array<i32>} : memref<256xf32, #tpu.memory_space<vmem>>, vector<16xf32>,
    %sub3A_1495 = arith.subf %get3A_1492, %get3A_1488 : vector<16xf32>
    %sub3A_1496 = arith.subf %get3A_1494, %get3A_1490 : vector<16xf32>
    %mul3A_1497 = arith.mulf %sub3A_1495, %sub3A_1496 : vector<16xf32>
    %scan3A_1498 = arith.constant 0 : i32
    %scan3A_1499 = arith.constant 512 : i32
    %scan3A_1500 = arith.addi %scan3A_1498, %scan3A_1499 : i32
    %scan3A_1501 = arith.constant 1 : i32
    %scan3A_1502:8 = scf.for %scan3A_1674 = %scan3A_1498 to %scan3A_1500 step %scan3A_1501 iter_args(%scan3A_1675 = %broadcast_in_dim3A_13, %scan3A_1676 = %broadcast_in_dim3A_13, %scan3A_1677 = %broadcast_in_dim3A_13, %scan3A_1678 = %broadcast_in_dim3A_13, %scan3A_1679 = %broadcast_in_dim3A_27, %scan3A_1680 = %broadcast_in_dim3A_27, %scan3A_1681 = %broadcast_in_dim3A_27, %scan3A_1682 = %broadcast_in_dim3A_27) -> (vector<16xf32>, vector<16xf32>, vector<16xf32>, vector<16xf32>, vector<16xi32>, vector<16xi32>, vector<16xi32>, vector<16xi32>)  : i32 {
      %broadcast_in_dim3A_1683 = vector.broadcast %scan3A_1674 : i32 to vector<16xi32>
      %gather3A_1684 = tpu.vector_load_idx %arg11[%broadcast_in_dim3A_1683] : memref<512xf32, #tpu.memory_space<vmem>>[vector<16xi32>], vector<16xf32>,
      %gather3A_1685 = tpu.vector_load_idx %arg12[%broadcast_in_dim3A_1683] : memref<512xf32, #tpu.memory_space<vmem>>[vector<16xi32>], vector<16xf32>,
      %gather3A_1686 = tpu.vector_load_idx %arg13[%broadcast_in_dim3A_1683] : memref<512xf32, #tpu.memory_space<vmem>>[vector<16xi32>], vector<16xf32>,
      %gather3A_1687 = tpu.vector_load_idx %arg14[%broadcast_in_dim3A_1683] : memref<512xf32, #tpu.memory_space<vmem>>[vector<16xi32>], vector<16xf32>,
      %gather3A_1688 = tpu.vector_load_idx %arg16[%broadcast_in_dim3A_1683] : memref<512xf32, #tpu.memory_space<vmem>>[vector<16xi32>], vector<16xf32>,
      %min3A = arith.minimumf %get3A_1459, %gather3A_1686 : vector<16xf32>
      %max3A = arith.maximumf %get3A_1455, %gather3A_1684 : vector<16xf32>
      %sub3A_1689 = arith.subf %min3A, %max3A : vector<16xf32>
      %max3A_1690 = arith.maximumf %sub3A_1689, %broadcast_in_dim3A_15 : vector<16xf32>
      %min3A_1691 = arith.minimumf %get3A_1461, %gather3A_1687 : vector<16xf32>
      %max3A_1692 = arith.maximumf %get3A_1457, %gather3A_1685 : vector<16xf32>
      %sub3A_1693 = arith.subf %min3A_1691, %max3A_1692 : vector<16xf32>
      %max3A_1694 = arith.maximumf %sub3A_1693, %broadcast_in_dim3A_15 : vector<16xf32>
      %mul3A_1695 = arith.mulf %max3A_1690, %max3A_1694 : vector<16xf32>
      %add3A_1696 = arith.addf %mul3A_1464, %gather3A_1688 : vector<16xf32>
      %sub3A_1697 = arith.subf %add3A_1696, %mul3A_1695 : vector<16xf32>
      %add3A_1698 = arith.addf %sub3A_1697, %broadcast_in_dim3A_17 : vector<16xf32>
      %div3A = arith.divf %mul3A_1695, %add3A_1698 : vector<16xf32>
      %gt3A_1699 = arith.cmpf ogt, %div3A, %scan3A_1675 : vector<16xf32>
      %select_n3A_1700 = arith.select %gt3A_1699, %div3A, %scan3A_1675 : vector<16xi1>, vector<16xf32>
      %select_n3A_1701 = arith.select %gt3A_1699, %broadcast_in_dim3A_1683, %scan3A_1679 : vector<16xi1>, vector<16xi32>
      %min3A_1702 = arith.minimumf %get3A_1470, %gather3A_1686 : vector<16xf32>
      %max3A_1703 = arith.maximumf %get3A_1466, %gather3A_1684 : vector<16xf32>
      %sub3A_1704 = arith.subf %min3A_1702, %max3A_1703 : vector<16xf32>
      %max3A_1705 = arith.maximumf %sub3A_1704, %broadcast_in_dim3A_15 : vector<16xf32>
      %min3A_1706 = arith.minimumf %get3A_1472, %gather3A_1687 : vector<16xf32>
      %max3A_1707 = arith.maximumf %get3A_1468, %gather3A_1685 : vector<16xf32>
      %sub3A_1708 = arith.subf %min3A_1706, %max3A_1707 : vector<16xf32>
      %max3A_1709 = arith.maximumf %sub3A_1708, %broadcast_in_dim3A_15 : vector<16xf32>
      %mul3A_1710 = arith.mulf %max3A_1705, %max3A_1709 : vector<16xf32>
      %add3A_1711 = arith.addf %mul3A_1475, %gather3A_1688 : vector<16xf32>
      %sub3A_1712 = arith.subf %add3A_1711, %mul3A_1710 : vector<16xf32>
      %add3A_1713 = arith.addf %sub3A_1712, %broadcast_in_dim3A_17 : vector<16xf32>
      %div3A_1714 = arith.divf %mul3A_1710, %add3A_1713 : vector<16xf32>
      %gt3A_1715 = arith.cmpf ogt, %div3A_1714, %scan3A_1676 : vector<16xf32>
      %select_n3A_1716 = arith.select %gt3A_1715, %div3A_1714, %scan3A_1676 : vector<16xi1>, vector<16xf32>
      %select_n3A_1717 = arith.select %gt3A_1715, %broadcast_in_dim3A_1683, %scan3A_1680 : vector<16xi1>, vector<16xi32>
      %min3A_1718 = arith.minimumf %get3A_1481, %gather3A_1686 : vector<16xf32>
      %max3A_1719 = arith.maximumf %get3A_1477, %gather3A_1684 : vector<16xf32>
      %sub3A_1720 = arith.subf %min3A_1718, %max3A_1719 : vector<16xf32>
      %max3A_1721 = arith.maximumf %sub3A_1720, %broadcast_in_dim3A_15 : vector<16xf32>
      %min3A_1722 = arith.minimumf %get3A_1483, %gather3A_1687 : vector<16xf32>
      %max3A_1723 = arith.maximumf %get3A_1479, %gather3A_1685 : vector<16xf32>
      %sub3A_1724 = arith.subf %min3A_1722, %max3A_1723 : vector<16xf32>
      %max3A_1725 = arith.maximumf %sub3A_1724, %broadcast_in_dim3A_15 : vector<16xf32>
      %mul3A_1726 = arith.mulf %max3A_1721, %max3A_1725 : vector<16xf32>
      %add3A_1727 = arith.addf %mul3A_1486, %gather3A_1688 : vector<16xf32>
      %sub3A_1728 = arith.subf %add3A_1727, %mul3A_1726 : vector<16xf32>
      %add3A_1729 = arith.addf %sub3A_1728, %broadcast_in_dim3A_17 : vector<16xf32>
      %div3A_1730 = arith.divf %mul3A_1726, %add3A_1729 : vector<16xf32>
      %gt3A_1731 = arith.cmpf ogt, %div3A_1730, %scan3A_1677 : vector<16xf32>
      %select_n3A_1732 = arith.select %gt3A_1731, %div3A_1730, %scan3A_1677 : vector<16xi1>, vector<16xf32>
      %select_n3A_1733 = arith.select %gt3A_1731, %broadcast_in_dim3A_1683, %scan3A_1681 : vector<16xi1>, vector<16xi32>
      %min3A_1734 = arith.minimumf %get3A_1492, %gather3A_1686 : vector<16xf32>
      %max3A_1735 = arith.maximumf %get3A_1488, %gather3A_1684 : vector<16xf32>
      %sub3A_1736 = arith.subf %min3A_1734, %max3A_1735 : vector<16xf32>
      %max3A_1737 = arith.maximumf %sub3A_1736, %broadcast_in_dim3A_15 : vector<16xf32>
      %min3A_1738 = arith.minimumf %get3A_1494, %gather3A_1687 : vector<16xf32>
      %max3A_1739 = arith.maximumf %get3A_1490, %gather3A_1685 : vector<16xf32>
      %sub3A_1740 = arith.subf %min3A_1738, %max3A_1739 : vector<16xf32>
      %max3A_1741 = arith.maximumf %sub3A_1740, %broadcast_in_dim3A_15 : vector<16xf32>
      %mul3A_1742 = arith.mulf %max3A_1737, %max3A_1741 : vector<16xf32>
      %add3A_1743 = arith.addf %mul3A_1497, %gather3A_1688 : vector<16xf32>
      %sub3A_1744 = arith.subf %add3A_1743, %mul3A_1742 : vector<16xf32>
      %add3A_1745 = arith.addf %sub3A_1744, %broadcast_in_dim3A_17 : vector<16xf32>
      %div3A_1746 = arith.divf %mul3A_1742, %add3A_1745 : vector<16xf32>
      %gt3A_1747 = arith.cmpf ogt, %div3A_1746, %scan3A_1678 : vector<16xf32>
      %select_n3A_1748 = arith.select %gt3A_1747, %div3A_1746, %scan3A_1678 : vector<16xi1>, vector<16xf32>
      %select_n3A_1749 = arith.select %gt3A_1747, %broadcast_in_dim3A_1683, %scan3A_1682 : vector<16xi1>, vector<16xi32>
      scf.yield %select_n3A_1700, %select_n3A_1716, %select_n3A_1732, %select_n3A_1748, %select_n3A_1701, %select_n3A_1717, %select_n3A_1733, %select_n3A_1749 : vector<16xf32>, vector<16xf32>, vector<16xf32>, vector<16xf32>, vector<16xi32>, vector<16xi32>, vector<16xi32>, vector<16xi32>
    }
    %scan3A_1503 = arith.constant 512 : i32
    %gt3A_1504 = arith.cmpf ogt, %scan3A_1502#0, %broadcast_in_dim3A_19 : vector<16xf32>
    %lt3A_1505 = arith.cmpf olt, %scan3A_1502#0, %broadcast_in_dim3A_21 : vector<16xf32>
    %gather3A_1506 = tpu.vector_load_idx %arg17[%scan3A_1502#4] : memref<512xi32, #tpu.memory_space<vmem>>[vector<16xi32>], vector<16xi32>,
    %gather3A_1507 = tpu.vector_load_idx %arg15[%scan3A_1502#4] : memref<512xf32, #tpu.memory_space<vmem>>[vector<16xi32>], vector<16xf32>,
    %convert_element_type3A_1508 = arith.fptosi %gather3A_1507 : vector<16xf32> to vector<16xi32>
    %add3A_1509 = arith.addi %gather3A_1506, %broadcast_in_dim3A_23 : vector<16xi32>
    %select_n3A_1510 = arith.select %lt3A_1505, %broadcast_in_dim3A_27, %broadcast_in_dim3A_25 : vector<16xi1>, vector<16xi32>
    %select_n3A_1511 = arith.select %gt3A_1504, %add3A_1509, %select_n3A_1510 : vector<16xi1>, vector<16xi32>
    %swap3A_1512 = arith.constant 128 : index
    %swap3A_1513 = tpu.vector_load %arg18[%swap3A_1512] {strides = array<i32>} : memref<256xi32, #tpu.memory_space<vmem>>, vector<16xi32>,
    tpu.vector_store %arg18[%swap3A_1512], %select_n3A_1511 {strides = array<i32>} : memref<256xi32, #tpu.memory_space<vmem>>, vector<16xi32>,
    %swap3A_1514 = arith.constant 128 : index
    %swap3A_1515 = tpu.vector_load %arg19[%swap3A_1514] {strides = array<i32>} : memref<256xf32, #tpu.memory_space<vmem>>, vector<16xf32>,
    tpu.vector_store %arg19[%swap3A_1514], %scan3A_1502#0 {strides = array<i32>} : memref<256xf32, #tpu.memory_space<vmem>>, vector<16xf32>,
    %select_n3A_1516 = arith.select %gt3A_1504, %convert_element_type3A_1508, %broadcast_in_dim3A_25 : vector<16xi1>, vector<16xi32>
    %swap3A_1517 = arith.constant 128 : index
    %swap3A_1518 = tpu.vector_load %arg20[%swap3A_1517] {strides = array<i32>} : memref<256xi32, #tpu.memory_space<vmem>>, vector<16xi32>,
    tpu.vector_store %arg20[%swap3A_1517], %select_n3A_1516 {strides = array<i32>} : memref<256xi32, #tpu.memory_space<vmem>>, vector<16xi32>,
    %gt3A_1519 = arith.cmpf ogt, %scan3A_1502#1, %broadcast_in_dim3A_19 : vector<16xf32>
    %lt3A_1520 = arith.cmpf olt, %scan3A_1502#1, %broadcast_in_dim3A_21 : vector<16xf32>
    %gather3A_1521 = tpu.vector_load_idx %arg17[%scan3A_1502#5] : memref<512xi32, #tpu.memory_space<vmem>>[vector<16xi32>], vector<16xi32>,
    %gather3A_1522 = tpu.vector_load_idx %arg15[%scan3A_1502#5] : memref<512xf32, #tpu.memory_space<vmem>>[vector<16xi32>], vector<16xf32>,
    %convert_element_type3A_1523 = arith.fptosi %gather3A_1522 : vector<16xf32> to vector<16xi32>
    %add3A_1524 = arith.addi %gather3A_1521, %broadcast_in_dim3A_23 : vector<16xi32>
    %select_n3A_1525 = arith.select %lt3A_1520, %broadcast_in_dim3A_27, %broadcast_in_dim3A_25 : vector<16xi1>, vector<16xi32>
    %select_n3A_1526 = arith.select %gt3A_1519, %add3A_1524, %select_n3A_1525 : vector<16xi1>, vector<16xi32>
    %swap3A_1527 = arith.constant 144 : index
    %swap3A_1528 = tpu.vector_load %arg18[%swap3A_1527] {strides = array<i32>} : memref<256xi32, #tpu.memory_space<vmem>>, vector<16xi32>,
    tpu.vector_store %arg18[%swap3A_1527], %select_n3A_1526 {strides = array<i32>} : memref<256xi32, #tpu.memory_space<vmem>>, vector<16xi32>,
    %swap3A_1529 = arith.constant 144 : index
    %swap3A_1530 = tpu.vector_load %arg19[%swap3A_1529] {strides = array<i32>} : memref<256xf32, #tpu.memory_space<vmem>>, vector<16xf32>,
    tpu.vector_store %arg19[%swap3A_1529], %scan3A_1502#1 {strides = array<i32>} : memref<256xf32, #tpu.memory_space<vmem>>, vector<16xf32>,
    %select_n3A_1531 = arith.select %gt3A_1519, %convert_element_type3A_1523, %broadcast_in_dim3A_25 : vector<16xi1>, vector<16xi32>
    %swap3A_1532 = arith.constant 144 : index
    %swap3A_1533 = tpu.vector_load %arg20[%swap3A_1532] {strides = array<i32>} : memref<256xi32, #tpu.memory_space<vmem>>, vector<16xi32>,
    tpu.vector_store %arg20[%swap3A_1532], %select_n3A_1531 {strides = array<i32>} : memref<256xi32, #tpu.memory_space<vmem>>, vector<16xi32>,
    %gt3A_1534 = arith.cmpf ogt, %scan3A_1502#2, %broadcast_in_dim3A_19 : vector<16xf32>
    %lt3A_1535 = arith.cmpf olt, %scan3A_1502#2, %broadcast_in_dim3A_21 : vector<16xf32>
    %gather3A_1536 = tpu.vector_load_idx %arg17[%scan3A_1502#6] : memref<512xi32, #tpu.memory_space<vmem>>[vector<16xi32>], vector<16xi32>,
    %gather3A_1537 = tpu.vector_load_idx %arg15[%scan3A_1502#6] : memref<512xf32, #tpu.memory_space<vmem>>[vector<16xi32>], vector<16xf32>,
    %convert_element_type3A_1538 = arith.fptosi %gather3A_1537 : vector<16xf32> to vector<16xi32>
    %add3A_1539 = arith.addi %gather3A_1536, %broadcast_in_dim3A_23 : vector<16xi32>
    %select_n3A_1540 = arith.select %lt3A_1535, %broadcast_in_dim3A_27, %broadcast_in_dim3A_25 : vector<16xi1>, vector<16xi32>
    %select_n3A_1541 = arith.select %gt3A_1534, %add3A_1539, %select_n3A_1540 : vector<16xi1>, vector<16xi32>
    %swap3A_1542 = arith.constant 160 : index
    %swap3A_1543 = tpu.vector_load %arg18[%swap3A_1542] {strides = array<i32>} : memref<256xi32, #tpu.memory_space<vmem>>, vector<16xi32>,
    tpu.vector_store %arg18[%swap3A_1542], %select_n3A_1541 {strides = array<i32>} : memref<256xi32, #tpu.memory_space<vmem>>, vector<16xi32>,
    %swap3A_1544 = arith.constant 160 : index
    %swap3A_1545 = tpu.vector_load %arg19[%swap3A_1544] {strides = array<i32>} : memref<256xf32, #tpu.memory_space<vmem>>, vector<16xf32>,
    tpu.vector_store %arg19[%swap3A_1544], %scan3A_1502#2 {strides = array<i32>} : memref<256xf32, #tpu.memory_space<vmem>>, vector<16xf32>,
    %select_n3A_1546 = arith.select %gt3A_1534, %convert_element_type3A_1538, %broadcast_in_dim3A_25 : vector<16xi1>, vector<16xi32>
    %swap3A_1547 = arith.constant 160 : index
    %swap3A_1548 = tpu.vector_load %arg20[%swap3A_1547] {strides = array<i32>} : memref<256xi32, #tpu.memory_space<vmem>>, vector<16xi32>,
    tpu.vector_store %arg20[%swap3A_1547], %select_n3A_1546 {strides = array<i32>} : memref<256xi32, #tpu.memory_space<vmem>>, vector<16xi32>,
    %gt3A_1549 = arith.cmpf ogt, %scan3A_1502#3, %broadcast_in_dim3A_19 : vector<16xf32>
    %lt3A_1550 = arith.cmpf olt, %scan3A_1502#3, %broadcast_in_dim3A_21 : vector<16xf32>
    %gather3A_1551 = tpu.vector_load_idx %arg17[%scan3A_1502#7] : memref<512xi32, #tpu.memory_space<vmem>>[vector<16xi32>], vector<16xi32>,
    %gather3A_1552 = tpu.vector_load_idx %arg15[%scan3A_1502#7] : memref<512xf32, #tpu.memory_space<vmem>>[vector<16xi32>], vector<16xf32>,
    %convert_element_type3A_1553 = arith.fptosi %gather3A_1552 : vector<16xf32> to vector<16xi32>
    %add3A_1554 = arith.addi %gather3A_1551, %broadcast_in_dim3A_23 : vector<16xi32>
    %select_n3A_1555 = arith.select %lt3A_1550, %broadcast_in_dim3A_27, %broadcast_in_dim3A_25 : vector<16xi1>, vector<16xi32>
    %select_n3A_1556 = arith.select %gt3A_1549, %add3A_1554, %select_n3A_1555 : vector<16xi1>, vector<16xi32>
    %swap3A_1557 = arith.constant 176 : index
    %swap3A_1558 = tpu.vector_load %arg18[%swap3A_1557] {strides = array<i32>} : memref<256xi32, #tpu.memory_space<vmem>>, vector<16xi32>,
    tpu.vector_store %arg18[%swap3A_1557], %select_n3A_1556 {strides = array<i32>} : memref<256xi32, #tpu.memory_space<vmem>>, vector<16xi32>,
    %swap3A_1559 = arith.constant 176 : index
    %swap3A_1560 = tpu.vector_load %arg19[%swap3A_1559] {strides = array<i32>} : memref<256xf32, #tpu.memory_space<vmem>>, vector<16xf32>,
    tpu.vector_store %arg19[%swap3A_1559], %scan3A_1502#3 {strides = array<i32>} : memref<256xf32, #tpu.memory_space<vmem>>, vector<16xf32>,
    %select_n3A_1561 = arith.select %gt3A_1549, %convert_element_type3A_1553, %broadcast_in_dim3A_25 : vector<16xi1>, vector<16xi32>
    %swap3A_1562 = arith.constant 176 : index
    %swap3A_1563 = tpu.vector_load %arg20[%swap3A_1562] {strides = array<i32>} : memref<256xi32, #tpu.memory_space<vmem>>, vector<16xi32>,
    tpu.vector_store %arg20[%swap3A_1562], %select_n3A_1561 {strides = array<i32>} : memref<256xi32, #tpu.memory_space<vmem>>, vector<16xi32>,
    %get3A_1564 = arith.constant 192 : index
    %get3A_1565 = tpu.vector_load %arg7[%get3A_1564] {strides = array<i32>} : memref<256xf32, #tpu.memory_space<vmem>>, vector<16xf32>,
    %get3A_1566 = arith.constant 192 : index
    %get3A_1567 = tpu.vector_load %arg8[%get3A_1566] {strides = array<i32>} : memref<256xf32, #tpu.memory_space<vmem>>, vector<16xf32>,
    %get3A_1568 = arith.constant 192 : index
    %get3A_1569 = tpu.vector_load %arg9[%get3A_1568] {strides = array<i32>} : memref<256xf32, #tpu.memory_space<vmem>>, vector<16xf32>,
    %get3A_1570 = arith.constant 192 : index
    %get3A_1571 = tpu.vector_load %arg10[%get3A_1570] {strides = array<i32>} : memref<256xf32, #tpu.memory_space<vmem>>, vector<16xf32>,
    %sub3A_1572 = arith.subf %get3A_1569, %get3A_1565 : vector<16xf32>
    %sub3A_1573 = arith.subf %get3A_1571, %get3A_1567 : vector<16xf32>
    %mul3A_1574 = arith.mulf %sub3A_1572, %sub3A_1573 : vector<16xf32>
    %get3A_1575 = arith.constant 208 : index
    %get3A_1576 = tpu.vector_load %arg7[%get3A_1575] {strides = array<i32>} : memref<256xf32, #tpu.memory_space<vmem>>, vector<16xf32>,
    %get3A_1577 = arith.constant 208 : index
    %get3A_1578 = tpu.vector_load %arg8[%get3A_1577] {strides = array<i32>} : memref<256xf32, #tpu.memory_space<vmem>>, vector<16xf32>,
    %get3A_1579 = arith.constant 208 : index
    %get3A_1580 = tpu.vector_load %arg9[%get3A_1579] {strides = array<i32>} : memref<256xf32, #tpu.memory_space<vmem>>, vector<16xf32>,
    %get3A_1581 = arith.constant 208 : index
    %get3A_1582 = tpu.vector_load %arg10[%get3A_1581] {strides = array<i32>} : memref<256xf32, #tpu.memory_space<vmem>>, vector<16xf32>,
    %sub3A_1583 = arith.subf %get3A_1580, %get3A_1576 : vector<16xf32>
    %sub3A_1584 = arith.subf %get3A_1582, %get3A_1578 : vector<16xf32>
    %mul3A_1585 = arith.mulf %sub3A_1583, %sub3A_1584 : vector<16xf32>
    %get3A_1586 = arith.constant 224 : index
    %get3A_1587 = tpu.vector_load %arg7[%get3A_1586] {strides = array<i32>} : memref<256xf32, #tpu.memory_space<vmem>>, vector<16xf32>,
    %get3A_1588 = arith.constant 224 : index
    %get3A_1589 = tpu.vector_load %arg8[%get3A_1588] {strides = array<i32>} : memref<256xf32, #tpu.memory_space<vmem>>, vector<16xf32>,
    %get3A_1590 = arith.constant 224 : index
    %get3A_1591 = tpu.vector_load %arg9[%get3A_1590] {strides = array<i32>} : memref<256xf32, #tpu.memory_space<vmem>>, vector<16xf32>,
    %get3A_1592 = arith.constant 224 : index
    %get3A_1593 = tpu.vector_load %arg10[%get3A_1592] {strides = array<i32>} : memref<256xf32, #tpu.memory_space<vmem>>, vector<16xf32>,
    %sub3A_1594 = arith.subf %get3A_1591, %get3A_1587 : vector<16xf32>
    %sub3A_1595 = arith.subf %get3A_1593, %get3A_1589 : vector<16xf32>
    %mul3A_1596 = arith.mulf %sub3A_1594, %sub3A_1595 : vector<16xf32>
    %get3A_1597 = arith.constant 240 : index
    %get3A_1598 = tpu.vector_load %arg7[%get3A_1597] {strides = array<i32>} : memref<256xf32, #tpu.memory_space<vmem>>, vector<16xf32>,
    %get3A_1599 = arith.constant 240 : index
    %get3A_1600 = tpu.vector_load %arg8[%get3A_1599] {strides = array<i32>} : memref<256xf32, #tpu.memory_space<vmem>>, vector<16xf32>,
    %get3A_1601 = arith.constant 240 : index
    %get3A_1602 = tpu.vector_load %arg9[%get3A_1601] {strides = array<i32>} : memref<256xf32, #tpu.memory_space<vmem>>, vector<16xf32>,
    %get3A_1603 = arith.constant 240 : index
    %get3A_1604 = tpu.vector_load %arg10[%get3A_1603] {strides = array<i32>} : memref<256xf32, #tpu.memory_space<vmem>>, vector<16xf32>,
    %sub3A_1605 = arith.subf %get3A_1602, %get3A_1598 : vector<16xf32>
    %sub3A_1606 = arith.subf %get3A_1604, %get3A_1600 : vector<16xf32>
    %mul3A_1607 = arith.mulf %sub3A_1605, %sub3A_1606 : vector<16xf32>
    %scan3A_1608 = arith.constant 0 : i32
    %scan3A_1609 = arith.constant 512 : i32
    %scan3A_1610 = arith.addi %scan3A_1608, %scan3A_1609 : i32
    %scan3A_1611 = arith.constant 1 : i32
    %scan3A_1612:8 = scf.for %scan3A_1674 = %scan3A_1608 to %scan3A_1610 step %scan3A_1611 iter_args(%scan3A_1675 = %broadcast_in_dim3A_13, %scan3A_1676 = %broadcast_in_dim3A_13, %scan3A_1677 = %broadcast_in_dim3A_13, %scan3A_1678 = %broadcast_in_dim3A_13, %scan3A_1679 = %broadcast_in_dim3A_27, %scan3A_1680 = %broadcast_in_dim3A_27, %scan3A_1681 = %broadcast_in_dim3A_27, %scan3A_1682 = %broadcast_in_dim3A_27) -> (vector<16xf32>, vector<16xf32>, vector<16xf32>, vector<16xf32>, vector<16xi32>, vector<16xi32>, vector<16xi32>, vector<16xi32>)  : i32 {
      %broadcast_in_dim3A_1683 = vector.broadcast %scan3A_1674 : i32 to vector<16xi32>
      %gather3A_1684 = tpu.vector_load_idx %arg11[%broadcast_in_dim3A_1683] : memref<512xf32, #tpu.memory_space<vmem>>[vector<16xi32>], vector<16xf32>,
      %gather3A_1685 = tpu.vector_load_idx %arg12[%broadcast_in_dim3A_1683] : memref<512xf32, #tpu.memory_space<vmem>>[vector<16xi32>], vector<16xf32>,
      %gather3A_1686 = tpu.vector_load_idx %arg13[%broadcast_in_dim3A_1683] : memref<512xf32, #tpu.memory_space<vmem>>[vector<16xi32>], vector<16xf32>,
      %gather3A_1687 = tpu.vector_load_idx %arg14[%broadcast_in_dim3A_1683] : memref<512xf32, #tpu.memory_space<vmem>>[vector<16xi32>], vector<16xf32>,
      %gather3A_1688 = tpu.vector_load_idx %arg16[%broadcast_in_dim3A_1683] : memref<512xf32, #tpu.memory_space<vmem>>[vector<16xi32>], vector<16xf32>,
      %min3A = arith.minimumf %get3A_1569, %gather3A_1686 : vector<16xf32>
      %max3A = arith.maximumf %get3A_1565, %gather3A_1684 : vector<16xf32>
      %sub3A_1689 = arith.subf %min3A, %max3A : vector<16xf32>
      %max3A_1690 = arith.maximumf %sub3A_1689, %broadcast_in_dim3A_15 : vector<16xf32>
      %min3A_1691 = arith.minimumf %get3A_1571, %gather3A_1687 : vector<16xf32>
      %max3A_1692 = arith.maximumf %get3A_1567, %gather3A_1685 : vector<16xf32>
      %sub3A_1693 = arith.subf %min3A_1691, %max3A_1692 : vector<16xf32>
      %max3A_1694 = arith.maximumf %sub3A_1693, %broadcast_in_dim3A_15 : vector<16xf32>
      %mul3A_1695 = arith.mulf %max3A_1690, %max3A_1694 : vector<16xf32>
      %add3A_1696 = arith.addf %mul3A_1574, %gather3A_1688 : vector<16xf32>
      %sub3A_1697 = arith.subf %add3A_1696, %mul3A_1695 : vector<16xf32>
      %add3A_1698 = arith.addf %sub3A_1697, %broadcast_in_dim3A_17 : vector<16xf32>
      %div3A = arith.divf %mul3A_1695, %add3A_1698 : vector<16xf32>
      %gt3A_1699 = arith.cmpf ogt, %div3A, %scan3A_1675 : vector<16xf32>
      %select_n3A_1700 = arith.select %gt3A_1699, %div3A, %scan3A_1675 : vector<16xi1>, vector<16xf32>
      %select_n3A_1701 = arith.select %gt3A_1699, %broadcast_in_dim3A_1683, %scan3A_1679 : vector<16xi1>, vector<16xi32>
      %min3A_1702 = arith.minimumf %get3A_1580, %gather3A_1686 : vector<16xf32>
      %max3A_1703 = arith.maximumf %get3A_1576, %gather3A_1684 : vector<16xf32>
      %sub3A_1704 = arith.subf %min3A_1702, %max3A_1703 : vector<16xf32>
      %max3A_1705 = arith.maximumf %sub3A_1704, %broadcast_in_dim3A_15 : vector<16xf32>
      %min3A_1706 = arith.minimumf %get3A_1582, %gather3A_1687 : vector<16xf32>
      %max3A_1707 = arith.maximumf %get3A_1578, %gather3A_1685 : vector<16xf32>
      %sub3A_1708 = arith.subf %min3A_1706, %max3A_1707 : vector<16xf32>
      %max3A_1709 = arith.maximumf %sub3A_1708, %broadcast_in_dim3A_15 : vector<16xf32>
      %mul3A_1710 = arith.mulf %max3A_1705, %max3A_1709 : vector<16xf32>
      %add3A_1711 = arith.addf %mul3A_1585, %gather3A_1688 : vector<16xf32>
      %sub3A_1712 = arith.subf %add3A_1711, %mul3A_1710 : vector<16xf32>
      %add3A_1713 = arith.addf %sub3A_1712, %broadcast_in_dim3A_17 : vector<16xf32>
      %div3A_1714 = arith.divf %mul3A_1710, %add3A_1713 : vector<16xf32>
      %gt3A_1715 = arith.cmpf ogt, %div3A_1714, %scan3A_1676 : vector<16xf32>
      %select_n3A_1716 = arith.select %gt3A_1715, %div3A_1714, %scan3A_1676 : vector<16xi1>, vector<16xf32>
      %select_n3A_1717 = arith.select %gt3A_1715, %broadcast_in_dim3A_1683, %scan3A_1680 : vector<16xi1>, vector<16xi32>
      %min3A_1718 = arith.minimumf %get3A_1591, %gather3A_1686 : vector<16xf32>
      %max3A_1719 = arith.maximumf %get3A_1587, %gather3A_1684 : vector<16xf32>
      %sub3A_1720 = arith.subf %min3A_1718, %max3A_1719 : vector<16xf32>
      %max3A_1721 = arith.maximumf %sub3A_1720, %broadcast_in_dim3A_15 : vector<16xf32>
      %min3A_1722 = arith.minimumf %get3A_1593, %gather3A_1687 : vector<16xf32>
      %max3A_1723 = arith.maximumf %get3A_1589, %gather3A_1685 : vector<16xf32>
      %sub3A_1724 = arith.subf %min3A_1722, %max3A_1723 : vector<16xf32>
      %max3A_1725 = arith.maximumf %sub3A_1724, %broadcast_in_dim3A_15 : vector<16xf32>
      %mul3A_1726 = arith.mulf %max3A_1721, %max3A_1725 : vector<16xf32>
      %add3A_1727 = arith.addf %mul3A_1596, %gather3A_1688 : vector<16xf32>
      %sub3A_1728 = arith.subf %add3A_1727, %mul3A_1726 : vector<16xf32>
      %add3A_1729 = arith.addf %sub3A_1728, %broadcast_in_dim3A_17 : vector<16xf32>
      %div3A_1730 = arith.divf %mul3A_1726, %add3A_1729 : vector<16xf32>
      %gt3A_1731 = arith.cmpf ogt, %div3A_1730, %scan3A_1677 : vector<16xf32>
      %select_n3A_1732 = arith.select %gt3A_1731, %div3A_1730, %scan3A_1677 : vector<16xi1>, vector<16xf32>
      %select_n3A_1733 = arith.select %gt3A_1731, %broadcast_in_dim3A_1683, %scan3A_1681 : vector<16xi1>, vector<16xi32>
      %min3A_1734 = arith.minimumf %get3A_1602, %gather3A_1686 : vector<16xf32>
      %max3A_1735 = arith.maximumf %get3A_1598, %gather3A_1684 : vector<16xf32>
      %sub3A_1736 = arith.subf %min3A_1734, %max3A_1735 : vector<16xf32>
      %max3A_1737 = arith.maximumf %sub3A_1736, %broadcast_in_dim3A_15 : vector<16xf32>
      %min3A_1738 = arith.minimumf %get3A_1604, %gather3A_1687 : vector<16xf32>
      %max3A_1739 = arith.maximumf %get3A_1600, %gather3A_1685 : vector<16xf32>
      %sub3A_1740 = arith.subf %min3A_1738, %max3A_1739 : vector<16xf32>
      %max3A_1741 = arith.maximumf %sub3A_1740, %broadcast_in_dim3A_15 : vector<16xf32>
      %mul3A_1742 = arith.mulf %max3A_1737, %max3A_1741 : vector<16xf32>
      %add3A_1743 = arith.addf %mul3A_1607, %gather3A_1688 : vector<16xf32>
      %sub3A_1744 = arith.subf %add3A_1743, %mul3A_1742 : vector<16xf32>
      %add3A_1745 = arith.addf %sub3A_1744, %broadcast_in_dim3A_17 : vector<16xf32>
      %div3A_1746 = arith.divf %mul3A_1742, %add3A_1745 : vector<16xf32>
      %gt3A_1747 = arith.cmpf ogt, %div3A_1746, %scan3A_1678 : vector<16xf32>
      %select_n3A_1748 = arith.select %gt3A_1747, %div3A_1746, %scan3A_1678 : vector<16xi1>, vector<16xf32>
      %select_n3A_1749 = arith.select %gt3A_1747, %broadcast_in_dim3A_1683, %scan3A_1682 : vector<16xi1>, vector<16xi32>
      scf.yield %select_n3A_1700, %select_n3A_1716, %select_n3A_1732, %select_n3A_1748, %select_n3A_1701, %select_n3A_1717, %select_n3A_1733, %select_n3A_1749 : vector<16xf32>, vector<16xf32>, vector<16xf32>, vector<16xf32>, vector<16xi32>, vector<16xi32>, vector<16xi32>, vector<16xi32>
    }
    %scan3A_1613 = arith.constant 512 : i32
    %gt3A_1614 = arith.cmpf ogt, %scan3A_1612#0, %broadcast_in_dim3A_19 : vector<16xf32>
    %lt3A_1615 = arith.cmpf olt, %scan3A_1612#0, %broadcast_in_dim3A_21 : vector<16xf32>
    %gather3A_1616 = tpu.vector_load_idx %arg17[%scan3A_1612#4] : memref<512xi32, #tpu.memory_space<vmem>>[vector<16xi32>], vector<16xi32>,
    %gather3A_1617 = tpu.vector_load_idx %arg15[%scan3A_1612#4] : memref<512xf32, #tpu.memory_space<vmem>>[vector<16xi32>], vector<16xf32>,
    %convert_element_type3A_1618 = arith.fptosi %gather3A_1617 : vector<16xf32> to vector<16xi32>
    %add3A_1619 = arith.addi %gather3A_1616, %broadcast_in_dim3A_23 : vector<16xi32>
    %select_n3A_1620 = arith.select %lt3A_1615, %broadcast_in_dim3A_27, %broadcast_in_dim3A_25 : vector<16xi1>, vector<16xi32>
    %select_n3A_1621 = arith.select %gt3A_1614, %add3A_1619, %select_n3A_1620 : vector<16xi1>, vector<16xi32>
    %swap3A_1622 = arith.constant 192 : index
    %swap3A_1623 = tpu.vector_load %arg18[%swap3A_1622] {strides = array<i32>} : memref<256xi32, #tpu.memory_space<vmem>>, vector<16xi32>,
    tpu.vector_store %arg18[%swap3A_1622], %select_n3A_1621 {strides = array<i32>} : memref<256xi32, #tpu.memory_space<vmem>>, vector<16xi32>,
    %swap3A_1624 = arith.constant 192 : index
    %swap3A_1625 = tpu.vector_load %arg19[%swap3A_1624] {strides = array<i32>} : memref<256xf32, #tpu.memory_space<vmem>>, vector<16xf32>,
    tpu.vector_store %arg19[%swap3A_1624], %scan3A_1612#0 {strides = array<i32>} : memref<256xf32, #tpu.memory_space<vmem>>, vector<16xf32>,
    %select_n3A_1626 = arith.select %gt3A_1614, %convert_element_type3A_1618, %broadcast_in_dim3A_25 : vector<16xi1>, vector<16xi32>
    %swap3A_1627 = arith.constant 192 : index
    %swap3A_1628 = tpu.vector_load %arg20[%swap3A_1627] {strides = array<i32>} : memref<256xi32, #tpu.memory_space<vmem>>, vector<16xi32>,
    tpu.vector_store %arg20[%swap3A_1627], %select_n3A_1626 {strides = array<i32>} : memref<256xi32, #tpu.memory_space<vmem>>, vector<16xi32>,
    %gt3A_1629 = arith.cmpf ogt, %scan3A_1612#1, %broadcast_in_dim3A_19 : vector<16xf32>
    %lt3A_1630 = arith.cmpf olt, %scan3A_1612#1, %broadcast_in_dim3A_21 : vector<16xf32>
    %gather3A_1631 = tpu.vector_load_idx %arg17[%scan3A_1612#5] : memref<512xi32, #tpu.memory_space<vmem>>[vector<16xi32>], vector<16xi32>,
    %gather3A_1632 = tpu.vector_load_idx %arg15[%scan3A_1612#5] : memref<512xf32, #tpu.memory_space<vmem>>[vector<16xi32>], vector<16xf32>,
    %convert_element_type3A_1633 = arith.fptosi %gather3A_1632 : vector<16xf32> to vector<16xi32>
    %add3A_1634 = arith.addi %gather3A_1631, %broadcast_in_dim3A_23 : vector<16xi32>
    %select_n3A_1635 = arith.select %lt3A_1630, %broadcast_in_dim3A_27, %broadcast_in_dim3A_25 : vector<16xi1>, vector<16xi32>
    %select_n3A_1636 = arith.select %gt3A_1629, %add3A_1634, %select_n3A_1635 : vector<16xi1>, vector<16xi32>
    %swap3A_1637 = arith.constant 208 : index
    %swap3A_1638 = tpu.vector_load %arg18[%swap3A_1637] {strides = array<i32>} : memref<256xi32, #tpu.memory_space<vmem>>, vector<16xi32>,
    tpu.vector_store %arg18[%swap3A_1637], %select_n3A_1636 {strides = array<i32>} : memref<256xi32, #tpu.memory_space<vmem>>, vector<16xi32>,
    %swap3A_1639 = arith.constant 208 : index
    %swap3A_1640 = tpu.vector_load %arg19[%swap3A_1639] {strides = array<i32>} : memref<256xf32, #tpu.memory_space<vmem>>, vector<16xf32>,
    tpu.vector_store %arg19[%swap3A_1639], %scan3A_1612#1 {strides = array<i32>} : memref<256xf32, #tpu.memory_space<vmem>>, vector<16xf32>,
    %select_n3A_1641 = arith.select %gt3A_1629, %convert_element_type3A_1633, %broadcast_in_dim3A_25 : vector<16xi1>, vector<16xi32>
    %swap3A_1642 = arith.constant 208 : index
    %swap3A_1643 = tpu.vector_load %arg20[%swap3A_1642] {strides = array<i32>} : memref<256xi32, #tpu.memory_space<vmem>>, vector<16xi32>,
    tpu.vector_store %arg20[%swap3A_1642], %select_n3A_1641 {strides = array<i32>} : memref<256xi32, #tpu.memory_space<vmem>>, vector<16xi32>,
    %gt3A_1644 = arith.cmpf ogt, %scan3A_1612#2, %broadcast_in_dim3A_19 : vector<16xf32>
    %lt3A_1645 = arith.cmpf olt, %scan3A_1612#2, %broadcast_in_dim3A_21 : vector<16xf32>
    %gather3A_1646 = tpu.vector_load_idx %arg17[%scan3A_1612#6] : memref<512xi32, #tpu.memory_space<vmem>>[vector<16xi32>], vector<16xi32>,
    %gather3A_1647 = tpu.vector_load_idx %arg15[%scan3A_1612#6] : memref<512xf32, #tpu.memory_space<vmem>>[vector<16xi32>], vector<16xf32>,
    %convert_element_type3A_1648 = arith.fptosi %gather3A_1647 : vector<16xf32> to vector<16xi32>
    %add3A_1649 = arith.addi %gather3A_1646, %broadcast_in_dim3A_23 : vector<16xi32>
    %select_n3A_1650 = arith.select %lt3A_1645, %broadcast_in_dim3A_27, %broadcast_in_dim3A_25 : vector<16xi1>, vector<16xi32>
    %select_n3A_1651 = arith.select %gt3A_1644, %add3A_1649, %select_n3A_1650 : vector<16xi1>, vector<16xi32>
    %swap3A_1652 = arith.constant 224 : index
    %swap3A_1653 = tpu.vector_load %arg18[%swap3A_1652] {strides = array<i32>} : memref<256xi32, #tpu.memory_space<vmem>>, vector<16xi32>,
    tpu.vector_store %arg18[%swap3A_1652], %select_n3A_1651 {strides = array<i32>} : memref<256xi32, #tpu.memory_space<vmem>>, vector<16xi32>,
    %swap3A_1654 = arith.constant 224 : index
    %swap3A_1655 = tpu.vector_load %arg19[%swap3A_1654] {strides = array<i32>} : memref<256xf32, #tpu.memory_space<vmem>>, vector<16xf32>,
    tpu.vector_store %arg19[%swap3A_1654], %scan3A_1612#2 {strides = array<i32>} : memref<256xf32, #tpu.memory_space<vmem>>, vector<16xf32>,
    %select_n3A_1656 = arith.select %gt3A_1644, %convert_element_type3A_1648, %broadcast_in_dim3A_25 : vector<16xi1>, vector<16xi32>
    %swap3A_1657 = arith.constant 224 : index
    %swap3A_1658 = tpu.vector_load %arg20[%swap3A_1657] {strides = array<i32>} : memref<256xi32, #tpu.memory_space<vmem>>, vector<16xi32>,
    tpu.vector_store %arg20[%swap3A_1657], %select_n3A_1656 {strides = array<i32>} : memref<256xi32, #tpu.memory_space<vmem>>, vector<16xi32>,
    %gt3A_1659 = arith.cmpf ogt, %scan3A_1612#3, %broadcast_in_dim3A_19 : vector<16xf32>
    %lt3A_1660 = arith.cmpf olt, %scan3A_1612#3, %broadcast_in_dim3A_21 : vector<16xf32>
    %gather3A_1661 = tpu.vector_load_idx %arg17[%scan3A_1612#7] : memref<512xi32, #tpu.memory_space<vmem>>[vector<16xi32>], vector<16xi32>,
    %gather3A_1662 = tpu.vector_load_idx %arg15[%scan3A_1612#7] : memref<512xf32, #tpu.memory_space<vmem>>[vector<16xi32>], vector<16xf32>,
    %convert_element_type3A_1663 = arith.fptosi %gather3A_1662 : vector<16xf32> to vector<16xi32>
    %add3A_1664 = arith.addi %gather3A_1661, %broadcast_in_dim3A_23 : vector<16xi32>
    %select_n3A_1665 = arith.select %lt3A_1660, %broadcast_in_dim3A_27, %broadcast_in_dim3A_25 : vector<16xi1>, vector<16xi32>
    %select_n3A_1666 = arith.select %gt3A_1659, %add3A_1664, %select_n3A_1665 : vector<16xi1>, vector<16xi32>
    %swap3A_1667 = arith.constant 240 : index
    %swap3A_1668 = tpu.vector_load %arg18[%swap3A_1667] {strides = array<i32>} : memref<256xi32, #tpu.memory_space<vmem>>, vector<16xi32>,
    tpu.vector_store %arg18[%swap3A_1667], %select_n3A_1666 {strides = array<i32>} : memref<256xi32, #tpu.memory_space<vmem>>, vector<16xi32>,
    %swap3A_1669 = arith.constant 240 : index
    %swap3A_1670 = tpu.vector_load %arg19[%swap3A_1669] {strides = array<i32>} : memref<256xf32, #tpu.memory_space<vmem>>, vector<16xf32>,
    tpu.vector_store %arg19[%swap3A_1669], %scan3A_1612#3 {strides = array<i32>} : memref<256xf32, #tpu.memory_space<vmem>>, vector<16xf32>,
    %select_n3A_1671 = arith.select %gt3A_1659, %convert_element_type3A_1663, %broadcast_in_dim3A_25 : vector<16xi1>, vector<16xi32>
    %swap3A_1672 = arith.constant 240 : index
    %swap3A_1673 = tpu.vector_load %arg20[%swap3A_1672] {strides = array<i32>} : memref<256xi32, #tpu.memory_space<vmem>>, vector<16xi32>,
    tpu.vector_store %arg20[%swap3A_1672], %select_n3A_1671 {strides = array<i32>} : memref<256xi32, #tpu.memory_space<vmem>>, vector<16xi32>,
    "tpu.region"() ({
      %run_scoped3A = tpu.sem_alloc : memref<!tpu.dma_semaphore, #tpu.memory_space<semaphore_mem>>
      %dma_start3A = tpu.memref_slice %arg4[%mul3A_2] : memref<8192xi32, #tpu.memory_space<hbm>> -> memref<256xi32, #tpu.memory_space<hbm>>
      %dma_start3A_1674 = tpu.memref_slice %arg4[%mul3A_2] : memref<8192xi32, #tpu.memory_space<hbm>> -> memref<256xi32, #tpu.memory_space<hbm>>
      tpu.enqueue_dma source(%arg18 : memref<256xi32, #tpu.memory_space<vmem>>) target(%dma_start3A_1674 : memref<256xi32, #tpu.memory_space<hbm>>) target_semaphore(%run_scoped3A : memref<!tpu.dma_semaphore, #tpu.memory_space<semaphore_mem>>)
      %dma_wait3A = tpu.memref_slice %arg4[%mul3A_2] : memref<8192xi32, #tpu.memory_space<hbm>> -> memref<256xi32, #tpu.memory_space<hbm>>
      %dma_wait3A_1675 = tpu.memref_slice %arg4[%mul3A_2] : memref<8192xi32, #tpu.memory_space<hbm>> -> memref<256xi32, #tpu.memory_space<hbm>>
      tpu.wait_dma2 semaphore(%run_scoped3A : memref<!tpu.dma_semaphore, #tpu.memory_space<semaphore_mem>>) src(%arg18 : memref<256xi32, #tpu.memory_space<vmem>>) dst(%dma_wait3A_1675 : memref<256xi32, #tpu.memory_space<hbm>>)
      tpu.yield
    }) : () -> ()
    "tpu.region"() ({
      %run_scoped3A = tpu.sem_alloc : memref<!tpu.dma_semaphore, #tpu.memory_space<semaphore_mem>>
      %dma_start3A = tpu.memref_slice %arg5[%mul3A_2] : memref<8192xf32, #tpu.memory_space<hbm>> -> memref<256xf32, #tpu.memory_space<hbm>>
      %dma_start3A_1674 = tpu.memref_slice %arg5[%mul3A_2] : memref<8192xf32, #tpu.memory_space<hbm>> -> memref<256xf32, #tpu.memory_space<hbm>>
      tpu.enqueue_dma source(%arg19 : memref<256xf32, #tpu.memory_space<vmem>>) target(%dma_start3A_1674 : memref<256xf32, #tpu.memory_space<hbm>>) target_semaphore(%run_scoped3A : memref<!tpu.dma_semaphore, #tpu.memory_space<semaphore_mem>>)
      %dma_wait3A = tpu.memref_slice %arg5[%mul3A_2] : memref<8192xf32, #tpu.memory_space<hbm>> -> memref<256xf32, #tpu.memory_space<hbm>>
      %dma_wait3A_1675 = tpu.memref_slice %arg5[%mul3A_2] : memref<8192xf32, #tpu.memory_space<hbm>> -> memref<256xf32, #tpu.memory_space<hbm>>
      tpu.wait_dma2 semaphore(%run_scoped3A : memref<!tpu.dma_semaphore, #tpu.memory_space<semaphore_mem>>) src(%arg19 : memref<256xf32, #tpu.memory_space<vmem>>) dst(%dma_wait3A_1675 : memref<256xf32, #tpu.memory_space<hbm>>)
      tpu.yield
    }) : () -> ()
    "tpu.region"() ({
      %run_scoped3A = tpu.sem_alloc : memref<!tpu.dma_semaphore, #tpu.memory_space<semaphore_mem>>
      %dma_start3A = tpu.memref_slice %arg6[%mul3A_2] : memref<8192xi32, #tpu.memory_space<hbm>> -> memref<256xi32, #tpu.memory_space<hbm>>
      %dma_start3A_1674 = tpu.memref_slice %arg6[%mul3A_2] : memref<8192xi32, #tpu.memory_space<hbm>> -> memref<256xi32, #tpu.memory_space<hbm>>
      tpu.enqueue_dma source(%arg20 : memref<256xi32, #tpu.memory_space<vmem>>) target(%dma_start3A_1674 : memref<256xi32, #tpu.memory_space<hbm>>) target_semaphore(%run_scoped3A : memref<!tpu.dma_semaphore, #tpu.memory_space<semaphore_mem>>)
      %dma_wait3A = tpu.memref_slice %arg6[%mul3A_2] : memref<8192xi32, #tpu.memory_space<hbm>> -> memref<256xi32, #tpu.memory_space<hbm>>
      %dma_wait3A_1675 = tpu.memref_slice %arg6[%mul3A_2] : memref<8192xi32, #tpu.memory_space<hbm>> -> memref<256xi32, #tpu.memory_space<hbm>>
      tpu.wait_dma2 semaphore(%run_scoped3A : memref<!tpu.dma_semaphore, #tpu.memory_space<semaphore_mem>>) src(%arg20 : memref<256xi32, #tpu.memory_space<vmem>>) dst(%dma_wait3A_1675 : memref<256xi32, #tpu.memory_space<hbm>>)
      tpu.yield
    }) : () -> ()
    return
  }
}

module attributes {stable_mosaic.version = 14 : i64} {
  func.func @body(%arg0: i32, %arg1: memref<2560xf32, #tpu.memory_space<smem>>, %arg2: memref<4x48x128xf32, #tpu.memory_space<vmem>>, %arg3: memref<48x128xi32, #tpu.memory_space<vmem>>, %arg4: memref<48x128xf32, #tpu.memory_space<vmem>>, %arg5: memref<48x128xi32, #tpu.memory_space<vmem>>, %arg6: memref<5x512xf32, #tpu.memory_space<smem>>, %arg7: memref<512xi32, #tpu.memory_space<smem>>) attributes {dimension_semantics = [#tpu.dimension_semantics<arbitrary>], iteration_bounds = array<i64: 2>, scalar_prefetch = 0 : i64, scratch_operands = 2 : i64, tpu.core_type = #tpu.core_type<tc>, window_params = [{transform_indices = @transform_0, window_bounds = array<i64: 2560>}, {transform_indices = @transform_1, window_bounds = array<i64: 4, 48, 128>}, {transform_indices = @transform_2, window_bounds = array<i64: 48, 128>}, {transform_indices = @transform_3, window_bounds = array<i64: 48, 128>}, {transform_indices = @transform_4, window_bounds = array<i64: 48, 128>}]} {
    %eq3A = arith.constant 0 : i32
    %eq3A_0 = arith.cmpi eq, %arg0, %eq3A : i32
    %convert_element_type3A = arith.extui %eq3A_0 : i1 to i32
    %cond3A = arith.constant 2.000000e+09 : f32
    %cond3A_1 = arith.constant 0 : i32
    %cond3A_2 = arith.cmpi ne, %convert_element_type3A, %cond3A_1 : i32
    scf.if %cond3A_2 {
      %scan3A_55 = arith.constant 0 : i32
      %scan3A_56 = arith.constant 0 : i32
      %scan3A_57 = arith.constant 512 : i32
      %scan3A_58 = arith.addi %scan3A_56, %scan3A_57 : i32
      %scan3A_59 = arith.constant 1 : i32
      %scan3A_60 = scf.for %scan3A_62 = %scan3A_56 to %scan3A_58 step %scan3A_59 iter_args(%scan3A_63 = %scan3A_55) -> (i32)  : i32 {
        %add3A_64 = arith.constant 2048 : i32
        %add3A_65 = arith.addi %add3A_64, %scan3A_62 : i32
        %get3A_66 = arith.index_cast %add3A_65 : i32 to index
        %get3A_67 = memref.load %arg1[%get3A_66] : memref<2560xf32, #tpu.memory_space<smem>>
        %ne3A = arith.constant -1.000000e+00 : f32
        %ne3A_68 = arith.cmpf one, %get3A_67, %ne3A : f32
        %add3A_69 = arith.constant 0 : i32
        %add3A_70 = arith.addi %add3A_69, %scan3A_62 : i32
        %get3A_71 = arith.index_cast %add3A_70 : i32 to index
        %get3A_72 = memref.load %arg1[%get3A_71] : memref<2560xf32, #tpu.memory_space<smem>>
        %select_n3A_73 = arith.select %ne3A_68, %get3A_72, %cond3A : f32
        %add3A_74 = arith.constant 512 : i32
        %add3A_75 = arith.addi %add3A_74, %scan3A_62 : i32
        %get3A_76 = arith.index_cast %add3A_75 : i32 to index
        %get3A_77 = memref.load %arg1[%get3A_76] : memref<2560xf32, #tpu.memory_space<smem>>
        %select_n3A_78 = arith.select %ne3A_68, %get3A_77, %cond3A : f32
        %add3A_79 = arith.constant 1024 : i32
        %add3A_80 = arith.addi %add3A_79, %scan3A_62 : i32
        %get3A_81 = arith.index_cast %add3A_80 : i32 to index
        %get3A_82 = memref.load %arg1[%get3A_81] : memref<2560xf32, #tpu.memory_space<smem>>
        %select_n3A_83 = arith.select %ne3A_68, %get3A_82, %cond3A : f32
        %add3A_84 = arith.constant 1536 : i32
        %add3A_85 = arith.addi %add3A_84, %scan3A_62 : i32
        %get3A_86 = arith.index_cast %add3A_85 : i32 to index
        %get3A_87 = memref.load %arg1[%get3A_86] : memref<2560xf32, #tpu.memory_space<smem>>
        %select_n3A_88 = arith.select %ne3A_68, %get3A_87, %cond3A : f32
        %swap3A_89 = arith.constant 0 : index
        %swap3A_90 = arith.index_cast %scan3A_62 : i32 to index
        %swap3A_91 = memref.load %arg6[%swap3A_89, %swap3A_90] : memref<5x512xf32, #tpu.memory_space<smem>>
        memref.store %select_n3A_73, %arg6[%swap3A_89, %swap3A_90] : memref<5x512xf32, #tpu.memory_space<smem>>
        %swap3A_92 = arith.constant 1 : index
        %swap3A_93 = arith.index_cast %scan3A_62 : i32 to index
        %swap3A_94 = memref.load %arg6[%swap3A_92, %swap3A_93] : memref<5x512xf32, #tpu.memory_space<smem>>
        memref.store %select_n3A_78, %arg6[%swap3A_92, %swap3A_93] : memref<5x512xf32, #tpu.memory_space<smem>>
        %swap3A_95 = arith.constant 2 : index
        %swap3A_96 = arith.index_cast %scan3A_62 : i32 to index
        %swap3A_97 = memref.load %arg6[%swap3A_95, %swap3A_96] : memref<5x512xf32, #tpu.memory_space<smem>>
        memref.store %select_n3A_83, %arg6[%swap3A_95, %swap3A_96] : memref<5x512xf32, #tpu.memory_space<smem>>
        %swap3A_98 = arith.constant 3 : index
        %swap3A_99 = arith.index_cast %scan3A_62 : i32 to index
        %swap3A_100 = memref.load %arg6[%swap3A_98, %swap3A_99] : memref<5x512xf32, #tpu.memory_space<smem>>
        memref.store %select_n3A_88, %arg6[%swap3A_98, %swap3A_99] : memref<5x512xf32, #tpu.memory_space<smem>>
        %sub3A_101 = arith.subf %select_n3A_83, %select_n3A_73 : f32
        %sub3A_102 = arith.subf %select_n3A_88, %select_n3A_78 : f32
        %mul3A_103 = arith.mulf %sub3A_101, %sub3A_102 : f32
        %swap3A_104 = arith.constant 4 : index
        %swap3A_105 = arith.index_cast %scan3A_62 : i32 to index
        %swap3A_106 = memref.load %arg6[%swap3A_104, %swap3A_105] : memref<5x512xf32, #tpu.memory_space<smem>>
        memref.store %mul3A_103, %arg6[%swap3A_104, %swap3A_105] : memref<5x512xf32, #tpu.memory_space<smem>>
        %convert_element_type3A_107 = arith.extui %ne3A_68 : i1 to i32
        %add3A_108 = arith.addi %scan3A_63, %convert_element_type3A_107 : i32
        %sub3A_109 = arith.constant 1 : i32
        %sub3A_110 = arith.subi %add3A_108, %sub3A_109 : i32
        %swap3A_111 = arith.index_cast %scan3A_62 : i32 to index
        %swap3A_112 = memref.load %arg7[%swap3A_111] : memref<512xi32, #tpu.memory_space<smem>>
        memref.store %sub3A_110, %arg7[%swap3A_111] : memref<512xi32, #tpu.memory_space<smem>>
        scf.yield %add3A_108 : i32
      }
      %scan3A_61 = arith.constant 512 : i32
    } else {
    }
    %get3A = arith.constant 0 : index
    %get3A_3 = arith.constant 0 : index
    %get3A_4 = arith.constant 0 : index
    %get3A_5 = vector.load %arg2[%get3A, %get3A_3, %get3A_4] : memref<4x48x128xf32, #tpu.memory_space<vmem>>, vector<1x48x128xf32>
    %get3A_6 = vector.shape_cast %get3A_5 : vector<1x48x128xf32> to vector<48x128xf32>
    %get3A_7 = arith.constant 1 : index
    %get3A_8 = arith.constant 0 : index
    %get3A_9 = arith.constant 0 : index
    %get3A_10 = vector.load %arg2[%get3A_7, %get3A_8, %get3A_9] : memref<4x48x128xf32, #tpu.memory_space<vmem>>, vector<1x48x128xf32>
    %get3A_11 = vector.shape_cast %get3A_10 : vector<1x48x128xf32> to vector<48x128xf32>
    %get3A_12 = arith.constant 2 : index
    %get3A_13 = arith.constant 0 : index
    %get3A_14 = arith.constant 0 : index
    %get3A_15 = vector.load %arg2[%get3A_12, %get3A_13, %get3A_14] : memref<4x48x128xf32, #tpu.memory_space<vmem>>, vector<1x48x128xf32>
    %get3A_16 = vector.shape_cast %get3A_15 : vector<1x48x128xf32> to vector<48x128xf32>
    %get3A_17 = arith.constant 3 : index
    %get3A_18 = arith.constant 0 : index
    %get3A_19 = arith.constant 0 : index
    %get3A_20 = vector.load %arg2[%get3A_17, %get3A_18, %get3A_19] : memref<4x48x128xf32, #tpu.memory_space<vmem>>, vector<1x48x128xf32>
    %get3A_21 = vector.shape_cast %get3A_20 : vector<1x48x128xf32> to vector<48x128xf32>
    %sub3A = arith.subf %get3A_16, %get3A_6 : vector<48x128xf32>
    %sub3A_22 = arith.subf %get3A_21, %get3A_11 : vector<48x128xf32>
    %mul3A = arith.mulf %sub3A, %sub3A_22 : vector<48x128xf32>
    %broadcast_in_dim3A = arith.constant -1.000000e+00 : f32
    %broadcast_in_dim3A_23 = vector.broadcast %broadcast_in_dim3A : f32 to vector<48x128xf32>
    %broadcast_in_dim3A_24 = arith.constant 0 : i32
    %broadcast_in_dim3A_25 = vector.broadcast %broadcast_in_dim3A_24 : i32 to vector<48x128xi32>
    %broadcast_in_dim3A_26 = arith.constant -1.000000e+00 : f32
    %broadcast_in_dim3A_27 = vector.broadcast %broadcast_in_dim3A_26 : f32 to vector<48x128xf32>
    %scan3A = arith.constant 0 : i32
    %scan3A_28 = arith.constant 512 : i32
    %scan3A_29 = arith.addi %scan3A, %scan3A_28 : i32
    %scan3A_30 = arith.constant 1 : i32
    %scan3A_31:3 = scf.for %scan3A_55 = %scan3A to %scan3A_29 step %scan3A_30 iter_args(%scan3A_56 = %broadcast_in_dim3A_23, %scan3A_57 = %broadcast_in_dim3A_25, %scan3A_58 = %broadcast_in_dim3A_27) -> (vector<48x128xf32>, vector<48x128xi32>, vector<48x128xf32>)  : i32 {
      %get3A_59 = arith.constant 0 : index
      %get3A_60 = arith.index_cast %scan3A_55 : i32 to index
      %get3A_61 = memref.load %arg6[%get3A_59, %get3A_60] : memref<5x512xf32, #tpu.memory_space<smem>>
      %get3A_62 = arith.constant 1 : index
      %get3A_63 = arith.index_cast %scan3A_55 : i32 to index
      %get3A_64 = memref.load %arg6[%get3A_62, %get3A_63] : memref<5x512xf32, #tpu.memory_space<smem>>
      %get3A_65 = arith.constant 2 : index
      %get3A_66 = arith.index_cast %scan3A_55 : i32 to index
      %get3A_67 = memref.load %arg6[%get3A_65, %get3A_66] : memref<5x512xf32, #tpu.memory_space<smem>>
      %get3A_68 = arith.constant 3 : index
      %get3A_69 = arith.index_cast %scan3A_55 : i32 to index
      %get3A_70 = memref.load %arg6[%get3A_68, %get3A_69] : memref<5x512xf32, #tpu.memory_space<smem>>
      %get3A_71 = arith.constant 4 : index
      %get3A_72 = arith.index_cast %scan3A_55 : i32 to index
      %get3A_73 = memref.load %arg6[%get3A_71, %get3A_72] : memref<5x512xf32, #tpu.memory_space<smem>>
      %min3A = vector.broadcast %get3A_67 : f32 to vector<48x128xf32>
      %min3A_74 = arith.minimumf %get3A_16, %min3A : vector<48x128xf32>
      %max3A = vector.broadcast %get3A_61 : f32 to vector<48x128xf32>
      %max3A_75 = arith.maximumf %get3A_6, %max3A : vector<48x128xf32>
      %sub3A_76 = arith.subf %min3A_74, %max3A_75 : vector<48x128xf32>
      %max3A_77 = arith.constant 0.000000e+00 : f32
      %max3A_78 = vector.broadcast %max3A_77 : f32 to vector<48x128xf32>
      %max3A_79 = arith.maximumf %sub3A_76, %max3A_78 : vector<48x128xf32>
      %min3A_80 = vector.broadcast %get3A_70 : f32 to vector<48x128xf32>
      %min3A_81 = arith.minimumf %get3A_21, %min3A_80 : vector<48x128xf32>
      %max3A_82 = vector.broadcast %get3A_64 : f32 to vector<48x128xf32>
      %max3A_83 = arith.maximumf %get3A_11, %max3A_82 : vector<48x128xf32>
      %sub3A_84 = arith.subf %min3A_81, %max3A_83 : vector<48x128xf32>
      %max3A_85 = arith.constant 0.000000e+00 : f32
      %max3A_86 = vector.broadcast %max3A_85 : f32 to vector<48x128xf32>
      %max3A_87 = arith.maximumf %sub3A_84, %max3A_86 : vector<48x128xf32>
      %mul3A_88 = arith.mulf %max3A_79, %max3A_87 : vector<48x128xf32>
      %add3A_89 = vector.broadcast %get3A_73 : f32 to vector<48x128xf32>
      %add3A_90 = arith.addf %mul3A, %add3A_89 : vector<48x128xf32>
      %sub3A_91 = arith.subf %add3A_90, %mul3A_88 : vector<48x128xf32>
      %add3A_92 = arith.constant 9.99999997E-7 : f32
      %add3A_93 = vector.broadcast %add3A_92 : f32 to vector<48x128xf32>
      %add3A_94 = arith.addf %sub3A_91, %add3A_93 : vector<48x128xf32>
      %div3A = arith.divf %mul3A_88, %add3A_94 : vector<48x128xf32>
      %gt3A_95 = arith.cmpf ogt, %div3A, %scan3A_56 : vector<48x128xf32>
      %select_n3A_96 = arith.select %gt3A_95, %div3A, %scan3A_56 : vector<48x128xi1>, vector<48x128xf32>
      %get3A_97 = arith.index_cast %scan3A_55 : i32 to index
      %get3A_98 = memref.load %arg7[%get3A_97] : memref<512xi32, #tpu.memory_space<smem>>
      %broadcast_in_dim3A_99 = vector.broadcast %get3A_98 : i32 to vector<48x128xi32>
      %select_n3A_100 = arith.select %gt3A_95, %broadcast_in_dim3A_99, %scan3A_57 : vector<48x128xi1>, vector<48x128xi32>
      %add3A_101 = arith.constant 2048 : i32
      %add3A_102 = arith.addi %add3A_101, %scan3A_55 : i32
      %get3A_103 = arith.index_cast %add3A_102 : i32 to index
      %get3A_104 = memref.load %arg1[%get3A_103] : memref<2560xf32, #tpu.memory_space<smem>>
      %broadcast_in_dim3A_105 = vector.broadcast %get3A_104 : f32 to vector<48x128xf32>
      %select_n3A_106 = arith.select %gt3A_95, %broadcast_in_dim3A_105, %scan3A_58 : vector<48x128xi1>, vector<48x128xf32>
      scf.yield %select_n3A_96, %select_n3A_100, %select_n3A_106 : vector<48x128xf32>, vector<48x128xi32>, vector<48x128xf32>
    }
    %scan3A_32 = arith.constant 512 : i32
    %gt3A = arith.constant 5.000000e-01 : f32
    %gt3A_33 = vector.broadcast %gt3A : f32 to vector<48x128xf32>
    %gt3A_34 = arith.cmpf ogt, %scan3A_31#0, %gt3A_33 : vector<48x128xf32>
    %lt3A = arith.constant 4.000000e-01 : f32
    %lt3A_35 = vector.broadcast %lt3A : f32 to vector<48x128xf32>
    %lt3A_36 = arith.cmpf olt, %scan3A_31#0, %lt3A_35 : vector<48x128xf32>
    %add3A = arith.constant 1 : i32
    %add3A_37 = vector.broadcast %add3A : i32 to vector<48x128xi32>
    %add3A_38 = arith.addi %scan3A_31#1, %add3A_37 : vector<48x128xi32>
    %jit3A = arith.constant 0 : i32
    %jit3A_39 = arith.constant -1 : i32
    %broadcast_in_dim3A_40 = vector.broadcast %jit3A : i32 to vector<48x128xi32>
    %broadcast_in_dim3A_41 = vector.broadcast %jit3A_39 : i32 to vector<48x128xi32>
    %select_n3A = arith.select %lt3A_36, %broadcast_in_dim3A_40, %broadcast_in_dim3A_41 : vector<48x128xi1>, vector<48x128xi32>
    %select_n3A_42 = arith.select %gt3A_34, %add3A_38, %select_n3A : vector<48x128xi1>, vector<48x128xi32>
    %swap3A = arith.constant 0 : index
    %swap3A_43 = arith.constant 0 : index
    %swap3A_44 = vector.load %arg3[%swap3A, %swap3A_43] : memref<48x128xi32, #tpu.memory_space<vmem>>, vector<48x128xi32>
    tpu.vector_store %arg3[%swap3A, %swap3A_43], %select_n3A_42 {strides = array<i32>} : memref<48x128xi32, #tpu.memory_space<vmem>>, vector<48x128xi32>,
    %swap3A_45 = arith.constant 0 : index
    %swap3A_46 = arith.constant 0 : index
    %swap3A_47 = vector.load %arg4[%swap3A_45, %swap3A_46] : memref<48x128xf32, #tpu.memory_space<vmem>>, vector<48x128xf32>
    tpu.vector_store %arg4[%swap3A_45, %swap3A_46], %scan3A_31#0 {strides = array<i32>} : memref<48x128xf32, #tpu.memory_space<vmem>>, vector<48x128xf32>,
    %convert_element_type3A_48 = arith.fptosi %scan3A_31#2 : vector<48x128xf32> to vector<48x128xi32>
    %jit3A_49 = arith.constant -1 : i32
    %broadcast_in_dim3A_50 = vector.broadcast %jit3A_49 : i32 to vector<48x128xi32>
    %select_n3A_51 = arith.select %gt3A_34, %convert_element_type3A_48, %broadcast_in_dim3A_50 : vector<48x128xi1>, vector<48x128xi32>
    %swap3A_52 = arith.constant 0 : index
    %swap3A_53 = arith.constant 0 : index
    %swap3A_54 = vector.load %arg5[%swap3A_52, %swap3A_53] : memref<48x128xi32, #tpu.memory_space<vmem>>, vector<48x128xi32>
    tpu.vector_store %arg5[%swap3A_52, %swap3A_53], %select_n3A_51 {strides = array<i32>} : memref<48x128xi32, #tpu.memory_space<vmem>>, vector<48x128xi32>,
    return
  }
  func.func @transform_0(%arg0: i32) -> i32 {
    %c0_i32 = arith.constant 0 : i32
    %c0_i32_0 = arith.constant 0 : i32
    return %c0_i32 : i32
  }
  func.func @transform_1(%arg0: i32) -> (i32, i32, i32) {
    %c0_i32 = arith.constant 0 : i32
    %c0_i32_0 = arith.constant 0 : i32
    %c0_i32_1 = arith.constant 0 : i32
    return %c0_i32, %arg0, %c0_i32_0 : i32, i32, i32
  }
  func.func @transform_2(%arg0: i32) -> (i32, i32) {
    %c0_i32 = arith.constant 0 : i32
    %c0_i32_0 = arith.constant 0 : i32
    return %arg0, %c0_i32 : i32, i32
  }
  func.func @transform_3(%arg0: i32) -> (i32, i32) {
    %c0_i32 = arith.constant 0 : i32
    %c0_i32_0 = arith.constant 0 : i32
    return %arg0, %c0_i32 : i32, i32
  }
  func.func @transform_4(%arg0: i32) -> (i32, i32) {
    %c0_i32 = arith.constant 0 : i32
    %c0_i32_0 = arith.constant 0 : i32
    return %arg0, %c0_i32 : i32, i32
  }
}

</mosaic_0001>

<sc_bundles>
// kernel: kernel.4.cloned.1.call-start
scs
__scs_entry_jumppad:
0x0: {  	(pc) =	sbr.rel $0x88, $3  }
0x1: {  	(tag) =	ssettag $0x0;
	lr =	simm.s32 $0x1  }
0x2: {  	[smem:$0x3F9F] =	sst lr;
	_ =	strace $0xD0000000  }
0x3: {  	_ = 	snop  }
0x4: {  	_ = 	snop  }
0x5: {  	_ = 	snop  }
0x6: {  	_ = 	snop  }
0x7: {  	_ = 	snop  }
__scs_overlays_trampoline_lowered:
0x8: {  	[smem:$0x3FAE] =	sst s0  }
0x9: {  	[smem:$0x3FAF] =	sst s1  }
0xa: {  	[smem:$0x3FB0] =	sst s2  }
0xb: {  	[smem:$0x3FB1] =	sst s3  }
0xc: {  	[smem:$0x3FB2] =	sst s4  }
0xd: {  	[smem:$0x3FB3] =	sst s5  }
0xe: {  	[smem:$0x3FB4] =	sst s6  }
0xf: {  	[smem:$0x3FB5] =	sst s7  }
0x10: {  	[smem:$0x3FB6] =	sst s8  }
0x11: {  	[smem:$0x3FB7] =	sst s9;
	s0 =	simm.s32 @!p0 $0x0  }
0x12: {  	s1 =	sld [smem:$0x3F9D];
	s0 =	simm.s32 @p0 $0x1  }
0x13: {  	[smem:$0x3FB8] =	sst s0;
	s0 =	simm.s32 @!p1 $0x0  }
0x14: {  	s2 =	sld [smem:$0x3F9C];
	s0 =	simm.s32 @p1 $0x1  }
0x15: {  	[smem:$0x3FB9] =	sst s0;
	s0 =	simm.s32 @!p2 $0x0  }
0x16: {  	s3 =	sld [smem:$0x3FDB];
	s0 =	simm.s32 @p2 $0x1  }
0x17: {  	s4 =	simm.s32 $0x1BF5;
	[smem:$0x3FBB] =	sst s0  }
0x18: {  	s0 =	sld [smem:$0x3F9E];
	_ =	swait.ge [sflag:s4], $0x0  }
0x19: {  	s7 =	sld [smem:$0x3F9F]  }
0x1a: {  	s8 =	sadd.s32 $0xFFFFE003, lr  }
0x1b: {  	s9 =	sadd.s32 $0xFFFFFEF7, lr;
	s5 =	simm.s32 $0xFFFFFFFF;
	p2 =	slt.u32 s8, $0xFFFFF086  }
0x1c: {  	p1 =	slt.u32 s9, $0xF7A;
	s5 =	simm.s32 @!p2 $0x0  }
0x1d: {  	s5 =	simm.s32 @p1 $0x1;
	p0 =	seq.s32 s7, s2  }
0x1e: {  	s7 =	smul.u32 @!p0 $0xF7A, s2;
	p2 =	seq.s32 @!p0 s5, $0x0  }
0x1f: {  	s9 =	smul.u32 $0xF7A, s1;
	s8 =	simm.s32 @!p0 $0x1BF5;
	p2 =	por !p2, p0  }
0x20: {  	[sflag:s8] =	ssyncset.s32 @!p0 $0xFFFFF086;
	s6 =	sadd.s32 @!p0 s3, s7;
	s7 =	simm.s32 @!p0 $0x108  }
0x21: {  	s3 =	sadd.s32 s3, s9;
	s6 =	sadd.s32 @!p0 $0x88, s6;
	s7 =	simm.s32 @p2 $0x1082  }
0x22: {  	[simem:s7], [sflag:s8] =	dma.local @!p0 [hbm:s6], $0xF7A  }
0x23: {  	s9 =	sor.u32 $0xD0000000, s2;
	s6 =	simm.s32 $0x108;
	_ =	swait.ge @!p0 [sflag:s8], $0x0  }
0x24: {  	s3 =	sadd.s32 $0x88, s3;
	s6 =	simm.s32 @!p1 $0x1082;
	[sflag:s4] =	ssyncset.s32 $0xFFFFF086  }
0x25: {  	[simem:s6], [sflag:s4] =	dma.local [hbm:s3], $0xF7A  }
0x26: {  	[smem:$0x3F9F] =	sst s1;
	(tag) =	ssettag s2;
	_ =	strace s9  }
0x27: {  	s1 =	sld [smem:$0x3FAF]  }
0x28: {  	s2 =	sld [smem:$0x3FB0]  }
0x29: {  	s4 =	sld [smem:$0x3FB2]  }
0x2a: {  	p0 =	seq.s32 s5, $0x0;
	s5 =	sld [smem:$0x3FB3]  }
0x2b: {  	s6 =	sld [smem:$0x3FB4]  }
0x2c: {  	s7 =	sld [smem:$0x3FB5]  }
0x2d: {  	s3 =	simm.s32 $0x108;
	s8 =	sld [smem:$0x3FB6]  }
0x2e: {  	s3 =	simm.s32 @!p0 $0x1082;
	s9 =	sld [smem:$0x3FB7]  }
0x2f: {  	lr =	sadd.s32 s0, s3;
	s0 =	sld [smem:$0x3FAE]  }
0x30: {  	s3 =	sld [smem:$0x3FB1]  }
0x31: {  	[smem:$0x3FBA] =	sst s10  }
0x32: {  	s10 =	sld [smem:$0x3FB8];
	_ =	sdelay $0x3  }
0x33: {  	p0 =	seq.s32 s10, $0x1;
	s10 =	sld [smem:$0x3FBA];
	_ =	sdelay $0x3  }
0x34: {  	[smem:$0x3FBA] =	sst s10  }
0x35: {  	s10 =	sld [smem:$0x3FB9];
	_ =	sdelay $0x3  }
0x36: {  	p1 =	seq.s32 s10, $0x1;
	s10 =	sld [smem:$0x3FBA];
	_ =	sdelay $0x3  }
0x37: {  	[smem:$0x3FBA] =	sst s10  }
0x38: {  	s10 =	sld [smem:$0x3FBB]  }
0x39: {  	_ = 	snop;
	(pc) =	sbr.ind lr, $3  }
0x3a: {  	_ = 	snop  }
0x3b: {  	_ = 	snop  }
0x3c: {  	p2 =	seq.s32 s10, $0x1;
	s10 =	sld [smem:$0x3FBA]  }
0x3d: {  	_ =	shalt  }
0x3e: {  	_ =	shalt  }
0x3f: {  	_ =	shalt  }
0x40: {  	_ =	shalt  }
0x41: {  	_ =	shalt  }
0x42: {  	_ =	shalt  }
0x43: {  	_ =	shalt  }
0x44: {  	_ =	shalt  }
0x45: {  	_ =	shalt  }
0x46: {  	_ =	shalt  }
0x47: {  	_ =	shalt  }
0x48: {  	_ =	shalt  }
0x49: {  	_ =	shalt  }
0x4a: {  	_ =	shalt  }
0x4b: {  	_ =	shalt  }
0x4c: {  	_ =	shalt  }
0x4d: {  	_ =	shalt  }
0x4e: {  	_ =	shalt  }
0x4f: {  	_ =	shalt  }
0x50: {  	_ =	shalt  }
0x51: {  	_ =	shalt  }
0x52: {  	_ =	shalt  }
0x53: {  	_ =	shalt  }
0x54: {  	_ =	shalt  }
0x55: {  	_ =	shalt  }
0x56: {  	_ =	shalt  }
0x57: {  	_ =	shalt  }
0x58: {  	_ =	shalt  }
0x59: {  	_ =	shalt  }
0x5a: {  	_ =	shalt  }
0x5b: {  	_ =	shalt  }
0x5c: {  	_ =	shalt  }
0x5d: {  	_ =	shalt  }
0x5e: {  	_ =	shalt  }
0x5f: {  	_ =	shalt  }
0x60: {  	_ =	shalt  }
0x61: {  	_ =	shalt  }
0x62: {  	_ =	shalt  }
0x63: {  	_ =	shalt  }
0x64: {  	_ =	shalt  }
0x65: {  	_ =	shalt  }
0x66: {  	_ =	shalt  }
0x67: {  	_ =	shalt  }
0x68: {  	_ =	shalt  }
0x69: {  	_ =	shalt  }
0x6a: {  	_ =	shalt  }
0x6b: {  	_ =	shalt  }
0x6c: {  	_ =	shalt  }
0x6d: {  	_ =	shalt  }
0x6e: {  	_ =	shalt  }
0x6f: {  	_ =	shalt  }
0x70: {  	_ =	shalt  }
0x71: {  	_ =	shalt  }
0x72: {  	_ =	shalt  }
0x73: {  	_ =	shalt  }
0x74: {  	_ =	shalt  }
0x75: {  	_ =	shalt  }
0x76: {  	_ =	shalt  }
0x77: {  	_ =	shalt  }
0x78: {  	_ =	shalt  }
0x79: {  	_ =	shalt  }
0x7a: {  	_ =	shalt  }
0x7b: {  	_ =	shalt  }
0x7c: {  	_ =	shalt  }
0x7d: {  	_ =	shalt  }
0x7e: {  	_ =	shalt  }
0x7f: {  	_ =	shalt  }
0x80: {  	_ =	shalt  }
0x81: {  	_ =	shalt  }
0x82: {  	_ =	shalt  }
0x83: {  	_ =	shalt  }
0x84: {  	_ =	shalt  }
0x85: {  	_ =	shalt  }
0x86: {  	_ =	shalt  }
0x87: {  	_ =	shalt  }
.Lfunc_end0:
.L_simem_size_0:
called_computation_lowered:
.L_overlay_start_0:
0x88: {  	s2 =	sld [smem:$0x3FD9]  }
0x89: {  	s3 =	sld [smem:$0x3FFE];
	_ =	sdelay $0x1  }
0x8a: {  	s1 =	srdreg.scid  }
0x8b: {  	s0 =	sand.u32 $0x1, s1  }
0x8c: {  	s14 =	sshll.u32 s0, $0xA;
	s2 =	sadd.s32 s3, s2  }
0x8d: {  	s2 =	sadd.s32 s2, s14  }
0x8e: {  	[smem:$0x3FC6] =	sst s2  }
0x8f: {  	_ = 	snop  }
0x90: {  	s2 =	sld [smem:$0x3FD0];
	_ =	sdelay $0x2  }
0x91: {  	s15 =	simm.s32 $0xA;
	s4 =	simm.s32 $0x10  }
0x92: {  	[smem:s4], [sflag:s15] =	dma.local [hbm:s2], $0x1  }
0x93: {  	_ =	swait.eq [sflag:s15], $0x1  }
0x94: {  	s16 =	sld [smem:$0x10];
	[sflag:s15] =	ssyncset.done $0x0  }
0x95: {  	s17 =	sld [smem:$0x11];
	[sflag:s15] =	ssyncadd.s32 $0xFFFFFFFF  }
0x96: {  	s18 =	sld [smem:$0x12];
	(tm) =	ssettm $0x1  }
0x97: {  	s5 =	sld [smem:$0x3FFB];
	_ =	sdelay $0x3  }
0x98: {  	_ =	strace s5  }
0x99: {  	s5 =	sld [smem:$0x3FFC];
	_ =	sdelay $0x3  }
0x9a: {  	_ =	strace s5  }
0x9b: {  	s5 =	sld [smem:$0x3FFD];
	_ =	sdelay $0x3  }
0x9c: {  	_ =	strace s5  }
0x9d: {  	_ =	strace $0x8FFFFFFF  }
0x9e: {  	s19 =	sld [smem:$0x3FDB];
	_ =	sdelay $0x1  }
0x9f: {  	s6 =	simm.s32 $_scs_section_size  }
0xa0: {  	s7 =	simm.s32 $_size__tile_overlayer_lowered;
	s8 =	simm.s32 $_tile_overlayer_lowered  }
0xa1: {  	s22 =	simm.s32 $0x1BFF;
	s21 =	sshll.u32 s8, $0x1;
	s5 =	sadd.s32 s6, s19  }
0xa2: {  	s9 =	simm.s32 $0x0;
	s20 =	sshll.u32 s7, $0x1;
	s7 =	sadd.s32 s21, s5  }
0xa3: {  	[timem:s9], [sflag:s22] =	dma.local [hbm:s7], s20  }
0xa4: {  	_ =	swait.ge [sflag:s22], s20  }
0xa5: {  	s6 =	ssub.s32 $0x0, s20;
	[sflag:s22] =	ssyncset.done $0x0  }
0xa6: {  	[sflag:s22] =	ssyncadd.s32 s6;
	_ =	sdelay $0x1  }
0xa7: {  	s23 =	simm.s32 $0x1B8B  }
0xa8: {  	_ =	swait.ge [sflag:s23], $0x1  }
0xa9: {  	[sflag:s23] =	ssyncset.done $0x0  }
0xaa: {  	s25 =	simm.s32 $0x1B8E;
	s24 =	sld [smem:$0x3FFE];
	[sflag:s23] =	ssyncadd.s32 $0xFFFFFFFF  }
0xab: {  	s26 =	simm.s32 $execute0_lowered;
	[smem:$0x3FD2] =	sst s25  }
0xac: {  	s7 =	sshll.u32 s26, $0x1;
	_ =	strace $0x80000046;
	[dreg:$0x1] =	wrdreg $0xFFFFFFFF  }
0xad: {  	s28 =	simm.s32 $_size_execute0_lowered;
	s5 =	sadd.s32 s5, s7;
	[dreg:$0x0] =	wrdreg $0x0  }
0xae: {  	s7 =	sshll.u32 s28, $0x1;
	[dreg:$0x2] =	wrdreg s5  }
0xaf: {  	[dreg:$0x3] =	wrdreg s7  }
0xb0: {  	[dreg:$0x4] =	wrdreg $0xC0  }
0xb1: {  	_ =	task [dreg:s9], $0x5FFFF  }
0xb2: {  	[dreg:$0x1] =	wrdreg $0xFFFFFFFF  }
0xb3: {  	[dreg:$0x0] =	wrdreg $0x60  }
0xb4: {  	[dreg:$0x2] =	wrdreg s24  }
0xb5: {  	[dreg:$0x3] =	wrdreg s17  }
0xb6: {  	[dreg:$0x4] =	wrdreg s18  }
0xb7: {  	[dreg:$0x5] =	wrdreg s16  }
0xb8: {  	[dreg:$0x6] =	wrdreg $0x9  }
0xb9: {  	_ =	task.clear_ibuf [dreg:s9], $0x7FFFF;
	_ =	strace $0x90000046  }
0xba: {  	s29 =	simm.s32 $0x9;
	_ =	strace $0x80000048  }
0xbb: {  	_ =	swait.ge [sflag:s29], $0x1  }
0xbc: {  	[sflag:s29] =	ssyncadd.s32 $0xFFFFFFFF  }
0xbd: {  	_ =	strace $0x90000048  }
0xbe: {  	_ =	sfence  }
0xbf: {  	s30 =	sld [smem:$0x0];
	_ =	sdelay $0x2  }
0xc0: {  	s31 =	sshll.u32 s1, $0xD;
	s1 =	sshrl.u32 s1, $0x2  }
0xc1: {  	s3 =	sand.u32 $0x4000, s31;
	s1 =	sadd.s32 s1, s30  }
0xc2: {  	s0 =	sor.u32 s3, s0;
	s1 =	sshll.u32 s1, $0x11  }
0xc3: {  	s0 =	sor.u32 s1, s0  }
0xc4: {  	s0 =	sadd.s32 $0x8F2B, s0  }
0xc5: {  	[sflag:s0] =	ssyncadd.remote.s32 $0x1  }
0xc6: {  	_ =	sfence.sel $0xFFFF  }
0xc7: {  	[dreg:$0x0] =	wrdreg $0xFFFFFFFF;
	(pc) =	sbr.abs _section_cstart, $3  }
0xc8: {  	[dreg:$0x1] =	wrdreg $0xFFFFFFFF  }
0xc9: {  	_ =	task.clear_ibuf [dreg:s9], $0x2FFFF;
	_ =	strace $0x9FFFFFFF  }
0xca: {  	(tm) =	ssettm $0x7FFFFFFF  }
0xcb: {  	_ =	shalt  }
tec
execute0_lowered:
.L_overlay_start_1:
0x0: {  	(tag) =	ssettag $0x1  }
0x1: {  	s0 =	rddreg [dreg:$0x0]  }
0x2: {  	s1 =	rddreg [dreg:$0x1]  }
0x3: {  	s2 =	rddreg [dreg:$0x2]  }
0x4: {  	s13 =	rddreg [dreg:$0x3];
	s4 =	srdreg.scid;
	s3 =	simm.s32 $0x0  }
0x5: {  	s5 =	stileid.u32;
	s16 =	simm.s32 $0x1;
	s19 =	simm.s32 $0x300  }
0x6: {  	s20 =	simm.s32 $0x400;
	s21 =	simm.s32 $0x600;
	s22 =	simm.s32 $0x800  }
0x7: {  	s23 =	simm.s32 $0xA00;
	s24 =	simm.s32 $0xC00;
	s25 =	simm.s32 $0x1000  }
0x8: {  	s28 =	simm.s32 $0x1200;
	s29 =	simm.s32 $0x1300;
	s30 =	simm.s32 $0x1400  }
0x9: {  	s31 =	simm.s32 $0x0;
	s4 =	sand.u32 $0x1, s4;
	s5 =	sshll.u32 s5, $0x6  }
0xa: {  	[smem:$0x7FF] =	sst s3;
	s8 =	sadd.s32 $0x40, s1;
	s9 =	sadd.s32 $0x80, s1  }
0xb: {  	s10 =	sadd.s32 $0xC0, s1;
	s6 =	sshll.u32 s4, $0x5;
	s4 =	ssub.s32 $0x2, s4  }
0xc: {  	s11 =	sadd.s32 $0x100, s1;
	s14 =	sor.u32 s6, s5;
	s26 =	sshrl.u32 s4, $0x1  }
0xd: {  	v0 =	vimm.s32 $0x0;
	v21 =	vimm.s32 $0x14F;
	v22 =	vimm.s32 $0x15F;
	_ =	strace $0x80000047;
	s0 =	sadd.s32 s14, s0;
	s15 =	ssub.s32 s4, s26  }
0xe: {  	v23 =	vimm.s32 $0x16F;
	v24 =	vimm.s32 $0x17F;
	v25 =	vimm.s32 $0x18F;
	s12 =	sadd.s32 s2, s14;
	s13 =	sadd.s32 s13, s14;
	s26 =	simm.s32 $0xE00  }
0xf: {  	v26 =	vimm.s32 $0x19F;
	v27 =	vimm.s32 $0x1AF;
	v28 =	vimm.s32 $0x1BF;
	s4 =	sadd.s32 $0x1400, s0;
	s5 =	sadd.s32 $0x1800, s0;
	s6 =	sadd.s32 $0x1C00, s0  }
0x10: {  	v29 =	vimm.s32 $0x1CF;
	v30 =	vimm.s32 $0x1DF;
	v31 =	vimm.s32 $0x1EF;
	s7 =	sadd.s32 $0x2000, s0;
	s14 =	sadd.s32 $0x2400, s0;
	s15 =	smax.u32 s15, $0x1  }
.LBB2_1:
0x11: {  	[tilespmem:s3], [sflag:$0x1] =	stream.linear.gather [hbm4b:s4+s3], $0x100, $0x38;
	[tilespmem:$0x1500] =	vst v63  }
0x12: {  	_ =	swait.ge [sflag:s16], $0x100  }
0x13: {  	[sflag:s16] =	ssyncset.done $0x0  }
0x14: {  	s0 =	simm.s32 $0x100;
	[sflag:s16] =	ssyncadd.s32 $0xFFFFFF00  }
0x15: {  	[tilespmem:s0], [sflag:$0x1] =	stream.linear.gather [hbm4b:s5+s3], $0x100, $0x38;
	[tilespmem:$0x1500] =	vst v63  }
0x16: {  	_ =	swait.ge [sflag:s16], $0x100  }
0x17: {  	[sflag:s16] =	ssyncset.done $0x0  }
0x18: {  	s18 =	simm.s32 $0x200;
	[sflag:s16] =	ssyncadd.s32 $0xFFFFFF00  }
0x19: {  	[tilespmem:s18], [sflag:$0x1] =	stream.linear.gather [hbm4b:s6+s3], $0x100, $0x38;
	[tilespmem:$0x1500] =	vst v63  }
0x1a: {  	_ =	swait.ge [sflag:s16], $0x100  }
0x1b: {  	[sflag:s16] =	ssyncset.done $0x0  }
0x1c: {  	[sflag:s16] =	ssyncadd.s32 $0xFFFFFF00  }
0x1d: {  	[tilespmem:s19], [sflag:$0x1] =	stream.linear.gather [hbm4b:s7+s3], $0x100, $0x38;
	[tilespmem:$0x1500] =	vst v63  }
0x1e: {  	_ =	swait.ge [sflag:s16], $0x100  }
0x1f: {  	[sflag:s16] =	ssyncset.done $0x0  }
0x20: {  	[sflag:s16] =	ssyncadd.s32 $0xFFFFFF00  }
0x21: {  	[tilespmem:s20], [sflag:$0x1] =	stream.linear.gather [hbm4b:s1+s3], $0x200, $0x38;
	[tilespmem:$0x1500] =	vst v63  }
0x22: {  	_ =	swait.ge [sflag:s16], $0x200  }
0x23: {  	[sflag:s16] =	ssyncset.done $0x0  }
0x24: {  	[sflag:s16] =	ssyncadd.s32 $0xFFFFFE00  }
0x25: {  	[tilespmem:s21], [sflag:$0x1] =	stream.linear.gather [hbm4b:s8+s3], $0x200, $0x38;
	[tilespmem:$0x1500] =	vst v63  }
0x26: {  	_ =	swait.ge [sflag:s16], $0x200  }
0x27: {  	[sflag:s16] =	ssyncset.done $0x0  }
0x28: {  	[sflag:s16] =	ssyncadd.s32 $0xFFFFFE00  }
0x29: {  	[tilespmem:s22], [sflag:$0x1] =	stream.linear.gather [hbm4b:s9+s3], $0x200, $0x38;
	[tilespmem:$0x1500] =	vst v63  }
0x2a: {  	_ =	swait.ge [sflag:s16], $0x200  }
0x2b: {  	[sflag:s16] =	ssyncset.done $0x0  }
0x2c: {  	[sflag:s16] =	ssyncadd.s32 $0xFFFFFE00  }
0x2d: {  	[tilespmem:s23], [sflag:$0x1] =	stream.linear.gather [hbm4b:s10+s3], $0x200, $0x38;
	[tilespmem:$0x1500] =	vst v63  }
0x2e: {  	_ =	swait.ge [sflag:s16], $0x200  }
0x2f: {  	[sflag:s16] =	ssyncset.done $0x0  }
0x30: {  	[sflag:s16] =	ssyncadd.s32 $0xFFFFFE00  }
0x31: {  	[tilespmem:s24], [sflag:$0x1] =	stream.linear.gather [hbm4b:s11+s3], $0x200, $0x38;
	[tilespmem:$0x1500] =	vst v63  }
0x32: {  	_ =	swait.ge [sflag:s16], $0x200  }
0x33: {  	[sflag:s16] =	ssyncset.done $0x0  }
0x34: {  	[sflag:s16] =	ssyncadd.s32 $0xFFFFFE00  }
0x35: {  	v1 =	vld [tilespmem:$0xC00];
	_ =	sdelay $0x1  }
0x36: {  	v2 =	vld [tilespmem:$0x400]  }
0x37: {  	v3 =	vld [tilespmem:$0x600]  }
0x38: {  	v4 =	vld [tilespmem:$0x800]  }
0x39: {  	vm0 =	vlt.f32 v1, $-1.000000000e+00;
	vm1 =	vgt.f32 v1, $-1.000000000e+00;
	v1 =	vld [tilespmem:$0xA00]  }
0x3a: {  	vm0 =	vmor vm1, vm0  }
0x3b: {  	v5 =	vsel vm0, $0x1, v0  }
0x3c: {  	(xrf0) =	vadd.scan.msk.s32 $0xffff, v5  }
0x3d: {  	v2 =	vnsel vm0, $0x4EEE6B28, v2;
	v5 =	vld [tilespmem:$0xC10]  }
0x3e: {  	v3 =	vnsel vm0, $0x4EEE6B28, v3;
	v4 =	vnsel vm0, $0x4EEE6B28, v4;
	v1 =	vnsel vm0, $0x4EEE6B28, v1  }
0x3f: {  	[tilespmem:$0x400] =	vst v2;
	v2 =	vsub.f32 v4, v2;
	v6 =	vsub.f32 v1, v3  }
0x40: {  	v7 =	vld [tilespmem:$0x410];
	[tilespmem:$0x600] =	vst v3  }
0x41: {  	[tilespmem:$0x800] =	vst v4;
	v4 =	vld [tilespmem:$0x810];
	v2 =	vmul.f32 v6, v2  }
0x42: {  	v3 =	vld [tilespmem:$0x610];
	[tilespmem:$0xA00] =	vst v1;
	vm14 =	vlt.f32 v5, $-1.000000000e+00;
	vm15 =	vgt.f32 v5, $-1.000000000e+00;
	v1, _, _ =	vpop (xrf0)  }
0x43: {  	vm0 =	vmor vm15, vm14;
	[tilespmem:$0xE00] =	vst v2;
	v1 =	vadd.s32 $0xFFFFFFFF, v1;
	v2 =	vld [tilespmem:$0xC20]  }
0x44: {  	v5 =	vld [tilespmem:$0xA10];
	v6 =	vimm.s32 $0xF;
	[tilespmem:$0x1000] =	vst v1;
	v1 =	vsel vm0, $0x1, v0  }
0x45: {  	(xrf0) =	vadd.scan.msk.s32 $0xffff, v1;
	_ =	sdelay $0x1  }
0x46: {  	v8 =	vld [tilespmem:$0x620];
	v3 =	vnsel vm0, $0x4EEE6B28, v3  }
0x47: {  	v33 =	vld [tilespmem:$0x820];
	v1 =	vnsel vm0, $0x4EEE6B28, v7;
	vm4 =	vlt.f32 v2, $-1.000000000e+00;
	vm5 =	vgt.f32 v2, $-1.000000000e+00  }
0x48: {  	v4 =	vnsel vm0, $0x4EEE6B28, v4;
	v6 =	vld.idx.msk [tilespmem:v6+s25+$0x0], $0xffff;
	v5 =	vnsel vm0, $0x4EEE6B28, v5;
	[tilespmem:$0x410] =	vst v1;
	vm0 =	vmor vm5, vm4  }
0x49: {  	v7 =	vld [tilespmem:$0x420];
	v1 =	vsub.f32 v4, v1;
	[tilespmem:$0x810] =	vst v4;
	v32 =	vsub.f32 v5, v3;
	v4 =	vsel vm0, $0x1, v0  }
0x4a: {  	[tilespmem:$0x610] =	vst v3;
	v2 =	vld [tilespmem:$0xA20];
	v3, _, _ =	vpop (xrf0);
	(xrf0) =	vadd.scan.msk.s32 $0xffff, v4;
	v4 =	vimm.s32 $0x1F  }
0x4b: {  	v1 =	vmul.f32 v32, v1  }
0x4c: {  	[tilespmem:$0xA10] =	vst v5  }
0x4d: {  	[tilespmem:$0xE10] =	vst v1;
	v1 =	vadd.s32 v6, v3  }
0x4e: {  	v5 =	vnsel vm0, $0x4EEE6B28, v8;
	v3 =	vld [tilespmem:$0xC30];
	[tilespmem:$0x1010] =	vst v1  }
0x4f: {  	v6 =	vnsel vm0, $0x4EEE6B28, v33;
	v1 =	vnsel vm0, $0x4EEE6B28, v7;
	v2 =	vnsel vm0, $0x4EEE6B28, v2;
	v4 =	vld.idx.msk [tilespmem:v4+s25+$0x0], $0xffff  }
0x50: {  	v7 =	vsub.f32 v2, v5;
	[tilespmem:$0x420] =	vst v1;
	v1 =	vsub.f32 v6, v1  }
0x51: {  	v8 =	vld [tilespmem:$0x430];
	[tilespmem:$0x620] =	vst v5  }
0x52: {  	v5 =	vld [tilespmem:$0x630];
	[tilespmem:$0x820] =	vst v6;
	v1 =	vmul.f32 v7, v1  }
0x53: {  	v6 =	vld [tilespmem:$0x830];
	[tilespmem:$0xA20] =	vst v2;
	v2, _, _ =	vpop (xrf0);
	vm6 =	vlt.f32 v3, $-1.000000000e+00  }
0x54: {  	vm7 =	vgt.f32 v3, $-1.000000000e+00;
	v3 =	vld [tilespmem:$0xA30];
	[tilespmem:$0xE20] =	vst v1;
	v1 =	vadd.s32 v4, v2;
	v4 =	vimm.s32 $0x2F  }
0x55: {  	vm0 =	vmor vm7, vm6  }
0x56: {  	[tilespmem:$0x1020] =	vst v1;
	v1 =	vsel vm0, $0x1, v0  }
0x57: {  	(xrf0) =	vadd.scan.msk.s32 $0xffff, v1  }
0x58: {  	v2 =	vld [tilespmem:$0xC40];
	v5 =	vnsel vm0, $0x4EEE6B28, v5  }
0x59: {  	v6 =	vnsel vm0, $0x4EEE6B28, v6;
	v3 =	vnsel vm0, $0x4EEE6B28, v3;
	v1 =	vnsel vm0, $0x4EEE6B28, v8;
	v4 =	vld.idx.msk [tilespmem:v4+s25+$0x0], $0xffff  }
0x5a: {  	v36 =	vsub.f32 v3, v5;
	[tilespmem:$0x430] =	vst v1;
	v1 =	vsub.f32 v6, v1  }
0x5b: {  	v37 =	vld [tilespmem:$0x840]  }
0x5c: {  	v7 =	vld [tilespmem:$0x440];
	v1 =	vmul.f32 v36, v1  }
0x5d: {  	v8 =	vld [tilespmem:$0x640];
	vm8 =	vlt.f32 v2, $-1.000000000e+00;
	[tilespmem:$0xA30] =	vst v3;
	v3, _, _ =	vpop (xrf0)  }
0x5e: {  	vm9 =	vgt.f32 v2, $-1.000000000e+00;
	v2 =	vld [tilespmem:$0xA40];
	[tilespmem:$0xE30] =	vst v1;
	v1 =	vadd.s32 v4, v3;
	v4 =	vimm.s32 $0x3F  }
0x5f: {  	vm0 =	vmor vm9, vm8  }
0x60: {  	[tilespmem:$0x630] =	vst v5;
	v5 =	vsel vm0, $0x1, v0  }
0x61: {  	[tilespmem:$0x830] =	vst v6;
	(xrf0) =	vadd.scan.msk.s32 $0xffff, v5  }
0x62: {  	v6 =	vnsel vm0, $0x4EEE6B28, v37;
	v3 =	vld [tilespmem:$0xC50];
	[tilespmem:$0x1030] =	vst v1  }
0x63: {  	v5 =	vnsel vm0, $0x4EEE6B28, v8;
	v2 =	vnsel vm0, $0x4EEE6B28, v2;
	v1 =	vnsel vm0, $0x4EEE6B28, v7;
	v4 =	vld.idx.msk [tilespmem:v4+s25+$0x0], $0xffff  }
0x64: {  	v7 =	vsub.f32 v2, v5;
	[tilespmem:$0x440] =	vst v1;
	v1 =	vsub.f32 v6, v1  }
0x65: {  	v8 =	vld [tilespmem:$0x450];
	[tilespmem:$0x640] =	vst v5  }
0x66: {  	v5 =	vld [tilespmem:$0x650];
	[tilespmem:$0x840] =	vst v6;
	v1 =	vmul.f32 v7, v1  }
0x67: {  	v6 =	vld [tilespmem:$0x850];
	[tilespmem:$0xA40] =	vst v2;
	v2, _, _ =	vpop (xrf0);
	vm10 =	vlt.f32 v3, $-1.000000000e+00  }
0x68: {  	vm11 =	vgt.f32 v3, $-1.000000000e+00;
	v3 =	vld [tilespmem:$0xA50];
	[tilespmem:$0xE40] =	vst v1;
	v1 =	vadd.s32 v4, v2;
	v4 =	vimm.s32 $0x4F  }
0x69: {  	vm0 =	vmor vm11, vm10  }
0x6a: {  	[tilespmem:$0x1040] =	vst v1;
	v1 =	vsel vm0, $0x1, v0  }
0x6b: {  	(xrf0) =	vadd.scan.msk.s32 $0xffff, v1  }
0x6c: {  	v2 =	vld [tilespmem:$0xC60];
	v5 =	vnsel vm0, $0x4EEE6B28, v5  }
0x6d: {  	v6 =	vnsel vm0, $0x4EEE6B28, v6;
	v3 =	vnsel vm0, $0x4EEE6B28, v3;
	v1 =	vnsel vm0, $0x4EEE6B28, v8;
	v4 =	vld.idx.msk [tilespmem:v4+s25+$0x0], $0xffff  }
0x6e: {  	v38 =	vsub.f32 v3, v5;
	[tilespmem:$0x450] =	vst v1;
	v1 =	vsub.f32 v6, v1  }
0x6f: {  	v39 =	vld [tilespmem:$0x860]  }
0x70: {  	v7 =	vld [tilespmem:$0x460];
	v1 =	vmul.f32 v38, v1  }
0x71: {  	v8 =	vld [tilespmem:$0x660];
	vm12 =	vlt.f32 v2, $-1.000000000e+00;
	[tilespmem:$0xA50] =	vst v3;
	v3, _, _ =	vpop (xrf0)  }
0x72: {  	vm13 =	vgt.f32 v2, $-1.000000000e+00;
	v2 =	vld [tilespmem:$0xA60];
	[tilespmem:$0xE50] =	vst v1;
	v1 =	vadd.s32 v4, v3;
	v4 =	vimm.s32 $0x5F  }
0x73: {  	vm0 =	vmor vm13, vm12  }
0x74: {  	[tilespmem:$0x650] =	vst v5;
	v5 =	vsel vm0, $0x1, v0  }
0x75: {  	[tilespmem:$0x850] =	vst v6;
	(xrf0) =	vadd.scan.msk.s32 $0xffff, v5  }
0x76: {  	v6 =	vnsel vm0, $0x4EEE6B28, v39;
	v3 =	vld [tilespmem:$0xC70];
	[tilespmem:$0x1050] =	vst v1  }
0x77: {  	v5 =	vnsel vm0, $0x4EEE6B28, v8;
	v2 =	vnsel vm0, $0x4EEE6B28, v2;
	v1 =	vnsel vm0, $0x4EEE6B28, v7;
	v4 =	vld.idx.msk [tilespmem:v4+s25+$0x0], $0xffff  }
0x78: {  	v7 =	vsub.f32 v2, v5;
	[tilespmem:$0x460] =	vst v1;
	v1 =	vsub.f32 v6, v1  }
0x79: {  	v8 =	vld [tilespmem:$0x470];
	[tilespmem:$0x660] =	vst v5  }
0x7a: {  	v5 =	vld [tilespmem:$0x670];
	[tilespmem:$0x860] =	vst v6;
	v1 =	vmul.f32 v7, v1  }
0x7b: {  	v6 =	vld [tilespmem:$0x870];
	[tilespmem:$0xA60] =	vst v2;
	v2, _, _ =	vpop (xrf0);
	vm14 =	vlt.f32 v3, $-1.000000000e+00  }
0x7c: {  	vm15 =	vgt.f32 v3, $-1.000000000e+00;
	v3 =	vld [tilespmem:$0xA70];
	[tilespmem:$0xE60] =	vst v1;
	v1 =	vadd.s32 v4, v2;
	v4 =	vimm.s32 $0x6F  }
0x7d: {  	vm0 =	vmor vm15, vm14  }
0x7e: {  	[tilespmem:$0x1060] =	vst v1;
	v1 =	vsel vm0, $0x1, v0  }
0x7f: {  	(xrf0) =	vadd.scan.msk.s32 $0xffff, v1  }
0x80: {  	v2 =	vld [tilespmem:$0xC80];
	v5 =	vnsel vm0, $0x4EEE6B28, v5  }
0x81: {  	v6 =	vnsel vm0, $0x4EEE6B28, v6;
	v3 =	vnsel vm0, $0x4EEE6B28, v3;
	v1 =	vnsel vm0, $0x4EEE6B28, v8;
	v4 =	vld.idx.msk [tilespmem:v4+s25+$0x0], $0xffff  }
0x82: {  	v40 =	vsub.f32 v3, v5;
	[tilespmem:$0x470] =	vst v1;
	v1 =	vsub.f32 v6, v1  }
0x83: {  	v41 =	vld [tilespmem:$0x880]  }
0x84: {  	v7 =	vld [tilespmem:$0x480];
	v1 =	vmul.f32 v40, v1  }
0x85: {  	v8 =	vld [tilespmem:$0x680];
	vm4 =	vlt.f32 v2, $-1.000000000e+00;
	[tilespmem:$0xA70] =	vst v3;
	v3, _, _ =	vpop (xrf0)  }
0x86: {  	vm5 =	vgt.f32 v2, $-1.000000000e+00;
	v2 =	vld [tilespmem:$0xA80];
	[tilespmem:$0xE70] =	vst v1;
	v1 =	vadd.s32 v4, v3;
	v4 =	vimm.s32 $0x7F  }
0x87: {  	vm0 =	vmor vm5, vm4  }
0x88: {  	[tilespmem:$0x670] =	vst v5;
	v5 =	vsel vm0, $0x1, v0  }
0x89: {  	[tilespmem:$0x870] =	vst v6;
	(xrf0) =	vadd.scan.msk.s32 $0xffff, v5  }
0x8a: {  	v6 =	vnsel vm0, $0x4EEE6B28, v41;
	v3 =	vld [tilespmem:$0xC90];
	[tilespmem:$0x1070] =	vst v1  }
0x8b: {  	v5 =	vnsel vm0, $0x4EEE6B28, v8;
	v2 =	vnsel vm0, $0x4EEE6B28, v2;
	v1 =	vnsel vm0, $0x4EEE6B28, v7;
	v4 =	vld.idx.msk [tilespmem:v4+s25+$0x0], $0xffff  }
0x8c: {  	v7 =	vsub.f32 v2, v5;
	[tilespmem:$0x480] =	vst v1;
	v1 =	vsub.f32 v6, v1  }
0x8d: {  	v8 =	vld [tilespmem:$0x490];
	[tilespmem:$0x680] =	vst v5  }
0x8e: {  	v5 =	vld [tilespmem:$0x690];
	[tilespmem:$0x880] =	vst v6;
	v1 =	vmul.f32 v7, v1  }
0x8f: {  	v6 =	vld [tilespmem:$0x890];
	[tilespmem:$0xA80] =	vst v2;
	v2, _, _ =	vpop (xrf0);
	vm6 =	vlt.f32 v3, $-1.000000000e+00  }
0x90: {  	vm7 =	vgt.f32 v3, $-1.000000000e+00;
	v3 =	vld [tilespmem:$0xA90];
	[tilespmem:$0xE80] =	vst v1;
	v1 =	vadd.s32 v4, v2;
	v4 =	vimm.s32 $0x8F  }
0x91: {  	vm0 =	vmor vm7, vm6  }
0x92: {  	[tilespmem:$0x1080] =	vst v1;
	v1 =	vsel vm0, $0x1, v0  }
0x93: {  	(xrf0) =	vadd.scan.msk.s32 $0xffff, v1  }
0x94: {  	v2 =	vld [tilespmem:$0xCA0];
	v5 =	vnsel vm0, $0x4EEE6B28, v5  }
0x95: {  	v6 =	vnsel vm0, $0x4EEE6B28, v6;
	v3 =	vnsel vm0, $0x4EEE6B28, v3;
	v1 =	vnsel vm0, $0x4EEE6B28, v8;
	v4 =	vld.idx.msk [tilespmem:v4+s25+$0x0], $0xffff  }
0x96: {  	v42 =	vsub.f32 v3, v5;
	[tilespmem:$0x490] =	vst v1;
	v1 =	vsub.f32 v6, v1  }
0x97: {  	v43 =	vld [tilespmem:$0x8A0]  }
0x98: {  	v7 =	vld [tilespmem:$0x4A0];
	v1 =	vmul.f32 v42, v1  }
0x99: {  	v8 =	vld [tilespmem:$0x6A0];
	vm8 =	vlt.f32 v2, $-1.000000000e+00;
	[tilespmem:$0xA90] =	vst v3;
	v3, _, _ =	vpop (xrf0)  }
0x9a: {  	vm9 =	vgt.f32 v2, $-1.000000000e+00;
	v2 =	vld [tilespmem:$0xAA0];
	[tilespmem:$0xE90] =	vst v1;
	v1 =	vadd.s32 v4, v3;
	v4 =	vimm.s32 $0x9F  }
0x9b: {  	vm0 =	vmor vm9, vm8  }
0x9c: {  	[tilespmem:$0x690] =	vst v5;
	v5 =	vsel vm0, $0x1, v0  }
0x9d: {  	[tilespmem:$0x890] =	vst v6;
	(xrf0) =	vadd.scan.msk.s32 $0xffff, v5  }
0x9e: {  	v6 =	vnsel vm0, $0x4EEE6B28, v43;
	v3 =	vld [tilespmem:$0xCB0];
	[tilespmem:$0x1090] =	vst v1  }
0x9f: {  	v5 =	vnsel vm0, $0x4EEE6B28, v8;
	v2 =	vnsel vm0, $0x4EEE6B28, v2;
	v1 =	vnsel vm0, $0x4EEE6B28, v7;
	v4 =	vld.idx.msk [tilespmem:v4+s25+$0x0], $0xffff  }
0xa0: {  	v7 =	vsub.f32 v2, v5;
	[tilespmem:$0x4A0] =	vst v1;
	v1 =	vsub.f32 v6, v1  }
0xa1: {  	v8 =	vld [tilespmem:$0x4B0];
	[tilespmem:$0x6A0] =	vst v5  }
0xa2: {  	v5 =	vld [tilespmem:$0x6B0];
	[tilespmem:$0x8A0] =	vst v6;
	v1 =	vmul.f32 v7, v1  }
0xa3: {  	v6 =	vld [tilespmem:$0x8B0];
	[tilespmem:$0xAA0] =	vst v2;
	v2, _, _ =	vpop (xrf0);
	vm10 =	vlt.f32 v3, $-1.000000000e+00  }
0xa4: {  	vm11 =	vgt.f32 v3, $-1.000000000e+00;
	v3 =	vld [tilespmem:$0xAB0];
	[tilespmem:$0xEA0] =	vst v1;
	v1 =	vadd.s32 v4, v2;
	v4 =	vimm.s32 $0xAF  }
0xa5: {  	vm0 =	vmor vm11, vm10  }
0xa6: {  	[tilespmem:$0x10A0] =	vst v1;
	v1 =	vsel vm0, $0x1, v0  }
0xa7: {  	(xrf0) =	vadd.scan.msk.s32 $0xffff, v1  }
0xa8: {  	v2 =	vld [tilespmem:$0xCC0];
	v5 =	vnsel vm0, $0x4EEE6B28, v5  }
0xa9: {  	v6 =	vnsel vm0, $0x4EEE6B28, v6;
	v3 =	vnsel vm0, $0x4EEE6B28, v3;
	v1 =	vnsel vm0, $0x4EEE6B28, v8;
	v4 =	vld.idx.msk [tilespmem:v4+s25+$0x0], $0xffff  }
0xaa: {  	v44 =	vsub.f32 v3, v5;
	[tilespmem:$0x4B0] =	vst v1;
	v1 =	vsub.f32 v6, v1  }
0xab: {  	v45 =	vld [tilespmem:$0x8C0]  }
0xac: {  	v7 =	vld [tilespmem:$0x4C0];
	v1 =	vmul.f32 v44, v1  }
0xad: {  	v8 =	vld [tilespmem:$0x6C0];
	vm12 =	vlt.f32 v2, $-1.000000000e+00;
	[tilespmem:$0xAB0] =	vst v3;
	v3, _, _ =	vpop (xrf0)  }
0xae: {  	vm13 =	vgt.f32 v2, $-1.000000000e+00;
	v2 =	vld [tilespmem:$0xAC0];
	[tilespmem:$0xEB0] =	vst v1;
	v1 =	vadd.s32 v4, v3;
	v4 =	vimm.s32 $0xBF  }
0xaf: {  	vm0 =	vmor vm13, vm12  }
0xb0: {  	[tilespmem:$0x6B0] =	vst v5;
	v5 =	vsel vm0, $0x1, v0  }
0xb1: {  	[tilespmem:$0x8B0] =	vst v6;
	(xrf0) =	vadd.scan.msk.s32 $0xffff, v5  }
0xb2: {  	v6 =	vnsel vm0, $0x4EEE6B28, v45;
	v3 =	vld [tilespmem:$0xCD0];
	[tilespmem:$0x10B0] =	vst v1  }
0xb3: {  	v5 =	vnsel vm0, $0x4EEE6B28, v8;
	v2 =	vnsel vm0, $0x4EEE6B28, v2;
	v1 =	vnsel vm0, $0x4EEE6B28, v7;
	v4 =	vld.idx.msk [tilespmem:v4+s25+$0x0], $0xffff  }
0xb4: {  	v7 =	vsub.f32 v2, v5;
	[tilespmem:$0x4C0] =	vst v1;
	v1 =	vsub.f32 v6, v1  }
0xb5: {  	v8 =	vld [tilespmem:$0x4D0];
	[tilespmem:$0x6C0] =	vst v5  }
0xb6: {  	v5 =	vld [tilespmem:$0x6D0];
	[tilespmem:$0x8C0] =	vst v6;
	v1 =	vmul.f32 v7, v1  }
0xb7: {  	v6 =	vld [tilespmem:$0x8D0];
	[tilespmem:$0xAC0] =	vst v2;
	v2, _, _ =	vpop (xrf0);
	vm14 =	vlt.f32 v3, $-1.000000000e+00  }
0xb8: {  	vm15 =	vgt.f32 v3, $-1.000000000e+00;
	v3 =	vld [tilespmem:$0xAD0];
	[tilespmem:$0xEC0] =	vst v1;
	v1 =	vadd.s32 v4, v2;
	v4 =	vimm.s32 $0xCF  }
0xb9: {  	vm0 =	vmor vm15, vm14  }
0xba: {  	[tilespmem:$0x10C0] =	vst v1;
	v1 =	vsel vm0, $0x1, v0  }
0xbb: {  	(xrf0) =	vadd.scan.msk.s32 $0xffff, v1  }
0xbc: {  	v2 =	vld [tilespmem:$0xCE0];
	v5 =	vnsel vm0, $0x4EEE6B28, v5  }
0xbd: {  	v6 =	vnsel vm0, $0x4EEE6B28, v6;
	v3 =	vnsel vm0, $0x4EEE6B28, v3;
	v1 =	vnsel vm0, $0x4EEE6B28, v8;
	v4 =	vld.idx.msk [tilespmem:v4+s25+$0x0], $0xffff  }
0xbe: {  	v46 =	vsub.f32 v3, v5;
	[tilespmem:$0x4D0] =	vst v1;
	v1 =	vsub.f32 v6, v1  }
0xbf: {  	v47 =	vld [tilespmem:$0x8E0]  }
0xc0: {  	v7 =	vld [tilespmem:$0x4E0];
	v1 =	vmul.f32 v46, v1  }
0xc1: {  	v8 =	vld [tilespmem:$0x6E0];
	vm4 =	vlt.f32 v2, $-1.000000000e+00;
	[tilespmem:$0xAD0] =	vst v3;
	v3, _, _ =	vpop (xrf0)  }
0xc2: {  	vm5 =	vgt.f32 v2, $-1.000000000e+00;
	v2 =	vld [tilespmem:$0xAE0];
	[tilespmem:$0xED0] =	vst v1;
	v1 =	vadd.s32 v4, v3;
	v4 =	vimm.s32 $0xDF  }
0xc3: {  	vm0 =	vmor vm5, vm4  }
0xc4: {  	[tilespmem:$0x6D0] =	vst v5;
	v5 =	vsel vm0, $0x1, v0  }
0xc5: {  	[tilespmem:$0x8D0] =	vst v6;
	(xrf0) =	vadd.scan.msk.s32 $0xffff, v5  }
0xc6: {  	v6 =	vnsel vm0, $0x4EEE6B28, v47;
	v3 =	vld [tilespmem:$0xCF0];
	[tilespmem:$0x10D0] =	vst v1  }
0xc7: {  	v5 =	vnsel vm0, $0x4EEE6B28, v8;
	v2 =	vnsel vm0, $0x4EEE6B28, v2;
	v1 =	vnsel vm0, $0x4EEE6B28, v7;
	v4 =	vld.idx.msk [tilespmem:v4+s25+$0x0], $0xffff  }
0xc8: {  	v7 =	vsub.f32 v2, v5;
	[tilespmem:$0x4E0] =	vst v1;
	v1 =	vsub.f32 v6, v1  }
0xc9: {  	v8 =	vld [tilespmem:$0x4F0];
	[tilespmem:$0x6E0] =	vst v5  }
0xca: {  	v5 =	vld [tilespmem:$0x6F0];
	[tilespmem:$0x8E0] =	vst v6;
	v1 =	vmul.f32 v7, v1  }
0xcb: {  	v6 =	vld [tilespmem:$0x8F0];
	[tilespmem:$0xAE0] =	vst v2;
	v2, _, _ =	vpop (xrf0);
	vm6 =	vlt.f32 v3, $-1.000000000e+00  }
0xcc: {  	vm7 =	vgt.f32 v3, $-1.000000000e+00;
	v3 =	vld [tilespmem:$0xAF0];
	[tilespmem:$0xEE0] =	vst v1;
	v1 =	vadd.s32 v4, v2;
	v4 =	vimm.s32 $0xEF  }
0xcd: {  	vm0 =	vmor vm7, vm6  }
0xce: {  	[tilespmem:$0x10E0] =	vst v1;
	v1 =	vsel vm0, $0x1, v0  }
0xcf: {  	(xrf0) =	vadd.scan.msk.s32 $0xffff, v1  }
0xd0: {  	v2 =	vld [tilespmem:$0xD00];
	v5 =	vnsel vm0, $0x4EEE6B28, v5  }
0xd1: {  	v6 =	vnsel vm0, $0x4EEE6B28, v6;
	v3 =	vnsel vm0, $0x4EEE6B28, v3;
	v1 =	vnsel vm0, $0x4EEE6B28, v8;
	v4 =	vld.idx.msk [tilespmem:v4+s25+$0x0], $0xffff  }
0xd2: {  	v48 =	vsub.f32 v3, v5;
	[tilespmem:$0x4F0] =	vst v1;
	v1 =	vsub.f32 v6, v1  }
0xd3: {  	v49 =	vld [tilespmem:$0x900]  }
0xd4: {  	v7 =	vld [tilespmem:$0x500];
	v1 =	vmul.f32 v48, v1  }
0xd5: {  	v8 =	vld [tilespmem:$0x700];
	vm8 =	vlt.f32 v2, $-1.000000000e+00;
	[tilespmem:$0xAF0] =	vst v3;
	v3, _, _ =	vpop (xrf0)  }
0xd6: {  	vm9 =	vgt.f32 v2, $-1.000000000e+00;
	v2 =	vld [tilespmem:$0xB00];
	[tilespmem:$0xEF0] =	vst v1;
	v1 =	vadd.s32 v4, v3;
	v4 =	vimm.s32 $0xFF  }
0xd7: {  	vm0 =	vmor vm9, vm8  }
0xd8: {  	[tilespmem:$0x6F0] =	vst v5;
	v5 =	vsel vm0, $0x1, v0  }
0xd9: {  	[tilespmem:$0x8F0] =	vst v6;
	(xrf0) =	vadd.scan.msk.s32 $0xffff, v5  }
0xda: {  	v6 =	vnsel vm0, $0x4EEE6B28, v49;
	v3 =	vld [tilespmem:$0xD10];
	[tilespmem:$0x10F0] =	vst v1  }
0xdb: {  	v5 =	vnsel vm0, $0x4EEE6B28, v8;
	v2 =	vnsel vm0, $0x4EEE6B28, v2;
	v1 =	vnsel vm0, $0x4EEE6B28, v7;
	v4 =	vld.idx.msk [tilespmem:v4+s25+$0x0], $0xffff  }
0xdc: {  	v7 =	vsub.f32 v2, v5;
	[tilespmem:$0x500] =	vst v1;
	v1 =	vsub.f32 v6, v1  }
0xdd: {  	v8 =	vld [tilespmem:$0x510];
	[tilespmem:$0x700] =	vst v5  }
0xde: {  	v5 =	vld [tilespmem:$0x710];
	[tilespmem:$0x900] =	vst v6;
	v1 =	vmul.f32 v7, v1  }
0xdf: {  	v6 =	vld [tilespmem:$0x910];
	[tilespmem:$0xB00] =	vst v2;
	v2, _, _ =	vpop (xrf0);
	vm10 =	vlt.f32 v3, $-1.000000000e+00  }
0xe0: {  	vm11 =	vgt.f32 v3, $-1.000000000e+00;
	v3 =	vld [tilespmem:$0xB10];
	[tilespmem:$0xF00] =	vst v1;
	v1 =	vadd.s32 v4, v2;
	v4 =	vimm.s32 $0x10F  }
0xe1: {  	vm0 =	vmor vm11, vm10  }
0xe2: {  	[tilespmem:$0x1100] =	vst v1;
	v1 =	vsel vm0, $0x1, v0  }
0xe3: {  	(xrf0) =	vadd.scan.msk.s32 $0xffff, v1  }
0xe4: {  	v2 =	vld [tilespmem:$0xD20];
	v5 =	vnsel vm0, $0x4EEE6B28, v5  }
0xe5: {  	v6 =	vnsel vm0, $0x4EEE6B28, v6;
	v3 =	vnsel vm0, $0x4EEE6B28, v3;
	v1 =	vnsel vm0, $0x4EEE6B28, v8;
	v4 =	vld.idx.msk [tilespmem:v4+s25+$0x0], $0xffff  }
0xe6: {  	v50 =	vsub.f32 v3, v5;
	[tilespmem:$0x510] =	vst v1;
	v1 =	vsub.f32 v6, v1  }
0xe7: {  	v51 =	vld [tilespmem:$0x920]  }
0xe8: {  	v7 =	vld [tilespmem:$0x520];
	v1 =	vmul.f32 v50, v1  }
0xe9: {  	v8 =	vld [tilespmem:$0x720];
	vm12 =	vlt.f32 v2, $-1.000000000e+00;
	[tilespmem:$0xB10] =	vst v3;
	v3, _, _ =	vpop (xrf0)  }
0xea: {  	vm13 =	vgt.f32 v2, $-1.000000000e+00;
	v2 =	vld [tilespmem:$0xB20];
	[tilespmem:$0xF10] =	vst v1;
	v1 =	vadd.s32 v4, v3;
	v4 =	vimm.s32 $0x11F  }
0xeb: {  	vm0 =	vmor vm13, vm12  }
0xec: {  	[tilespmem:$0x710] =	vst v5;
	v5 =	vsel vm0, $0x1, v0  }
0xed: {  	[tilespmem:$0x910] =	vst v6;
	(xrf0) =	vadd.scan.msk.s32 $0xffff, v5  }
0xee: {  	v6 =	vnsel vm0, $0x4EEE6B28, v51;
	v3 =	vld [tilespmem:$0xD30];
	[tilespmem:$0x1110] =	vst v1  }
0xef: {  	v5 =	vnsel vm0, $0x4EEE6B28, v8;
	v2 =	vnsel vm0, $0x4EEE6B28, v2;
	v1 =	vnsel vm0, $0x4EEE6B28, v7;
	v4 =	vld.idx.msk [tilespmem:v4+s25+$0x0], $0xffff  }
0xf0: {  	v7 =	vsub.f32 v2, v5;
	[tilespmem:$0x520] =	vst v1;
	v1 =	vsub.f32 v6, v1  }
0xf1: {  	v8 =	vld [tilespmem:$0x530];
	[tilespmem:$0x720] =	vst v5  }
0xf2: {  	v5 =	vld [tilespmem:$0x730];
	[tilespmem:$0x920] =	vst v6;
	v1 =	vmul.f32 v7, v1  }
0xf3: {  	v6 =	vld [tilespmem:$0x930];
	[tilespmem:$0xB20] =	vst v2;
	v2, _, _ =	vpop (xrf0);
	vm14 =	vlt.f32 v3, $-1.000000000e+00  }
0xf4: {  	vm15 =	vgt.f32 v3, $-1.000000000e+00;
	v3 =	vld [tilespmem:$0xB30];
	[tilespmem:$0xF20] =	vst v1;
	v1 =	vadd.s32 v4, v2;
	v4 =	vimm.s32 $0x12F  }
0xf5: {  	vm0 =	vmor vm15, vm14  }
0xf6: {  	[tilespmem:$0x1120] =	vst v1;
	v1 =	vsel vm0, $0x1, v0  }
0xf7: {  	(xrf0) =	vadd.scan.msk.s32 $0xffff, v1  }
0xf8: {  	v2 =	vld [tilespmem:$0xD40];
	v5 =	vnsel vm0, $0x4EEE6B28, v5  }
0xf9: {  	v6 =	vnsel vm0, $0x4EEE6B28, v6;
	v3 =	vnsel vm0, $0x4EEE6B28, v3;
	v1 =	vnsel vm0, $0x4EEE6B28, v8;
	v4 =	vld.idx.msk [tilespmem:v4+s25+$0x0], $0xffff  }
0xfa: {  	v52 =	vsub.f32 v3, v5;
	[tilespmem:$0x530] =	vst v1;
	v1 =	vsub.f32 v6, v1  }
0xfb: {  	v53 =	vld [tilespmem:$0x940]  }
0xfc: {  	v7 =	vld [tilespmem:$0x540];
	v1 =	vmul.f32 v52, v1  }
0xfd: {  	v8 =	vld [tilespmem:$0x740];
	vm4 =	vlt.f32 v2, $-1.000000000e+00;
	[tilespmem:$0xB30] =	vst v3;
	v3, _, _ =	vpop (xrf0)  }
0xfe: {  	vm5 =	vgt.f32 v2, $-1.000000000e+00;
	v2 =	vld [tilespmem:$0xB40];
	[tilespmem:$0xF30] =	vst v1;
	v1 =	vadd.s32 v4, v3;
	v4 =	vimm.s32 $0x13F  }
0xff: {  	vm0 =	vmor vm5, vm4  }
0x100: {  	[tilespmem:$0x730] =	vst v5;
	v5 =	vsel vm0, $0x1, v0  }
0x101: {  	[tilespmem:$0x930] =	vst v6;
	(xrf0) =	vadd.scan.msk.s32 $0xffff, v5  }
0x102: {  	v6 =	vnsel vm0, $0x4EEE6B28, v53;
	v3 =	vld [tilespmem:$0xD50];
	[tilespmem:$0x1130] =	vst v1  }
0x103: {  	v5 =	vnsel vm0, $0x4EEE6B28, v8;
	v2 =	vnsel vm0, $0x4EEE6B28, v2;
	v1 =	vnsel vm0, $0x4EEE6B28, v7;
	v4 =	vld.idx.msk [tilespmem:v4+s25+$0x0], $0xffff  }
0x104: {  	v8 =	vld [tilespmem:$0x550];
	v7 =	vsub.f32 v2, v5;
	[tilespmem:$0x540] =	vst v1;
	v1 =	vsub.f32 v6, v1  }
0x105: {  	[tilespmem:$0x740] =	vst v5;
	v5 =	vld [tilespmem:$0x750]  }
0x106: {  	[tilespmem:$0x940] =	vst v6;
	v6 =	vld [tilespmem:$0x950];
	v1 =	vmul.f32 v7, v1  }
0x107: {  	[tilespmem:$0xB40] =	vst v2;
	v2, _, _ =	vpop (xrf0);
	vm6 =	vlt.f32 v3, $-1.000000000e+00;
	vm7 =	vgt.f32 v3, $-1.000000000e+00;
	v3 =	vld [tilespmem:$0xB50]  }
0x108: {  	vm0 =	vmor vm7, vm6;
	[tilespmem:$0xF40] =	vst v1;
	v1 =	vadd.s32 v4, v2  }
0x109: {  	v2 =	vld [tilespmem:$0xD60];
	[tilespmem:$0x1140] =	vst v1;
	v1 =	vsel vm0, $0x1, v0  }
0x10a: {  	v55 =	vld [tilespmem:$0x960];
	(xrf0) =	vadd.scan.msk.s32 $0xffff, v1  }
0x10b: {  	v7 =	vld [tilespmem:$0x560];
	v5 =	vnsel vm0, $0x4EEE6B28, v5  }
0x10c: {  	v6 =	vnsel vm0, $0x4EEE6B28, v6;
	v3 =	vnsel vm0, $0x4EEE6B28, v3;
	v4 =	vld.idx.msk [tilespmem:v21+s25+$0x0], $0xffff;
	v1 =	vnsel vm0, $0x4EEE6B28, v8  }
0x10d: {  	v54 =	vsub.f32 v3, v5;
	v8 =	vld [tilespmem:$0x760];
	[tilespmem:$0x550] =	vst v1;
	v1 =	vsub.f32 v6, v1  }
0x10e: {  	[tilespmem:$0x750] =	vst v5;
	vm8 =	vlt.f32 v2, $-1.000000000e+00;
	vm9 =	vgt.f32 v2, $-1.000000000e+00;
	v2 =	vld [tilespmem:$0xB60]  }
0x10f: {  	[tilespmem:$0x950] =	vst v6;
	v1 =	vmul.f32 v54, v1;
	vm0 =	vmor vm9, vm8  }
0x110: {  	[tilespmem:$0xB50] =	vst v3;
	v5 =	vsel vm0, $0x1, v0;
	v3, _, _ =	vpop (xrf0)  }
0x111: {  	[tilespmem:$0xF50] =	vst v1;
	(xrf0) =	vadd.scan.msk.s32 $0xffff, v5;
	v1 =	vadd.s32 v4, v3  }
0x112: {  	v6 =	vnsel vm0, $0x4EEE6B28, v55;
	v3 =	vld [tilespmem:$0xD70];
	[tilespmem:$0x1150] =	vst v1  }
0x113: {  	v5 =	vnsel vm0, $0x4EEE6B28, v8;
	v1 =	vnsel vm0, $0x4EEE6B28, v7;
	v2 =	vnsel vm0, $0x4EEE6B28, v2;
	v4 =	vld.idx.msk [tilespmem:v22+s25+$0x0], $0xffff  }
0x114: {  	v8 =	vld [tilespmem:$0x570];
	[tilespmem:$0x560] =	vst v1;
	v1 =	vsub.f32 v6, v1;
	v7 =	vsub.f32 v2, v5  }
0x115: {  	[tilespmem:$0x760] =	vst v5;
	v5 =	vld [tilespmem:$0x770]  }
0x116: {  	[tilespmem:$0x960] =	vst v6;
	v6 =	vld [tilespmem:$0x970];
	v1 =	vmul.f32 v7, v1  }
0x117: {  	[tilespmem:$0xB60] =	vst v2;
	v2, _, _ =	vpop (xrf0);
	vm10 =	vlt.f32 v3, $-1.000000000e+00;
	vm11 =	vgt.f32 v3, $-1.000000000e+00;
	v3 =	vld [tilespmem:$0xB70]  }
0x118: {  	[tilespmem:$0xF60] =	vst v1;
	vm0 =	vmor vm11, vm10;
	v1 =	vadd.s32 v4, v2  }
0x119: {  	v2 =	vld [tilespmem:$0xD80];
	[tilespmem:$0x1160] =	vst v1;
	v1 =	vsel vm0, $0x1, v0  }
0x11a: {  	v57 =	vld [tilespmem:$0x980];
	(xrf0) =	vadd.scan.msk.s32 $0xffff, v1  }
0x11b: {  	v7 =	vld [tilespmem:$0x580];
	v5 =	vnsel vm0, $0x4EEE6B28, v5  }
0x11c: {  	v6 =	vnsel vm0, $0x4EEE6B28, v6;
	v4 =	vld.idx.msk [tilespmem:v23+s25+$0x0], $0xffff;
	v1 =	vnsel vm0, $0x4EEE6B28, v8;
	v3 =	vnsel vm0, $0x4EEE6B28, v3  }
0x11d: {  	v8 =	vld [tilespmem:$0x780];
	[tilespmem:$0x570] =	vst v1;
	v1 =	vsub.f32 v6, v1;
	v56 =	vsub.f32 v3, v5  }
0x11e: {  	[tilespmem:$0x770] =	vst v5;
	vm12 =	vlt.f32 v2, $-1.000000000e+00;
	vm13 =	vgt.f32 v2, $-1.000000000e+00;
	v2 =	vld [tilespmem:$0xB80]  }
0x11f: {  	[tilespmem:$0x970] =	vst v6;
	v1 =	vmul.f32 v56, v1;
	vm0 =	vmor vm13, vm12  }
0x120: {  	[tilespmem:$0xB70] =	vst v3;
	v5 =	vsel vm0, $0x1, v0;
	v3, _, _ =	vpop (xrf0)  }
0x121: {  	[tilespmem:$0xF70] =	vst v1;
	(xrf0) =	vadd.scan.msk.s32 $0xffff, v5;
	v1 =	vadd.s32 v4, v3  }
0x122: {  	v6 =	vnsel vm0, $0x4EEE6B28, v57;
	v3 =	vld [tilespmem:$0xD90];
	[tilespmem:$0x1170] =	vst v1  }
0x123: {  	v5 =	vnsel vm0, $0x4EEE6B28, v8;
	v1 =	vnsel vm0, $0x4EEE6B28, v7;
	v2 =	vnsel vm0, $0x4EEE6B28, v2;
	v4 =	vld.idx.msk [tilespmem:v24+s25+$0x0], $0xffff  }
0x124: {  	v8 =	vld [tilespmem:$0x590];
	[tilespmem:$0x580] =	vst v1;
	v1 =	vsub.f32 v6, v1;
	v7 =	vsub.f32 v2, v5  }
0x125: {  	[tilespmem:$0x780] =	vst v5;
	v5 =	vld [tilespmem:$0x790]  }
0x126: {  	[tilespmem:$0x980] =	vst v6;
	v6 =	vld [tilespmem:$0x990];
	v1 =	vmul.f32 v7, v1  }
0x127: {  	[tilespmem:$0xB80] =	vst v2;
	v2, _, _ =	vpop (xrf0);
	vm14 =	vlt.f32 v3, $-1.000000000e+00;
	vm15 =	vgt.f32 v3, $-1.000000000e+00;
	v3 =	vld [tilespmem:$0xB90]  }
0x128: {  	[tilespmem:$0xF80] =	vst v1;
	vm0 =	vmor vm15, vm14;
	v1 =	vadd.s32 v4, v2  }
0x129: {  	v2 =	vld [tilespmem:$0xDA0];
	[tilespmem:$0x1180] =	vst v1;
	v1 =	vsel vm0, $0x1, v0  }
0x12a: {  	v59 =	vld [tilespmem:$0x9A0];
	(xrf0) =	vadd.scan.msk.s32 $0xffff, v1  }
0x12b: {  	v7 =	vld [tilespmem:$0x5A0];
	v5 =	vnsel vm0, $0x4EEE6B28, v5  }
0x12c: {  	v6 =	vnsel vm0, $0x4EEE6B28, v6;
	v4 =	vld.idx.msk [tilespmem:v25+s25+$0x0], $0xffff;
	v1 =	vnsel vm0, $0x4EEE6B28, v8;
	v3 =	vnsel vm0, $0x4EEE6B28, v3  }
0x12d: {  	v8 =	vld [tilespmem:$0x7A0];
	[tilespmem:$0x590] =	vst v1;
	v1 =	vsub.f32 v6, v1;
	v58 =	vsub.f32 v3, v5  }
0x12e: {  	[tilespmem:$0x790] =	vst v5;
	vm4 =	vlt.f32 v2, $-1.000000000e+00;
	vm5 =	vgt.f32 v2, $-1.000000000e+00;
	v2 =	vld [tilespmem:$0xBA0]  }
0x12f: {  	[tilespmem:$0x990] =	vst v6;
	v1 =	vmul.f32 v58, v1;
	vm0 =	vmor vm5, vm4  }
0x130: {  	[tilespmem:$0xB90] =	vst v3;
	v5 =	vsel vm0, $0x1, v0;
	v3, _, _ =	vpop (xrf0)  }
0x131: {  	[tilespmem:$0xF90] =	vst v1;
	(xrf0) =	vadd.scan.msk.s32 $0xffff, v5;
	v1 =	vadd.s32 v4, v3  }
0x132: {  	v6 =	vnsel vm0, $0x4EEE6B28, v59;
	v3 =	vld [tilespmem:$0xDB0];
	[tilespmem:$0x1190] =	vst v1  }
0x133: {  	v5 =	vnsel vm0, $0x4EEE6B28, v8;
	v1 =	vnsel vm0, $0x4EEE6B28, v7;
	v2 =	vnsel vm0, $0x4EEE6B28, v2;
	v4 =	vld.idx.msk [tilespmem:v26+s25+$0x0], $0xffff  }
0x134: {  	v8 =	vld [tilespmem:$0x5B0];
	[tilespmem:$0x5A0] =	vst v1;
	v1 =	vsub.f32 v6, v1;
	v7 =	vsub.f32 v2, v5  }
0x135: {  	[tilespmem:$0x7A0] =	vst v5;
	v5 =	vld [tilespmem:$0x7B0]  }
0x136: {  	[tilespmem:$0x9A0] =	vst v6;
	v6 =	vld [tilespmem:$0x9B0];
	v1 =	vmul.f32 v7, v1  }
0x137: {  	[tilespmem:$0xBA0] =	vst v2;
	v2, _, _ =	vpop (xrf0);
	vm6 =	vlt.f32 v3, $-1.000000000e+00;
	vm7 =	vgt.f32 v3, $-1.000000000e+00;
	v3 =	vld [tilespmem:$0xBB0]  }
0x138: {  	[tilespmem:$0xFA0] =	vst v1;
	vm0 =	vmor vm7, vm6;
	v1 =	vadd.s32 v4, v2  }
0x139: {  	v2 =	vld [tilespmem:$0xDC0];
	[tilespmem:$0x11A0] =	vst v1;
	v1 =	vsel vm0, $0x1, v0  }
0x13a: {  	v61 =	vld [tilespmem:$0x9C0];
	(xrf0) =	vadd.scan.msk.s32 $0xffff, v1  }
0x13b: {  	v7 =	vld [tilespmem:$0x5C0];
	v5 =	vnsel vm0, $0x4EEE6B28, v5  }
0x13c: {  	v6 =	vnsel vm0, $0x4EEE6B28, v6;
	v4 =	vld.idx.msk [tilespmem:v27+s25+$0x0], $0xffff;
	v1 =	vnsel vm0, $0x4EEE6B28, v8;
	v3 =	vnsel vm0, $0x4EEE6B28, v3  }
0x13d: {  	v8 =	vld [tilespmem:$0x7C0];
	[tilespmem:$0x5B0] =	vst v1;
	v1 =	vsub.f32 v6, v1;
	v60 =	vsub.f32 v3, v5  }
0x13e: {  	[tilespmem:$0x7B0] =	vst v5;
	vm8 =	vlt.f32 v2, $-1.000000000e+00;
	vm9 =	vgt.f32 v2, $-1.000000000e+00;
	v2 =	vld [tilespmem:$0xBC0]  }
0x13f: {  	[tilespmem:$0x9B0] =	vst v6;
	v1 =	vmul.f32 v60, v1;
	vm0 =	vmor vm9, vm8  }
0x140: {  	[tilespmem:$0xBB0] =	vst v3;
	v5 =	vsel vm0, $0x1, v0;
	v3, _, _ =	vpop (xrf0)  }
0x141: {  	[tilespmem:$0xFB0] =	vst v1;
	(xrf0) =	vadd.scan.msk.s32 $0xffff, v5;
	v1 =	vadd.s32 v4, v3  }
0x142: {  	v6 =	vnsel vm0, $0x4EEE6B28, v61;
	v3 =	vld [tilespmem:$0xDD0];
	[tilespmem:$0x11B0] =	vst v1  }
0x143: {  	v5 =	vnsel vm0, $0x4EEE6B28, v8;
	v1 =	vnsel vm0, $0x4EEE6B28, v7;
	v2 =	vnsel vm0, $0x4EEE6B28, v2;
	v4 =	vld.idx.msk [tilespmem:v28+s25+$0x0], $0xffff  }
0x144: {  	v8 =	vld [tilespmem:$0x5D0];
	[tilespmem:$0x5C0] =	vst v1;
	v1 =	vsub.f32 v6, v1;
	v7 =	vsub.f32 v2, v5  }
0x145: {  	[tilespmem:$0x7C0] =	vst v5;
	v5 =	vld [tilespmem:$0x7D0]  }
0x146: {  	[tilespmem:$0x9C0] =	vst v6;
	v6 =	vld [tilespmem:$0x9D0];
	v1 =	vmul.f32 v7, v1  }
0x147: {  	[tilespmem:$0xBC0] =	vst v2;
	v2, _, _ =	vpop (xrf0);
	vm10 =	vlt.f32 v3, $-1.000000000e+00;
	vm11 =	vgt.f32 v3, $-1.000000000e+00;
	v3 =	vld [tilespmem:$0xBD0]  }
0x148: {  	[tilespmem:$0xFC0] =	vst v1;
	vm0 =	vmor vm11, vm10;
	v1 =	vadd.s32 v4, v2  }
0x149: {  	v2 =	vld [tilespmem:$0xDE0];
	[tilespmem:$0x11C0] =	vst v1;
	v1 =	vsel vm0, $0x1, v0  }
0x14a: {  	v63 =	vld [tilespmem:$0x9E0];
	(xrf0) =	vadd.scan.msk.s32 $0xffff, v1  }
0x14b: {  	v7 =	vld [tilespmem:$0x5E0];
	v5 =	vnsel vm0, $0x4EEE6B28, v5  }
0x14c: {  	v6 =	vnsel vm0, $0x4EEE6B28, v6;
	v4 =	vld.idx.msk [tilespmem:v29+s25+$0x0], $0xffff;
	v1 =	vnsel vm0, $0x4EEE6B28, v8;
	v3 =	vnsel vm0, $0x4EEE6B28, v3  }
0x14d: {  	v8 =	vld [tilespmem:$0x7E0];
	[tilespmem:$0x5D0] =	vst v1;
	v1 =	vsub.f32 v6, v1;
	v62 =	vsub.f32 v3, v5  }
0x14e: {  	[tilespmem:$0x7D0] =	vst v5;
	vm12 =	vlt.f32 v2, $-1.000000000e+00;
	vm13 =	vgt.f32 v2, $-1.000000000e+00;
	v2 =	vld [tilespmem:$0xBE0]  }
0x14f: {  	[tilespmem:$0x9D0] =	vst v6;
	v1 =	vmul.f32 v62, v1;
	vm0 =	vmor vm13, vm12  }
0x150: {  	[tilespmem:$0xBD0] =	vst v3;
	v5 =	vsel vm0, $0x1, v0;
	v3, _, _ =	vpop (xrf0)  }
0x151: {  	[tilespmem:$0xFD0] =	vst v1;
	(xrf0) =	vadd.scan.msk.s32 $0xffff, v5;
	v1 =	vadd.s32 v4, v3  }
0x152: {  	v34 =	vld [tilespmem:$0x300];
	v5 =	vnsel vm0, $0x4EEE6B28, v63;
	[tilespmem:$0x11D0] =	vst v1  }
0x153: {  	v4 =	vnsel vm0, $0x4EEE6B28, v8;
	v1 =	vnsel vm0, $0x4EEE6B28, v7;
	v2 =	vnsel vm0, $0x4EEE6B28, v2;
	v3 =	vld.idx.msk [tilespmem:v30+s25+$0x0], $0xffff  }
0x154: {  	v32 =	vld [tilespmem:$0x200];
	[tilespmem:$0x5E0] =	vst v1;
	v1 =	vsub.f32 v5, v1;
	v6 =	vsub.f32 v2, v4  }
0x155: {  	v37 =	vld [tilespmem:$0x110]  }
0x156: {  	v38 =	vld [tilespmem:$0x0];
	v1 =	vmul.f32 v6, v1  }
0x157: {  	v39 =	vld [tilespmem:$0x100];
	[tilespmem:$0xBE0] =	vst v2;
	v2, _, _ =	vpop (xrf0)  }
0x158: {  	[tilespmem:$0xFE0] =	vst v1;
	v1 =	vadd.s32 v3, v2;
	v2 =	vld [tilespmem:$0xDF0]  }
0x159: {  	v40 =	vld [tilespmem:$0x10]  }
0x15a: {  	[tilespmem:$0x7E0] =	vst v4;
	v4 =	vld [tilespmem:$0x7F0]  }
0x15b: {  	[tilespmem:$0x9E0] =	vst v5;
	v5 =	vld [tilespmem:$0x9F0]  }
0x15c: {  	v3 =	vld [tilespmem:$0x5F0]  }
0x15d: {  	v6 =	vld [tilespmem:$0xBF0];
	vm14 =	vlt.f32 v2, $-1.000000000e+00;
	vm15 =	vgt.f32 v2, $-1.000000000e+00  }
0x15e: {  	v41 =	vld [tilespmem:$0x210];
	vm0 =	vmor vm15, vm14  }
0x15f: {  	v43 =	vld [tilespmem:$0x20];
	v2 =	vsel vm0, $0x1, v0  }
0x160: {  	v42 =	vld [tilespmem:$0x120];
	(xrf0) =	vadd.scan.msk.s32 $0xffff, v2  }
0x161: {  	v45 =	vld [tilespmem:$0x310];
	[tilespmem:$0x11E0] =	vst v1;
	v2 =	vnsel vm0, $0x4EEE6B28, v3  }
0x162: {  	v1 =	vld.idx.msk [tilespmem:v31+s25+$0x0], $0xffff;
	v3 =	vnsel vm0, $0x4EEE6B28, v4;
	v4 =	vnsel vm0, $0x4EEE6B28, v5;
	v5 =	vnsel vm0, $0x4EEE6B28, v6  }
0x163: {  	v47 =	vld [tilespmem:$0x220];
	[tilespmem:$0x5F0] =	vst v2;
	v2 =	vsub.f32 v4, v2;
	v6 =	vsub.f32 v5, v3  }
0x164: {  	v49 =	vld [tilespmem:$0x320];
	[tilespmem:$0x7F0] =	vst v3;
	v3 =	vmov s3  }
0x165: {  	v48 =	vld [tilespmem:$0x30];
	[tilespmem:$0x9F0] =	vst v4;
	v2 =	vmul.f32 v6, v2  }
0x166: {  	v52 =	vld [tilespmem:$0x130];
	[tilespmem:$0xBF0] =	vst v5;
	v4, _, _ =	vpop (xrf0)  }
0x167: {  	v53 =	vld [tilespmem:$0x230];
	[tilespmem:$0xFF0] =	vst v2;
	v1 =	vadd.s32 v1, v4  }
0x168: {  	v54 =	vld [tilespmem:$0x330];
	[tilespmem:$0x11F0] =	vst v1  }
0x169: {  	v1 =	vld.idx.msk [tilespmem:v3+s26+$0x0], $0xffff  }
0x16a: {  	v2 =	vsub.f32 v41, v40;
	v4 =	vsub.f32 v45, v37;
	v5 =	vld.idx.msk [tilespmem:v3+s23+$0x0], $0xffff  }
0x16b: {  	v7 =	vsub.f32 v49, v42;
	v6 =	vsub.f32 v47, v43;
	v8 =	vld.idx.msk [tilespmem:v3+s22+$0x0], $0xffff  }
0x16c: {  	v12 =	vsub.f32 v32, v38;
	v35 =	vsub.f32 v34, v39;
	v58 =	vmul.f32 v4, v2;
	v2 =	vld.idx.msk [tilespmem:v3+s21+$0x0], $0xffff  }
0x16d: {  	s0 =	simm.s32 $0x1;
	v60 =	vmul.f32 v7, v6;
	v6 =	vsub.f32 v54, v52;
	v4 =	vsub.f32 v53, v48;
	v3 =	vld.idx.msk [tilespmem:v3+s20+$0x0], $0xffff  }
0x16e: {  	v19 =	vmov s0  }
0x16f: {  	v61 =	vimm.s32 $0x0;
	v62 =	vmul.f32 v35, v12;
	v50 =	vmul.f32 v6, v4  }
0x170: {  	v4 =	vadd.f32 v1, v60;
	v6 =	vadd.f32 v1, v58;
	v7 =	vmin.f32 v54, v5  }
0x171: {  	v13 =	vmin.f32 v45, v5;
	v14 =	vmin.f32 v49, v5;
	v36 =	vmin.f32 v53, v8  }
0x172: {  	v44 =	vmax.f32 v39, v2;
	v46 =	vmax.f32 v52, v2;
	v51 =	vmax.f32 v40, v3  }
0x173: {  	v55 =	vmin.f32 v47, v8;
	v56 =	vmax.f32 v43, v3;
	v57 =	vmin.f32 v41, v8  }
0x174: {  	v15 =	vmax.f32 v48, v3;
	v3 =	vmax.f32 v38, v3;
	v18 =	vadd.f32 v1, v50  }
0x175: {  	v16 =	vmax.f32 v42, v2;
	v55 =	vsub.f32 v55, v56;
	v57 =	vsub.f32 v57, v51  }
0x176: {  	v2 =	vmax.f32 v37, v2;
	v36 =	vsub.f32 v36, v15;
	v7 =	vsub.f32 v7, v46  }
0x177: {  	v5 =	vmin.f32 v34, v5;
	v35 =	vsub.f32 v14, v16;
	v2 =	vsub.f32 v13, v2  }
0x178: {  	v5 =	vsub.f32 v5, v44;
	v44 =	vimm.f32 $-1.000000000e+00;
	v17 =	vmax.f32 v55, $0.0e+00  }
0x179: {  	v36 =	vmax.f32 v36, $0.0e+00;
	v7 =	vmax.f32 v7, $0.0e+00;
	v35 =	vmax.f32 v35, $0.0e+00  }
0x17a: {  	v33 =	vmul.f32 v7, v36;
	v7 =	vmin.f32 v32, v8;
	v51 =	vmul.f32 v35, v17  }
0x17b: {  	v2 =	vmax.f32 v2, $0.0e+00;
	v8 =	vmax.f32 v57, $0.0e+00;
	v3 =	vsub.f32 v7, v3  }
0x17c: {  	v46 =	vimm.s32 $0x0;
	v55 =	vmul.f32 v2, v8;
	v4 =	vsub.f32 v4, v51  }
0x17d: {  	v2 =	vmax.f32 v3, $0.0e+00;
	v3 =	vmax.f32 v5, $0.0e+00;
	v5 =	vadd.f32 v1, v62;
	v1 =	vld.idx.msk [tilespmem:v19+s26+$0x0], $0xffff  }
0x17e: {  	v59 =	vsub.f32 v18, v33;
	v63 =	vmul.f32 v3, v2;
	v4 =	vadd.f32 $9.999999970e-07, v4;
	v3 =	vld.idx.msk [tilespmem:v19+s23+$0x0], $0xffff  }
0x17f: {  	v56 =	vimm.f32 $-1.000000000e+00;
	v35 =	vimm.f32 $-1.000000000e+00;
	v36 =	vimm.s32 $0x0;
	v2 =	vld.idx.msk [tilespmem:v19+s22+$0x0], $0xffff  }
0x180: {  	v57 =	vimm.s32 $0x0;
	v8 =	vadd.f32 $9.999999970e-07, v59;
	(erf) = vrcp.f32 v4;
	v4 =	vld.idx.msk [tilespmem:v19+s21+$0x0], $0xffff  }
0x181: {  	s17 =	simm.s32 $0x2;
	s2 =	simm.s32 $0x0;
	v7 =	vsub.f32 v6, v55;
	v6 =	vld.idx.msk [tilespmem:v19+s20+$0x0], $0xffff;
	v59 =	vimm.f32 $-1.000000000e+00;
	v5 =	vsub.f32 v5, v63  }
.LBB2_2:
0x182: {  	p0 =	sne.s32 s17, $0x1FF;
	v9 =	vadd.f32 v1, v62;
	v10 =	vadd.f32 v1, v60;
	(erf) = vrcp.f32 v8;
	s18 =	smov.u32 s17;
	s17 =	sadd.s32 $0x1, s17  }
0x183: {  	v8 =	vadd.f32 v1, v58;
	v11 =	vmin.f32 v54, v3;
	v7 =	vadd.f32 $9.999999970e-07, v7  }
0x184: {  	v12 =	vmin.f32 v45, v3;
	v13 =	vmin.f32 v49, v3;
	v14 =	vmin.f32 v53, v2  }
0x185: {  	v15 =	vmax.f32 v39, v4;
	v16 =	vmax.f32 v52, v4;
	(erf) = vrcp.f32 v7  }
0x186: {  	v5 =	vadd.f32 $9.999999970e-07, v5;
	v7 =	vmax.f32 v38, v6;
	v17 =	vmax.f32 v40, v6  }
0x187: {  	v18 =	vmin.f32 v41, v2;
	v19 =	vmin.f32 v47, v2;
	v20 =	vmax.f32 v43, v6  }
0x188: {  	v6 =	vmax.f32 v48, v6;
	v19 =	vsub.f32 v19, v20;
	(erf) = vrcp.f32 v5  }
0x189: {  	v6 =	vsub.f32 v14, v6;
	v5 =	vsub.f32 v18, v17;
	v18 =	vmax.f32 v42, v4  }
0x18a: {  	v11 =	vsub.f32 v11, v16;
	v4 =	vmax.f32 v37, v4;
	v14 =	vmax.f32 v19, $0.0e+00;
	v16 =	vpop (erf)  }
0x18b: {  	v6 =	vmax.f32 v6, $0.0e+00;
	v13 =	vsub.f32 v13, v18;
	v5 =	vmax.f32 v5, $0.0e+00;
	v17 =	vpop (erf)  }
0x18c: {  	v1 =	vadd.f32 v1, v50;
	v11 =	vmax.f32 v11, $0.0e+00;
	v16 =	vmul.f32 v16, v51  }
0x18d: {  	v4 =	vsub.f32 v12, v4;
	v6 =	vmul.f32 v11, v6;
	v12 =	vmax.f32 v13, $0.0e+00  }
0x18e: {  	v3 =	vmin.f32 v34, v3;
	v11 =	vmov s18;
	v13 =	vmul.f32 v17, v33;
	v17 =	vpop (erf)  }
0x18f: {  	v15 =	vsub.f32 v3, v15;
	v3 =	vmax.f32 v4, $0.0e+00;
	v33 =	vmovc v6;
	vm0 =	vgt.f32 v16, v44  }
0x190: {  	v18 =	vsub.f32 v1, v33;
	vm1 =	vgt.f32 v13, v35;
	v17 =	vmul.f32 v17, v55  }
0x191: {  	v2 =	vmin.f32 v32, v2;
	v44 =	vsel vm0, v16, v44;
	v35 =	vsel vm1, v13, v35;
	v1 =	vpop (erf)  }
0x192: {  	v51 =	vmul.f32 v12, v14;
	v36 =	vsel vm1, s2, v36;
	v4 =	vmul.f32 v1, v63  }
0x193: {  	v6 =	vsub.f32 v2, v7;
	v46 =	vsel vm0, s2, v46;
	v55 =	vmul.f32 v3, v5;
	v1 =	vld.idx.msk [tilespmem:v11+s26+$0x0], $0xffff  }
.Ltmp0:
0x194: {  	v5 =	vsub.f32 v10, v51;
	vm1 =	vgt.f32 v17, v56;
	v3 =	vld.idx.msk [tilespmem:v11+s23+$0x0], $0xffff;
	vm0 =	vgt.f32 v4, v59;
	(pc) =	sbr.rel @p0 .LBB2_2-.Ltmp0, $4  }
0x195: {  	v7 =	vmax.f32 v15, $0.0e+00;
	v6 =	vmax.f32 v6, $0.0e+00;
	v2 =	vld.idx.msk [tilespmem:v11+s22+$0x0], $0xffff;
	v59 =	vsel vm0, v4, v59  }
0x196: {  	v10 =	vadd.f32 $9.999999970e-07, v5;
	v63 =	vmul.f32 v7, v6;
	v61 =	vsel vm0, s2, v61;
	v4 =	vld.idx.msk [tilespmem:v11+s21+$0x0], $0xffff  }
0x197: {  	v7 =	vsub.f32 v8, v55;
	v8 =	vadd.f32 $9.999999970e-07, v18;
	v56 =	vsel vm1, v17, v56;
	v6 =	vld.idx.msk [tilespmem:v11+s20+$0x0], $0xffff  }
0x198: {  	v57 =	vsel vm1, s2, v57;
	v5 =	vsub.f32 v9, v63;
	s2 =	smov.u32 s0;
	s0 =	smov.u32 s18;
	(erf) = vrcp.f32 v10  }
0x199: {  	v9 =	vadd.f32 v1, v62;
	v10 =	vadd.f32 v1, v60;
	(erf) = vrcp.f32 v8  }
0x19a: {  	v8 =	vadd.f32 v1, v58;
	v11 =	vmin.f32 v54, v3;
	v7 =	vadd.f32 $9.999999970e-07, v7  }
0x19b: {  	v12 =	vmin.f32 v45, v3;
	v13 =	vmin.f32 v49, v3;
	v3 =	vmin.f32 v34, v3  }
0x19c: {  	v1 =	vadd.f32 v1, v50;
	v14 =	vmin.f32 v53, v2;
	v19 =	vmin.f32 v47, v2  }
0x19d: {  	v58 =	vmin.f32 v41, v2;
	v15 =	vmax.f32 v39, v4;
	v16 =	vmax.f32 v52, v4  }
0x19e: {  	v17 =	vmax.f32 v38, v6;
	v18 =	vmax.f32 v40, v6;
	v20 =	vmax.f32 v43, v6  }
0x19f: {  	v6 =	vmax.f32 v48, v6;
	v11 =	vsub.f32 v11, v16;
	v3 =	vsub.f32 v3, v15  }
0x1a0: {  	v19 =	vsub.f32 v19, v20;
	v18 =	vsub.f32 v58, v18;
	v20 =	vmax.f32 v42, v4  }
0x1a1: {  	v2 =	vmin.f32 v32, v2;
	v6 =	vsub.f32 v14, v6;
	v13 =	vsub.f32 v13, v20  }
0x1a2: {  	v4 =	vmax.f32 v37, v4;
	v2 =	vsub.f32 v2, v17;
	v11 =	vmax.f32 v11, $0.0e+00  }
0x1a3: {  	v4 =	vsub.f32 v12, v4;
	v60 =	vmax.f32 v19, $0.0e+00;
	v19 =	vmax.f32 v13, $0.0e+00  }
0x1a4: {  	v3 =	vmax.f32 v3, $0.0e+00;
	v6 =	vmax.f32 v6, $0.0e+00;
	v12 =	vmul.f32 v19, v60  }
0x1a5: {  	v62 =	vmax.f32 v18, $0.0e+00;
	v4 =	vmax.f32 v4, $0.0e+00;
	v6 =	vmul.f32 v11, v6  }
0x1a6: {  	v2 =	vmax.f32 v2, $0.0e+00;
	v4 =	vmul.f32 v4, v62;
	v10 =	vsub.f32 v10, v12  }
0x1a7: {  	v5 =	vadd.f32 $9.999999970e-07, v5;
	v2 =	vmul.f32 v3, v2;
	v1 =	vsub.f32 v1, v6  }
0x1a8: {  	(erf) = vrcp.f32 v7;
	v7 =	vsub.f32 v8, v4;
	v3 =	vadd.f32 $9.999999970e-07, v10  }
0x1a9: {  	(erf) = vrcp.f32 v5;
	v5 =	vsub.f32 v9, v2;
	v1 =	vadd.f32 $9.999999970e-07, v1  }
0x1aa: {  	(erf) = vrcp.f32 v3;
	v3 =	vadd.f32 $9.999999970e-07, v7  }
0x1ab: {  	(erf) = vrcp.f32 v1;
	v1 =	vadd.f32 $9.999999970e-07, v5  }
0x1ac: {  	(erf) = vrcp.f32 v3  }
0x1ad: {  	(erf) = vrcp.f32 v1;
	_ =	sdelay $0x1  }
0x1ae: {  	v1 =	vpop (erf)  }
0x1af: {  	v3 =	vpop (erf)  }
0x1b0: {  	v5 =	vpop (erf)  }
0x1b1: {  	v7 =	vpop (erf)  }
0x1b2: {  	v8 =	vpop (erf)  }
0x1b3: {  	v9 =	vpop (erf)  }
0x1b4: {  	v7 =	vmul.f32 v7, v63;
	v10 =	vpop (erf)  }
0x1b5: {  	v11 =	vpop (erf)  }
0x1b6: {  	vm0 =	vgt.f32 v7, v59;
	v2 =	vmul.f32 v11, v2  }
0x1b7: {  	v7 =	vsel vm0, v7, v59  }
0x1b8: {  	v11 =	vsel vm0, s2, v61;
	vm6 =	vgt.f32 v2, v7  }
0x1b9: {  	v11 =	vsel vm6, s0, v11;
	_ =	sdelay $0x4  }
0x1ba: {  	v5 =	vmul.f32 v5, v55;
	v32 =	vld.idx.msk [tilespmem:v11+s25+$0x0], $0xffff  }
0x1bb: {  	v11 =	vld.idx.msk [tilespmem:v11+s24+$0x0], $0xffff  }
0x1bc: {  	vm1 =	vgt.f32 v5, v56;
	v4 =	vmul.f32 v10, v4  }
0x1bd: {  	v5 =	vsel vm1, v5, v56  }
0x1be: {  	vm7 =	vgt.f32 v4, v5;
	v2 =	vsel vm6, v2, v7;
	v7 =	vsel vm1, s2, v57  }
0x1bf: {  	vm0 =	vlt.f32 v2, $4.000000060e-01;
	v7 =	vsel vm7, s0, v7  }
0x1c0: {  	vm8 =	vgt.f32 v2, $5.000000000e-01;
	vm0 =	vmneg vm0;
	v11 =	vtrunc.f32 v11  }
0x1c1: {  	v10 =	vsel vm0, $0xFFFFFFFF, v0;
	v13 =	vadd.s32 $0x1, v32;
	v11 =	vcvt.f32.s32 v11  }
0x1c2: {  	[tilespmem:$0x1300] =	vst v2;
	v10 =	vsel vm8, v13, v10  }
0x1c3: {  	[tilespmem:$0x1200] =	vst v10;
	v2 =	vnsel vm8, $0xFFFFFFFF, v11  }
0x1c4: {  	[tilespmem:$0x1400] =	vst v2  }
0x1c5: {  	v1 =	vmul.f32 v1, v51;
	v2 =	vld.idx.msk [tilespmem:v7+s25+$0x0], $0xffff  }
0x1c6: {  	v7 =	vld.idx.msk [tilespmem:v7+s24+$0x0], $0xffff  }
0x1c7: {  	vm9 =	vgt.f32 v1, v44;
	v8 =	vmul.f32 v8, v12  }
0x1c8: {  	v1 =	vsel vm9, v1, v44  }
0x1c9: {  	vm10 =	vgt.f32 v8, v1;
	v4 =	vsel vm7, v4, v5;
	v5 =	vsel vm9, s2, v46  }
0x1ca: {  	vm1 =	vlt.f32 v4, $4.000000060e-01;
	v5 =	vsel vm10, s0, v5  }
0x1cb: {  	vm11 =	vgt.f32 v4, $5.000000000e-01;
	vm1 =	vmneg vm1;
	v7 =	vtrunc.f32 v7  }
0x1cc: {  	v10 =	vsel vm1, $0xFFFFFFFF, v0;
	v2 =	vadd.s32 $0x1, v2;
	v7 =	vcvt.f32.s32 v7  }
0x1cd: {  	[tilespmem:$0x1310] =	vst v4;
	v2 =	vsel vm11, v2, v10  }
0x1ce: {  	[tilespmem:$0x1210] =	vst v2;
	v2 =	vnsel vm11, $0xFFFFFFFF, v7  }
0x1cf: {  	[tilespmem:$0x1410] =	vst v2  }
0x1d0: {  	v2 =	vmul.f32 v3, v33;
	v4 =	vld.idx.msk [tilespmem:v5+s24+$0x0], $0xffff  }
0x1d1: {  	v3 =	vld.idx.msk [tilespmem:v5+s25+$0x0], $0xffff  }
0x1d2: {  	v45 =	vld [tilespmem:$0x350];
	v1 =	vsel vm10, v8, v1;
	v5 =	vmul.f32 v9, v6;
	vm12 =	vgt.f32 v2, v35  }
0x1d3: {  	v54 =	vld [tilespmem:$0x370];
	vm14 =	vgt.f32 v1, $5.000000000e-01;
	v2 =	vsel vm12, v2, v35  }
0x1d4: {  	v41 =	vld [tilespmem:$0x50];
	vm0 =	vlt.f32 v1, $4.000000060e-01;
	v6 =	vsel vm12, s2, v36;
	vm13 =	vgt.f32 v5, v2  }
0x1d5: {  	v53 =	vld [tilespmem:$0x270];
	vm0 =	vmneg vm0;
	v6 =	vsel vm13, s0, v6;
	v4 =	vtrunc.f32 v4  }
0x1d6: {  	v39 =	vld [tilespmem:$0x250];
	v7 =	vsel vm0, $0xFFFFFFFF, v0;
	v3 =	vadd.s32 $0x1, v3;
	v4 =	vcvt.f32.s32 v4  }
0x1d7: {  	v52 =	vld [tilespmem:$0x170];
	[tilespmem:$0x1320] =	vst v1;
	v3 =	vsel vm14, v3, v7  }
0x1d8: {  	v38 =	vld [tilespmem:$0x40];
	[tilespmem:$0x1220] =	vst v3;
	v1 =	vnsel vm14, $0xFFFFFFFF, v4  }
0x1d9: {  	v40 =	vld [tilespmem:$0x140];
	[tilespmem:$0x1420] =	vst v1  }
0x1da: {  	v3 =	vld.idx.msk [tilespmem:v6+s24+$0x0], $0xffff  }
0x1db: {  	v1 =	vld.idx.msk [tilespmem:v6+s25+$0x0], $0xffff  }
0x1dc: {  	v42 =	vld [tilespmem:$0x160]  }
0x1dd: {  	v51 =	vld [tilespmem:$0x360];
	v2 =	vsel vm13, v5, v2  }
0x1de: {  	v44 =	vld [tilespmem:$0x60];
	s0 =	simm.s32 $0x0;
	vm15 =	vlt.f32 v2, $4.000000060e-01;
	vm1 =	vgt.f32 v2, $5.000000000e-01  }
0x1df: {  	v32 =	vld [tilespmem:$0x240];
	v5 =	vmov s0;
	vm0 =	vmneg vm15;
	v3 =	vtrunc.f32 v3  }
0x1e0: {  	v35 =	vld [tilespmem:$0x340];
	v4 =	vsel vm0, $0xFFFFFFFF, v0;
	v1 =	vadd.s32 $0x1, v1;
	v3 =	vcvt.f32.s32 v3  }
0x1e1: {  	v46 =	vld [tilespmem:$0x260];
	[tilespmem:$0x1330] =	vst v2;
	v1 =	vsel vm1, v1, v4  }
0x1e2: {  	v37 =	vld [tilespmem:$0x150];
	[tilespmem:$0x1230] =	vst v1;
	v1 =	vnsel vm1, $0xFFFFFFFF, v3  }
0x1e3: {  	v48 =	vld [tilespmem:$0x70];
	[tilespmem:$0x1430] =	vst v1  }
0x1e4: {  	v1 =	vld.idx.msk [tilespmem:v5+s26+$0x0], $0xffff  }
0x1e5: {  	v2 =	vsub.f32 v32, v38;
	v3 =	vsub.f32 v35, v40;
	v4 =	vld.idx.msk [tilespmem:v5+s23+$0x0], $0xffff  }
0x1e6: {  	v7 =	vsub.f32 v51, v42;
	v6 =	vsub.f32 v46, v44;
	v8 =	vld.idx.msk [tilespmem:v5+s22+$0x0], $0xffff  }
0x1e7: {  	v59 =	vmul.f32 v3, v2;
	v2 =	vsub.f32 v39, v41;
	v3 =	vsub.f32 v45, v37;
	v9 =	vld.idx.msk [tilespmem:v5+s21+$0x0], $0xffff  }
0x1e8: {  	v61 =	vmul.f32 v7, v6;
	v6 =	vsub.f32 v53, v48;
	v7 =	vsub.f32 v54, v52;
	v5 =	vld.idx.msk [tilespmem:v5+s20+$0x0], $0xffff  }
0x1e9: {  	v62 =	vmul.f32 v3, v2  }
0x1ea: {  	v33 =	vimm.s32 $0x0;
	v49 =	vmul.f32 v7, v6;
	v6 =	vadd.f32 v1, v59  }
0x1eb: {  	v2 =	vadd.f32 v1, v61;
	v7 =	vadd.f32 v1, v62;
	v3 =	vmin.f32 v54, v4  }
0x1ec: {  	v10 =	vmin.f32 v45, v4;
	v11 =	vmin.f32 v51, v4;
	v34 =	vmin.f32 v53, v8  }
0x1ed: {  	v36 =	vmax.f32 v40, v9;
	v43 =	vmax.f32 v52, v9;
	v47 =	vmax.f32 v38, v5  }
0x1ee: {  	v50 =	vmax.f32 v41, v5;
	v55 =	vmin.f32 v39, v8;
	v56 =	vmin.f32 v46, v8  }
0x1ef: {  	v57 =	vmax.f32 v44, v5;
	v5 =	vmax.f32 v48, v5;
	v58 =	vmax.f32 v42, v9  }
0x1f0: {  	v9 =	vmax.f32 v37, v9;
	v1 =	vadd.f32 v1, v49;
	v18 =	vsub.f32 v56, v57  }
0x1f1: {  	v4 =	vmin.f32 v35, v4;
	v16 =	vsub.f32 v55, v50;
	v11 =	vsub.f32 v11, v58  }
0x1f2: {  	s2 =	simm.s32 $0x1;
	v8 =	vmin.f32 v32, v8;
	v5 =	vsub.f32 v34, v5;
	v3 =	vsub.f32 v3, v43  }
0x1f3: {  	v9 =	vsub.f32 v10, v9;
	v10 =	vmax.f32 v11, $0.0e+00;
	v11 =	vmov s2  }
0x1f4: {  	v4 =	vsub.f32 v4, v36;
	v8 =	vsub.f32 v8, v47;
	v60 =	vmax.f32 v18, $0.0e+00  }
0x1f5: {  	v5 =	vmax.f32 v5, $0.0e+00;
	v3 =	vmax.f32 v3, $0.0e+00;
	v50 =	vmul.f32 v10, v60  }
0x1f6: {  	v43 =	vimm.f32 $-1.000000000e+00;
	v63 =	vmax.f32 v16, $0.0e+00;
	v34 =	vmul.f32 v3, v5  }
0x1f7: {  	v4 =	vmax.f32 v4, $0.0e+00;
	v3 =	vmax.f32 v9, $0.0e+00;
	v2 =	vsub.f32 v2, v50  }
0x1f8: {  	v55 =	vmul.f32 v3, v63;
	v3 =	vmax.f32 v8, $0.0e+00;
	v5 =	vsub.f32 v1, v34;
	v1 =	vld.idx.msk [tilespmem:v11+s26+$0x0], $0xffff  }
0x1f9: {  	v36 =	vimm.f32 $-1.000000000e+00;
	v63 =	vmul.f32 v4, v3;
	v4 =	vadd.f32 $9.999999970e-07, v2;
	v3 =	vld.idx.msk [tilespmem:v11+s23+$0x0], $0xffff  }
0x1fa: {  	v47 =	vimm.s32 $0x0;
	v58 =	vimm.f32 $-1.000000000e+00;
	v56 =	vimm.f32 $-1.000000000e+00;
	v2 =	vld.idx.msk [tilespmem:v11+s22+$0x0], $0xffff  }
0x1fb: {  	v57 =	vimm.s32 $0x0;
	v8 =	vadd.f32 $9.999999970e-07, v5;
	(erf) = vrcp.f32 v4;
	v4 =	vld.idx.msk [tilespmem:v11+s21+$0x0], $0xffff  }
0x1fc: {  	s17 =	simm.s32 $0x2;
	v60 =	vimm.s32 $0x0;
	v7 =	vsub.f32 v7, v55;
	v5 =	vsub.f32 v6, v63;
	v6 =	vld.idx.msk [tilespmem:v11+s20+$0x0], $0xffff  }
.LBB2_4:
0x1fd: {  	p0 =	sne.s32 s17, $0x1FF;
	v9 =	vadd.f32 v1, v59;
	v10 =	vadd.f32 v1, v61;
	(erf) = vrcp.f32 v8;
	s18 =	smov.u32 s17;
	s17 =	sadd.s32 $0x1, s17  }
0x1fe: {  	v8 =	vadd.f32 v1, v62;
	v11 =	vmin.f32 v54, v3;
	v7 =	vadd.f32 $9.999999970e-07, v7  }
0x1ff: {  	v12 =	vmin.f32 v45, v3;
	v13 =	vmin.f32 v51, v3;
	v14 =	vmin.f32 v53, v2  }
0x200: {  	v15 =	vmax.f32 v40, v4;
	v16 =	vmax.f32 v52, v4;
	(erf) = vrcp.f32 v7  }
0x201: {  	v5 =	vadd.f32 $9.999999970e-07, v5;
	v7 =	vmax.f32 v38, v6;
	v17 =	vmax.f32 v41, v6  }
0x202: {  	v18 =	vmin.f32 v39, v2;
	v19 =	vmin.f32 v46, v2;
	v20 =	vmax.f32 v44, v6  }
0x203: {  	v6 =	vmax.f32 v48, v6;
	v19 =	vsub.f32 v19, v20;
	(erf) = vrcp.f32 v5  }
0x204: {  	v6 =	vsub.f32 v14, v6;
	v5 =	vsub.f32 v18, v17;
	v18 =	vmax.f32 v42, v4  }
0x205: {  	v11 =	vsub.f32 v11, v16;
	v4 =	vmax.f32 v37, v4;
	v14 =	vmax.f32 v19, $0.0e+00;
	v16 =	vpop (erf)  }
0x206: {  	v6 =	vmax.f32 v6, $0.0e+00;
	v13 =	vsub.f32 v13, v18;
	v5 =	vmax.f32 v5, $0.0e+00;
	v17 =	vpop (erf)  }
0x207: {  	v1 =	vadd.f32 v1, v49;
	v11 =	vmax.f32 v11, $0.0e+00;
	v16 =	vmul.f32 v16, v50  }
0x208: {  	v4 =	vsub.f32 v12, v4;
	v6 =	vmul.f32 v11, v6;
	v12 =	vmax.f32 v13, $0.0e+00  }
0x209: {  	v3 =	vmin.f32 v35, v3;
	v11 =	vmov s18;
	v13 =	vmul.f32 v17, v34;
	v17 =	vpop (erf)  }
0x20a: {  	v15 =	vsub.f32 v3, v15;
	v3 =	vmax.f32 v4, $0.0e+00;
	v34 =	vmovc v6;
	vm0 =	vgt.f32 v16, v43  }
0x20b: {  	v18 =	vsub.f32 v1, v34;
	vm1 =	vgt.f32 v13, v36;
	v17 =	vmul.f32 v17, v55  }
0x20c: {  	v2 =	vmin.f32 v32, v2;
	v43 =	vsel vm0, v16, v43;
	v36 =	vsel vm1, v13, v36;
	v1 =	vpop (erf)  }
0x20d: {  	v50 =	vmul.f32 v12, v14;
	v33 =	vsel vm1, s0, v33;
	v4 =	vmul.f32 v1, v63  }
0x20e: {  	v6 =	vsub.f32 v2, v7;
	v47 =	vsel vm0, s0, v47;
	v55 =	vmul.f32 v3, v5;
	v1 =	vld.idx.msk [tilespmem:v11+s26+$0x0], $0xffff  }
.Ltmp1:
0x20f: {  	v5 =	vsub.f32 v10, v50;
	vm1 =	vgt.f32 v17, v56;
	v3 =	vld.idx.msk [tilespmem:v11+s23+$0x0], $0xffff;
	vm0 =	vgt.f32 v4, v58;
	(pc) =	sbr.rel @p0 .LBB2_4-.Ltmp1, $4  }
0x210: {  	v7 =	vmax.f32 v15, $0.0e+00;
	v6 =	vmax.f32 v6, $0.0e+00;
	v2 =	vld.idx.msk [tilespmem:v11+s22+$0x0], $0xffff;
	v58 =	vsel vm0, v4, v58  }
0x211: {  	v10 =	vadd.f32 $9.999999970e-07, v5;
	v63 =	vmul.f32 v7, v6;
	v60 =	vsel vm0, s0, v60;
	v4 =	vld.idx.msk [tilespmem:v11+s21+$0x0], $0xffff  }
0x212: {  	v7 =	vsub.f32 v8, v55;
	v8 =	vadd.f32 $9.999999970e-07, v18;
	v56 =	vsel vm1, v17, v56;
	v6 =	vld.idx.msk [tilespmem:v11+s20+$0x0], $0xffff  }
0x213: {  	v57 =	vsel vm1, s0, v57;
	v5 =	vsub.f32 v9, v63;
	s0 =	smov.u32 s2;
	s2 =	smov.u32 s18;
	(erf) = vrcp.f32 v10  }
0x214: {  	v9 =	vadd.f32 v1, v59;
	v10 =	vadd.f32 v1, v61;
	(erf) = vrcp.f32 v8  }
0x215: {  	v8 =	vadd.f32 v1, v62;
	v11 =	vmin.f32 v54, v3;
	v7 =	vadd.f32 $9.999999970e-07, v7  }
0x216: {  	v12 =	vmin.f32 v45, v3;
	v13 =	vmin.f32 v51, v3;
	v3 =	vmin.f32 v35, v3  }
0x217: {  	v1 =	vadd.f32 v1, v49;
	v14 =	vmin.f32 v53, v2;
	v19 =	vmin.f32 v46, v2  }
0x218: {  	v59 =	vmin.f32 v39, v2;
	v15 =	vmax.f32 v40, v4;
	v16 =	vmax.f32 v52, v4  }
0x219: {  	v17 =	vmax.f32 v38, v6;
	v18 =	vmax.f32 v41, v6;
	v20 =	vmax.f32 v44, v6  }
0x21a: {  	v6 =	vmax.f32 v48, v6;
	v11 =	vsub.f32 v11, v16;
	v3 =	vsub.f32 v3, v15  }
0x21b: {  	v19 =	vsub.f32 v19, v20;
	v18 =	vsub.f32 v59, v18;
	v20 =	vmax.f32 v42, v4  }
0x21c: {  	v2 =	vmin.f32 v32, v2;
	v6 =	vsub.f32 v14, v6;
	v13 =	vsub.f32 v13, v20  }
0x21d: {  	v4 =	vmax.f32 v37, v4;
	v2 =	vsub.f32 v2, v17;
	v11 =	vmax.f32 v11, $0.0e+00  }
0x21e: {  	v4 =	vsub.f32 v12, v4;
	v61 =	vmax.f32 v19, $0.0e+00;
	v19 =	vmax.f32 v13, $0.0e+00  }
0x21f: {  	v3 =	vmax.f32 v3, $0.0e+00;
	v6 =	vmax.f32 v6, $0.0e+00;
	v12 =	vmul.f32 v19, v61  }
0x220: {  	v62 =	vmax.f32 v18, $0.0e+00;
	v4 =	vmax.f32 v4, $0.0e+00;
	v6 =	vmul.f32 v11, v6  }
0x221: {  	v2 =	vmax.f32 v2, $0.0e+00;
	v4 =	vmul.f32 v4, v62;
	v10 =	vsub.f32 v10, v12  }
0x222: {  	v5 =	vadd.f32 $9.999999970e-07, v5;
	v2 =	vmul.f32 v3, v2;
	v1 =	vsub.f32 v1, v6  }
0x223: {  	(erf) = vrcp.f32 v7;
	v7 =	vsub.f32 v8, v4;
	v3 =	vadd.f32 $9.999999970e-07, v10  }
0x224: {  	(erf) = vrcp.f32 v5;
	v5 =	vsub.f32 v9, v2;
	v1 =	vadd.f32 $9.999999970e-07, v1  }
0x225: {  	(erf) = vrcp.f32 v3;
	v3 =	vadd.f32 $9.999999970e-07, v7  }
0x226: {  	(erf) = vrcp.f32 v1;
	v1 =	vadd.f32 $9.999999970e-07, v5  }
0x227: {  	(erf) = vrcp.f32 v3  }
0x228: {  	(erf) = vrcp.f32 v1;
	_ =	sdelay $0x1  }
0x229: {  	v1 =	vpop (erf)  }
0x22a: {  	v3 =	vpop (erf)  }
0x22b: {  	v5 =	vpop (erf)  }
0x22c: {  	v7 =	vpop (erf)  }
0x22d: {  	v8 =	vpop (erf)  }
0x22e: {  	v9 =	vpop (erf)  }
0x22f: {  	v7 =	vmul.f32 v7, v63;
	v10 =	vpop (erf)  }
0x230: {  	v11 =	vpop (erf)  }
0x231: {  	vm0 =	vgt.f32 v7, v58;
	v2 =	vmul.f32 v11, v2  }
0x232: {  	v7 =	vsel vm0, v7, v58  }
0x233: {  	v11 =	vsel vm0, s0, v60;
	vm6 =	vgt.f32 v2, v7  }
0x234: {  	v11 =	vsel vm6, s2, v11;
	_ =	sdelay $0x4  }
0x235: {  	v5 =	vmul.f32 v5, v55;
	v32 =	vld.idx.msk [tilespmem:v11+s25+$0x0], $0xffff  }
0x236: {  	v11 =	vld.idx.msk [tilespmem:v11+s24+$0x0], $0xffff  }
0x237: {  	vm1 =	vgt.f32 v5, v56;
	v4 =	vmul.f32 v10, v4  }
0x238: {  	v5 =	vsel vm1, v5, v56  }
0x239: {  	vm7 =	vgt.f32 v4, v5;
	v2 =	vsel vm6, v2, v7;
	v7 =	vsel vm1, s0, v57  }
0x23a: {  	vm0 =	vlt.f32 v2, $4.000000060e-01;
	v7 =	vsel vm7, s2, v7  }
0x23b: {  	vm8 =	vgt.f32 v2, $5.000000000e-01;
	vm0 =	vmneg vm0;
	v11 =	vtrunc.f32 v11  }
0x23c: {  	v10 =	vsel vm0, $0xFFFFFFFF, v0;
	v13 =	vadd.s32 $0x1, v32;
	v11 =	vcvt.f32.s32 v11  }
0x23d: {  	[tilespmem:$0x1340] =	vst v2;
	v10 =	vsel vm8, v13, v10  }
0x23e: {  	[tilespmem:$0x1240] =	vst v10;
	v2 =	vnsel vm8, $0xFFFFFFFF, v11  }
0x23f: {  	[tilespmem:$0x1440] =	vst v2  }
0x240: {  	v1 =	vmul.f32 v1, v50;
	v2 =	vld.idx.msk [tilespmem:v7+s25+$0x0], $0xffff  }
0x241: {  	v7 =	vld.idx.msk [tilespmem:v7+s24+$0x0], $0xffff  }
0x242: {  	vm9 =	vgt.f32 v1, v43;
	v8 =	vmul.f32 v8, v12  }
0x243: {  	v1 =	vsel vm9, v1, v43  }
0x244: {  	vm10 =	vgt.f32 v8, v1;
	v4 =	vsel vm7, v4, v5;
	v5 =	vsel vm9, s0, v47  }
0x245: {  	vm1 =	vlt.f32 v4, $4.000000060e-01;
	v5 =	vsel vm10, s2, v5  }
0x246: {  	vm11 =	vgt.f32 v4, $5.000000000e-01;
	vm1 =	vmneg vm1;
	v7 =	vtrunc.f32 v7  }
0x247: {  	v10 =	vsel vm1, $0xFFFFFFFF, v0;
	v2 =	vadd.s32 $0x1, v2;
	v7 =	vcvt.f32.s32 v7  }
0x248: {  	[tilespmem:$0x1350] =	vst v4;
	v2 =	vsel vm11, v2, v10  }
0x249: {  	[tilespmem:$0x1250] =	vst v2;
	v2 =	vnsel vm11, $0xFFFFFFFF, v7  }
0x24a: {  	[tilespmem:$0x1450] =	vst v2  }
0x24b: {  	v2 =	vmul.f32 v3, v34;
	v4 =	vld.idx.msk [tilespmem:v5+s24+$0x0], $0xffff  }
0x24c: {  	v3 =	vld.idx.msk [tilespmem:v5+s25+$0x0], $0xffff  }
0x24d: {  	v35 =	vld [tilespmem:$0x380];
	v1 =	vsel vm10, v8, v1;
	v5 =	vmul.f32 v9, v6;
	vm12 =	vgt.f32 v2, v36  }
0x24e: {  	v45 =	vld [tilespmem:$0x390];
	vm14 =	vgt.f32 v1, $5.000000000e-01;
	v2 =	vsel vm12, v2, v36  }
0x24f: {  	v51 =	vld [tilespmem:$0x3A0];
	vm0 =	vlt.f32 v1, $4.000000060e-01;
	v6 =	vsel vm12, s0, v33;
	vm13 =	vgt.f32 v5, v2  }
0x250: {  	v54 =	vld [tilespmem:$0x3B0];
	vm0 =	vmneg vm0;
	v6 =	vsel vm13, s2, v6;
	v4 =	vtrunc.f32 v4  }
0x251: {  	v39 =	vld [tilespmem:$0x290];
	v7 =	vsel vm0, $0xFFFFFFFF, v0;
	v3 =	vadd.s32 $0x1, v3;
	v4 =	vcvt.f32.s32 v4  }
0x252: {  	v46 =	vld [tilespmem:$0x2A0];
	[tilespmem:$0x1360] =	vst v1;
	v3 =	vsel vm14, v3, v7  }
0x253: {  	v53 =	vld [tilespmem:$0x2B0];
	[tilespmem:$0x1260] =	vst v3;
	v1 =	vnsel vm14, $0xFFFFFFFF, v4  }
0x254: {  	v40 =	vld [tilespmem:$0x180];
	[tilespmem:$0x1460] =	vst v1  }
0x255: {  	v3 =	vld.idx.msk [tilespmem:v6+s24+$0x0], $0xffff  }
0x256: {  	v1 =	vld.idx.msk [tilespmem:v6+s25+$0x0], $0xffff  }
0x257: {  	v52 =	vld [tilespmem:$0x1B0]  }
0x258: {  	v38 =	vld [tilespmem:$0x80];
	s0 =	simm.s32 $0x0;
	v2 =	vsel vm13, v5, v2  }
0x259: {  	v41 =	vld [tilespmem:$0x90];
	v5 =	vmov s0;
	vm15 =	vlt.f32 v2, $4.000000060e-01  }
0x25a: {  	v44 =	vld [tilespmem:$0xA0];
	vm1 =	vgt.f32 v2, $5.000000000e-01;
	vm0 =	vmneg vm15;
	v3 =	vtrunc.f32 v3  }
0x25b: {  	v32 =	vld [tilespmem:$0x280];
	v4 =	vsel vm0, $0xFFFFFFFF, v0;
	v1 =	vadd.s32 $0x1, v1;
	v3 =	vcvt.f32.s32 v3  }
0x25c: {  	v42 =	vld [tilespmem:$0x1A0];
	[tilespmem:$0x1370] =	vst v2;
	v1 =	vsel vm1, v1, v4  }
0x25d: {  	v37 =	vld [tilespmem:$0x190];
	[tilespmem:$0x1270] =	vst v1;
	v1 =	vnsel vm1, $0xFFFFFFFF, v3  }
0x25e: {  	v48 =	vld [tilespmem:$0xB0];
	[tilespmem:$0x1470] =	vst v1  }
0x25f: {  	v1 =	vld.idx.msk [tilespmem:v5+s26+$0x0], $0xffff  }
0x260: {  	v2 =	vsub.f32 v32, v38;
	v3 =	vsub.f32 v35, v40;
	v4 =	vld.idx.msk [tilespmem:v5+s23+$0x0], $0xffff  }
0x261: {  	v7 =	vsub.f32 v51, v42;
	v6 =	vsub.f32 v46, v44;
	v8 =	vld.idx.msk [tilespmem:v5+s22+$0x0], $0xffff  }
0x262: {  	v59 =	vmul.f32 v3, v2;
	v2 =	vsub.f32 v39, v41;
	v3 =	vsub.f32 v45, v37;
	v9 =	vld.idx.msk [tilespmem:v5+s21+$0x0], $0xffff  }
0x263: {  	v61 =	vmul.f32 v7, v6;
	v6 =	vsub.f32 v53, v48;
	v7 =	vsub.f32 v54, v52;
	v5 =	vld.idx.msk [tilespmem:v5+s20+$0x0], $0xffff  }
0x264: {  	v62 =	vmul.f32 v3, v2  }
0x265: {  	v33 =	vimm.s32 $0x0;
	v49 =	vmul.f32 v7, v6;
	v6 =	vadd.f32 v1, v59  }
0x266: {  	v2 =	vadd.f32 v1, v61;
	v7 =	vadd.f32 v1, v62;
	v3 =	vmin.f32 v54, v4  }
0x267: {  	v10 =	vmin.f32 v45, v4;
	v11 =	vmin.f32 v51, v4;
	v34 =	vmin.f32 v53, v8  }
0x268: {  	v36 =	vmax.f32 v40, v9;
	v43 =	vmax.f32 v52, v9;
	v47 =	vmax.f32 v38, v5  }
0x269: {  	v50 =	vmax.f32 v41, v5;
	v55 =	vmin.f32 v39, v8;
	v56 =	vmin.f32 v46, v8  }
0x26a: {  	v57 =	vmax.f32 v44, v5;
	v5 =	vmax.f32 v48, v5;
	v58 =	vmax.f32 v42, v9  }
0x26b: {  	v9 =	vmax.f32 v37, v9;
	v1 =	vadd.f32 v1, v49;
	v18 =	vsub.f32 v56, v57  }
0x26c: {  	v4 =	vmin.f32 v35, v4;
	v16 =	vsub.f32 v55, v50;
	v11 =	vsub.f32 v11, v58  }
0x26d: {  	s2 =	simm.s32 $0x1;
	v8 =	vmin.f32 v32, v8;
	v5 =	vsub.f32 v34, v5;
	v3 =	vsub.f32 v3, v43  }
0x26e: {  	v9 =	vsub.f32 v10, v9;
	v10 =	vmax.f32 v11, $0.0e+00;
	v11 =	vmov s2  }
0x26f: {  	v4 =	vsub.f32 v4, v36;
	v8 =	vsub.f32 v8, v47;
	v60 =	vmax.f32 v18, $0.0e+00  }
0x270: {  	v5 =	vmax.f32 v5, $0.0e+00;
	v3 =	vmax.f32 v3, $0.0e+00;
	v50 =	vmul.f32 v10, v60  }
0x271: {  	v43 =	vimm.f32 $-1.000000000e+00;
	v63 =	vmax.f32 v16, $0.0e+00;
	v34 =	vmul.f32 v3, v5  }
0x272: {  	v4 =	vmax.f32 v4, $0.0e+00;
	v3 =	vmax.f32 v9, $0.0e+00;
	v2 =	vsub.f32 v2, v50  }
0x273: {  	v55 =	vmul.f32 v3, v63;
	v3 =	vmax.f32 v8, $0.0e+00;
	v5 =	vsub.f32 v1, v34;
	v1 =	vld.idx.msk [tilespmem:v11+s26+$0x0], $0xffff  }
0x274: {  	v36 =	vimm.f32 $-1.000000000e+00;
	v63 =	vmul.f32 v4, v3;
	v4 =	vadd.f32 $9.999999970e-07, v2;
	v3 =	vld.idx.msk [tilespmem:v11+s23+$0x0], $0xffff  }
0x275: {  	v47 =	vimm.s32 $0x0;
	v58 =	vimm.f32 $-1.000000000e+00;
	v56 =	vimm.f32 $-1.000000000e+00;
	v2 =	vld.idx.msk [tilespmem:v11+s22+$0x0], $0xffff  }
0x276: {  	v57 =	vimm.s32 $0x0;
	v8 =	vadd.f32 $9.999999970e-07, v5;
	(erf) = vrcp.f32 v4;
	v4 =	vld.idx.msk [tilespmem:v11+s21+$0x0], $0xffff  }
0x277: {  	s17 =	simm.s32 $0x2;
	v60 =	vimm.s32 $0x0;
	v7 =	vsub.f32 v7, v55;
	v5 =	vsub.f32 v6, v63;
	v6 =	vld.idx.msk [tilespmem:v11+s20+$0x0], $0xffff  }
.LBB2_6:
0x278: {  	p0 =	sne.s32 s17, $0x1FF;
	v9 =	vadd.f32 v1, v59;
	v10 =	vadd.f32 v1, v61;
	(erf) = vrcp.f32 v8;
	s18 =	smov.u32 s17;
	s17 =	sadd.s32 $0x1, s17  }
0x279: {  	v8 =	vadd.f32 v1, v62;
	v11 =	vmin.f32 v54, v3;
	v7 =	vadd.f32 $9.999999970e-07, v7  }
0x27a: {  	v12 =	vmin.f32 v45, v3;
	v13 =	vmin.f32 v51, v3;
	v14 =	vmin.f32 v53, v2  }
0x27b: {  	v15 =	vmax.f32 v40, v4;
	v16 =	vmax.f32 v52, v4;
	(erf) = vrcp.f32 v7  }
0x27c: {  	v5 =	vadd.f32 $9.999999970e-07, v5;
	v7 =	vmax.f32 v38, v6;
	v17 =	vmax.f32 v41, v6  }
0x27d: {  	v18 =	vmin.f32 v39, v2;
	v19 =	vmin.f32 v46, v2;
	v20 =	vmax.f32 v44, v6  }
0x27e: {  	v6 =	vmax.f32 v48, v6;
	v19 =	vsub.f32 v19, v20;
	(erf) = vrcp.f32 v5  }
0x27f: {  	v6 =	vsub.f32 v14, v6;
	v5 =	vsub.f32 v18, v17;
	v18 =	vmax.f32 v42, v4  }
0x280: {  	v11 =	vsub.f32 v11, v16;
	v4 =	vmax.f32 v37, v4;
	v14 =	vmax.f32 v19, $0.0e+00;
	v16 =	vpop (erf)  }
0x281: {  	v6 =	vmax.f32 v6, $0.0e+00;
	v13 =	vsub.f32 v13, v18;
	v5 =	vmax.f32 v5, $0.0e+00;
	v17 =	vpop (erf)  }
0x282: {  	v1 =	vadd.f32 v1, v49;
	v11 =	vmax.f32 v11, $0.0e+00;
	v16 =	vmul.f32 v16, v50  }
0x283: {  	v4 =	vsub.f32 v12, v4;
	v6 =	vmul.f32 v11, v6;
	v12 =	vmax.f32 v13, $0.0e+00  }
0x284: {  	v3 =	vmin.f32 v35, v3;
	v11 =	vmov s18;
	v13 =	vmul.f32 v17, v34;
	v17 =	vpop (erf)  }
0x285: {  	v15 =	vsub.f32 v3, v15;
	v3 =	vmax.f32 v4, $0.0e+00;
	v34 =	vmovc v6;
	vm0 =	vgt.f32 v16, v43  }
0x286: {  	v18 =	vsub.f32 v1, v34;
	vm1 =	vgt.f32 v13, v36;
	v17 =	vmul.f32 v17, v55  }
0x287: {  	v2 =	vmin.f32 v32, v2;
	v43 =	vsel vm0, v16, v43;
	v36 =	vsel vm1, v13, v36;
	v1 =	vpop (erf)  }
0x288: {  	v50 =	vmul.f32 v12, v14;
	v33 =	vsel vm1, s0, v33;
	v4 =	vmul.f32 v1, v63  }
0x289: {  	v6 =	vsub.f32 v2, v7;
	v47 =	vsel vm0, s0, v47;
	v55 =	vmul.f32 v3, v5;
	v1 =	vld.idx.msk [tilespmem:v11+s26+$0x0], $0xffff  }
.Ltmp2:
0x28a: {  	v5 =	vsub.f32 v10, v50;
	vm1 =	vgt.f32 v17, v56;
	v3 =	vld.idx.msk [tilespmem:v11+s23+$0x0], $0xffff;
	vm0 =	vgt.f32 v4, v58;
	(pc) =	sbr.rel @p0 .LBB2_6-.Ltmp2, $4  }
0x28b: {  	v7 =	vmax.f32 v15, $0.0e+00;
	v6 =	vmax.f32 v6, $0.0e+00;
	v2 =	vld.idx.msk [tilespmem:v11+s22+$0x0], $0xffff;
	v58 =	vsel vm0, v4, v58  }
0x28c: {  	v10 =	vadd.f32 $9.999999970e-07, v5;
	v63 =	vmul.f32 v7, v6;
	v60 =	vsel vm0, s0, v60;
	v4 =	vld.idx.msk [tilespmem:v11+s21+$0x0], $0xffff  }
0x28d: {  	v7 =	vsub.f32 v8, v55;
	v8 =	vadd.f32 $9.999999970e-07, v18;
	v56 =	vsel vm1, v17, v56;
	v6 =	vld.idx.msk [tilespmem:v11+s20+$0x0], $0xffff  }
0x28e: {  	v57 =	vsel vm1, s0, v57;
	v5 =	vsub.f32 v9, v63;
	s0 =	smov.u32 s2;
	s2 =	smov.u32 s18;
	(erf) = vrcp.f32 v10  }
0x28f: {  	v9 =	vadd.f32 v1, v59;
	v10 =	vadd.f32 v1, v61;
	(erf) = vrcp.f32 v8  }
0x290: {  	v8 =	vadd.f32 v1, v62;
	v11 =	vmin.f32 v54, v3;
	v7 =	vadd.f32 $9.999999970e-07, v7  }
0x291: {  	v12 =	vmin.f32 v45, v3;
	v13 =	vmin.f32 v51, v3;
	v3 =	vmin.f32 v35, v3  }
0x292: {  	v1 =	vadd.f32 v1, v49;
	v14 =	vmin.f32 v53, v2;
	v19 =	vmin.f32 v46, v2  }
0x293: {  	v59 =	vmin.f32 v39, v2;
	v15 =	vmax.f32 v40, v4;
	v16 =	vmax.f32 v52, v4  }
0x294: {  	v17 =	vmax.f32 v38, v6;
	v18 =	vmax.f32 v41, v6;
	v20 =	vmax.f32 v44, v6  }
0x295: {  	v6 =	vmax.f32 v48, v6;
	v11 =	vsub.f32 v11, v16;
	v3 =	vsub.f32 v3, v15  }
0x296: {  	v19 =	vsub.f32 v19, v20;
	v18 =	vsub.f32 v59, v18;
	v20 =	vmax.f32 v42, v4  }
0x297: {  	v2 =	vmin.f32 v32, v2;
	v6 =	vsub.f32 v14, v6;
	v13 =	vsub.f32 v13, v20  }
0x298: {  	v4 =	vmax.f32 v37, v4;
	v2 =	vsub.f32 v2, v17;
	v11 =	vmax.f32 v11, $0.0e+00  }
0x299: {  	v4 =	vsub.f32 v12, v4;
	v61 =	vmax.f32 v19, $0.0e+00;
	v19 =	vmax.f32 v13, $0.0e+00  }
0x29a: {  	v3 =	vmax.f32 v3, $0.0e+00;
	v6 =	vmax.f32 v6, $0.0e+00;
	v12 =	vmul.f32 v19, v61  }
0x29b: {  	v62 =	vmax.f32 v18, $0.0e+00;
	v4 =	vmax.f32 v4, $0.0e+00;
	v6 =	vmul.f32 v11, v6  }
0x29c: {  	v2 =	vmax.f32 v2, $0.0e+00;
	v4 =	vmul.f32 v4, v62;
	v10 =	vsub.f32 v10, v12  }
0x29d: {  	v5 =	vadd.f32 $9.999999970e-07, v5;
	v2 =	vmul.f32 v3, v2;
	v1 =	vsub.f32 v1, v6  }
0x29e: {  	(erf) = vrcp.f32 v7;
	v7 =	vsub.f32 v8, v4;
	v3 =	vadd.f32 $9.999999970e-07, v10  }
0x29f: {  	(erf) = vrcp.f32 v5;
	v5 =	vsub.f32 v9, v2;
	v1 =	vadd.f32 $9.999999970e-07, v1  }
0x2a0: {  	(erf) = vrcp.f32 v3;
	v3 =	vadd.f32 $9.999999970e-07, v7  }
0x2a1: {  	(erf) = vrcp.f32 v1;
	v1 =	vadd.f32 $9.999999970e-07, v5  }
0x2a2: {  	(erf) = vrcp.f32 v3  }
0x2a3: {  	(erf) = vrcp.f32 v1;
	_ =	sdelay $0x1  }
0x2a4: {  	v1 =	vpop (erf)  }
0x2a5: {  	v3 =	vpop (erf)  }
0x2a6: {  	v5 =	vpop (erf)  }
0x2a7: {  	v7 =	vpop (erf)  }
0x2a8: {  	v8 =	vpop (erf)  }
0x2a9: {  	v9 =	vpop (erf)  }
0x2aa: {  	v7 =	vmul.f32 v7, v63;
	v10 =	vpop (erf)  }
0x2ab: {  	v11 =	vpop (erf)  }
0x2ac: {  	vm0 =	vgt.f32 v7, v58;
	v2 =	vmul.f32 v11, v2  }
0x2ad: {  	v7 =	vsel vm0, v7, v58  }
0x2ae: {  	v11 =	vsel vm0, s0, v60;
	vm6 =	vgt.f32 v2, v7  }
0x2af: {  	v11 =	vsel vm6, s2, v11;
	_ =	sdelay $0x4  }
0x2b0: {  	v5 =	vmul.f32 v5, v55;
	v32 =	vld.idx.msk [tilespmem:v11+s25+$0x0], $0xffff  }
0x2b1: {  	v11 =	vld.idx.msk [tilespmem:v11+s24+$0x0], $0xffff  }
0x2b2: {  	vm1 =	vgt.f32 v5, v56;
	v4 =	vmul.f32 v10, v4  }
0x2b3: {  	v5 =	vsel vm1, v5, v56  }
0x2b4: {  	vm7 =	vgt.f32 v4, v5;
	v2 =	vsel vm6, v2, v7;
	v7 =	vsel vm1, s0, v57  }
0x2b5: {  	vm0 =	vlt.f32 v2, $4.000000060e-01;
	v7 =	vsel vm7, s2, v7  }
0x2b6: {  	vm8 =	vgt.f32 v2, $5.000000000e-01;
	vm0 =	vmneg vm0;
	v11 =	vtrunc.f32 v11  }
0x2b7: {  	v10 =	vsel vm0, $0xFFFFFFFF, v0;
	v13 =	vadd.s32 $0x1, v32;
	v11 =	vcvt.f32.s32 v11  }
0x2b8: {  	[tilespmem:$0x1380] =	vst v2;
	v10 =	vsel vm8, v13, v10  }
0x2b9: {  	[tilespmem:$0x1280] =	vst v10;
	v2 =	vnsel vm8, $0xFFFFFFFF, v11  }
0x2ba: {  	[tilespmem:$0x1480] =	vst v2  }
0x2bb: {  	v1 =	vmul.f32 v1, v50;
	v2 =	vld.idx.msk [tilespmem:v7+s25+$0x0], $0xffff  }
0x2bc: {  	v7 =	vld.idx.msk [tilespmem:v7+s24+$0x0], $0xffff  }
0x2bd: {  	vm9 =	vgt.f32 v1, v43;
	v8 =	vmul.f32 v8, v12  }
0x2be: {  	v1 =	vsel vm9, v1, v43  }
0x2bf: {  	vm10 =	vgt.f32 v8, v1;
	v4 =	vsel vm7, v4, v5;
	v5 =	vsel vm9, s0, v47  }
0x2c0: {  	vm1 =	vlt.f32 v4, $4.000000060e-01;
	v5 =	vsel vm10, s2, v5  }
0x2c1: {  	vm11 =	vgt.f32 v4, $5.000000000e-01;
	vm1 =	vmneg vm1;
	v7 =	vtrunc.f32 v7  }
0x2c2: {  	v10 =	vsel vm1, $0xFFFFFFFF, v0;
	v2 =	vadd.s32 $0x1, v2;
	v7 =	vcvt.f32.s32 v7  }
0x2c3: {  	[tilespmem:$0x1390] =	vst v4;
	v2 =	vsel vm11, v2, v10  }
0x2c4: {  	[tilespmem:$0x1290] =	vst v2;
	v2 =	vnsel vm11, $0xFFFFFFFF, v7  }
0x2c5: {  	[tilespmem:$0x1490] =	vst v2  }
0x2c6: {  	v2 =	vmul.f32 v3, v34;
	v4 =	vld.idx.msk [tilespmem:v5+s24+$0x0], $0xffff  }
0x2c7: {  	v3 =	vld.idx.msk [tilespmem:v5+s25+$0x0], $0xffff  }
0x2c8: {  	v35 =	vld [tilespmem:$0x3C0];
	v1 =	vsel vm10, v8, v1;
	v5 =	vmul.f32 v9, v6;
	vm12 =	vgt.f32 v2, v36  }
0x2c9: {  	v45 =	vld [tilespmem:$0x3D0];
	vm14 =	vgt.f32 v1, $5.000000000e-01;
	v2 =	vsel vm12, v2, v36  }
0x2ca: {  	v51 =	vld [tilespmem:$0x3E0];
	vm0 =	vlt.f32 v1, $4.000000060e-01;
	v6 =	vsel vm12, s0, v33;
	vm13 =	vgt.f32 v5, v2  }
0x2cb: {  	v54 =	vld [tilespmem:$0x3F0];
	vm0 =	vmneg vm0;
	v6 =	vsel vm13, s2, v6;
	v4 =	vtrunc.f32 v4  }
0x2cc: {  	v39 =	vld [tilespmem:$0x2D0];
	v7 =	vsel vm0, $0xFFFFFFFF, v0;
	v3 =	vadd.s32 $0x1, v3;
	v4 =	vcvt.f32.s32 v4  }
0x2cd: {  	v46 =	vld [tilespmem:$0x2E0];
	[tilespmem:$0x13A0] =	vst v1;
	v3 =	vsel vm14, v3, v7  }
0x2ce: {  	v53 =	vld [tilespmem:$0x2F0];
	[tilespmem:$0x12A0] =	vst v3;
	v1 =	vnsel vm14, $0xFFFFFFFF, v4  }
0x2cf: {  	v40 =	vld [tilespmem:$0x1C0];
	[tilespmem:$0x14A0] =	vst v1  }
0x2d0: {  	v3 =	vld.idx.msk [tilespmem:v6+s24+$0x0], $0xffff  }
0x2d1: {  	v1 =	vld.idx.msk [tilespmem:v6+s25+$0x0], $0xffff  }
0x2d2: {  	v52 =	vld [tilespmem:$0x1F0]  }
0x2d3: {  	v38 =	vld [tilespmem:$0xC0];
	s0 =	simm.s32 $0x0;
	v2 =	vsel vm13, v5, v2  }
0x2d4: {  	v41 =	vld [tilespmem:$0xD0];
	v5 =	vmov s0;
	vm15 =	vlt.f32 v2, $4.000000060e-01  }
0x2d5: {  	v44 =	vld [tilespmem:$0xE0];
	vm1 =	vgt.f32 v2, $5.000000000e-01;
	vm0 =	vmneg vm15;
	v3 =	vtrunc.f32 v3  }
0x2d6: {  	v32 =	vld [tilespmem:$0x2C0];
	v4 =	vsel vm0, $0xFFFFFFFF, v0;
	v1 =	vadd.s32 $0x1, v1;
	v3 =	vcvt.f32.s32 v3  }
0x2d7: {  	v42 =	vld [tilespmem:$0x1E0];
	[tilespmem:$0x13B0] =	vst v2;
	v1 =	vsel vm1, v1, v4  }
0x2d8: {  	v37 =	vld [tilespmem:$0x1D0];
	[tilespmem:$0x12B0] =	vst v1;
	v1 =	vnsel vm1, $0xFFFFFFFF, v3  }
0x2d9: {  	v48 =	vld [tilespmem:$0xF0];
	[tilespmem:$0x14B0] =	vst v1  }
0x2da: {  	v1 =	vld.idx.msk [tilespmem:v5+s26+$0x0], $0xffff  }
0x2db: {  	v2 =	vsub.f32 v32, v38;
	v3 =	vsub.f32 v35, v40;
	v4 =	vld.idx.msk [tilespmem:v5+s23+$0x0], $0xffff  }
0x2dc: {  	v7 =	vsub.f32 v51, v42;
	v6 =	vsub.f32 v46, v44;
	v8 =	vld.idx.msk [tilespmem:v5+s22+$0x0], $0xffff  }
0x2dd: {  	v59 =	vmul.f32 v3, v2;
	v2 =	vsub.f32 v39, v41;
	v3 =	vsub.f32 v45, v37;
	v9 =	vld.idx.msk [tilespmem:v5+s21+$0x0], $0xffff  }
0x2de: {  	v61 =	vmul.f32 v7, v6;
	v6 =	vsub.f32 v53, v48;
	v7 =	vsub.f32 v54, v52;
	v5 =	vld.idx.msk [tilespmem:v5+s20+$0x0], $0xffff  }
0x2df: {  	v62 =	vmul.f32 v3, v2  }
0x2e0: {  	v33 =	vimm.s32 $0x0;
	v49 =	vmul.f32 v7, v6;
	v6 =	vadd.f32 v1, v59  }
0x2e1: {  	v2 =	vadd.f32 v1, v61;
	v7 =	vadd.f32 v1, v62;
	v3 =	vmin.f32 v54, v4  }
0x2e2: {  	v10 =	vmin.f32 v45, v4;
	v11 =	vmin.f32 v51, v4;
	v34 =	vmin.f32 v53, v8  }
0x2e3: {  	v36 =	vmax.f32 v40, v9;
	v43 =	vmax.f32 v52, v9;
	v47 =	vmax.f32 v38, v5  }
0x2e4: {  	v50 =	vmax.f32 v41, v5;
	v55 =	vmin.f32 v39, v8;
	v56 =	vmin.f32 v46, v8  }
0x2e5: {  	v57 =	vmax.f32 v44, v5;
	v5 =	vmax.f32 v48, v5;
	v58 =	vmax.f32 v42, v9  }
0x2e6: {  	v9 =	vmax.f32 v37, v9;
	v1 =	vadd.f32 v1, v49;
	v18 =	vsub.f32 v56, v57  }
0x2e7: {  	v4 =	vmin.f32 v35, v4;
	v16 =	vsub.f32 v55, v50;
	v11 =	vsub.f32 v11, v58  }
0x2e8: {  	s2 =	simm.s32 $0x1;
	v8 =	vmin.f32 v32, v8;
	v5 =	vsub.f32 v34, v5;
	v3 =	vsub.f32 v3, v43  }
0x2e9: {  	v9 =	vsub.f32 v10, v9;
	v10 =	vmax.f32 v11, $0.0e+00;
	v11 =	vmov s2  }
0x2ea: {  	v4 =	vsub.f32 v4, v36;
	v8 =	vsub.f32 v8, v47;
	v60 =	vmax.f32 v18, $0.0e+00  }
0x2eb: {  	v5 =	vmax.f32 v5, $0.0e+00;
	v3 =	vmax.f32 v3, $0.0e+00;
	v50 =	vmul.f32 v10, v60  }
0x2ec: {  	v43 =	vimm.f32 $-1.000000000e+00;
	v63 =	vmax.f32 v16, $0.0e+00;
	v34 =	vmul.f32 v3, v5  }
0x2ed: {  	v4 =	vmax.f32 v4, $0.0e+00;
	v3 =	vmax.f32 v9, $0.0e+00;
	v2 =	vsub.f32 v2, v50  }
0x2ee: {  	v55 =	vmul.f32 v3, v63;
	v3 =	vmax.f32 v8, $0.0e+00;
	v5 =	vsub.f32 v1, v34;
	v1 =	vld.idx.msk [tilespmem:v11+s26+$0x0], $0xffff  }
0x2ef: {  	v36 =	vimm.f32 $-1.000000000e+00;
	v63 =	vmul.f32 v4, v3;
	v4 =	vadd.f32 $9.999999970e-07, v2;
	v3 =	vld.idx.msk [tilespmem:v11+s23+$0x0], $0xffff  }
0x2f0: {  	v47 =	vimm.s32 $0x0;
	v58 =	vimm.f32 $-1.000000000e+00;
	v56 =	vimm.f32 $-1.000000000e+00;
	v2 =	vld.idx.msk [tilespmem:v11+s22+$0x0], $0xffff  }
0x2f1: {  	v57 =	vimm.s32 $0x0;
	v8 =	vadd.f32 $9.999999970e-07, v5;
	(erf) = vrcp.f32 v4;
	v4 =	vld.idx.msk [tilespmem:v11+s21+$0x0], $0xffff  }
0x2f2: {  	s17 =	simm.s32 $0x2;
	v60 =	vimm.s32 $0x0;
	v7 =	vsub.f32 v7, v55;
	v5 =	vsub.f32 v6, v63;
	v6 =	vld.idx.msk [tilespmem:v11+s20+$0x0], $0xffff  }
.LBB2_8:
0x2f3: {  	p0 =	sne.s32 s17, $0x1FF;
	v9 =	vadd.f32 v1, v59;
	v10 =	vadd.f32 v1, v61;
	(erf) = vrcp.f32 v8;
	s18 =	smov.u32 s17;
	s17 =	sadd.s32 $0x1, s17  }
0x2f4: {  	v8 =	vadd.f32 v1, v62;
	v11 =	vmin.f32 v54, v3;
	v7 =	vadd.f32 $9.999999970e-07, v7  }
0x2f5: {  	v12 =	vmin.f32 v45, v3;
	v13 =	vmin.f32 v51, v3;
	v14 =	vmin.f32 v53, v2  }
0x2f6: {  	v15 =	vmax.f32 v40, v4;
	v16 =	vmax.f32 v52, v4;
	(erf) = vrcp.f32 v7  }
0x2f7: {  	v5 =	vadd.f32 $9.999999970e-07, v5;
	v7 =	vmax.f32 v38, v6;
	v17 =	vmax.f32 v41, v6  }
0x2f8: {  	v18 =	vmin.f32 v39, v2;
	v19 =	vmin.f32 v46, v2;
	v20 =	vmax.f32 v44, v6  }
0x2f9: {  	v6 =	vmax.f32 v48, v6;
	v19 =	vsub.f32 v19, v20;
	(erf) = vrcp.f32 v5  }
0x2fa: {  	v6 =	vsub.f32 v14, v6;
	v5 =	vsub.f32 v18, v17;
	v18 =	vmax.f32 v42, v4  }
0x2fb: {  	v11 =	vsub.f32 v11, v16;
	v4 =	vmax.f32 v37, v4;
	v14 =	vmax.f32 v19, $0.0e+00;
	v16 =	vpop (erf)  }
0x2fc: {  	v6 =	vmax.f32 v6, $0.0e+00;
	v13 =	vsub.f32 v13, v18;
	v5 =	vmax.f32 v5, $0.0e+00;
	v17 =	vpop (erf)  }
0x2fd: {  	v1 =	vadd.f32 v1, v49;
	v11 =	vmax.f32 v11, $0.0e+00;
	v16 =	vmul.f32 v16, v50  }
0x2fe: {  	v4 =	vsub.f32 v12, v4;
	v6 =	vmul.f32 v11, v6;
	v12 =	vmax.f32 v13, $0.0e+00  }
0x2ff: {  	v3 =	vmin.f32 v35, v3;
	v11 =	vmov s18;
	v13 =	vmul.f32 v17, v34;
	v17 =	vpop (erf)  }
0x300: {  	v15 =	vsub.f32 v3, v15;
	v3 =	vmax.f32 v4, $0.0e+00;
	v34 =	vmovc v6;
	vm0 =	vgt.f32 v16, v43  }
0x301: {  	v18 =	vsub.f32 v1, v34;
	vm1 =	vgt.f32 v13, v36;
	v17 =	vmul.f32 v17, v55  }
0x302: {  	v2 =	vmin.f32 v32, v2;
	v43 =	vsel vm0, v16, v43;
	v36 =	vsel vm1, v13, v36;
	v1 =	vpop (erf)  }
0x303: {  	v50 =	vmul.f32 v12, v14;
	v33 =	vsel vm1, s0, v33;
	v4 =	vmul.f32 v1, v63  }
0x304: {  	v6 =	vsub.f32 v2, v7;
	v47 =	vsel vm0, s0, v47;
	v55 =	vmul.f32 v3, v5;
	v1 =	vld.idx.msk [tilespmem:v11+s26+$0x0], $0xffff  }
.Ltmp3:
0x305: {  	v5 =	vsub.f32 v10, v50;
	vm1 =	vgt.f32 v17, v56;
	v3 =	vld.idx.msk [tilespmem:v11+s23+$0x0], $0xffff;
	vm0 =	vgt.f32 v4, v58;
	(pc) =	sbr.rel @p0 .LBB2_8-.Ltmp3, $4  }
0x306: {  	v7 =	vmax.f32 v15, $0.0e+00;
	v6 =	vmax.f32 v6, $0.0e+00;
	v2 =	vld.idx.msk [tilespmem:v11+s22+$0x0], $0xffff;
	v58 =	vsel vm0, v4, v58  }
0x307: {  	v10 =	vadd.f32 $9.999999970e-07, v5;
	v63 =	vmul.f32 v7, v6;
	v60 =	vsel vm0, s0, v60;
	v4 =	vld.idx.msk [tilespmem:v11+s21+$0x0], $0xffff  }
0x308: {  	v7 =	vsub.f32 v8, v55;
	v8 =	vadd.f32 $9.999999970e-07, v18;
	v56 =	vsel vm1, v17, v56;
	v6 =	vld.idx.msk [tilespmem:v11+s20+$0x0], $0xffff  }
0x309: {  	v57 =	vsel vm1, s0, v57;
	v5 =	vsub.f32 v9, v63;
	s0 =	smov.u32 s2;
	s2 =	smov.u32 s18;
	(erf) = vrcp.f32 v10  }
0x30a: {  	v9 =	vadd.f32 v1, v59  }
0x30b: {  	v10 =	vadd.f32 v1, v61;
	v59 =	vadd.f32 v1, v62  }
0x30c: {  	v11 =	vmin.f32 v54, v3;
	v7 =	vadd.f32 $9.999999970e-07, v7;
	v12 =	vmin.f32 v45, v3  }
0x30d: {  	v13 =	vmin.f32 v51, v3;
	v3 =	vmin.f32 v35, v3;
	v1 =	vadd.f32 v1, v49  }
0x30e: {  	v14 =	vmin.f32 v53, v2;
	v19 =	vmin.f32 v46, v2;
	v61 =	vmin.f32 v39, v2  }
0x30f: {  	v2 =	vmin.f32 v32, v2;
	v15 =	vmax.f32 v40, v4;
	v16 =	vmax.f32 v52, v4  }
0x310: {  	v39 =	vmax.f32 v37, v4;
	v18 =	vmax.f32 v41, v6;
	v20 =	vmax.f32 v44, v6  }
0x311: {  	v62 =	vmax.f32 v48, v6;
	v11 =	vsub.f32 v11, v16;
	v3 =	vsub.f32 v3, v15  }
0x312: {  	v19 =	vsub.f32 v19, v20;
	v18 =	vsub.f32 v61, v18;
	v20 =	vmax.f32 v42, v4  }
0x313: {  	v17 =	vmax.f32 v38, v6;
	v6 =	vsub.f32 v14, v62;
	v13 =	vsub.f32 v13, v20  }
0x314: {  	(erf) = vrcp.f32 v8;
	v4 =	vsub.f32 v12, v39;
	v2 =	vsub.f32 v2, v17  }
0x315: {  	v11 =	vmax.f32 v11, $0.0e+00;
	v40 =	vmax.f32 v19, $0.0e+00;
	v42 =	vmax.f32 v13, $0.0e+00  }
0x316: {  	v3 =	vmax.f32 v3, $0.0e+00;
	v6 =	vmax.f32 v6, $0.0e+00;
	v12 =	vmul.f32 v42, v40  }
0x317: {  	v41 =	vmax.f32 v18, $0.0e+00;
	v4 =	vmax.f32 v4, $0.0e+00;
	v6 =	vmul.f32 v11, v6  }
0x318: {  	v2 =	vmax.f32 v2, $0.0e+00;
	v4 =	vmul.f32 v4, v41;
	v10 =	vsub.f32 v10, v12  }
0x319: {  	v5 =	vadd.f32 $9.999999970e-07, v5;
	v2 =	vmul.f32 v3, v2;
	v1 =	vsub.f32 v1, v6  }
0x31a: {  	(erf) = vrcp.f32 v7;
	v44 =	vsub.f32 v59, v4;
	v3 =	vadd.f32 $9.999999970e-07, v10  }
0x31b: {  	(erf) = vrcp.f32 v5;
	v45 =	vsub.f32 v9, v2;
	v1 =	vadd.f32 $9.999999970e-07, v1  }
0x31c: {  	(erf) = vrcp.f32 v3;
	v3 =	vadd.f32 $9.999999970e-07, v44  }
0x31d: {  	(erf) = vrcp.f32 v1;
	v1 =	vadd.f32 $9.999999970e-07, v45  }
0x31e: {  	(erf) = vrcp.f32 v3  }
0x31f: {  	(erf) = vrcp.f32 v1;
	_ =	sdelay $0x1  }
0x320: {  	v1 =	vpop (erf)  }
0x321: {  	v3 =	vpop (erf)  }
0x322: {  	v46 =	vpop (erf)  }
0x323: {  	v48 =	vpop (erf)  }
0x324: {  	v49 =	vpop (erf)  }
0x325: {  	v51 =	vpop (erf)  }
0x326: {  	v7 =	vmul.f32 v48, v63;
	v52 =	vpop (erf)  }
0x327: {  	v53 =	vpop (erf)  }
0x328: {  	vm0 =	vgt.f32 v7, v58;
	v2 =	vmul.f32 v53, v2  }
0x329: {  	v7 =	vsel vm0, v7, v58  }
0x32a: {  	v54 =	vsel vm0, s0, v60;
	vm6 =	vgt.f32 v2, v7  }
0x32b: {  	v11 =	vsel vm6, s2, v54;
	_ =	sdelay $0x4  }
0x32c: {  	v5 =	vmul.f32 v46, v55;
	v55 =	vld.idx.msk [tilespmem:v11+s25+$0x0], $0xffff  }
0x32d: {  	v11 =	vld.idx.msk [tilespmem:v11+s24+$0x0], $0xffff  }
0x32e: {  	vm1 =	vgt.f32 v5, v56;
	v4 =	vmul.f32 v52, v4  }
0x32f: {  	v5 =	vsel vm1, v5, v56  }
0x330: {  	v56 =	vsel vm1, s0, v57;
	vm7 =	vgt.f32 v4, v5;
	v2 =	vsel vm6, v2, v7  }
0x331: {  	v7 =	vsel vm7, s2, v56;
	vm0 =	vlt.f32 v2, $4.000000060e-01  }
0x332: {  	vm8 =	vgt.f32 v2, $5.000000000e-01;
	vm0 =	vmneg vm0;
	v11 =	vtrunc.f32 v11  }
0x333: {  	v57 =	vsel vm0, $0xFFFFFFFF, v0;
	v13 =	vadd.s32 $0x1, v55;
	v11 =	vcvt.f32.s32 v11  }
0x334: {  	[tilespmem:$0x13C0] =	vst v2;
	v10 =	vsel vm8, v13, v57  }
0x335: {  	[tilespmem:$0x12C0] =	vst v10;
	v2 =	vnsel vm8, $0xFFFFFFFF, v11  }
0x336: {  	[tilespmem:$0x14C0] =	vst v2  }
0x337: {  	v1 =	vmul.f32 v1, v50;
	v2 =	vld.idx.msk [tilespmem:v7+s25+$0x0], $0xffff  }
0x338: {  	v7 =	vld.idx.msk [tilespmem:v7+s24+$0x0], $0xffff  }
0x339: {  	vm9 =	vgt.f32 v1, v43;
	v8 =	vmul.f32 v49, v12  }
0x33a: {  	v1 =	vsel vm9, v1, v43  }
0x33b: {  	v58 =	vsel vm9, s0, v47;
	vm10 =	vgt.f32 v8, v1;
	v4 =	vsel vm7, v4, v5  }
0x33c: {  	v5 =	vsel vm10, s2, v58;
	vm1 =	vlt.f32 v4, $4.000000060e-01  }
0x33d: {  	vm11 =	vgt.f32 v4, $5.000000000e-01;
	vm1 =	vmneg vm1;
	v7 =	vtrunc.f32 v7  }
0x33e: {  	v59 =	vsel vm1, $0xFFFFFFFF, v0;
	v2 =	vadd.s32 $0x1, v2;
	v7 =	vcvt.f32.s32 v7  }
0x33f: {  	[tilespmem:$0x13D0] =	vst v4;
	v2 =	vsel vm11, v2, v59  }
0x340: {  	[tilespmem:$0x12D0] =	vst v2;
	v2 =	vnsel vm11, $0xFFFFFFFF, v7  }
0x341: {  	[tilespmem:$0x14D0] =	vst v2  }
0x342: {  	v2 =	vmul.f32 v3, v34;
	v4 =	vld.idx.msk [tilespmem:v5+s24+$0x0], $0xffff  }
0x343: {  	v3 =	vld.idx.msk [tilespmem:v5+s25+$0x0], $0xffff  }
0x344: {  	v60 =	vmul.f32 v51, v6;
	v1 =	vsel vm10, v8, v1;
	vm12 =	vgt.f32 v2, v36  }
0x345: {  	vm14 =	vgt.f32 v1, $5.000000000e-01;
	v2 =	vsel vm12, v2, v36  }
0x346: {  	vm0 =	vlt.f32 v1, $4.000000060e-01;
	v61 =	vsel vm12, s0, v33;
	vm13 =	vgt.f32 v60, v2  }
0x347: {  	vm0 =	vmneg vm0;
	v6 =	vsel vm13, s2, v61;
	v4 =	vtrunc.f32 v4  }
0x348: {  	v62 =	vsel vm0, $0xFFFFFFFF, v0;
	v3 =	vadd.s32 $0x1, v3;
	v4 =	vcvt.f32.s32 v4  }
0x349: {  	[tilespmem:$0x13E0] =	vst v1;
	v3 =	vsel vm14, v3, v62  }
0x34a: {  	[tilespmem:$0x12E0] =	vst v3;
	v1 =	vnsel vm14, $0xFFFFFFFF, v4  }
0x34b: {  	[tilespmem:$0x14E0] =	vst v1  }
0x34c: {  	v3 =	vld.idx.msk [tilespmem:v6+s24+$0x0], $0xffff  }
0x34d: {  	v1 =	vld.idx.msk [tilespmem:v6+s25+$0x0], $0xffff;
	_ =	sdelay $0x1  }
0x34e: {  	v2 =	vsel vm13, v60, v2  }
0x34f: {  	vm15 =	vlt.f32 v2, $4.000000060e-01  }
0x350: {  	vm1 =	vgt.f32 v2, $5.000000000e-01;
	vm0 =	vmneg vm15;
	v3 =	vtrunc.f32 v3  }
0x351: {  	v63 =	vsel vm0, $0xFFFFFFFF, v0;
	v1 =	vadd.s32 $0x1, v1;
	v3 =	vcvt.f32.s32 v3  }
0x352: {  	[tilespmem:$0x13F0] =	vst v2;
	v1 =	vsel vm1, v1, v63  }
0x353: {  	[tilespmem:$0x12F0] =	vst v1;
	v1 =	vnsel vm1, $0xFFFFFFFF, v3  }
0x354: {  	[tilespmem:$0x14F0] =	vst v1  }
0x355: {  	[hbm4b:s12+s3] =	stream.linear.scatter [tilespmem:s28], [sflag:$0x1], $0x100, $0x38;
	[tilespmem:$0x1500] =	vst v63  }
0x356: {  	_ =	swait.ge [sflag:s16], $0x100  }
0x357: {  	[sflag:s16] =	ssyncset.done $0x0  }
0x358: {  	[sflag:s16] =	ssyncadd.s32 $0xFFFFFF00  }
0x359: {  	[hbm4b:s13+s3] =	stream.linear.scatter [tilespmem:s29], [sflag:$0x1], $0x100, $0x38;
	[tilespmem:$0x1500] =	vst v63  }
0x35a: {  	s31 =	sadd.s32 $0x1, s31;
	_ =	swait.ge [sflag:s16], $0x100  }
0x35b: {  	p0 =	sne.s32 s31, s15;
	[sflag:s16] =	ssyncset.done $0x0  }
.Ltmp4:
0x35c: {  	[sflag:s16] =	ssyncadd.s32 $0xFFFFFF00;
	(pc) =	sbr.rel @p0 .LBB2_1-.Ltmp4, $4  }
0x35d: {  	[hbm4b:s14+s3] =	stream.linear.scatter [tilespmem:s30], [sflag:$0x1], $0x100, $0x38;
	[tilespmem:$0x1500] =	vst v63  }
0x35e: {  	_ =	swait.ge [sflag:s16], $0x100  }
0x35f: {  	[sflag:s16] =	ssyncset.done $0x0  }
0x360: {  	[sflag:s16] =	ssyncadd.s32 $0xFFFFFF00  }
0x361: {  	_ =	sfence.sel $0x180000  }
0x362: {  	[bflag:$0x0] =	sbarrier.arrive $0xFFFF  }
0x363: {  	_ =	strace $0x90000047  }
0x364: {  	s0 =	stileid.u32;
	[bflag:$0x2] =	sbarrier.arrive $0xFFFF  }
0x365: {  	p0 =	sne.s32 s0, $0x0;
	s0 =	rddreg [dreg:$0x4]  }
0x366: {  	s0 =	sadd.s32 @!p0 $0x100000, s0  }
0x367: {  	[sflag:s0] =	ssyncadd.tile.s32 @!p0 $0x1;
	_ =	shalt  }
.Lfunc_end2:
_tile_overlayer_lowered:
.L_overlay_start_2:
0x368: {  	(tag) =	ssettag $0x2  }
0x369: {  	s0 =	rddreg [dreg:$0x0];
	s2 =	stileid.u32  }
0x36a: {  	s1 =	rddreg [dreg:$0x1];
	p0 =	sne.s32 s2, $0x0  }
0x36b: {  	s3 =	rddreg [dreg:$0x2];
	[bflag:$0x3] =	sbarrier.arrive $0xFFFF;
	s2 =	simm.s32 @!p0 $0x1C01  }
0x36c: {  	[timem:s3], [sflag:s2] =	dma.local @!p0 [hbm:s0], s1  }
0x36d: {  	s0 =	simm.s32 @!p0 $0x1  }
0x36e: {  	_ =	swait.ge @!p0 [sflag:s0], s1  }
0x36f: {  	s1 =	ssub.s32 @!p0 $0x0, s1;
	[sflag:s0] =	ssyncset.done @!p0 $0x0  }
0x370: {  	[sflag:s0] =	ssyncadd.s32 @!p0 s1  }
0x371: {  	[bflag:$0x3] =	sbarrier.arrive $0xFFFF  }
0x372: {  	_ =	shalt  }

</sc_bundles>
